<compile_context>
chip_gen: v7x
topology: tpu7x:2x2x1
jax: 0.10.2.dev20260603
libtpu: 0.0.44.dev20260713+nightly
codegen_flags: <defaults>
</compile_context>

<pallas_src>
import functools

import jax
import jax.numpy as jnp
from jax import lax
from jax.experimental import pallas as pl
from jax.experimental.pallas import tpu as pltpu
from jax.experimental.pallas import tpu_sc as plsc

_B = 16384
_D = 128
_HD = _D // 2
_NC, _NS = 2, 16
_NW = _NC * _NS
_BPW = _B // _NW
_C = 128
_NCHUNK = _BPW // _C


@functools.lru_cache(maxsize=None)
def _make_sc_kernel():
    mesh = plsc.VectorSubcoreMesh(
        core_axis_name="c", subcore_axis_name="s",
        num_cores=_NC, num_subcores=_NS,
    )

    @functools.partial(
        pl.kernel,
        out_type=jax.ShapeDtypeStruct((_B,), jnp.float32),
        mesh=mesh,
        scratch_types=[
            pltpu.VMEM((_BPW,), jnp.int32),
            pltpu.VMEM((_BPW,), jnp.int32),
            pltpu.VMEM((_BPW,), jnp.int32),
            pltpu.VMEM((2, _C, _D), jnp.float32),
            pltpu.VMEM((2, _C, _D), jnp.float32),
            pltpu.VMEM((2, _C, _D), jnp.float32),
            pltpu.VMEM((_BPW,), jnp.float32),
            pltpu.SemaphoreType.DMA,
            pltpu.SemaphoreType.DMA,
            pltpu.SemaphoreType.DMA,
            pltpu.SemaphoreType.DMA,
        ],
        compiler_params=pltpu.CompilerParams(needs_layout_passes=False),
    )
    def sc_kernel(heads_hbm, rel_hbm, tails_hbm, ent_hbm, rtab_hbm, out_hbm,
                  hidx, ridx, tidx, hrows, rrows, trows, outv,
                  sem0, sem1, tsem0, tsem1):
        wid = lax.axis_index("s") * _NC + lax.axis_index("c")
        base = wid * _BPW

        ci0 = pltpu.async_copy(heads_hbm.at[pl.ds(base, _BPW)], hidx, sem0)
        ci1 = pltpu.async_copy(rel_hbm.at[pl.ds(base, _BPW)], ridx, sem0)
        ci2 = pltpu.async_copy(tails_hbm.at[pl.ds(base, _BPW)], tidx, sem0)
        ci0.wait()
        ci1.wait()
        ci2.wait()

        sems = (sem0, sem1)
        tsems = (tsem0, tsem1)

        def issue(c):
            slot = c % 2
            cb = c * _C
            sem = sems[slot]
            tsem = tsems[slot]
            tdst = trows.at[slot]

            def t_body(g, carry):
                tv = tidx[pl.ds(cb + g * 16, 16)]
                for k in range(16):
                    pltpu.async_copy(
                        ent_hbm.at[pl.ds(tv[k], 1)],
                        tdst.at[pl.ds(g * 16 + k, 1)], tsem)
                return carry

            lax.fori_loop(0, _C // 16, t_body, 0)
            return (
                pltpu.async_copy(
                    ent_hbm.at[hidx.at[pl.ds(cb, _C)]], hrows.at[slot], sem),
                pltpu.async_copy(
                    rtab_hbm.at[ridx.at[pl.ds(cb, _C)]], rrows.at[slot], sem),
            )

        def wait_tails(c):
            slot = c % 2
            pltpu.make_async_copy(
                ent_hbm.at[pl.ds(0, _C)], trows.at[slot], tsems[slot]).wait()

        lane15 = lax.iota(jnp.int32, 16) == 15

        def compute(c):
            slot = c % 2
            cb = c * _C
            hb, rb, tb = hrows.at[slot], rrows.at[slot], trows.at[slot]

            @plsc.parallel_loop(0, _C, unroll=4, carry=jnp.int32(0))
            def row_body(i, rcarry):
                parts = []
                for j in range(_HD // 16):
                    re_s = pl.ds(j * 16, 16)
                    im_s = pl.ds(_HD + j * 16, 16)
                    hre = hb[i, re_s]
                    him = hb[i, im_s]
                    rre = rb[i, re_s]
                    rim = rb[i, im_s]
                    tre = tb[i, re_s]
                    tim = tb[i, im_s]
                    parts.append(hre * (rre * tre + rim * tim)
                                 + him * (rre * tim - rim * tre))
                acc = (parts[0] + parts[1]) + (parts[2] + parts[3])
                total = plsc.cumsum(acc)
                plsc.store_scatter(outv, [jnp.full((16,), cb + i, jnp.int32)],
                                   total, mask=lane15)
                return rcarry

        pend = issue(0)
        for c in range(_NCHUNK):
            nxt = issue(c + 1) if c + 1 < _NCHUNK else None
            for p in pend:
                p.wait()
            wait_tails(c)
            compute(c)
            pend = nxt

        pltpu.sync_copy(outv, out_hbm.at[pl.ds(base, _BPW)])

    return sc_kernel


def kernel(heads, relations, tails, entity_table, relation_table):
    out = _make_sc_kernel()(
        heads.astype(jnp.int32),
        relations.astype(jnp.int32),
        tails.astype(jnp.int32),
        entity_table,
        relation_table,
    )
    return out.reshape(_B, 1)

# --- scband reference (transcript-rebuilt; emitter-appended) ---
"""Pipeline reference for scband-compl-ex-23158463660528 (READ-ONLY COPY).

The authoritative reference and input builder live on the scoring server;
editing this copy changes nothing except your own understanding.
"""

import jax, jax.numpy as jnp
import numpy as np

B = 16384
V = 1000000
R = 1000
D = 128

def setup_inputs(seed: int = 0) -> dict:
    key = jax.random.key(seed)
    k1, k2, k3, k4, k5 = jax.random.split(key, 5)
    heads = jax.random.randint(k1, (B,), 0, V, dtype=jnp.int64) if jax.config.jax_enable_x64 else jax.random.randint(k1, (B,), 0, V).astype(jnp.int32)
    relations = jax.random.randint(k2, (B,), 0, R).astype(heads.dtype)
    tails = jax.random.randint(k3, (B,), 0, V).astype(heads.dtype)
    entity_table = jax.random.normal(k4, (V, D), dtype=jnp.float32) * 0.05
    relation_table = jax.random.normal(k5, (R, D), dtype=jnp.float32) * 0.05
    return {
        "heads": heads,
        "relations": relations,
        "tails": tails,
        "entity_table": entity_table,
        "relation_table": relation_table,
    }

def reference(heads, relations, tails, entity_table, relation_table):
    # Embedding lookups (gather)
    h = jnp.take(entity_table, heads, axis=0)       # [B, D]
    r = jnp.take(relation_table, relations, axis=0)  # [B, D]
    t = jnp.take(entity_table, tails, axis=0)        # [B, D]
    n = r.shape[0]
    # Dropout probabilities are 0.0 -> identity
    # ComplEx 'triple' scoring: Re(<h, r, conj(t)>) via LibKGE fast Hadamard form
    r_re, r_im = jnp.split(r, 2, axis=1)
    t_re, t_im = jnp.split(t, 2, axis=1)
    h_all = jnp.concatenate([h, h], axis=1)                 # [B, 2D]
    r_all = jnp.concatenate([r_re, r, -r_im], axis=1)       # [B, 2D]
    t_all = jnp.concatenate([t, t_im, t_re], axis=1)        # [B, 2D]
    out = jnp.sum(h_all * r_all * t_all, axis=1)
    return out.reshape(n, -1)

if __name__ == "__main__":
    import jax
    _d = setup_inputs()
    print(jax.jit(kernel)(*tuple(_d.values())))

</pallas_src>

<mosaic_0001>
#map = affine_map<(d0, d1) -> (0)>
#map1 = affine_map<(d0, d1) -> (0, 0)>
module attributes {stable_mosaic.version = 14 : i64} {
  func.func @sc_kernel(%arg0: i32, %arg1: i32, %arg2: memref<16384xi32, #tpu.memory_space<hbm>>, %arg3: memref<16384xi32, #tpu.memory_space<hbm>>, %arg4: memref<16384xi32, #tpu.memory_space<hbm>>, %arg5: memref<1000000x128xf32, #tpu.memory_space<hbm>>, %arg6: memref<1000x128xf32, #tpu.memory_space<hbm>>, %arg7: memref<16384xf32, #tpu.memory_space<hbm>>, %arg8: memref<512xi32, #tpu.memory_space<vmem>>, %arg9: memref<512xi32, #tpu.memory_space<vmem>>, %arg10: memref<512xi32, #tpu.memory_space<vmem>>, %arg11: memref<2x128x128xf32, #tpu.memory_space<vmem>>, %arg12: memref<2x128x128xf32, #tpu.memory_space<vmem>>, %arg13: memref<2x128x128xf32, #tpu.memory_space<vmem>>, %arg14: memref<512xf32, #tpu.memory_space<vmem>>, %arg15: memref<!tpu.dma_semaphore, #tpu.memory_space<semaphore_mem>>, %arg16: memref<!tpu.dma_semaphore, #tpu.memory_space<semaphore_mem>>, %arg17: memref<!tpu.dma_semaphore, #tpu.memory_space<semaphore_mem>>, %arg18: memref<!tpu.dma_semaphore, #tpu.memory_space<semaphore_mem>>) attributes {dimension_semantics = [#tpu.dimension_semantics<core_parallel>, #tpu.dimension_semantics<subcore_parallel>], iteration_bounds = array<i64: 2, 16>, scalar_prefetch = 0 : i64, scratch_operands = 11 : i64, tpu.core_type = #tpu.core_type<sc_vector_subcore>, window_params = [{transform_indices = #map}, {transform_indices = #map}, {transform_indices = #map}, {transform_indices = #map1}, {transform_indices = #map1}, {transform_indices = #map}]} {
    %mul3A = arith.constant 2 : i32
    %mul3A_0 = arith.muli %arg1, %mul3A : i32
    %add3A = arith.addi %mul3A_0, %arg0 : i32
    %mul3A_1 = arith.constant 512 : i32
    %mul3A_2 = arith.muli %add3A, %mul3A_1 : i32
    %dma_start3A = tpu.memref_slice %arg2[%mul3A_2] : memref<16384xi32, #tpu.memory_space<hbm>> -> memref<512xi32, #tpu.memory_space<hbm>>
    %dma_start3A_3 = tpu.memref_slice %arg2[%mul3A_2] : memref<16384xi32, #tpu.memory_space<hbm>> -> memref<512xi32, #tpu.memory_space<hbm>>
    tpu.enqueue_dma source(%dma_start3A_3 : memref<512xi32, #tpu.memory_space<hbm>>) target(%arg8 : memref<512xi32, #tpu.memory_space<vmem>>) target_semaphore(%arg15 : memref<!tpu.dma_semaphore, #tpu.memory_space<semaphore_mem>>)
    %dma_start3A_4 = tpu.memref_slice %arg3[%mul3A_2] : memref<16384xi32, #tpu.memory_space<hbm>> -> memref<512xi32, #tpu.memory_space<hbm>>
    %dma_start3A_5 = tpu.memref_slice %arg3[%mul3A_2] : memref<16384xi32, #tpu.memory_space<hbm>> -> memref<512xi32, #tpu.memory_space<hbm>>
    tpu.enqueue_dma source(%dma_start3A_5 : memref<512xi32, #tpu.memory_space<hbm>>) target(%arg9 : memref<512xi32, #tpu.memory_space<vmem>>) target_semaphore(%arg15 : memref<!tpu.dma_semaphore, #tpu.memory_space<semaphore_mem>>)
    %dma_start3A_6 = tpu.memref_slice %arg4[%mul3A_2] : memref<16384xi32, #tpu.memory_space<hbm>> -> memref<512xi32, #tpu.memory_space<hbm>>
    %dma_start3A_7 = tpu.memref_slice %arg4[%mul3A_2] : memref<16384xi32, #tpu.memory_space<hbm>> -> memref<512xi32, #tpu.memory_space<hbm>>
    tpu.enqueue_dma source(%dma_start3A_7 : memref<512xi32, #tpu.memory_space<hbm>>) target(%arg10 : memref<512xi32, #tpu.memory_space<vmem>>) target_semaphore(%arg15 : memref<!tpu.dma_semaphore, #tpu.memory_space<semaphore_mem>>)
    %dma_wait3A = tpu.memref_slice %arg2[%mul3A_2] : memref<16384xi32, #tpu.memory_space<hbm>> -> memref<512xi32, #tpu.memory_space<hbm>>
    %dma_wait3A_8 = tpu.memref_slice %arg2[%mul3A_2] : memref<16384xi32, #tpu.memory_space<hbm>> -> memref<512xi32, #tpu.memory_space<hbm>>
    tpu.wait_dma2 semaphore(%arg15 : memref<!tpu.dma_semaphore, #tpu.memory_space<semaphore_mem>>) src(%dma_wait3A_8 : memref<512xi32, #tpu.memory_space<hbm>>) dst(%arg8 : memref<512xi32, #tpu.memory_space<vmem>>)
    %dma_wait3A_9 = tpu.memref_slice %arg3[%mul3A_2] : memref<16384xi32, #tpu.memory_space<hbm>> -> memref<512xi32, #tpu.memory_space<hbm>>
    %dma_wait3A_10 = tpu.memref_slice %arg3[%mul3A_2] : memref<16384xi32, #tpu.memory_space<hbm>> -> memref<512xi32, #tpu.memory_space<hbm>>
    tpu.wait_dma2 semaphore(%arg15 : memref<!tpu.dma_semaphore, #tpu.memory_space<semaphore_mem>>) src(%dma_wait3A_10 : memref<512xi32, #tpu.memory_space<hbm>>) dst(%arg9 : memref<512xi32, #tpu.memory_space<vmem>>)
    %dma_wait3A_11 = tpu.memref_slice %arg4[%mul3A_2] : memref<16384xi32, #tpu.memory_space<hbm>> -> memref<512xi32, #tpu.memory_space<hbm>>
    %dma_wait3A_12 = tpu.memref_slice %arg4[%mul3A_2] : memref<16384xi32, #tpu.memory_space<hbm>> -> memref<512xi32, #tpu.memory_space<hbm>>
    tpu.wait_dma2 semaphore(%arg15 : memref<!tpu.dma_semaphore, #tpu.memory_space<semaphore_mem>>) src(%dma_wait3A_12 : memref<512xi32, #tpu.memory_space<hbm>>) dst(%arg10 : memref<512xi32, #tpu.memory_space<vmem>>)
    %iota3A = tpu.iota {dimensions = array<i32: 0>} : vector<16xi32>
    %eq3A = arith.constant 15 : i32
    %eq3A_13 = vector.broadcast %eq3A : i32 to vector<16xi32>
    %eq3A_14 = arith.cmpi eq, %iota3A, %eq3A_13 : vector<16xi32>
    %scan3A = arith.constant 0 : i32
    %scan3A_15 = arith.constant 0 : i32
    %scan3A_16 = arith.constant 0 : i32
    %scan3A_17 = arith.constant 8 : i32
    %scan3A_18 = arith.addi %scan3A_16, %scan3A_17 : i32
    %scan3A_19 = arith.constant 1 : i32
    scf.for %scan3A_293 = %scan3A_16 to %scan3A_18 step %scan3A_19  : i32 {
      %mul3A_294 = arith.constant 16 : i32
      %mul3A_295 = arith.muli %scan3A_293, %mul3A_294 : i32
      %add3A_296 = arith.constant 0 : i32
      %add3A_297 = arith.addi %add3A_296, %mul3A_295 : i32
      %get3A = arith.index_cast %add3A_297 : i32 to index
      %get3A_298 = tpu.vector_load %arg10[%get3A] {strides = array<i32>} : memref<512xi32, #tpu.memory_space<vmem>>, vector<16xi32>,
      %slice3A = vector.extract_strided_slice %get3A_298 {offsets = [0], sizes = [1], strides = [1]} : vector<16xi32> to vector<1xi32>
      %squeeze3A = vector.extract %slice3A[0] : i32 from vector<1xi32>
      %mul3A_299 = arith.constant 16 : i32
      %mul3A_300 = arith.muli %scan3A_293, %mul3A_299 : i32
      %add3A_301 = arith.constant 0 : i32
      %add3A_302 = arith.addi %mul3A_300, %add3A_301 : i32
      %dma_start3A_303 = arith.constant 0 : i32
      %dma_start3A_304 = arith.constant 0 : i32
      %dma_start3A_305 = tpu.memref_slice %arg13[%scan3A_15, %dma_start3A_303, %dma_start3A_304] : memref<2x128x128xf32, #tpu.memory_space<vmem>> -> memref<1x128x128xf32, #tpu.memory_space<vmem>>
      %dma_start3A_306 = tpu.memref_squeeze %dma_start3A_305 : memref<1x128x128xf32, #tpu.memory_space<vmem>> -> memref<128x128xf32, #tpu.memory_space<vmem>>
      %dma_start3A_307 = arith.constant 0 : i32
      %dma_start3A_308 = tpu.memref_slice %dma_start3A_306[%add3A_302, %dma_start3A_307] : memref<128x128xf32, #tpu.memory_space<vmem>> -> memref<1x128xf32, #tpu.memory_space<vmem>>
      %dma_start3A_309 = arith.constant 0 : i32
      %dma_start3A_310 = tpu.memref_slice %arg5[%squeeze3A, %dma_start3A_309] : memref<1000000x128xf32, #tpu.memory_space<hbm>> -> memref<1x128xf32, #tpu.memory_space<hbm>>
      %dma_start3A_311 = arith.constant 0 : i32
      %dma_start3A_312 = arith.constant 0 : i32
      %dma_start3A_313 = tpu.memref_slice %arg13[%scan3A_15, %dma_start3A_311, %dma_start3A_312] : memref<2x128x128xf32, #tpu.memory_space<vmem>> -> memref<1x128x128xf32, #tpu.memory_space<vmem>>
      %dma_start3A_314 = tpu.memref_squeeze %dma_start3A_313 : memref<1x128x128xf32, #tpu.memory_space<vmem>> -> memref<128x128xf32, #tpu.memory_space<vmem>>
      %dma_start3A_315 = arith.constant 0 : i32
      %dma_start3A_316 = tpu.memref_slice %dma_start3A_314[%add3A_302, %dma_start3A_315] : memref<128x128xf32, #tpu.memory_space<vmem>> -> memref<1x128xf32, #tpu.memory_space<vmem>>
      %dma_start3A_317 = arith.constant 0 : i32
      %dma_start3A_318 = tpu.memref_slice %arg5[%squeeze3A, %dma_start3A_317] : memref<1000000x128xf32, #tpu.memory_space<hbm>> -> memref<1x128xf32, #tpu.memory_space<hbm>>
      tpu.enqueue_dma source(%dma_start3A_318 : memref<1x128xf32, #tpu.memory_space<hbm>>) target(%dma_start3A_316 : memref<1x128xf32, #tpu.memory_space<vmem>>) target_semaphore(%arg17 : memref<!tpu.dma_semaphore, #tpu.memory_space<semaphore_mem>>)
      %slice3A_319 = vector.extract_strided_slice %get3A_298 {offsets = [1], sizes = [1], strides = [1]} : vector<16xi32> to vector<1xi32>
      %squeeze3A_320 = vector.extract %slice3A_319[0] : i32 from vector<1xi32>
      %mul3A_321 = arith.constant 16 : i32
      %mul3A_322 = arith.muli %scan3A_293, %mul3A_321 : i32
      %add3A_323 = arith.constant 1 : i32
      %add3A_324 = arith.addi %mul3A_322, %add3A_323 : i32
      %dma_start3A_325 = arith.constant 0 : i32
      %dma_start3A_326 = arith.constant 0 : i32
      %dma_start3A_327 = tpu.memref_slice %arg13[%scan3A_15, %dma_start3A_325, %dma_start3A_326] : memref<2x128x128xf32, #tpu.memory_space<vmem>> -> memref<1x128x128xf32, #tpu.memory_space<vmem>>
      %dma_start3A_328 = tpu.memref_squeeze %dma_start3A_327 : memref<1x128x128xf32, #tpu.memory_space<vmem>> -> memref<128x128xf32, #tpu.memory_space<vmem>>
      %dma_start3A_329 = arith.constant 0 : i32
      %dma_start3A_330 = tpu.memref_slice %dma_start3A_328[%add3A_324, %dma_start3A_329] : memref<128x128xf32, #tpu.memory_space<vmem>> -> memref<1x128xf32, #tpu.memory_space<vmem>>
      %dma_start3A_331 = arith.constant 0 : i32
      %dma_start3A_332 = tpu.memref_slice %arg5[%squeeze3A_320, %dma_start3A_331] : memref<1000000x128xf32, #tpu.memory_space<hbm>> -> memref<1x128xf32, #tpu.memory_space<hbm>>
      %dma_start3A_333 = arith.constant 0 : i32
      %dma_start3A_334 = arith.constant 0 : i32
      %dma_start3A_335 = tpu.memref_slice %arg13[%scan3A_15, %dma_start3A_333, %dma_start3A_334] : memref<2x128x128xf32, #tpu.memory_space<vmem>> -> memref<1x128x128xf32, #tpu.memory_space<vmem>>
      %dma_start3A_336 = tpu.memref_squeeze %dma_start3A_335 : memref<1x128x128xf32, #tpu.memory_space<vmem>> -> memref<128x128xf32, #tpu.memory_space<vmem>>
      %dma_start3A_337 = arith.constant 0 : i32
      %dma_start3A_338 = tpu.memref_slice %dma_start3A_336[%add3A_324, %dma_start3A_337] : memref<128x128xf32, #tpu.memory_space<vmem>> -> memref<1x128xf32, #tpu.memory_space<vmem>>
      %dma_start3A_339 = arith.constant 0 : i32
      %dma_start3A_340 = tpu.memref_slice %arg5[%squeeze3A_320, %dma_start3A_339] : memref<1000000x128xf32, #tpu.memory_space<hbm>> -> memref<1x128xf32, #tpu.memory_space<hbm>>
      tpu.enqueue_dma source(%dma_start3A_340 : memref<1x128xf32, #tpu.memory_space<hbm>>) target(%dma_start3A_338 : memref<1x128xf32, #tpu.memory_space<vmem>>) target_semaphore(%arg17 : memref<!tpu.dma_semaphore, #tpu.memory_space<semaphore_mem>>)
      %slice3A_341 = vector.extract_strided_slice %get3A_298 {offsets = [2], sizes = [1], strides = [1]} : vector<16xi32> to vector<1xi32>
      %squeeze3A_342 = vector.extract %slice3A_341[0] : i32 from vector<1xi32>
      %mul3A_343 = arith.constant 16 : i32
      %mul3A_344 = arith.muli %scan3A_293, %mul3A_343 : i32
      %add3A_345 = arith.constant 2 : i32
      %add3A_346 = arith.addi %mul3A_344, %add3A_345 : i32
      %dma_start3A_347 = arith.constant 0 : i32
      %dma_start3A_348 = arith.constant 0 : i32
      %dma_start3A_349 = tpu.memref_slice %arg13[%scan3A_15, %dma_start3A_347, %dma_start3A_348] : memref<2x128x128xf32, #tpu.memory_space<vmem>> -> memref<1x128x128xf32, #tpu.memory_space<vmem>>
      %dma_start3A_350 = tpu.memref_squeeze %dma_start3A_349 : memref<1x128x128xf32, #tpu.memory_space<vmem>> -> memref<128x128xf32, #tpu.memory_space<vmem>>
      %dma_start3A_351 = arith.constant 0 : i32
      %dma_start3A_352 = tpu.memref_slice %dma_start3A_350[%add3A_346, %dma_start3A_351] : memref<128x128xf32, #tpu.memory_space<vmem>> -> memref<1x128xf32, #tpu.memory_space<vmem>>
      %dma_start3A_353 = arith.constant 0 : i32
      %dma_start3A_354 = tpu.memref_slice %arg5[%squeeze3A_342, %dma_start3A_353] : memref<1000000x128xf32, #tpu.memory_space<hbm>> -> memref<1x128xf32, #tpu.memory_space<hbm>>
      %dma_start3A_355 = arith.constant 0 : i32
      %dma_start3A_356 = arith.constant 0 : i32
      %dma_start3A_357 = tpu.memref_slice %arg13[%scan3A_15, %dma_start3A_355, %dma_start3A_356] : memref<2x128x128xf32, #tpu.memory_space<vmem>> -> memref<1x128x128xf32, #tpu.memory_space<vmem>>
      %dma_start3A_358 = tpu.memref_squeeze %dma_start3A_357 : memref<1x128x128xf32, #tpu.memory_space<vmem>> -> memref<128x128xf32, #tpu.memory_space<vmem>>
      %dma_start3A_359 = arith.constant 0 : i32
      %dma_start3A_360 = tpu.memref_slice %dma_start3A_358[%add3A_346, %dma_start3A_359] : memref<128x128xf32, #tpu.memory_space<vmem>> -> memref<1x128xf32, #tpu.memory_space<vmem>>
      %dma_start3A_361 = arith.constant 0 : i32
      %dma_start3A_362 = tpu.memref_slice %arg5[%squeeze3A_342, %dma_start3A_361] : memref<1000000x128xf32, #tpu.memory_space<hbm>> -> memref<1x128xf32, #tpu.memory_space<hbm>>
      tpu.enqueue_dma source(%dma_start3A_362 : memref<1x128xf32, #tpu.memory_space<hbm>>) target(%dma_start3A_360 : memref<1x128xf32, #tpu.memory_space<vmem>>) target_semaphore(%arg17 : memref<!tpu.dma_semaphore, #tpu.memory_space<semaphore_mem>>)
      %slice3A_363 = vector.extract_strided_slice %get3A_298 {offsets = [3], sizes = [1], strides = [1]} : vector<16xi32> to vector<1xi32>
      %squeeze3A_364 = vector.extract %slice3A_363[0] : i32 from vector<1xi32>
      %mul3A_365 = arith.constant 16 : i32
      %mul3A_366 = arith.muli %scan3A_293, %mul3A_365 : i32
      %add3A_367 = arith.constant 3 : i32
      %add3A_368 = arith.addi %mul3A_366, %add3A_367 : i32
      %dma_start3A_369 = arith.constant 0 : i32
      %dma_start3A_370 = arith.constant 0 : i32
      %dma_start3A_371 = tpu.memref_slice %arg13[%scan3A_15, %dma_start3A_369, %dma_start3A_370] : memref<2x128x128xf32, #tpu.memory_space<vmem>> -> memref<1x128x128xf32, #tpu.memory_space<vmem>>
      %dma_start3A_372 = tpu.memref_squeeze %dma_start3A_371 : memref<1x128x128xf32, #tpu.memory_space<vmem>> -> memref<128x128xf32, #tpu.memory_space<vmem>>
      %dma_start3A_373 = arith.constant 0 : i32
      %dma_start3A_374 = tpu.memref_slice %dma_start3A_372[%add3A_368, %dma_start3A_373] : memref<128x128xf32, #tpu.memory_space<vmem>> -> memref<1x128xf32, #tpu.memory_space<vmem>>
      %dma_start3A_375 = arith.constant 0 : i32
      %dma_start3A_376 = tpu.memref_slice %arg5[%squeeze3A_364, %dma_start3A_375] : memref<1000000x128xf32, #tpu.memory_space<hbm>> -> memref<1x128xf32, #tpu.memory_space<hbm>>
      %dma_start3A_377 = arith.constant 0 : i32
      %dma_start3A_378 = arith.constant 0 : i32
      %dma_start3A_379 = tpu.memref_slice %arg13[%scan3A_15, %dma_start3A_377, %dma_start3A_378] : memref<2x128x128xf32, #tpu.memory_space<vmem>> -> memref<1x128x128xf32, #tpu.memory_space<vmem>>
      %dma_start3A_380 = tpu.memref_squeeze %dma_start3A_379 : memref<1x128x128xf32, #tpu.memory_space<vmem>> -> memref<128x128xf32, #tpu.memory_space<vmem>>
      %dma_start3A_381 = arith.constant 0 : i32
      %dma_start3A_382 = tpu.memref_slice %dma_start3A_380[%add3A_368, %dma_start3A_381] : memref<128x128xf32, #tpu.memory_space<vmem>> -> memref<1x128xf32, #tpu.memory_space<vmem>>
      %dma_start3A_383 = arith.constant 0 : i32
      %dma_start3A_384 = tpu.memref_slice %arg5[%squeeze3A_364, %dma_start3A_383] : memref<1000000x128xf32, #tpu.memory_space<hbm>> -> memref<1x128xf32, #tpu.memory_space<hbm>>
      tpu.enqueue_dma source(%dma_start3A_384 : memref<1x128xf32, #tpu.memory_space<hbm>>) target(%dma_start3A_382 : memref<1x128xf32, #tpu.memory_space<vmem>>) target_semaphore(%arg17 : memref<!tpu.dma_semaphore, #tpu.memory_space<semaphore_mem>>)
      %slice3A_385 = vector.extract_strided_slice %get3A_298 {offsets = [4], sizes = [1], strides = [1]} : vector<16xi32> to vector<1xi32>
      %squeeze3A_386 = vector.extract %slice3A_385[0] : i32 from vector<1xi32>
      %mul3A_387 = arith.constant 16 : i32
      %mul3A_388 = arith.muli %scan3A_293, %mul3A_387 : i32
      %add3A_389 = arith.constant 4 : i32
      %add3A_390 = arith.addi %mul3A_388, %add3A_389 : i32
      %dma_start3A_391 = arith.constant 0 : i32
      %dma_start3A_392 = arith.constant 0 : i32
      %dma_start3A_393 = tpu.memref_slice %arg13[%scan3A_15, %dma_start3A_391, %dma_start3A_392] : memref<2x128x128xf32, #tpu.memory_space<vmem>> -> memref<1x128x128xf32, #tpu.memory_space<vmem>>
      %dma_start3A_394 = tpu.memref_squeeze %dma_start3A_393 : memref<1x128x128xf32, #tpu.memory_space<vmem>> -> memref<128x128xf32, #tpu.memory_space<vmem>>
      %dma_start3A_395 = arith.constant 0 : i32
      %dma_start3A_396 = tpu.memref_slice %dma_start3A_394[%add3A_390, %dma_start3A_395] : memref<128x128xf32, #tpu.memory_space<vmem>> -> memref<1x128xf32, #tpu.memory_space<vmem>>
      %dma_start3A_397 = arith.constant 0 : i32
      %dma_start3A_398 = tpu.memref_slice %arg5[%squeeze3A_386, %dma_start3A_397] : memref<1000000x128xf32, #tpu.memory_space<hbm>> -> memref<1x128xf32, #tpu.memory_space<hbm>>
      %dma_start3A_399 = arith.constant 0 : i32
      %dma_start3A_400 = arith.constant 0 : i32
      %dma_start3A_401 = tpu.memref_slice %arg13[%scan3A_15, %dma_start3A_399, %dma_start3A_400] : memref<2x128x128xf32, #tpu.memory_space<vmem>> -> memref<1x128x128xf32, #tpu.memory_space<vmem>>
      %dma_start3A_402 = tpu.memref_squeeze %dma_start3A_401 : memref<1x128x128xf32, #tpu.memory_space<vmem>> -> memref<128x128xf32, #tpu.memory_space<vmem>>
      %dma_start3A_403 = arith.constant 0 : i32
      %dma_start3A_404 = tpu.memref_slice %dma_start3A_402[%add3A_390, %dma_start3A_403] : memref<128x128xf32, #tpu.memory_space<vmem>> -> memref<1x128xf32, #tpu.memory_space<vmem>>
      %dma_start3A_405 = arith.constant 0 : i32
      %dma_start3A_406 = tpu.memref_slice %arg5[%squeeze3A_386, %dma_start3A_405] : memref<1000000x128xf32, #tpu.memory_space<hbm>> -> memref<1x128xf32, #tpu.memory_space<hbm>>
      tpu.enqueue_dma source(%dma_start3A_406 : memref<1x128xf32, #tpu.memory_space<hbm>>) target(%dma_start3A_404 : memref<1x128xf32, #tpu.memory_space<vmem>>) target_semaphore(%arg17 : memref<!tpu.dma_semaphore, #tpu.memory_space<semaphore_mem>>)
      %slice3A_407 = vector.extract_strided_slice %get3A_298 {offsets = [5], sizes = [1], strides = [1]} : vector<16xi32> to vector<1xi32>
      %squeeze3A_408 = vector.extract %slice3A_407[0] : i32 from vector<1xi32>
      %mul3A_409 = arith.constant 16 : i32
      %mul3A_410 = arith.muli %scan3A_293, %mul3A_409 : i32
      %add3A_411 = arith.constant 5 : i32
      %add3A_412 = arith.addi %mul3A_410, %add3A_411 : i32
      %dma_start3A_413 = arith.constant 0 : i32
      %dma_start3A_414 = arith.constant 0 : i32
      %dma_start3A_415 = tpu.memref_slice %arg13[%scan3A_15, %dma_start3A_413, %dma_start3A_414] : memref<2x128x128xf32, #tpu.memory_space<vmem>> -> memref<1x128x128xf32, #tpu.memory_space<vmem>>
      %dma_start3A_416 = tpu.memref_squeeze %dma_start3A_415 : memref<1x128x128xf32, #tpu.memory_space<vmem>> -> memref<128x128xf32, #tpu.memory_space<vmem>>
      %dma_start3A_417 = arith.constant 0 : i32
      %dma_start3A_418 = tpu.memref_slice %dma_start3A_416[%add3A_412, %dma_start3A_417] : memref<128x128xf32, #tpu.memory_space<vmem>> -> memref<1x128xf32, #tpu.memory_space<vmem>>
      %dma_start3A_419 = arith.constant 0 : i32
      %dma_start3A_420 = tpu.memref_slice %arg5[%squeeze3A_408, %dma_start3A_419] : memref<1000000x128xf32, #tpu.memory_space<hbm>> -> memref<1x128xf32, #tpu.memory_space<hbm>>
      %dma_start3A_421 = arith.constant 0 : i32
      %dma_start3A_422 = arith.constant 0 : i32
      %dma_start3A_423 = tpu.memref_slice %arg13[%scan3A_15, %dma_start3A_421, %dma_start3A_422] : memref<2x128x128xf32, #tpu.memory_space<vmem>> -> memref<1x128x128xf32, #tpu.memory_space<vmem>>
      %dma_start3A_424 = tpu.memref_squeeze %dma_start3A_423 : memref<1x128x128xf32, #tpu.memory_space<vmem>> -> memref<128x128xf32, #tpu.memory_space<vmem>>
      %dma_start3A_425 = arith.constant 0 : i32
      %dma_start3A_426 = tpu.memref_slice %dma_start3A_424[%add3A_412, %dma_start3A_425] : memref<128x128xf32, #tpu.memory_space<vmem>> -> memref<1x128xf32, #tpu.memory_space<vmem>>
      %dma_start3A_427 = arith.constant 0 : i32
      %dma_start3A_428 = tpu.memref_slice %arg5[%squeeze3A_408, %dma_start3A_427] : memref<1000000x128xf32, #tpu.memory_space<hbm>> -> memref<1x128xf32, #tpu.memory_space<hbm>>
      tpu.enqueue_dma source(%dma_start3A_428 : memref<1x128xf32, #tpu.memory_space<hbm>>) target(%dma_start3A_426 : memref<1x128xf32, #tpu.memory_space<vmem>>) target_semaphore(%arg17 : memref<!tpu.dma_semaphore, #tpu.memory_space<semaphore_mem>>)
      %slice3A_429 = vector.extract_strided_slice %get3A_298 {offsets = [6], sizes = [1], strides = [1]} : vector<16xi32> to vector<1xi32>
      %squeeze3A_430 = vector.extract %slice3A_429[0] : i32 from vector<1xi32>
      %mul3A_431 = arith.constant 16 : i32
      %mul3A_432 = arith.muli %scan3A_293, %mul3A_431 : i32
      %add3A_433 = arith.constant 6 : i32
      %add3A_434 = arith.addi %mul3A_432, %add3A_433 : i32
      %dma_start3A_435 = arith.constant 0 : i32
      %dma_start3A_436 = arith.constant 0 : i32
      %dma_start3A_437 = tpu.memref_slice %arg13[%scan3A_15, %dma_start3A_435, %dma_start3A_436] : memref<2x128x128xf32, #tpu.memory_space<vmem>> -> memref<1x128x128xf32, #tpu.memory_space<vmem>>
      %dma_start3A_438 = tpu.memref_squeeze %dma_start3A_437 : memref<1x128x128xf32, #tpu.memory_space<vmem>> -> memref<128x128xf32, #tpu.memory_space<vmem>>
      %dma_start3A_439 = arith.constant 0 : i32
      %dma_start3A_440 = tpu.memref_slice %dma_start3A_438[%add3A_434, %dma_start3A_439] : memref<128x128xf32, #tpu.memory_space<vmem>> -> memref<1x128xf32, #tpu.memory_space<vmem>>
      %dma_start3A_441 = arith.constant 0 : i32
      %dma_start3A_442 = tpu.memref_slice %arg5[%squeeze3A_430, %dma_start3A_441] : memref<1000000x128xf32, #tpu.memory_space<hbm>> -> memref<1x128xf32, #tpu.memory_space<hbm>>
      %dma_start3A_443 = arith.constant 0 : i32
      %dma_start3A_444 = arith.constant 0 : i32
      %dma_start3A_445 = tpu.memref_slice %arg13[%scan3A_15, %dma_start3A_443, %dma_start3A_444] : memref<2x128x128xf32, #tpu.memory_space<vmem>> -> memref<1x128x128xf32, #tpu.memory_space<vmem>>
      %dma_start3A_446 = tpu.memref_squeeze %dma_start3A_445 : memref<1x128x128xf32, #tpu.memory_space<vmem>> -> memref<128x128xf32, #tpu.memory_space<vmem>>
      %dma_start3A_447 = arith.constant 0 : i32
      %dma_start3A_448 = tpu.memref_slice %dma_start3A_446[%add3A_434, %dma_start3A_447] : memref<128x128xf32, #tpu.memory_space<vmem>> -> memref<1x128xf32, #tpu.memory_space<vmem>>
      %dma_start3A_449 = arith.constant 0 : i32
      %dma_start3A_450 = tpu.memref_slice %arg5[%squeeze3A_430, %dma_start3A_449] : memref<1000000x128xf32, #tpu.memory_space<hbm>> -> memref<1x128xf32, #tpu.memory_space<hbm>>
      tpu.enqueue_dma source(%dma_start3A_450 : memref<1x128xf32, #tpu.memory_space<hbm>>) target(%dma_start3A_448 : memref<1x128xf32, #tpu.memory_space<vmem>>) target_semaphore(%arg17 : memref<!tpu.dma_semaphore, #tpu.memory_space<semaphore_mem>>)
      %slice3A_451 = vector.extract_strided_slice %get3A_298 {offsets = [7], sizes = [1], strides = [1]} : vector<16xi32> to vector<1xi32>
      %squeeze3A_452 = vector.extract %slice3A_451[0] : i32 from vector<1xi32>
      %mul3A_453 = arith.constant 16 : i32
      %mul3A_454 = arith.muli %scan3A_293, %mul3A_453 : i32
      %add3A_455 = arith.constant 7 : i32
      %add3A_456 = arith.addi %mul3A_454, %add3A_455 : i32
      %dma_start3A_457 = arith.constant 0 : i32
      %dma_start3A_458 = arith.constant 0 : i32
      %dma_start3A_459 = tpu.memref_slice %arg13[%scan3A_15, %dma_start3A_457, %dma_start3A_458] : memref<2x128x128xf32, #tpu.memory_space<vmem>> -> memref<1x128x128xf32, #tpu.memory_space<vmem>>
      %dma_start3A_460 = tpu.memref_squeeze %dma_start3A_459 : memref<1x128x128xf32, #tpu.memory_space<vmem>> -> memref<128x128xf32, #tpu.memory_space<vmem>>
      %dma_start3A_461 = arith.constant 0 : i32
      %dma_start3A_462 = tpu.memref_slice %dma_start3A_460[%add3A_456, %dma_start3A_461] : memref<128x128xf32, #tpu.memory_space<vmem>> -> memref<1x128xf32, #tpu.memory_space<vmem>>
      %dma_start3A_463 = arith.constant 0 : i32
      %dma_start3A_464 = tpu.memref_slice %arg5[%squeeze3A_452, %dma_start3A_463] : memref<1000000x128xf32, #tpu.memory_space<hbm>> -> memref<1x128xf32, #tpu.memory_space<hbm>>
      %dma_start3A_465 = arith.constant 0 : i32
      %dma_start3A_466 = arith.constant 0 : i32
      %dma_start3A_467 = tpu.memref_slice %arg13[%scan3A_15, %dma_start3A_465, %dma_start3A_466] : memref<2x128x128xf32, #tpu.memory_space<vmem>> -> memref<1x128x128xf32, #tpu.memory_space<vmem>>
      %dma_start3A_468 = tpu.memref_squeeze %dma_start3A_467 : memref<1x128x128xf32, #tpu.memory_space<vmem>> -> memref<128x128xf32, #tpu.memory_space<vmem>>
      %dma_start3A_469 = arith.constant 0 : i32
      %dma_start3A_470 = tpu.memref_slice %dma_start3A_468[%add3A_456, %dma_start3A_469] : memref<128x128xf32, #tpu.memory_space<vmem>> -> memref<1x128xf32, #tpu.memory_space<vmem>>
      %dma_start3A_471 = arith.constant 0 : i32
      %dma_start3A_472 = tpu.memref_slice %arg5[%squeeze3A_452, %dma_start3A_471] : memref<1000000x128xf32, #tpu.memory_space<hbm>> -> memref<1x128xf32, #tpu.memory_space<hbm>>
      tpu.enqueue_dma source(%dma_start3A_472 : memref<1x128xf32, #tpu.memory_space<hbm>>) target(%dma_start3A_470 : memref<1x128xf32, #tpu.memory_space<vmem>>) target_semaphore(%arg17 : memref<!tpu.dma_semaphore, #tpu.memory_space<semaphore_mem>>)
      %slice3A_473 = vector.extract_strided_slice %get3A_298 {offsets = [8], sizes = [1], strides = [1]} : vector<16xi32> to vector<1xi32>
      %squeeze3A_474 = vector.extract %slice3A_473[0] : i32 from vector<1xi32>
      %mul3A_475 = arith.constant 16 : i32
      %mul3A_476 = arith.muli %scan3A_293, %mul3A_475 : i32
      %add3A_477 = arith.constant 8 : i32
      %add3A_478 = arith.addi %mul3A_476, %add3A_477 : i32
      %dma_start3A_479 = arith.constant 0 : i32
      %dma_start3A_480 = arith.constant 0 : i32
      %dma_start3A_481 = tpu.memref_slice %arg13[%scan3A_15, %dma_start3A_479, %dma_start3A_480] : memref<2x128x128xf32, #tpu.memory_space<vmem>> -> memref<1x128x128xf32, #tpu.memory_space<vmem>>
      %dma_start3A_482 = tpu.memref_squeeze %dma_start3A_481 : memref<1x128x128xf32, #tpu.memory_space<vmem>> -> memref<128x128xf32, #tpu.memory_space<vmem>>
      %dma_start3A_483 = arith.constant 0 : i32
      %dma_start3A_484 = tpu.memref_slice %dma_start3A_482[%add3A_478, %dma_start3A_483] : memref<128x128xf32, #tpu.memory_space<vmem>> -> memref<1x128xf32, #tpu.memory_space<vmem>>
      %dma_start3A_485 = arith.constant 0 : i32
      %dma_start3A_486 = tpu.memref_slice %arg5[%squeeze3A_474, %dma_start3A_485] : memref<1000000x128xf32, #tpu.memory_space<hbm>> -> memref<1x128xf32, #tpu.memory_space<hbm>>
      %dma_start3A_487 = arith.constant 0 : i32
      %dma_start3A_488 = arith.constant 0 : i32
      %dma_start3A_489 = tpu.memref_slice %arg13[%scan3A_15, %dma_start3A_487, %dma_start3A_488] : memref<2x128x128xf32, #tpu.memory_space<vmem>> -> memref<1x128x128xf32, #tpu.memory_space<vmem>>
      %dma_start3A_490 = tpu.memref_squeeze %dma_start3A_489 : memref<1x128x128xf32, #tpu.memory_space<vmem>> -> memref<128x128xf32, #tpu.memory_space<vmem>>
      %dma_start3A_491 = arith.constant 0 : i32
      %dma_start3A_492 = tpu.memref_slice %dma_start3A_490[%add3A_478, %dma_start3A_491] : memref<128x128xf32, #tpu.memory_space<vmem>> -> memref<1x128xf32, #tpu.memory_space<vmem>>
      %dma_start3A_493 = arith.constant 0 : i32
      %dma_start3A_494 = tpu.memref_slice %arg5[%squeeze3A_474, %dma_start3A_493] : memref<1000000x128xf32, #tpu.memory_space<hbm>> -> memref<1x128xf32, #tpu.memory_space<hbm>>
      tpu.enqueue_dma source(%dma_start3A_494 : memref<1x128xf32, #tpu.memory_space<hbm>>) target(%dma_start3A_492 : memref<1x128xf32, #tpu.memory_space<vmem>>) target_semaphore(%arg17 : memref<!tpu.dma_semaphore, #tpu.memory_space<semaphore_mem>>)
      %slice3A_495 = vector.extract_strided_slice %get3A_298 {offsets = [9], sizes = [1], strides = [1]} : vector<16xi32> to vector<1xi32>
      %squeeze3A_496 = vector.extract %slice3A_495[0] : i32 from vector<1xi32>
      %mul3A_497 = arith.constant 16 : i32
      %mul3A_498 = arith.muli %scan3A_293, %mul3A_497 : i32
      %add3A_499 = arith.constant 9 : i32
      %add3A_500 = arith.addi %mul3A_498, %add3A_499 : i32
      %dma_start3A_501 = arith.constant 0 : i32
      %dma_start3A_502 = arith.constant 0 : i32
      %dma_start3A_503 = tpu.memref_slice %arg13[%scan3A_15, %dma_start3A_501, %dma_start3A_502] : memref<2x128x128xf32, #tpu.memory_space<vmem>> -> memref<1x128x128xf32, #tpu.memory_space<vmem>>
      %dma_start3A_504 = tpu.memref_squeeze %dma_start3A_503 : memref<1x128x128xf32, #tpu.memory_space<vmem>> -> memref<128x128xf32, #tpu.memory_space<vmem>>
      %dma_start3A_505 = arith.constant 0 : i32
      %dma_start3A_506 = tpu.memref_slice %dma_start3A_504[%add3A_500, %dma_start3A_505] : memref<128x128xf32, #tpu.memory_space<vmem>> -> memref<1x128xf32, #tpu.memory_space<vmem>>
      %dma_start3A_507 = arith.constant 0 : i32
      %dma_start3A_508 = tpu.memref_slice %arg5[%squeeze3A_496, %dma_start3A_507] : memref<1000000x128xf32, #tpu.memory_space<hbm>> -> memref<1x128xf32, #tpu.memory_space<hbm>>
      %dma_start3A_509 = arith.constant 0 : i32
      %dma_start3A_510 = arith.constant 0 : i32
      %dma_start3A_511 = tpu.memref_slice %arg13[%scan3A_15, %dma_start3A_509, %dma_start3A_510] : memref<2x128x128xf32, #tpu.memory_space<vmem>> -> memref<1x128x128xf32, #tpu.memory_space<vmem>>
      %dma_start3A_512 = tpu.memref_squeeze %dma_start3A_511 : memref<1x128x128xf32, #tpu.memory_space<vmem>> -> memref<128x128xf32, #tpu.memory_space<vmem>>
      %dma_start3A_513 = arith.constant 0 : i32
      %dma_start3A_514 = tpu.memref_slice %dma_start3A_512[%add3A_500, %dma_start3A_513] : memref<128x128xf32, #tpu.memory_space<vmem>> -> memref<1x128xf32, #tpu.memory_space<vmem>>
      %dma_start3A_515 = arith.constant 0 : i32
      %dma_start3A_516 = tpu.memref_slice %arg5[%squeeze3A_496, %dma_start3A_515] : memref<1000000x128xf32, #tpu.memory_space<hbm>> -> memref<1x128xf32, #tpu.memory_space<hbm>>
      tpu.enqueue_dma source(%dma_start3A_516 : memref<1x128xf32, #tpu.memory_space<hbm>>) target(%dma_start3A_514 : memref<1x128xf32, #tpu.memory_space<vmem>>) target_semaphore(%arg17 : memref<!tpu.dma_semaphore, #tpu.memory_space<semaphore_mem>>)
      %slice3A_517 = vector.extract_strided_slice %get3A_298 {offsets = [10], sizes = [1], strides = [1]} : vector<16xi32> to vector<1xi32>
      %squeeze3A_518 = vector.extract %slice3A_517[0] : i32 from vector<1xi32>
      %mul3A_519 = arith.constant 16 : i32
      %mul3A_520 = arith.muli %scan3A_293, %mul3A_519 : i32
      %add3A_521 = arith.constant 10 : i32
      %add3A_522 = arith.addi %mul3A_520, %add3A_521 : i32
      %dma_start3A_523 = arith.constant 0 : i32
      %dma_start3A_524 = arith.constant 0 : i32
      %dma_start3A_525 = tpu.memref_slice %arg13[%scan3A_15, %dma_start3A_523, %dma_start3A_524] : memref<2x128x128xf32, #tpu.memory_space<vmem>> -> memref<1x128x128xf32, #tpu.memory_space<vmem>>
      %dma_start3A_526 = tpu.memref_squeeze %dma_start3A_525 : memref<1x128x128xf32, #tpu.memory_space<vmem>> -> memref<128x128xf32, #tpu.memory_space<vmem>>
      %dma_start3A_527 = arith.constant 0 : i32
      %dma_start3A_528 = tpu.memref_slice %dma_start3A_526[%add3A_522, %dma_start3A_527] : memref<128x128xf32, #tpu.memory_space<vmem>> -> memref<1x128xf32, #tpu.memory_space<vmem>>
      %dma_start3A_529 = arith.constant 0 : i32
      %dma_start3A_530 = tpu.memref_slice %arg5[%squeeze3A_518, %dma_start3A_529] : memref<1000000x128xf32, #tpu.memory_space<hbm>> -> memref<1x128xf32, #tpu.memory_space<hbm>>
      %dma_start3A_531 = arith.constant 0 : i32
      %dma_start3A_532 = arith.constant 0 : i32
      %dma_start3A_533 = tpu.memref_slice %arg13[%scan3A_15, %dma_start3A_531, %dma_start3A_532] : memref<2x128x128xf32, #tpu.memory_space<vmem>> -> memref<1x128x128xf32, #tpu.memory_space<vmem>>
      %dma_start3A_534 = tpu.memref_squeeze %dma_start3A_533 : memref<1x128x128xf32, #tpu.memory_space<vmem>> -> memref<128x128xf32, #tpu.memory_space<vmem>>
      %dma_start3A_535 = arith.constant 0 : i32
      %dma_start3A_536 = tpu.memref_slice %dma_start3A_534[%add3A_522, %dma_start3A_535] : memref<128x128xf32, #tpu.memory_space<vmem>> -> memref<1x128xf32, #tpu.memory_space<vmem>>
      %dma_start3A_537 = arith.constant 0 : i32
      %dma_start3A_538 = tpu.memref_slice %arg5[%squeeze3A_518, %dma_start3A_537] : memref<1000000x128xf32, #tpu.memory_space<hbm>> -> memref<1x128xf32, #tpu.memory_space<hbm>>
      tpu.enqueue_dma source(%dma_start3A_538 : memref<1x128xf32, #tpu.memory_space<hbm>>) target(%dma_start3A_536 : memref<1x128xf32, #tpu.memory_space<vmem>>) target_semaphore(%arg17 : memref<!tpu.dma_semaphore, #tpu.memory_space<semaphore_mem>>)
      %slice3A_539 = vector.extract_strided_slice %get3A_298 {offsets = [11], sizes = [1], strides = [1]} : vector<16xi32> to vector<1xi32>
      %squeeze3A_540 = vector.extract %slice3A_539[0] : i32 from vector<1xi32>
      %mul3A_541 = arith.constant 16 : i32
      %mul3A_542 = arith.muli %scan3A_293, %mul3A_541 : i32
      %add3A_543 = arith.constant 11 : i32
      %add3A_544 = arith.addi %mul3A_542, %add3A_543 : i32
      %dma_start3A_545 = arith.constant 0 : i32
      %dma_start3A_546 = arith.constant 0 : i32
      %dma_start3A_547 = tpu.memref_slice %arg13[%scan3A_15, %dma_start3A_545, %dma_start3A_546] : memref<2x128x128xf32, #tpu.memory_space<vmem>> -> memref<1x128x128xf32, #tpu.memory_space<vmem>>
      %dma_start3A_548 = tpu.memref_squeeze %dma_start3A_547 : memref<1x128x128xf32, #tpu.memory_space<vmem>> -> memref<128x128xf32, #tpu.memory_space<vmem>>
      %dma_start3A_549 = arith.constant 0 : i32
      %dma_start3A_550 = tpu.memref_slice %dma_start3A_548[%add3A_544, %dma_start3A_549] : memref<128x128xf32, #tpu.memory_space<vmem>> -> memref<1x128xf32, #tpu.memory_space<vmem>>
      %dma_start3A_551 = arith.constant 0 : i32
      %dma_start3A_552 = tpu.memref_slice %arg5[%squeeze3A_540, %dma_start3A_551] : memref<1000000x128xf32, #tpu.memory_space<hbm>> -> memref<1x128xf32, #tpu.memory_space<hbm>>
      %dma_start3A_553 = arith.constant 0 : i32
      %dma_start3A_554 = arith.constant 0 : i32
      %dma_start3A_555 = tpu.memref_slice %arg13[%scan3A_15, %dma_start3A_553, %dma_start3A_554] : memref<2x128x128xf32, #tpu.memory_space<vmem>> -> memref<1x128x128xf32, #tpu.memory_space<vmem>>
      %dma_start3A_556 = tpu.memref_squeeze %dma_start3A_555 : memref<1x128x128xf32, #tpu.memory_space<vmem>> -> memref<128x128xf32, #tpu.memory_space<vmem>>
      %dma_start3A_557 = arith.constant 0 : i32
      %dma_start3A_558 = tpu.memref_slice %dma_start3A_556[%add3A_544, %dma_start3A_557] : memref<128x128xf32, #tpu.memory_space<vmem>> -> memref<1x128xf32, #tpu.memory_space<vmem>>
      %dma_start3A_559 = arith.constant 0 : i32
      %dma_start3A_560 = tpu.memref_slice %arg5[%squeeze3A_540, %dma_start3A_559] : memref<1000000x128xf32, #tpu.memory_space<hbm>> -> memref<1x128xf32, #tpu.memory_space<hbm>>
      tpu.enqueue_dma source(%dma_start3A_560 : memref<1x128xf32, #tpu.memory_space<hbm>>) target(%dma_start3A_558 : memref<1x128xf32, #tpu.memory_space<vmem>>) target_semaphore(%arg17 : memref<!tpu.dma_semaphore, #tpu.memory_space<semaphore_mem>>)
      %slice3A_561 = vector.extract_strided_slice %get3A_298 {offsets = [12], sizes = [1], strides = [1]} : vector<16xi32> to vector<1xi32>
      %squeeze3A_562 = vector.extract %slice3A_561[0] : i32 from vector<1xi32>
      %mul3A_563 = arith.constant 16 : i32
      %mul3A_564 = arith.muli %scan3A_293, %mul3A_563 : i32
      %add3A_565 = arith.constant 12 : i32
      %add3A_566 = arith.addi %mul3A_564, %add3A_565 : i32
      %dma_start3A_567 = arith.constant 0 : i32
      %dma_start3A_568 = arith.constant 0 : i32
      %dma_start3A_569 = tpu.memref_slice %arg13[%scan3A_15, %dma_start3A_567, %dma_start3A_568] : memref<2x128x128xf32, #tpu.memory_space<vmem>> -> memref<1x128x128xf32, #tpu.memory_space<vmem>>
      %dma_start3A_570 = tpu.memref_squeeze %dma_start3A_569 : memref<1x128x128xf32, #tpu.memory_space<vmem>> -> memref<128x128xf32, #tpu.memory_space<vmem>>
      %dma_start3A_571 = arith.constant 0 : i32
      %dma_start3A_572 = tpu.memref_slice %dma_start3A_570[%add3A_566, %dma_start3A_571] : memref<128x128xf32, #tpu.memory_space<vmem>> -> memref<1x128xf32, #tpu.memory_space<vmem>>
      %dma_start3A_573 = arith.constant 0 : i32
      %dma_start3A_574 = tpu.memref_slice %arg5[%squeeze3A_562, %dma_start3A_573] : memref<1000000x128xf32, #tpu.memory_space<hbm>> -> memref<1x128xf32, #tpu.memory_space<hbm>>
      %dma_start3A_575 = arith.constant 0 : i32
      %dma_start3A_576 = arith.constant 0 : i32
      %dma_start3A_577 = tpu.memref_slice %arg13[%scan3A_15, %dma_start3A_575, %dma_start3A_576] : memref<2x128x128xf32, #tpu.memory_space<vmem>> -> memref<1x128x128xf32, #tpu.memory_space<vmem>>
      %dma_start3A_578 = tpu.memref_squeeze %dma_start3A_577 : memref<1x128x128xf32, #tpu.memory_space<vmem>> -> memref<128x128xf32, #tpu.memory_space<vmem>>
      %dma_start3A_579 = arith.constant 0 : i32
      %dma_start3A_580 = tpu.memref_slice %dma_start3A_578[%add3A_566, %dma_start3A_579] : memref<128x128xf32, #tpu.memory_space<vmem>> -> memref<1x128xf32, #tpu.memory_space<vmem>>
      %dma_start3A_581 = arith.constant 0 : i32
      %dma_start3A_582 = tpu.memref_slice %arg5[%squeeze3A_562, %dma_start3A_581] : memref<1000000x128xf32, #tpu.memory_space<hbm>> -> memref<1x128xf32, #tpu.memory_space<hbm>>
      tpu.enqueue_dma source(%dma_start3A_582 : memref<1x128xf32, #tpu.memory_space<hbm>>) target(%dma_start3A_580 : memref<1x128xf32, #tpu.memory_space<vmem>>) target_semaphore(%arg17 : memref<!tpu.dma_semaphore, #tpu.memory_space<semaphore_mem>>)
      %slice3A_583 = vector.extract_strided_slice %get3A_298 {offsets = [13], sizes = [1], strides = [1]} : vector<16xi32> to vector<1xi32>
      %squeeze3A_584 = vector.extract %slice3A_583[0] : i32 from vector<1xi32>
      %mul3A_585 = arith.constant 16 : i32
      %mul3A_586 = arith.muli %scan3A_293, %mul3A_585 : i32
      %add3A_587 = arith.constant 13 : i32
      %add3A_588 = arith.addi %mul3A_586, %add3A_587 : i32
      %dma_start3A_589 = arith.constant 0 : i32
      %dma_start3A_590 = arith.constant 0 : i32
      %dma_start3A_591 = tpu.memref_slice %arg13[%scan3A_15, %dma_start3A_589, %dma_start3A_590] : memref<2x128x128xf32, #tpu.memory_space<vmem>> -> memref<1x128x128xf32, #tpu.memory_space<vmem>>
      %dma_start3A_592 = tpu.memref_squeeze %dma_start3A_591 : memref<1x128x128xf32, #tpu.memory_space<vmem>> -> memref<128x128xf32, #tpu.memory_space<vmem>>
      %dma_start3A_593 = arith.constant 0 : i32
      %dma_start3A_594 = tpu.memref_slice %dma_start3A_592[%add3A_588, %dma_start3A_593] : memref<128x128xf32, #tpu.memory_space<vmem>> -> memref<1x128xf32, #tpu.memory_space<vmem>>
      %dma_start3A_595 = arith.constant 0 : i32
      %dma_start3A_596 = tpu.memref_slice %arg5[%squeeze3A_584, %dma_start3A_595] : memref<1000000x128xf32, #tpu.memory_space<hbm>> -> memref<1x128xf32, #tpu.memory_space<hbm>>
      %dma_start3A_597 = arith.constant 0 : i32
      %dma_start3A_598 = arith.constant 0 : i32
      %dma_start3A_599 = tpu.memref_slice %arg13[%scan3A_15, %dma_start3A_597, %dma_start3A_598] : memref<2x128x128xf32, #tpu.memory_space<vmem>> -> memref<1x128x128xf32, #tpu.memory_space<vmem>>
      %dma_start3A_600 = tpu.memref_squeeze %dma_start3A_599 : memref<1x128x128xf32, #tpu.memory_space<vmem>> -> memref<128x128xf32, #tpu.memory_space<vmem>>
      %dma_start3A_601 = arith.constant 0 : i32
      %dma_start3A_602 = tpu.memref_slice %dma_start3A_600[%add3A_588, %dma_start3A_601] : memref<128x128xf32, #tpu.memory_space<vmem>> -> memref<1x128xf32, #tpu.memory_space<vmem>>
      %dma_start3A_603 = arith.constant 0 : i32
      %dma_start3A_604 = tpu.memref_slice %arg5[%squeeze3A_584, %dma_start3A_603] : memref<1000000x128xf32, #tpu.memory_space<hbm>> -> memref<1x128xf32, #tpu.memory_space<hbm>>
      tpu.enqueue_dma source(%dma_start3A_604 : memref<1x128xf32, #tpu.memory_space<hbm>>) target(%dma_start3A_602 : memref<1x128xf32, #tpu.memory_space<vmem>>) target_semaphore(%arg17 : memref<!tpu.dma_semaphore, #tpu.memory_space<semaphore_mem>>)
      %slice3A_605 = vector.extract_strided_slice %get3A_298 {offsets = [14], sizes = [1], strides = [1]} : vector<16xi32> to vector<1xi32>
      %squeeze3A_606 = vector.extract %slice3A_605[0] : i32 from vector<1xi32>
      %mul3A_607 = arith.constant 16 : i32
      %mul3A_608 = arith.muli %scan3A_293, %mul3A_607 : i32
      %add3A_609 = arith.constant 14 : i32
      %add3A_610 = arith.addi %mul3A_608, %add3A_609 : i32
      %dma_start3A_611 = arith.constant 0 : i32
      %dma_start3A_612 = arith.constant 0 : i32
      %dma_start3A_613 = tpu.memref_slice %arg13[%scan3A_15, %dma_start3A_611, %dma_start3A_612] : memref<2x128x128xf32, #tpu.memory_space<vmem>> -> memref<1x128x128xf32, #tpu.memory_space<vmem>>
      %dma_start3A_614 = tpu.memref_squeeze %dma_start3A_613 : memref<1x128x128xf32, #tpu.memory_space<vmem>> -> memref<128x128xf32, #tpu.memory_space<vmem>>
      %dma_start3A_615 = arith.constant 0 : i32
      %dma_start3A_616 = tpu.memref_slice %dma_start3A_614[%add3A_610, %dma_start3A_615] : memref<128x128xf32, #tpu.memory_space<vmem>> -> memref<1x128xf32, #tpu.memory_space<vmem>>
      %dma_start3A_617 = arith.constant 0 : i32
      %dma_start3A_618 = tpu.memref_slice %arg5[%squeeze3A_606, %dma_start3A_617] : memref<1000000x128xf32, #tpu.memory_space<hbm>> -> memref<1x128xf32, #tpu.memory_space<hbm>>
      %dma_start3A_619 = arith.constant 0 : i32
      %dma_start3A_620 = arith.constant 0 : i32
      %dma_start3A_621 = tpu.memref_slice %arg13[%scan3A_15, %dma_start3A_619, %dma_start3A_620] : memref<2x128x128xf32, #tpu.memory_space<vmem>> -> memref<1x128x128xf32, #tpu.memory_space<vmem>>
      %dma_start3A_622 = tpu.memref_squeeze %dma_start3A_621 : memref<1x128x128xf32, #tpu.memory_space<vmem>> -> memref<128x128xf32, #tpu.memory_space<vmem>>
      %dma_start3A_623 = arith.constant 0 : i32
      %dma_start3A_624 = tpu.memref_slice %dma_start3A_622[%add3A_610, %dma_start3A_623] : memref<128x128xf32, #tpu.memory_space<vmem>> -> memref<1x128xf32, #tpu.memory_space<vmem>>
      %dma_start3A_625 = arith.constant 0 : i32
      %dma_start3A_626 = tpu.memref_slice %arg5[%squeeze3A_606, %dma_start3A_625] : memref<1000000x128xf32, #tpu.memory_space<hbm>> -> memref<1x128xf32, #tpu.memory_space<hbm>>
      tpu.enqueue_dma source(%dma_start3A_626 : memref<1x128xf32, #tpu.memory_space<hbm>>) target(%dma_start3A_624 : memref<1x128xf32, #tpu.memory_space<vmem>>) target_semaphore(%arg17 : memref<!tpu.dma_semaphore, #tpu.memory_space<semaphore_mem>>)
      %slice3A_627 = vector.extract_strided_slice %get3A_298 {offsets = [15], sizes = [1], strides = [1]} : vector<16xi32> to vector<1xi32>
      %squeeze3A_628 = vector.extract %slice3A_627[0] : i32 from vector<1xi32>
      %mul3A_629 = arith.constant 16 : i32
      %mul3A_630 = arith.muli %scan3A_293, %mul3A_629 : i32
      %add3A_631 = arith.constant 15 : i32
      %add3A_632 = arith.addi %mul3A_630, %add3A_631 : i32
      %dma_start3A_633 = arith.constant 0 : i32
      %dma_start3A_634 = arith.constant 0 : i32
      %dma_start3A_635 = tpu.memref_slice %arg13[%scan3A_15, %dma_start3A_633, %dma_start3A_634] : memref<2x128x128xf32, #tpu.memory_space<vmem>> -> memref<1x128x128xf32, #tpu.memory_space<vmem>>
      %dma_start3A_636 = tpu.memref_squeeze %dma_start3A_635 : memref<1x128x128xf32, #tpu.memory_space<vmem>> -> memref<128x128xf32, #tpu.memory_space<vmem>>
      %dma_start3A_637 = arith.constant 0 : i32
      %dma_start3A_638 = tpu.memref_slice %dma_start3A_636[%add3A_632, %dma_start3A_637] : memref<128x128xf32, #tpu.memory_space<vmem>> -> memref<1x128xf32, #tpu.memory_space<vmem>>
      %dma_start3A_639 = arith.constant 0 : i32
      %dma_start3A_640 = tpu.memref_slice %arg5[%squeeze3A_628, %dma_start3A_639] : memref<1000000x128xf32, #tpu.memory_space<hbm>> -> memref<1x128xf32, #tpu.memory_space<hbm>>
      %dma_start3A_641 = arith.constant 0 : i32
      %dma_start3A_642 = arith.constant 0 : i32
      %dma_start3A_643 = tpu.memref_slice %arg13[%scan3A_15, %dma_start3A_641, %dma_start3A_642] : memref<2x128x128xf32, #tpu.memory_space<vmem>> -> memref<1x128x128xf32, #tpu.memory_space<vmem>>
      %dma_start3A_644 = tpu.memref_squeeze %dma_start3A_643 : memref<1x128x128xf32, #tpu.memory_space<vmem>> -> memref<128x128xf32, #tpu.memory_space<vmem>>
      %dma_start3A_645 = arith.constant 0 : i32
      %dma_start3A_646 = tpu.memref_slice %dma_start3A_644[%add3A_632, %dma_start3A_645] : memref<128x128xf32, #tpu.memory_space<vmem>> -> memref<1x128xf32, #tpu.memory_space<vmem>>
      %dma_start3A_647 = arith.constant 0 : i32
      %dma_start3A_648 = tpu.memref_slice %arg5[%squeeze3A_628, %dma_start3A_647] : memref<1000000x128xf32, #tpu.memory_space<hbm>> -> memref<1x128xf32, #tpu.memory_space<hbm>>
      tpu.enqueue_dma source(%dma_start3A_648 : memref<1x128xf32, #tpu.memory_space<hbm>>) target(%dma_start3A_646 : memref<1x128xf32, #tpu.memory_space<vmem>>) target_semaphore(%arg17 : memref<!tpu.dma_semaphore, #tpu.memory_space<semaphore_mem>>)
    }
    %scan3A_20 = arith.constant 8 : i32
    %dma_start3A_21 = arith.constant 0 : i32
    %dma_start3A_22 = arith.constant 0 : i32
    %dma_start3A_23 = arith.constant 0 : i32
    %dma_start3A_24 = tpu.memref_slice %arg11[%dma_start3A_21, %dma_start3A_22, %dma_start3A_23] : memref<2x128x128xf32, #tpu.memory_space<vmem>> -> memref<1x128x128xf32, #tpu.memory_space<vmem>>
    %dma_start3A_25 = tpu.memref_squeeze %dma_start3A_24 : memref<1x128x128xf32, #tpu.memory_space<vmem>> -> memref<128x128xf32, #tpu.memory_space<vmem>>
    %dma_start3A_26 = arith.constant 0 : i32
    %dma_start3A_27 = tpu.memref_slice %arg8[%dma_start3A_26] : memref<512xi32, #tpu.memory_space<vmem>> -> memref<128xi32, #tpu.memory_space<vmem>>
    %dma_start3A_28 = arith.constant 0 : i32
    %dma_start3A_29 = arith.constant 0 : i32
    %dma_start3A_30 = tpu.memref_slice %arg5[%dma_start3A_28, %dma_start3A_29] : memref<1000000x128xf32, #tpu.memory_space<hbm>> -> memref<1000000x128xf32, #tpu.memory_space<hbm>>
    tpu.enqueue_indirect_dma source(%dma_start3A_30 : memref<1000000x128xf32, #tpu.memory_space<hbm>>) target(%dma_start3A_25 : memref<128x128xf32, #tpu.memory_space<vmem>>) offsets(%dma_start3A_27 : memref<128xi32, #tpu.memory_space<vmem>>) semaphore(%arg15 : memref<!tpu.dma_semaphore, #tpu.memory_space<semaphore_mem>>)
    %dma_start3A_31 = arith.constant 0 : i32
    %dma_start3A_32 = arith.constant 0 : i32
    %dma_start3A_33 = arith.constant 0 : i32
    %dma_start3A_34 = tpu.memref_slice %arg12[%dma_start3A_31, %dma_start3A_32, %dma_start3A_33] : memref<2x128x128xf32, #tpu.memory_space<vmem>> -> memref<1x128x128xf32, #tpu.memory_space<vmem>>
    %dma_start3A_35 = tpu.memref_squeeze %dma_start3A_34 : memref<1x128x128xf32, #tpu.memory_space<vmem>> -> memref<128x128xf32, #tpu.memory_space<vmem>>
    %dma_start3A_36 = arith.constant 0 : i32
    %dma_start3A_37 = tpu.memref_slice %arg9[%dma_start3A_36] : memref<512xi32, #tpu.memory_space<vmem>> -> memref<128xi32, #tpu.memory_space<vmem>>
    %dma_start3A_38 = arith.constant 0 : i32
    %dma_start3A_39 = arith.constant 0 : i32
    %dma_start3A_40 = tpu.memref_slice %arg6[%dma_start3A_38, %dma_start3A_39] : memref<1000x128xf32, #tpu.memory_space<hbm>> -> memref<1000x128xf32, #tpu.memory_space<hbm>>
    tpu.enqueue_indirect_dma source(%dma_start3A_40 : memref<1000x128xf32, #tpu.memory_space<hbm>>) target(%dma_start3A_35 : memref<128x128xf32, #tpu.memory_space<vmem>>) offsets(%dma_start3A_37 : memref<128xi32, #tpu.memory_space<vmem>>) semaphore(%arg15 : memref<!tpu.dma_semaphore, #tpu.memory_space<semaphore_mem>>)
    %scan3A_41 = arith.constant 0 : i32
    %scan3A_42 = arith.constant 1 : i32
    %scan3A_43 = arith.constant 0 : i32
    %scan3A_44 = arith.constant 8 : i32
    %scan3A_45 = arith.addi %scan3A_43, %scan3A_44 : i32
    %scan3A_46 = arith.constant 1 : i32
    scf.for %scan3A_293 = %scan3A_43 to %scan3A_45 step %scan3A_46  : i32 {
      %mul3A_294 = arith.constant 16 : i32
      %mul3A_295 = arith.muli %scan3A_293, %mul3A_294 : i32
      %add3A_296 = arith.constant 128 : i32
      %add3A_297 = arith.addi %add3A_296, %mul3A_295 : i32
      %get3A = arith.index_cast %add3A_297 : i32 to index
      %get3A_298 = tpu.vector_load %arg10[%get3A] {strides = array<i32>} : memref<512xi32, #tpu.memory_space<vmem>>, vector<16xi32>,
      %slice3A = vector.extract_strided_slice %get3A_298 {offsets = [0], sizes = [1], strides = [1]} : vector<16xi32> to vector<1xi32>
      %squeeze3A = vector.extract %slice3A[0] : i32 from vector<1xi32>
      %mul3A_299 = arith.constant 16 : i32
      %mul3A_300 = arith.muli %scan3A_293, %mul3A_299 : i32
      %add3A_301 = arith.constant 0 : i32
      %add3A_302 = arith.addi %mul3A_300, %add3A_301 : i32
      %dma_start3A_303 = arith.constant 0 : i32
      %dma_start3A_304 = arith.constant 0 : i32
      %dma_start3A_305 = tpu.memref_slice %arg13[%scan3A_42, %dma_start3A_303, %dma_start3A_304] : memref<2x128x128xf32, #tpu.memory_space<vmem>> -> memref<1x128x128xf32, #tpu.memory_space<vmem>>
      %dma_start3A_306 = tpu.memref_squeeze %dma_start3A_305 : memref<1x128x128xf32, #tpu.memory_space<vmem>> -> memref<128x128xf32, #tpu.memory_space<vmem>>
      %dma_start3A_307 = arith.constant 0 : i32
      %dma_start3A_308 = tpu.memref_slice %dma_start3A_306[%add3A_302, %dma_start3A_307] : memref<128x128xf32, #tpu.memory_space<vmem>> -> memref<1x128xf32, #tpu.memory_space<vmem>>
      %dma_start3A_309 = arith.constant 0 : i32
      %dma_start3A_310 = tpu.memref_slice %arg5[%squeeze3A, %dma_start3A_309] : memref<1000000x128xf32, #tpu.memory_space<hbm>> -> memref<1x128xf32, #tpu.memory_space<hbm>>
      %dma_start3A_311 = arith.constant 0 : i32
      %dma_start3A_312 = arith.constant 0 : i32
      %dma_start3A_313 = tpu.memref_slice %arg13[%scan3A_42, %dma_start3A_311, %dma_start3A_312] : memref<2x128x128xf32, #tpu.memory_space<vmem>> -> memref<1x128x128xf32, #tpu.memory_space<vmem>>
      %dma_start3A_314 = tpu.memref_squeeze %dma_start3A_313 : memref<1x128x128xf32, #tpu.memory_space<vmem>> -> memref<128x128xf32, #tpu.memory_space<vmem>>
      %dma_start3A_315 = arith.constant 0 : i32
      %dma_start3A_316 = tpu.memref_slice %dma_start3A_314[%add3A_302, %dma_start3A_315] : memref<128x128xf32, #tpu.memory_space<vmem>> -> memref<1x128xf32, #tpu.memory_space<vmem>>
      %dma_start3A_317 = arith.constant 0 : i32
      %dma_start3A_318 = tpu.memref_slice %arg5[%squeeze3A, %dma_start3A_317] : memref<1000000x128xf32, #tpu.memory_space<hbm>> -> memref<1x128xf32, #tpu.memory_space<hbm>>
      tpu.enqueue_dma source(%dma_start3A_318 : memref<1x128xf32, #tpu.memory_space<hbm>>) target(%dma_start3A_316 : memref<1x128xf32, #tpu.memory_space<vmem>>) target_semaphore(%arg18 : memref<!tpu.dma_semaphore, #tpu.memory_space<semaphore_mem>>)
      %slice3A_319 = vector.extract_strided_slice %get3A_298 {offsets = [1], sizes = [1], strides = [1]} : vector<16xi32> to vector<1xi32>
      %squeeze3A_320 = vector.extract %slice3A_319[0] : i32 from vector<1xi32>
      %mul3A_321 = arith.constant 16 : i32
      %mul3A_322 = arith.muli %scan3A_293, %mul3A_321 : i32
      %add3A_323 = arith.constant 1 : i32
      %add3A_324 = arith.addi %mul3A_322, %add3A_323 : i32
      %dma_start3A_325 = arith.constant 0 : i32
      %dma_start3A_326 = arith.constant 0 : i32
      %dma_start3A_327 = tpu.memref_slice %arg13[%scan3A_42, %dma_start3A_325, %dma_start3A_326] : memref<2x128x128xf32, #tpu.memory_space<vmem>> -> memref<1x128x128xf32, #tpu.memory_space<vmem>>
      %dma_start3A_328 = tpu.memref_squeeze %dma_start3A_327 : memref<1x128x128xf32, #tpu.memory_space<vmem>> -> memref<128x128xf32, #tpu.memory_space<vmem>>
      %dma_start3A_329 = arith.constant 0 : i32
      %dma_start3A_330 = tpu.memref_slice %dma_start3A_328[%add3A_324, %dma_start3A_329] : memref<128x128xf32, #tpu.memory_space<vmem>> -> memref<1x128xf32, #tpu.memory_space<vmem>>
      %dma_start3A_331 = arith.constant 0 : i32
      %dma_start3A_332 = tpu.memref_slice %arg5[%squeeze3A_320, %dma_start3A_331] : memref<1000000x128xf32, #tpu.memory_space<hbm>> -> memref<1x128xf32, #tpu.memory_space<hbm>>
      %dma_start3A_333 = arith.constant 0 : i32
      %dma_start3A_334 = arith.constant 0 : i32
      %dma_start3A_335 = tpu.memref_slice %arg13[%scan3A_42, %dma_start3A_333, %dma_start3A_334] : memref<2x128x128xf32, #tpu.memory_space<vmem>> -> memref<1x128x128xf32, #tpu.memory_space<vmem>>
      %dma_start3A_336 = tpu.memref_squeeze %dma_start3A_335 : memref<1x128x128xf32, #tpu.memory_space<vmem>> -> memref<128x128xf32, #tpu.memory_space<vmem>>
      %dma_start3A_337 = arith.constant 0 : i32
      %dma_start3A_338 = tpu.memref_slice %dma_start3A_336[%add3A_324, %dma_start3A_337] : memref<128x128xf32, #tpu.memory_space<vmem>> -> memref<1x128xf32, #tpu.memory_space<vmem>>
      %dma_start3A_339 = arith.constant 0 : i32
      %dma_start3A_340 = tpu.memref_slice %arg5[%squeeze3A_320, %dma_start3A_339] : memref<1000000x128xf32, #tpu.memory_space<hbm>> -> memref<1x128xf32, #tpu.memory_space<hbm>>
      tpu.enqueue_dma source(%dma_start3A_340 : memref<1x128xf32, #tpu.memory_space<hbm>>) target(%dma_start3A_338 : memref<1x128xf32, #tpu.memory_space<vmem>>) target_semaphore(%arg18 : memref<!tpu.dma_semaphore, #tpu.memory_space<semaphore_mem>>)
      %slice3A_341 = vector.extract_strided_slice %get3A_298 {offsets = [2], sizes = [1], strides = [1]} : vector<16xi32> to vector<1xi32>
      %squeeze3A_342 = vector.extract %slice3A_341[0] : i32 from vector<1xi32>
      %mul3A_343 = arith.constant 16 : i32
      %mul3A_344 = arith.muli %scan3A_293, %mul3A_343 : i32
      %add3A_345 = arith.constant 2 : i32
      %add3A_346 = arith.addi %mul3A_344, %add3A_345 : i32
      %dma_start3A_347 = arith.constant 0 : i32
      %dma_start3A_348 = arith.constant 0 : i32
      %dma_start3A_349 = tpu.memref_slice %arg13[%scan3A_42, %dma_start3A_347, %dma_start3A_348] : memref<2x128x128xf32, #tpu.memory_space<vmem>> -> memref<1x128x128xf32, #tpu.memory_space<vmem>>
      %dma_start3A_350 = tpu.memref_squeeze %dma_start3A_349 : memref<1x128x128xf32, #tpu.memory_space<vmem>> -> memref<128x128xf32, #tpu.memory_space<vmem>>
      %dma_start3A_351 = arith.constant 0 : i32
      %dma_start3A_352 = tpu.memref_slice %dma_start3A_350[%add3A_346, %dma_start3A_351] : memref<128x128xf32, #tpu.memory_space<vmem>> -> memref<1x128xf32, #tpu.memory_space<vmem>>
      %dma_start3A_353 = arith.constant 0 : i32
      %dma_start3A_354 = tpu.memref_slice %arg5[%squeeze3A_342, %dma_start3A_353] : memref<1000000x128xf32, #tpu.memory_space<hbm>> -> memref<1x128xf32, #tpu.memory_space<hbm>>
      %dma_start3A_355 = arith.constant 0 : i32
      %dma_start3A_356 = arith.constant 0 : i32
      %dma_start3A_357 = tpu.memref_slice %arg13[%scan3A_42, %dma_start3A_355, %dma_start3A_356] : memref<2x128x128xf32, #tpu.memory_space<vmem>> -> memref<1x128x128xf32, #tpu.memory_space<vmem>>
      %dma_start3A_358 = tpu.memref_squeeze %dma_start3A_357 : memref<1x128x128xf32, #tpu.memory_space<vmem>> -> memref<128x128xf32, #tpu.memory_space<vmem>>
      %dma_start3A_359 = arith.constant 0 : i32
      %dma_start3A_360 = tpu.memref_slice %dma_start3A_358[%add3A_346, %dma_start3A_359] : memref<128x128xf32, #tpu.memory_space<vmem>> -> memref<1x128xf32, #tpu.memory_space<vmem>>
      %dma_start3A_361 = arith.constant 0 : i32
      %dma_start3A_362 = tpu.memref_slice %arg5[%squeeze3A_342, %dma_start3A_361] : memref<1000000x128xf32, #tpu.memory_space<hbm>> -> memref<1x128xf32, #tpu.memory_space<hbm>>
      tpu.enqueue_dma source(%dma_start3A_362 : memref<1x128xf32, #tpu.memory_space<hbm>>) target(%dma_start3A_360 : memref<1x128xf32, #tpu.memory_space<vmem>>) target_semaphore(%arg18 : memref<!tpu.dma_semaphore, #tpu.memory_space<semaphore_mem>>)
      %slice3A_363 = vector.extract_strided_slice %get3A_298 {offsets = [3], sizes = [1], strides = [1]} : vector<16xi32> to vector<1xi32>
      %squeeze3A_364 = vector.extract %slice3A_363[0] : i32 from vector<1xi32>
      %mul3A_365 = arith.constant 16 : i32
      %mul3A_366 = arith.muli %scan3A_293, %mul3A_365 : i32
      %add3A_367 = arith.constant 3 : i32
      %add3A_368 = arith.addi %mul3A_366, %add3A_367 : i32
      %dma_start3A_369 = arith.constant 0 : i32
      %dma_start3A_370 = arith.constant 0 : i32
      %dma_start3A_371 = tpu.memref_slice %arg13[%scan3A_42, %dma_start3A_369, %dma_start3A_370] : memref<2x128x128xf32, #tpu.memory_space<vmem>> -> memref<1x128x128xf32, #tpu.memory_space<vmem>>
      %dma_start3A_372 = tpu.memref_squeeze %dma_start3A_371 : memref<1x128x128xf32, #tpu.memory_space<vmem>> -> memref<128x128xf32, #tpu.memory_space<vmem>>
      %dma_start3A_373 = arith.constant 0 : i32
      %dma_start3A_374 = tpu.memref_slice %dma_start3A_372[%add3A_368, %dma_start3A_373] : memref<128x128xf32, #tpu.memory_space<vmem>> -> memref<1x128xf32, #tpu.memory_space<vmem>>
      %dma_start3A_375 = arith.constant 0 : i32
      %dma_start3A_376 = tpu.memref_slice %arg5[%squeeze3A_364, %dma_start3A_375] : memref<1000000x128xf32, #tpu.memory_space<hbm>> -> memref<1x128xf32, #tpu.memory_space<hbm>>
      %dma_start3A_377 = arith.constant 0 : i32
      %dma_start3A_378 = arith.constant 0 : i32
      %dma_start3A_379 = tpu.memref_slice %arg13[%scan3A_42, %dma_start3A_377, %dma_start3A_378] : memref<2x128x128xf32, #tpu.memory_space<vmem>> -> memref<1x128x128xf32, #tpu.memory_space<vmem>>
      %dma_start3A_380 = tpu.memref_squeeze %dma_start3A_379 : memref<1x128x128xf32, #tpu.memory_space<vmem>> -> memref<128x128xf32, #tpu.memory_space<vmem>>
      %dma_start3A_381 = arith.constant 0 : i32
      %dma_start3A_382 = tpu.memref_slice %dma_start3A_380[%add3A_368, %dma_start3A_381] : memref<128x128xf32, #tpu.memory_space<vmem>> -> memref<1x128xf32, #tpu.memory_space<vmem>>
      %dma_start3A_383 = arith.constant 0 : i32
      %dma_start3A_384 = tpu.memref_slice %arg5[%squeeze3A_364, %dma_start3A_383] : memref<1000000x128xf32, #tpu.memory_space<hbm>> -> memref<1x128xf32, #tpu.memory_space<hbm>>
      tpu.enqueue_dma source(%dma_start3A_384 : memref<1x128xf32, #tpu.memory_space<hbm>>) target(%dma_start3A_382 : memref<1x128xf32, #tpu.memory_space<vmem>>) target_semaphore(%arg18 : memref<!tpu.dma_semaphore, #tpu.memory_space<semaphore_mem>>)
      %slice3A_385 = vector.extract_strided_slice %get3A_298 {offsets = [4], sizes = [1], strides = [1]} : vector<16xi32> to vector<1xi32>
      %squeeze3A_386 = vector.extract %slice3A_385[0] : i32 from vector<1xi32>
      %mul3A_387 = arith.constant 16 : i32
      %mul3A_388 = arith.muli %scan3A_293, %mul3A_387 : i32
      %add3A_389 = arith.constant 4 : i32
      %add3A_390 = arith.addi %mul3A_388, %add3A_389 : i32
      %dma_start3A_391 = arith.constant 0 : i32
      %dma_start3A_392 = arith.constant 0 : i32
      %dma_start3A_393 = tpu.memref_slice %arg13[%scan3A_42, %dma_start3A_391, %dma_start3A_392] : memref<2x128x128xf32, #tpu.memory_space<vmem>> -> memref<1x128x128xf32, #tpu.memory_space<vmem>>
      %dma_start3A_394 = tpu.memref_squeeze %dma_start3A_393 : memref<1x128x128xf32, #tpu.memory_space<vmem>> -> memref<128x128xf32, #tpu.memory_space<vmem>>
      %dma_start3A_395 = arith.constant 0 : i32
      %dma_start3A_396 = tpu.memref_slice %dma_start3A_394[%add3A_390, %dma_start3A_395] : memref<128x128xf32, #tpu.memory_space<vmem>> -> memref<1x128xf32, #tpu.memory_space<vmem>>
      %dma_start3A_397 = arith.constant 0 : i32
      %dma_start3A_398 = tpu.memref_slice %arg5[%squeeze3A_386, %dma_start3A_397] : memref<1000000x128xf32, #tpu.memory_space<hbm>> -> memref<1x128xf32, #tpu.memory_space<hbm>>
      %dma_start3A_399 = arith.constant 0 : i32
      %dma_start3A_400 = arith.constant 0 : i32
      %dma_start3A_401 = tpu.memref_slice %arg13[%scan3A_42, %dma_start3A_399, %dma_start3A_400] : memref<2x128x128xf32, #tpu.memory_space<vmem>> -> memref<1x128x128xf32, #tpu.memory_space<vmem>>
      %dma_start3A_402 = tpu.memref_squeeze %dma_start3A_401 : memref<1x128x128xf32, #tpu.memory_space<vmem>> -> memref<128x128xf32, #tpu.memory_space<vmem>>
      %dma_start3A_403 = arith.constant 0 : i32
      %dma_start3A_404 = tpu.memref_slice %dma_start3A_402[%add3A_390, %dma_start3A_403] : memref<128x128xf32, #tpu.memory_space<vmem>> -> memref<1x128xf32, #tpu.memory_space<vmem>>
      %dma_start3A_405 = arith.constant 0 : i32
      %dma_start3A_406 = tpu.memref_slice %arg5[%squeeze3A_386, %dma_start3A_405] : memref<1000000x128xf32, #tpu.memory_space<hbm>> -> memref<1x128xf32, #tpu.memory_space<hbm>>
      tpu.enqueue_dma source(%dma_start3A_406 : memref<1x128xf32, #tpu.memory_space<hbm>>) target(%dma_start3A_404 : memref<1x128xf32, #tpu.memory_space<vmem>>) target_semaphore(%arg18 : memref<!tpu.dma_semaphore, #tpu.memory_space<semaphore_mem>>)
      %slice3A_407 = vector.extract_strided_slice %get3A_298 {offsets = [5], sizes = [1], strides = [1]} : vector<16xi32> to vector<1xi32>
      %squeeze3A_408 = vector.extract %slice3A_407[0] : i32 from vector<1xi32>
      %mul3A_409 = arith.constant 16 : i32
      %mul3A_410 = arith.muli %scan3A_293, %mul3A_409 : i32
      %add3A_411 = arith.constant 5 : i32
      %add3A_412 = arith.addi %mul3A_410, %add3A_411 : i32
      %dma_start3A_413 = arith.constant 0 : i32
      %dma_start3A_414 = arith.constant 0 : i32
      %dma_start3A_415 = tpu.memref_slice %arg13[%scan3A_42, %dma_start3A_413, %dma_start3A_414] : memref<2x128x128xf32, #tpu.memory_space<vmem>> -> memref<1x128x128xf32, #tpu.memory_space<vmem>>
      %dma_start3A_416 = tpu.memref_squeeze %dma_start3A_415 : memref<1x128x128xf32, #tpu.memory_space<vmem>> -> memref<128x128xf32, #tpu.memory_space<vmem>>
      %dma_start3A_417 = arith.constant 0 : i32
      %dma_start3A_418 = tpu.memref_slice %dma_start3A_416[%add3A_412, %dma_start3A_417] : memref<128x128xf32, #tpu.memory_space<vmem>> -> memref<1x128xf32, #tpu.memory_space<vmem>>
      %dma_start3A_419 = arith.constant 0 : i32
      %dma_start3A_420 = tpu.memref_slice %arg5[%squeeze3A_408, %dma_start3A_419] : memref<1000000x128xf32, #tpu.memory_space<hbm>> -> memref<1x128xf32, #tpu.memory_space<hbm>>
      %dma_start3A_421 = arith.constant 0 : i32
      %dma_start3A_422 = arith.constant 0 : i32
      %dma_start3A_423 = tpu.memref_slice %arg13[%scan3A_42, %dma_start3A_421, %dma_start3A_422] : memref<2x128x128xf32, #tpu.memory_space<vmem>> -> memref<1x128x128xf32, #tpu.memory_space<vmem>>
      %dma_start3A_424 = tpu.memref_squeeze %dma_start3A_423 : memref<1x128x128xf32, #tpu.memory_space<vmem>> -> memref<128x128xf32, #tpu.memory_space<vmem>>
      %dma_start3A_425 = arith.constant 0 : i32
      %dma_start3A_426 = tpu.memref_slice %dma_start3A_424[%add3A_412, %dma_start3A_425] : memref<128x128xf32, #tpu.memory_space<vmem>> -> memref<1x128xf32, #tpu.memory_space<vmem>>
      %dma_start3A_427 = arith.constant 0 : i32
      %dma_start3A_428 = tpu.memref_slice %arg5[%squeeze3A_408, %dma_start3A_427] : memref<1000000x128xf32, #tpu.memory_space<hbm>> -> memref<1x128xf32, #tpu.memory_space<hbm>>
      tpu.enqueue_dma source(%dma_start3A_428 : memref<1x128xf32, #tpu.memory_space<hbm>>) target(%dma_start3A_426 : memref<1x128xf32, #tpu.memory_space<vmem>>) target_semaphore(%arg18 : memref<!tpu.dma_semaphore, #tpu.memory_space<semaphore_mem>>)
      %slice3A_429 = vector.extract_strided_slice %get3A_298 {offsets = [6], sizes = [1], strides = [1]} : vector<16xi32> to vector<1xi32>
      %squeeze3A_430 = vector.extract %slice3A_429[0] : i32 from vector<1xi32>
      %mul3A_431 = arith.constant 16 : i32
      %mul3A_432 = arith.muli %scan3A_293, %mul3A_431 : i32
      %add3A_433 = arith.constant 6 : i32
      %add3A_434 = arith.addi %mul3A_432, %add3A_433 : i32
      %dma_start3A_435 = arith.constant 0 : i32
      %dma_start3A_436 = arith.constant 0 : i32
      %dma_start3A_437 = tpu.memref_slice %arg13[%scan3A_42, %dma_start3A_435, %dma_start3A_436] : memref<2x128x128xf32, #tpu.memory_space<vmem>> -> memref<1x128x128xf32, #tpu.memory_space<vmem>>
      %dma_start3A_438 = tpu.memref_squeeze %dma_start3A_437 : memref<1x128x128xf32, #tpu.memory_space<vmem>> -> memref<128x128xf32, #tpu.memory_space<vmem>>
      %dma_start3A_439 = arith.constant 0 : i32
      %dma_start3A_440 = tpu.memref_slice %dma_start3A_438[%add3A_434, %dma_start3A_439] : memref<128x128xf32, #tpu.memory_space<vmem>> -> memref<1x128xf32, #tpu.memory_space<vmem>>
      %dma_start3A_441 = arith.constant 0 : i32
      %dma_start3A_442 = tpu.memref_slice %arg5[%squeeze3A_430, %dma_start3A_441] : memref<1000000x128xf32, #tpu.memory_space<hbm>> -> memref<1x128xf32, #tpu.memory_space<hbm>>
      %dma_start3A_443 = arith.constant 0 : i32
      %dma_start3A_444 = arith.constant 0 : i32
      %dma_start3A_445 = tpu.memref_slice %arg13[%scan3A_42, %dma_start3A_443, %dma_start3A_444] : memref<2x128x128xf32, #tpu.memory_space<vmem>> -> memref<1x128x128xf32, #tpu.memory_space<vmem>>
      %dma_start3A_446 = tpu.memref_squeeze %dma_start3A_445 : memref<1x128x128xf32, #tpu.memory_space<vmem>> -> memref<128x128xf32, #tpu.memory_space<vmem>>
      %dma_start3A_447 = arith.constant 0 : i32
      %dma_start3A_448 = tpu.memref_slice %dma_start3A_446[%add3A_434, %dma_start3A_447] : memref<128x128xf32, #tpu.memory_space<vmem>> -> memref<1x128xf32, #tpu.memory_space<vmem>>
      %dma_start3A_449 = arith.constant 0 : i32
      %dma_start3A_450 = tpu.memref_slice %arg5[%squeeze3A_430, %dma_start3A_449] : memref<1000000x128xf32, #tpu.memory_space<hbm>> -> memref<1x128xf32, #tpu.memory_space<hbm>>
      tpu.enqueue_dma source(%dma_start3A_450 : memref<1x128xf32, #tpu.memory_space<hbm>>) target(%dma_start3A_448 : memref<1x128xf32, #tpu.memory_space<vmem>>) target_semaphore(%arg18 : memref<!tpu.dma_semaphore, #tpu.memory_space<semaphore_mem>>)
      %slice3A_451 = vector.extract_strided_slice %get3A_298 {offsets = [7], sizes = [1], strides = [1]} : vector<16xi32> to vector<1xi32>
      %squeeze3A_452 = vector.extract %slice3A_451[0] : i32 from vector<1xi32>
      %mul3A_453 = arith.constant 16 : i32
      %mul3A_454 = arith.muli %scan3A_293, %mul3A_453 : i32
      %add3A_455 = arith.constant 7 : i32
      %add3A_456 = arith.addi %mul3A_454, %add3A_455 : i32
      %dma_start3A_457 = arith.constant 0 : i32
      %dma_start3A_458 = arith.constant 0 : i32
      %dma_start3A_459 = tpu.memref_slice %arg13[%scan3A_42, %dma_start3A_457, %dma_start3A_458] : memref<2x128x128xf32, #tpu.memory_space<vmem>> -> memref<1x128x128xf32, #tpu.memory_space<vmem>>
      %dma_start3A_460 = tpu.memref_squeeze %dma_start3A_459 : memref<1x128x128xf32, #tpu.memory_space<vmem>> -> memref<128x128xf32, #tpu.memory_space<vmem>>
      %dma_start3A_461 = arith.constant 0 : i32
      %dma_start3A_462 = tpu.memref_slice %dma_start3A_460[%add3A_456, %dma_start3A_461] : memref<128x128xf32, #tpu.memory_space<vmem>> -> memref<1x128xf32, #tpu.memory_space<vmem>>
      %dma_start3A_463 = arith.constant 0 : i32
      %dma_start3A_464 = tpu.memref_slice %arg5[%squeeze3A_452, %dma_start3A_463] : memref<1000000x128xf32, #tpu.memory_space<hbm>> -> memref<1x128xf32, #tpu.memory_space<hbm>>
      %dma_start3A_465 = arith.constant 0 : i32
      %dma_start3A_466 = arith.constant 0 : i32
      %dma_start3A_467 = tpu.memref_slice %arg13[%scan3A_42, %dma_start3A_465, %dma_start3A_466] : memref<2x128x128xf32, #tpu.memory_space<vmem>> -> memref<1x128x128xf32, #tpu.memory_space<vmem>>
      %dma_start3A_468 = tpu.memref_squeeze %dma_start3A_467 : memref<1x128x128xf32, #tpu.memory_space<vmem>> -> memref<128x128xf32, #tpu.memory_space<vmem>>
      %dma_start3A_469 = arith.constant 0 : i32
      %dma_start3A_470 = tpu.memref_slice %dma_start3A_468[%add3A_456, %dma_start3A_469] : memref<128x128xf32, #tpu.memory_space<vmem>> -> memref<1x128xf32, #tpu.memory_space<vmem>>
      %dma_start3A_471 = arith.constant 0 : i32
      %dma_start3A_472 = tpu.memref_slice %arg5[%squeeze3A_452, %dma_start3A_471] : memref<1000000x128xf32, #tpu.memory_space<hbm>> -> memref<1x128xf32, #tpu.memory_space<hbm>>
      tpu.enqueue_dma source(%dma_start3A_472 : memref<1x128xf32, #tpu.memory_space<hbm>>) target(%dma_start3A_470 : memref<1x128xf32, #tpu.memory_space<vmem>>) target_semaphore(%arg18 : memref<!tpu.dma_semaphore, #tpu.memory_space<semaphore_mem>>)
      %slice3A_473 = vector.extract_strided_slice %get3A_298 {offsets = [8], sizes = [1], strides = [1]} : vector<16xi32> to vector<1xi32>
      %squeeze3A_474 = vector.extract %slice3A_473[0] : i32 from vector<1xi32>
      %mul3A_475 = arith.constant 16 : i32
      %mul3A_476 = arith.muli %scan3A_293, %mul3A_475 : i32
      %add3A_477 = arith.constant 8 : i32
      %add3A_478 = arith.addi %mul3A_476, %add3A_477 : i32
      %dma_start3A_479 = arith.constant 0 : i32
      %dma_start3A_480 = arith.constant 0 : i32
      %dma_start3A_481 = tpu.memref_slice %arg13[%scan3A_42, %dma_start3A_479, %dma_start3A_480] : memref<2x128x128xf32, #tpu.memory_space<vmem>> -> memref<1x128x128xf32, #tpu.memory_space<vmem>>
      %dma_start3A_482 = tpu.memref_squeeze %dma_start3A_481 : memref<1x128x128xf32, #tpu.memory_space<vmem>> -> memref<128x128xf32, #tpu.memory_space<vmem>>
      %dma_start3A_483 = arith.constant 0 : i32
      %dma_start3A_484 = tpu.memref_slice %dma_start3A_482[%add3A_478, %dma_start3A_483] : memref<128x128xf32, #tpu.memory_space<vmem>> -> memref<1x128xf32, #tpu.memory_space<vmem>>
      %dma_start3A_485 = arith.constant 0 : i32
      %dma_start3A_486 = tpu.memref_slice %arg5[%squeeze3A_474, %dma_start3A_485] : memref<1000000x128xf32, #tpu.memory_space<hbm>> -> memref<1x128xf32, #tpu.memory_space<hbm>>
      %dma_start3A_487 = arith.constant 0 : i32
      %dma_start3A_488 = arith.constant 0 : i32
      %dma_start3A_489 = tpu.memref_slice %arg13[%scan3A_42, %dma_start3A_487, %dma_start3A_488] : memref<2x128x128xf32, #tpu.memory_space<vmem>> -> memref<1x128x128xf32, #tpu.memory_space<vmem>>
      %dma_start3A_490 = tpu.memref_squeeze %dma_start3A_489 : memref<1x128x128xf32, #tpu.memory_space<vmem>> -> memref<128x128xf32, #tpu.memory_space<vmem>>
      %dma_start3A_491 = arith.constant 0 : i32
      %dma_start3A_492 = tpu.memref_slice %dma_start3A_490[%add3A_478, %dma_start3A_491] : memref<128x128xf32, #tpu.memory_space<vmem>> -> memref<1x128xf32, #tpu.memory_space<vmem>>
      %dma_start3A_493 = arith.constant 0 : i32
      %dma_start3A_494 = tpu.memref_slice %arg5[%squeeze3A_474, %dma_start3A_493] : memref<1000000x128xf32, #tpu.memory_space<hbm>> -> memref<1x128xf32, #tpu.memory_space<hbm>>
      tpu.enqueue_dma source(%dma_start3A_494 : memref<1x128xf32, #tpu.memory_space<hbm>>) target(%dma_start3A_492 : memref<1x128xf32, #tpu.memory_space<vmem>>) target_semaphore(%arg18 : memref<!tpu.dma_semaphore, #tpu.memory_space<semaphore_mem>>)
      %slice3A_495 = vector.extract_strided_slice %get3A_298 {offsets = [9], sizes = [1], strides = [1]} : vector<16xi32> to vector<1xi32>
      %squeeze3A_496 = vector.extract %slice3A_495[0] : i32 from vector<1xi32>
      %mul3A_497 = arith.constant 16 : i32
      %mul3A_498 = arith.muli %scan3A_293, %mul3A_497 : i32
      %add3A_499 = arith.constant 9 : i32
      %add3A_500 = arith.addi %mul3A_498, %add3A_499 : i32
      %dma_start3A_501 = arith.constant 0 : i32
      %dma_start3A_502 = arith.constant 0 : i32
      %dma_start3A_503 = tpu.memref_slice %arg13[%scan3A_42, %dma_start3A_501, %dma_start3A_502] : memref<2x128x128xf32, #tpu.memory_space<vmem>> -> memref<1x128x128xf32, #tpu.memory_space<vmem>>
      %dma_start3A_504 = tpu.memref_squeeze %dma_start3A_503 : memref<1x128x128xf32, #tpu.memory_space<vmem>> -> memref<128x128xf32, #tpu.memory_space<vmem>>
      %dma_start3A_505 = arith.constant 0 : i32
      %dma_start3A_506 = tpu.memref_slice %dma_start3A_504[%add3A_500, %dma_start3A_505] : memref<128x128xf32, #tpu.memory_space<vmem>> -> memref<1x128xf32, #tpu.memory_space<vmem>>
      %dma_start3A_507 = arith.constant 0 : i32
      %dma_start3A_508 = tpu.memref_slice %arg5[%squeeze3A_496, %dma_start3A_507] : memref<1000000x128xf32, #tpu.memory_space<hbm>> -> memref<1x128xf32, #tpu.memory_space<hbm>>
      %dma_start3A_509 = arith.constant 0 : i32
      %dma_start3A_510 = arith.constant 0 : i32
      %dma_start3A_511 = tpu.memref_slice %arg13[%scan3A_42, %dma_start3A_509, %dma_start3A_510] : memref<2x128x128xf32, #tpu.memory_space<vmem>> -> memref<1x128x128xf32, #tpu.memory_space<vmem>>
      %dma_start3A_512 = tpu.memref_squeeze %dma_start3A_511 : memref<1x128x128xf32, #tpu.memory_space<vmem>> -> memref<128x128xf32, #tpu.memory_space<vmem>>
      %dma_start3A_513 = arith.constant 0 : i32
      %dma_start3A_514 = tpu.memref_slice %dma_start3A_512[%add3A_500, %dma_start3A_513] : memref<128x128xf32, #tpu.memory_space<vmem>> -> memref<1x128xf32, #tpu.memory_space<vmem>>
      %dma_start3A_515 = arith.constant 0 : i32
      %dma_start3A_516 = tpu.memref_slice %arg5[%squeeze3A_496, %dma_start3A_515] : memref<1000000x128xf32, #tpu.memory_space<hbm>> -> memref<1x128xf32, #tpu.memory_space<hbm>>
      tpu.enqueue_dma source(%dma_start3A_516 : memref<1x128xf32, #tpu.memory_space<hbm>>) target(%dma_start3A_514 : memref<1x128xf32, #tpu.memory_space<vmem>>) target_semaphore(%arg18 : memref<!tpu.dma_semaphore, #tpu.memory_space<semaphore_mem>>)
      %slice3A_517 = vector.extract_strided_slice %get3A_298 {offsets = [10], sizes = [1], strides = [1]} : vector<16xi32> to vector<1xi32>
      %squeeze3A_518 = vector.extract %slice3A_517[0] : i32 from vector<1xi32>
      %mul3A_519 = arith.constant 16 : i32
      %mul3A_520 = arith.muli %scan3A_293, %mul3A_519 : i32
      %add3A_521 = arith.constant 10 : i32
      %add3A_522 = arith.addi %mul3A_520, %add3A_521 : i32
      %dma_start3A_523 = arith.constant 0 : i32
      %dma_start3A_524 = arith.constant 0 : i32
      %dma_start3A_525 = tpu.memref_slice %arg13[%scan3A_42, %dma_start3A_523, %dma_start3A_524] : memref<2x128x128xf32, #tpu.memory_space<vmem>> -> memref<1x128x128xf32, #tpu.memory_space<vmem>>
      %dma_start3A_526 = tpu.memref_squeeze %dma_start3A_525 : memref<1x128x128xf32, #tpu.memory_space<vmem>> -> memref<128x128xf32, #tpu.memory_space<vmem>>
      %dma_start3A_527 = arith.constant 0 : i32
      %dma_start3A_528 = tpu.memref_slice %dma_start3A_526[%add3A_522, %dma_start3A_527] : memref<128x128xf32, #tpu.memory_space<vmem>> -> memref<1x128xf32, #tpu.memory_space<vmem>>
      %dma_start3A_529 = arith.constant 0 : i32
      %dma_start3A_530 = tpu.memref_slice %arg5[%squeeze3A_518, %dma_start3A_529] : memref<1000000x128xf32, #tpu.memory_space<hbm>> -> memref<1x128xf32, #tpu.memory_space<hbm>>
      %dma_start3A_531 = arith.constant 0 : i32
      %dma_start3A_532 = arith.constant 0 : i32
      %dma_start3A_533 = tpu.memref_slice %arg13[%scan3A_42, %dma_start3A_531, %dma_start3A_532] : memref<2x128x128xf32, #tpu.memory_space<vmem>> -> memref<1x128x128xf32, #tpu.memory_space<vmem>>
      %dma_start3A_534 = tpu.memref_squeeze %dma_start3A_533 : memref<1x128x128xf32, #tpu.memory_space<vmem>> -> memref<128x128xf32, #tpu.memory_space<vmem>>
      %dma_start3A_535 = arith.constant 0 : i32
      %dma_start3A_536 = tpu.memref_slice %dma_start3A_534[%add3A_522, %dma_start3A_535] : memref<128x128xf32, #tpu.memory_space<vmem>> -> memref<1x128xf32, #tpu.memory_space<vmem>>
      %dma_start3A_537 = arith.constant 0 : i32
      %dma_start3A_538 = tpu.memref_slice %arg5[%squeeze3A_518, %dma_start3A_537] : memref<1000000x128xf32, #tpu.memory_space<hbm>> -> memref<1x128xf32, #tpu.memory_space<hbm>>
      tpu.enqueue_dma source(%dma_start3A_538 : memref<1x128xf32, #tpu.memory_space<hbm>>) target(%dma_start3A_536 : memref<1x128xf32, #tpu.memory_space<vmem>>) target_semaphore(%arg18 : memref<!tpu.dma_semaphore, #tpu.memory_space<semaphore_mem>>)
      %slice3A_539 = vector.extract_strided_slice %get3A_298 {offsets = [11], sizes = [1], strides = [1]} : vector<16xi32> to vector<1xi32>
      %squeeze3A_540 = vector.extract %slice3A_539[0] : i32 from vector<1xi32>
      %mul3A_541 = arith.constant 16 : i32
      %mul3A_542 = arith.muli %scan3A_293, %mul3A_541 : i32
      %add3A_543 = arith.constant 11 : i32
      %add3A_544 = arith.addi %mul3A_542, %add3A_543 : i32
      %dma_start3A_545 = arith.constant 0 : i32
      %dma_start3A_546 = arith.constant 0 : i32
      %dma_start3A_547 = tpu.memref_slice %arg13[%scan3A_42, %dma_start3A_545, %dma_start3A_546] : memref<2x128x128xf32, #tpu.memory_space<vmem>> -> memref<1x128x128xf32, #tpu.memory_space<vmem>>
      %dma_start3A_548 = tpu.memref_squeeze %dma_start3A_547 : memref<1x128x128xf32, #tpu.memory_space<vmem>> -> memref<128x128xf32, #tpu.memory_space<vmem>>
      %dma_start3A_549 = arith.constant 0 : i32
      %dma_start3A_550 = tpu.memref_slice %dma_start3A_548[%add3A_544, %dma_start3A_549] : memref<128x128xf32, #tpu.memory_space<vmem>> -> memref<1x128xf32, #tpu.memory_space<vmem>>
      %dma_start3A_551 = arith.constant 0 : i32
      %dma_start3A_552 = tpu.memref_slice %arg5[%squeeze3A_540, %dma_start3A_551] : memref<1000000x128xf32, #tpu.memory_space<hbm>> -> memref<1x128xf32, #tpu.memory_space<hbm>>
      %dma_start3A_553 = arith.constant 0 : i32
      %dma_start3A_554 = arith.constant 0 : i32
      %dma_start3A_555 = tpu.memref_slice %arg13[%scan3A_42, %dma_start3A_553, %dma_start3A_554] : memref<2x128x128xf32, #tpu.memory_space<vmem>> -> memref<1x128x128xf32, #tpu.memory_space<vmem>>
      %dma_start3A_556 = tpu.memref_squeeze %dma_start3A_555 : memref<1x128x128xf32, #tpu.memory_space<vmem>> -> memref<128x128xf32, #tpu.memory_space<vmem>>
      %dma_start3A_557 = arith.constant 0 : i32
      %dma_start3A_558 = tpu.memref_slice %dma_start3A_556[%add3A_544, %dma_start3A_557] : memref<128x128xf32, #tpu.memory_space<vmem>> -> memref<1x128xf32, #tpu.memory_space<vmem>>
      %dma_start3A_559 = arith.constant 0 : i32
      %dma_start3A_560 = tpu.memref_slice %arg5[%squeeze3A_540, %dma_start3A_559] : memref<1000000x128xf32, #tpu.memory_space<hbm>> -> memref<1x128xf32, #tpu.memory_space<hbm>>
      tpu.enqueue_dma source(%dma_start3A_560 : memref<1x128xf32, #tpu.memory_space<hbm>>) target(%dma_start3A_558 : memref<1x128xf32, #tpu.memory_space<vmem>>) target_semaphore(%arg18 : memref<!tpu.dma_semaphore, #tpu.memory_space<semaphore_mem>>)
      %slice3A_561 = vector.extract_strided_slice %get3A_298 {offsets = [12], sizes = [1], strides = [1]} : vector<16xi32> to vector<1xi32>
      %squeeze3A_562 = vector.extract %slice3A_561[0] : i32 from vector<1xi32>
      %mul3A_563 = arith.constant 16 : i32
      %mul3A_564 = arith.muli %scan3A_293, %mul3A_563 : i32
      %add3A_565 = arith.constant 12 : i32
      %add3A_566 = arith.addi %mul3A_564, %add3A_565 : i32
      %dma_start3A_567 = arith.constant 0 : i32
      %dma_start3A_568 = arith.constant 0 : i32
      %dma_start3A_569 = tpu.memref_slice %arg13[%scan3A_42, %dma_start3A_567, %dma_start3A_568] : memref<2x128x128xf32, #tpu.memory_space<vmem>> -> memref<1x128x128xf32, #tpu.memory_space<vmem>>
      %dma_start3A_570 = tpu.memref_squeeze %dma_start3A_569 : memref<1x128x128xf32, #tpu.memory_space<vmem>> -> memref<128x128xf32, #tpu.memory_space<vmem>>
      %dma_start3A_571 = arith.constant 0 : i32
      %dma_start3A_572 = tpu.memref_slice %dma_start3A_570[%add3A_566, %dma_start3A_571] : memref<128x128xf32, #tpu.memory_space<vmem>> -> memref<1x128xf32, #tpu.memory_space<vmem>>
      %dma_start3A_573 = arith.constant 0 : i32
      %dma_start3A_574 = tpu.memref_slice %arg5[%squeeze3A_562, %dma_start3A_573] : memref<1000000x128xf32, #tpu.memory_space<hbm>> -> memref<1x128xf32, #tpu.memory_space<hbm>>
      %dma_start3A_575 = arith.constant 0 : i32
      %dma_start3A_576 = arith.constant 0 : i32
      %dma_start3A_577 = tpu.memref_slice %arg13[%scan3A_42, %dma_start3A_575, %dma_start3A_576] : memref<2x128x128xf32, #tpu.memory_space<vmem>> -> memref<1x128x128xf32, #tpu.memory_space<vmem>>
      %dma_start3A_578 = tpu.memref_squeeze %dma_start3A_577 : memref<1x128x128xf32, #tpu.memory_space<vmem>> -> memref<128x128xf32, #tpu.memory_space<vmem>>
      %dma_start3A_579 = arith.constant 0 : i32
      %dma_start3A_580 = tpu.memref_slice %dma_start3A_578[%add3A_566, %dma_start3A_579] : memref<128x128xf32, #tpu.memory_space<vmem>> -> memref<1x128xf32, #tpu.memory_space<vmem>>
      %dma_start3A_581 = arith.constant 0 : i32
      %dma_start3A_582 = tpu.memref_slice %arg5[%squeeze3A_562, %dma_start3A_581] : memref<1000000x128xf32, #tpu.memory_space<hbm>> -> memref<1x128xf32, #tpu.memory_space<hbm>>
      tpu.enqueue_dma source(%dma_start3A_582 : memref<1x128xf32, #tpu.memory_space<hbm>>) target(%dma_start3A_580 : memref<1x128xf32, #tpu.memory_space<vmem>>) target_semaphore(%arg18 : memref<!tpu.dma_semaphore, #tpu.memory_space<semaphore_mem>>)
      %slice3A_583 = vector.extract_strided_slice %get3A_298 {offsets = [13], sizes = [1], strides = [1]} : vector<16xi32> to vector<1xi32>
      %squeeze3A_584 = vector.extract %slice3A_583[0] : i32 from vector<1xi32>
      %mul3A_585 = arith.constant 16 : i32
      %mul3A_586 = arith.muli %scan3A_293, %mul3A_585 : i32
      %add3A_587 = arith.constant 13 : i32
      %add3A_588 = arith.addi %mul3A_586, %add3A_587 : i32
      %dma_start3A_589 = arith.constant 0 : i32
      %dma_start3A_590 = arith.constant 0 : i32
      %dma_start3A_591 = tpu.memref_slice %arg13[%scan3A_42, %dma_start3A_589, %dma_start3A_590] : memref<2x128x128xf32, #tpu.memory_space<vmem>> -> memref<1x128x128xf32, #tpu.memory_space<vmem>>
      %dma_start3A_592 = tpu.memref_squeeze %dma_start3A_591 : memref<1x128x128xf32, #tpu.memory_space<vmem>> -> memref<128x128xf32, #tpu.memory_space<vmem>>
      %dma_start3A_593 = arith.constant 0 : i32
      %dma_start3A_594 = tpu.memref_slice %dma_start3A_592[%add3A_588, %dma_start3A_593] : memref<128x128xf32, #tpu.memory_space<vmem>> -> memref<1x128xf32, #tpu.memory_space<vmem>>
      %dma_start3A_595 = arith.constant 0 : i32
      %dma_start3A_596 = tpu.memref_slice %arg5[%squeeze3A_584, %dma_start3A_595] : memref<1000000x128xf32, #tpu.memory_space<hbm>> -> memref<1x128xf32, #tpu.memory_space<hbm>>
      %dma_start3A_597 = arith.constant 0 : i32
      %dma_start3A_598 = arith.constant 0 : i32
      %dma_start3A_599 = tpu.memref_slice %arg13[%scan3A_42, %dma_start3A_597, %dma_start3A_598] : memref<2x128x128xf32, #tpu.memory_space<vmem>> -> memref<1x128x128xf32, #tpu.memory_space<vmem>>
      %dma_start3A_600 = tpu.memref_squeeze %dma_start3A_599 : memref<1x128x128xf32, #tpu.memory_space<vmem>> -> memref<128x128xf32, #tpu.memory_space<vmem>>
      %dma_start3A_601 = arith.constant 0 : i32
      %dma_start3A_602 = tpu.memref_slice %dma_start3A_600[%add3A_588, %dma_start3A_601] : memref<128x128xf32, #tpu.memory_space<vmem>> -> memref<1x128xf32, #tpu.memory_space<vmem>>
      %dma_start3A_603 = arith.constant 0 : i32
      %dma_start3A_604 = tpu.memref_slice %arg5[%squeeze3A_584, %dma_start3A_603] : memref<1000000x128xf32, #tpu.memory_space<hbm>> -> memref<1x128xf32, #tpu.memory_space<hbm>>
      tpu.enqueue_dma source(%dma_start3A_604 : memref<1x128xf32, #tpu.memory_space<hbm>>) target(%dma_start3A_602 : memref<1x128xf32, #tpu.memory_space<vmem>>) target_semaphore(%arg18 : memref<!tpu.dma_semaphore, #tpu.memory_space<semaphore_mem>>)
      %slice3A_605 = vector.extract_strided_slice %get3A_298 {offsets = [14], sizes = [1], strides = [1]} : vector<16xi32> to vector<1xi32>
      %squeeze3A_606 = vector.extract %slice3A_605[0] : i32 from vector<1xi32>
      %mul3A_607 = arith.constant 16 : i32
      %mul3A_608 = arith.muli %scan3A_293, %mul3A_607 : i32
      %add3A_609 = arith.constant 14 : i32
      %add3A_610 = arith.addi %mul3A_608, %add3A_609 : i32
      %dma_start3A_611 = arith.constant 0 : i32
      %dma_start3A_612 = arith.constant 0 : i32
      %dma_start3A_613 = tpu.memref_slice %arg13[%scan3A_42, %dma_start3A_611, %dma_start3A_612] : memref<2x128x128xf32, #tpu.memory_space<vmem>> -> memref<1x128x128xf32, #tpu.memory_space<vmem>>
      %dma_start3A_614 = tpu.memref_squeeze %dma_start3A_613 : memref<1x128x128xf32, #tpu.memory_space<vmem>> -> memref<128x128xf32, #tpu.memory_space<vmem>>
      %dma_start3A_615 = arith.constant 0 : i32
      %dma_start3A_616 = tpu.memref_slice %dma_start3A_614[%add3A_610, %dma_start3A_615] : memref<128x128xf32, #tpu.memory_space<vmem>> -> memref<1x128xf32, #tpu.memory_space<vmem>>
      %dma_start3A_617 = arith.constant 0 : i32
      %dma_start3A_618 = tpu.memref_slice %arg5[%squeeze3A_606, %dma_start3A_617] : memref<1000000x128xf32, #tpu.memory_space<hbm>> -> memref<1x128xf32, #tpu.memory_space<hbm>>
      %dma_start3A_619 = arith.constant 0 : i32
      %dma_start3A_620 = arith.constant 0 : i32
      %dma_start3A_621 = tpu.memref_slice %arg13[%scan3A_42, %dma_start3A_619, %dma_start3A_620] : memref<2x128x128xf32, #tpu.memory_space<vmem>> -> memref<1x128x128xf32, #tpu.memory_space<vmem>>
      %dma_start3A_622 = tpu.memref_squeeze %dma_start3A_621 : memref<1x128x128xf32, #tpu.memory_space<vmem>> -> memref<128x128xf32, #tpu.memory_space<vmem>>
      %dma_start3A_623 = arith.constant 0 : i32
      %dma_start3A_624 = tpu.memref_slice %dma_start3A_622[%add3A_610, %dma_start3A_623] : memref<128x128xf32, #tpu.memory_space<vmem>> -> memref<1x128xf32, #tpu.memory_space<vmem>>
      %dma_start3A_625 = arith.constant 0 : i32
      %dma_start3A_626 = tpu.memref_slice %arg5[%squeeze3A_606, %dma_start3A_625] : memref<1000000x128xf32, #tpu.memory_space<hbm>> -> memref<1x128xf32, #tpu.memory_space<hbm>>
      tpu.enqueue_dma source(%dma_start3A_626 : memref<1x128xf32, #tpu.memory_space<hbm>>) target(%dma_start3A_624 : memref<1x128xf32, #tpu.memory_space<vmem>>) target_semaphore(%arg18 : memref<!tpu.dma_semaphore, #tpu.memory_space<semaphore_mem>>)
      %slice3A_627 = vector.extract_strided_slice %get3A_298 {offsets = [15], sizes = [1], strides = [1]} : vector<16xi32> to vector<1xi32>
      %squeeze3A_628 = vector.extract %slice3A_627[0] : i32 from vector<1xi32>
      %mul3A_629 = arith.constant 16 : i32
      %mul3A_630 = arith.muli %scan3A_293, %mul3A_629 : i32
      %add3A_631 = arith.constant 15 : i32
      %add3A_632 = arith.addi %mul3A_630, %add3A_631 : i32
      %dma_start3A_633 = arith.constant 0 : i32
      %dma_start3A_634 = arith.constant 0 : i32
      %dma_start3A_635 = tpu.memref_slice %arg13[%scan3A_42, %dma_start3A_633, %dma_start3A_634] : memref<2x128x128xf32, #tpu.memory_space<vmem>> -> memref<1x128x128xf32, #tpu.memory_space<vmem>>
      %dma_start3A_636 = tpu.memref_squeeze %dma_start3A_635 : memref<1x128x128xf32, #tpu.memory_space<vmem>> -> memref<128x128xf32, #tpu.memory_space<vmem>>
      %dma_start3A_637 = arith.constant 0 : i32
      %dma_start3A_638 = tpu.memref_slice %dma_start3A_636[%add3A_632, %dma_start3A_637] : memref<128x128xf32, #tpu.memory_space<vmem>> -> memref<1x128xf32, #tpu.memory_space<vmem>>
      %dma_start3A_639 = arith.constant 0 : i32
      %dma_start3A_640 = tpu.memref_slice %arg5[%squeeze3A_628, %dma_start3A_639] : memref<1000000x128xf32, #tpu.memory_space<hbm>> -> memref<1x128xf32, #tpu.memory_space<hbm>>
      %dma_start3A_641 = arith.constant 0 : i32
      %dma_start3A_642 = arith.constant 0 : i32
      %dma_start3A_643 = tpu.memref_slice %arg13[%scan3A_42, %dma_start3A_641, %dma_start3A_642] : memref<2x128x128xf32, #tpu.memory_space<vmem>> -> memref<1x128x128xf32, #tpu.memory_space<vmem>>
      %dma_start3A_644 = tpu.memref_squeeze %dma_start3A_643 : memref<1x128x128xf32, #tpu.memory_space<vmem>> -> memref<128x128xf32, #tpu.memory_space<vmem>>
      %dma_start3A_645 = arith.constant 0 : i32
      %dma_start3A_646 = tpu.memref_slice %dma_start3A_644[%add3A_632, %dma_start3A_645] : memref<128x128xf32, #tpu.memory_space<vmem>> -> memref<1x128xf32, #tpu.memory_space<vmem>>
      %dma_start3A_647 = arith.constant 0 : i32
      %dma_start3A_648 = tpu.memref_slice %arg5[%squeeze3A_628, %dma_start3A_647] : memref<1000000x128xf32, #tpu.memory_space<hbm>> -> memref<1x128xf32, #tpu.memory_space<hbm>>
      tpu.enqueue_dma source(%dma_start3A_648 : memref<1x128xf32, #tpu.memory_space<hbm>>) target(%dma_start3A_646 : memref<1x128xf32, #tpu.memory_space<vmem>>) target_semaphore(%arg18 : memref<!tpu.dma_semaphore, #tpu.memory_space<semaphore_mem>>)
    }
    %scan3A_47 = arith.constant 8 : i32
    %dma_start3A_48 = arith.constant 1 : i32
    %dma_start3A_49 = arith.constant 0 : i32
    %dma_start3A_50 = arith.constant 0 : i32
    %dma_start3A_51 = tpu.memref_slice %arg11[%dma_start3A_48, %dma_start3A_49, %dma_start3A_50] : memref<2x128x128xf32, #tpu.memory_space<vmem>> -> memref<1x128x128xf32, #tpu.memory_space<vmem>>
    %dma_start3A_52 = tpu.memref_squeeze %dma_start3A_51 : memref<1x128x128xf32, #tpu.memory_space<vmem>> -> memref<128x128xf32, #tpu.memory_space<vmem>>
    %dma_start3A_53 = arith.constant 128 : i32
    %dma_start3A_54 = tpu.memref_slice %arg8[%dma_start3A_53] : memref<512xi32, #tpu.memory_space<vmem>> -> memref<128xi32, #tpu.memory_space<vmem>>
    %dma_start3A_55 = arith.constant 0 : i32
    %dma_start3A_56 = arith.constant 0 : i32
    %dma_start3A_57 = tpu.memref_slice %arg5[%dma_start3A_55, %dma_start3A_56] : memref<1000000x128xf32, #tpu.memory_space<hbm>> -> memref<1000000x128xf32, #tpu.memory_space<hbm>>
    tpu.enqueue_indirect_dma source(%dma_start3A_57 : memref<1000000x128xf32, #tpu.memory_space<hbm>>) target(%dma_start3A_52 : memref<128x128xf32, #tpu.memory_space<vmem>>) offsets(%dma_start3A_54 : memref<128xi32, #tpu.memory_space<vmem>>) semaphore(%arg16 : memref<!tpu.dma_semaphore, #tpu.memory_space<semaphore_mem>>)
    %dma_start3A_58 = arith.constant 1 : i32
    %dma_start3A_59 = arith.constant 0 : i32
    %dma_start3A_60 = arith.constant 0 : i32
    %dma_start3A_61 = tpu.memref_slice %arg12[%dma_start3A_58, %dma_start3A_59, %dma_start3A_60] : memref<2x128x128xf32, #tpu.memory_space<vmem>> -> memref<1x128x128xf32, #tpu.memory_space<vmem>>
    %dma_start3A_62 = tpu.memref_squeeze %dma_start3A_61 : memref<1x128x128xf32, #tpu.memory_space<vmem>> -> memref<128x128xf32, #tpu.memory_space<vmem>>
    %dma_start3A_63 = arith.constant 128 : i32
    %dma_start3A_64 = tpu.memref_slice %arg9[%dma_start3A_63] : memref<512xi32, #tpu.memory_space<vmem>> -> memref<128xi32, #tpu.memory_space<vmem>>
    %dma_start3A_65 = arith.constant 0 : i32
    %dma_start3A_66 = arith.constant 0 : i32
    %dma_start3A_67 = tpu.memref_slice %arg6[%dma_start3A_65, %dma_start3A_66] : memref<1000x128xf32, #tpu.memory_space<hbm>> -> memref<1000x128xf32, #tpu.memory_space<hbm>>
    tpu.enqueue_indirect_dma source(%dma_start3A_67 : memref<1000x128xf32, #tpu.memory_space<hbm>>) target(%dma_start3A_62 : memref<128x128xf32, #tpu.memory_space<vmem>>) offsets(%dma_start3A_64 : memref<128xi32, #tpu.memory_space<vmem>>) semaphore(%arg16 : memref<!tpu.dma_semaphore, #tpu.memory_space<semaphore_mem>>)
    %dma_wait3A_68 = arith.constant 0 : i32
    %dma_wait3A_69 = arith.constant 0 : i32
    %dma_wait3A_70 = arith.constant 0 : i32
    %dma_wait3A_71 = tpu.memref_slice %arg11[%dma_wait3A_68, %dma_wait3A_69, %dma_wait3A_70] : memref<2x128x128xf32, #tpu.memory_space<vmem>> -> memref<1x128x128xf32, #tpu.memory_space<vmem>>
    %dma_wait3A_72 = tpu.memref_squeeze %dma_wait3A_71 : memref<1x128x128xf32, #tpu.memory_space<vmem>> -> memref<128x128xf32, #tpu.memory_space<vmem>>
    %dma_wait3A_73 = arith.constant 0 : i32
    %dma_wait3A_74 = tpu.memref_slice %arg8[%dma_wait3A_73] : memref<512xi32, #tpu.memory_space<vmem>> -> memref<128xi32, #tpu.memory_space<vmem>>
    %dma_wait3A_75 = arith.constant 0 : i32
    %dma_wait3A_76 = arith.constant 0 : i32
    %dma_wait3A_77 = tpu.memref_slice %arg5[%dma_wait3A_75, %dma_wait3A_76] : memref<1000000x128xf32, #tpu.memory_space<hbm>> -> memref<1000000x128xf32, #tpu.memory_space<hbm>>
    tpu.wait_indirect_dma semaphore(%arg15 : memref<!tpu.dma_semaphore, #tpu.memory_space<semaphore_mem>>) src(%dma_wait3A_77 : memref<1000000x128xf32, #tpu.memory_space<hbm>>) dst(%dma_wait3A_72 : memref<128x128xf32, #tpu.memory_space<vmem>>)
    %dma_wait3A_78 = arith.constant 0 : i32
    %dma_wait3A_79 = arith.constant 0 : i32
    %dma_wait3A_80 = arith.constant 0 : i32
    %dma_wait3A_81 = tpu.memref_slice %arg12[%dma_wait3A_78, %dma_wait3A_79, %dma_wait3A_80] : memref<2x128x128xf32, #tpu.memory_space<vmem>> -> memref<1x128x128xf32, #tpu.memory_space<vmem>>
    %dma_wait3A_82 = tpu.memref_squeeze %dma_wait3A_81 : memref<1x128x128xf32, #tpu.memory_space<vmem>> -> memref<128x128xf32, #tpu.memory_space<vmem>>
    %dma_wait3A_83 = arith.constant 0 : i32
    %dma_wait3A_84 = tpu.memref_slice %arg9[%dma_wait3A_83] : memref<512xi32, #tpu.memory_space<vmem>> -> memref<128xi32, #tpu.memory_space<vmem>>
    %dma_wait3A_85 = arith.constant 0 : i32
    %dma_wait3A_86 = arith.constant 0 : i32
    %dma_wait3A_87 = tpu.memref_slice %arg6[%dma_wait3A_85, %dma_wait3A_86] : memref<1000x128xf32, #tpu.memory_space<hbm>> -> memref<1000x128xf32, #tpu.memory_space<hbm>>
    tpu.wait_indirect_dma semaphore(%arg15 : memref<!tpu.dma_semaphore, #tpu.memory_space<semaphore_mem>>) src(%dma_wait3A_87 : memref<1000x128xf32, #tpu.memory_space<hbm>>) dst(%dma_wait3A_82 : memref<128x128xf32, #tpu.memory_space<vmem>>)
    %dma_wait3A_88 = arith.constant 0 : i32
    %dma_wait3A_89 = arith.constant 0 : i32
    %dma_wait3A_90 = arith.constant 0 : i32
    %dma_wait3A_91 = tpu.memref_slice %arg13[%dma_wait3A_88, %dma_wait3A_89, %dma_wait3A_90] : memref<2x128x128xf32, #tpu.memory_space<vmem>> -> memref<1x128x128xf32, #tpu.memory_space<vmem>>
    %dma_wait3A_92 = tpu.memref_squeeze %dma_wait3A_91 : memref<1x128x128xf32, #tpu.memory_space<vmem>> -> memref<128x128xf32, #tpu.memory_space<vmem>>
    %dma_wait3A_93 = arith.constant 0 : i32
    %dma_wait3A_94 = arith.constant 0 : i32
    %dma_wait3A_95 = tpu.memref_slice %arg5[%dma_wait3A_93, %dma_wait3A_94] : memref<1000000x128xf32, #tpu.memory_space<hbm>> -> memref<128x128xf32, #tpu.memory_space<hbm>>
    %dma_wait3A_96 = arith.constant 0 : i32
    %dma_wait3A_97 = arith.constant 0 : i32
    %dma_wait3A_98 = tpu.memref_slice %arg13[%dma_wait3A_88, %dma_wait3A_96, %dma_wait3A_97] : memref<2x128x128xf32, #tpu.memory_space<vmem>> -> memref<1x128x128xf32, #tpu.memory_space<vmem>>
    %dma_wait3A_99 = tpu.memref_squeeze %dma_wait3A_98 : memref<1x128x128xf32, #tpu.memory_space<vmem>> -> memref<128x128xf32, #tpu.memory_space<vmem>>
    %dma_wait3A_100 = arith.constant 0 : i32
    %dma_wait3A_101 = arith.constant 0 : i32
    %dma_wait3A_102 = tpu.memref_slice %arg5[%dma_wait3A_100, %dma_wait3A_101] : memref<1000000x128xf32, #tpu.memory_space<hbm>> -> memref<128x128xf32, #tpu.memory_space<hbm>>
    tpu.wait_dma2 semaphore(%arg17 : memref<!tpu.dma_semaphore, #tpu.memory_space<semaphore_mem>>) src(%dma_wait3A_102 : memref<128x128xf32, #tpu.memory_space<hbm>>) dst(%dma_wait3A_99 : memref<128x128xf32, #tpu.memory_space<vmem>>)
    %parallel_loop3A = arith.constant 0 : i32
    %parallel_loop3A_103 = arith.constant 128 : i32
    %parallel_loop3A_104 = arith.constant 1 : i32
    %parallel_loop3A_105 = arith.constant 0 : i32
    %parallel_loop3A_106 = arith.constant 0 : i32
    %parallel_loop3A_107 = arith.constant 0 : i32
    %parallel_loop3A_108 = arith.constant 0 : i32
    %parallel_loop3A_109 = scf.for %parallel_loop3A_293 = %parallel_loop3A to %parallel_loop3A_103 step %parallel_loop3A_104 iter_args(%parallel_loop3A_294 = %parallel_loop3A_108) -> (i32)  : i32 {
      %parallel_loop3A_295 = arith.constant 0 : i32
      %parallel_loop3A_296 = arith.constant 0 : i32
      %parallel_loop3A_297 = tpu.memref_slice %arg11[%parallel_loop3A_105, %parallel_loop3A_295, %parallel_loop3A_296] : memref<2x128x128xf32, #tpu.memory_space<vmem>> -> memref<1x128x128xf32, #tpu.memory_space<vmem>>
      %parallel_loop3A_298 = tpu.memref_squeeze %parallel_loop3A_297 : memref<1x128x128xf32, #tpu.memory_space<vmem>> -> memref<128x128xf32, #tpu.memory_space<vmem>>
      %parallel_loop3A_299 = arith.index_cast %parallel_loop3A_293 : i32 to index
      %parallel_loop3A_300 = arith.constant 0 : index
      %parallel_loop3A_301 = tpu.vector_load %parallel_loop3A_298[%parallel_loop3A_299, %parallel_loop3A_300] {strides = array<i32>} : memref<128x128xf32, #tpu.memory_space<vmem>>, vector<16xf32>,
      %parallel_loop3A_302 = arith.constant 0 : i32
      %parallel_loop3A_303 = arith.constant 0 : i32
      %parallel_loop3A_304 = tpu.memref_slice %arg11[%parallel_loop3A_105, %parallel_loop3A_302, %parallel_loop3A_303] : memref<2x128x128xf32, #tpu.memory_space<vmem>> -> memref<1x128x128xf32, #tpu.memory_space<vmem>>
      %parallel_loop3A_305 = tpu.memref_squeeze %parallel_loop3A_304 : memref<1x128x128xf32, #tpu.memory_space<vmem>> -> memref<128x128xf32, #tpu.memory_space<vmem>>
      %parallel_loop3A_306 = arith.index_cast %parallel_loop3A_293 : i32 to index
      %parallel_loop3A_307 = arith.constant 64 : index
      %parallel_loop3A_308 = tpu.vector_load %parallel_loop3A_305[%parallel_loop3A_306, %parallel_loop3A_307] {strides = array<i32>} : memref<128x128xf32, #tpu.memory_space<vmem>>, vector<16xf32>,
      %parallel_loop3A_309 = arith.constant 0 : i32
      %parallel_loop3A_310 = arith.constant 0 : i32
      %parallel_loop3A_311 = tpu.memref_slice %arg12[%parallel_loop3A_106, %parallel_loop3A_309, %parallel_loop3A_310] : memref<2x128x128xf32, #tpu.memory_space<vmem>> -> memref<1x128x128xf32, #tpu.memory_space<vmem>>
      %parallel_loop3A_312 = tpu.memref_squeeze %parallel_loop3A_311 : memref<1x128x128xf32, #tpu.memory_space<vmem>> -> memref<128x128xf32, #tpu.memory_space<vmem>>
      %parallel_loop3A_313 = arith.index_cast %parallel_loop3A_293 : i32 to index
      %parallel_loop3A_314 = arith.constant 0 : index
      %parallel_loop3A_315 = tpu.vector_load %parallel_loop3A_312[%parallel_loop3A_313, %parallel_loop3A_314] {strides = array<i32>} : memref<128x128xf32, #tpu.memory_space<vmem>>, vector<16xf32>,
      %parallel_loop3A_316 = arith.constant 0 : i32
      %parallel_loop3A_317 = arith.constant 0 : i32
      %parallel_loop3A_318 = tpu.memref_slice %arg12[%parallel_loop3A_106, %parallel_loop3A_316, %parallel_loop3A_317] : memref<2x128x128xf32, #tpu.memory_space<vmem>> -> memref<1x128x128xf32, #tpu.memory_space<vmem>>
      %parallel_loop3A_319 = tpu.memref_squeeze %parallel_loop3A_318 : memref<1x128x128xf32, #tpu.memory_space<vmem>> -> memref<128x128xf32, #tpu.memory_space<vmem>>
      %parallel_loop3A_320 = arith.index_cast %parallel_loop3A_293 : i32 to index
      %parallel_loop3A_321 = arith.constant 64 : index
      %parallel_loop3A_322 = tpu.vector_load %parallel_loop3A_319[%parallel_loop3A_320, %parallel_loop3A_321] {strides = array<i32>} : memref<128x128xf32, #tpu.memory_space<vmem>>, vector<16xf32>,
      %parallel_loop3A_323 = arith.constant 0 : i32
      %parallel_loop3A_324 = arith.constant 0 : i32
      %parallel_loop3A_325 = tpu.memref_slice %arg13[%parallel_loop3A_107, %parallel_loop3A_323, %parallel_loop3A_324] : memref<2x128x128xf32, #tpu.memory_space<vmem>> -> memref<1x128x128xf32, #tpu.memory_space<vmem>>
      %parallel_loop3A_326 = tpu.memref_squeeze %parallel_loop3A_325 : memref<1x128x128xf32, #tpu.memory_space<vmem>> -> memref<128x128xf32, #tpu.memory_space<vmem>>
      %parallel_loop3A_327 = arith.index_cast %parallel_loop3A_293 : i32 to index
      %parallel_loop3A_328 = arith.constant 0 : index
      %parallel_loop3A_329 = tpu.vector_load %parallel_loop3A_326[%parallel_loop3A_327, %parallel_loop3A_328] {strides = array<i32>} : memref<128x128xf32, #tpu.memory_space<vmem>>, vector<16xf32>,
      %parallel_loop3A_330 = arith.constant 0 : i32
      %parallel_loop3A_331 = arith.constant 0 : i32
      %parallel_loop3A_332 = tpu.memref_slice %arg13[%parallel_loop3A_107, %parallel_loop3A_330, %parallel_loop3A_331] : memref<2x128x128xf32, #tpu.memory_space<vmem>> -> memref<1x128x128xf32, #tpu.memory_space<vmem>>
      %parallel_loop3A_333 = tpu.memref_squeeze %parallel_loop3A_332 : memref<1x128x128xf32, #tpu.memory_space<vmem>> -> memref<128x128xf32, #tpu.memory_space<vmem>>
      %parallel_loop3A_334 = arith.index_cast %parallel_loop3A_293 : i32 to index
      %parallel_loop3A_335 = arith.constant 64 : index
      %parallel_loop3A_336 = tpu.vector_load %parallel_loop3A_333[%parallel_loop3A_334, %parallel_loop3A_335] {strides = array<i32>} : memref<128x128xf32, #tpu.memory_space<vmem>>, vector<16xf32>,
      %parallel_loop3A_337 = arith.mulf %parallel_loop3A_315, %parallel_loop3A_329 : vector<16xf32>
      %parallel_loop3A_338 = arith.mulf %parallel_loop3A_322, %parallel_loop3A_336 : vector<16xf32>
      %parallel_loop3A_339 = arith.addf %parallel_loop3A_337, %parallel_loop3A_338 : vector<16xf32>
      %parallel_loop3A_340 = arith.mulf %parallel_loop3A_301, %parallel_loop3A_339 : vector<16xf32>
      %parallel_loop3A_341 = arith.mulf %parallel_loop3A_315, %parallel_loop3A_336 : vector<16xf32>
      %parallel_loop3A_342 = arith.mulf %parallel_loop3A_322, %parallel_loop3A_329 : vector<16xf32>
      %parallel_loop3A_343 = arith.subf %parallel_loop3A_341, %parallel_loop3A_342 : vector<16xf32>
      %parallel_loop3A_344 = arith.mulf %parallel_loop3A_308, %parallel_loop3A_343 : vector<16xf32>
      %parallel_loop3A_345 = arith.addf %parallel_loop3A_340, %parallel_loop3A_344 : vector<16xf32>
      %parallel_loop3A_346 = arith.constant 0 : i32
      %parallel_loop3A_347 = arith.constant 0 : i32
      %parallel_loop3A_348 = tpu.memref_slice %arg11[%parallel_loop3A_105, %parallel_loop3A_346, %parallel_loop3A_347] : memref<2x128x128xf32, #tpu.memory_space<vmem>> -> memref<1x128x128xf32, #tpu.memory_space<vmem>>
      %parallel_loop3A_349 = tpu.memref_squeeze %parallel_loop3A_348 : memref<1x128x128xf32, #tpu.memory_space<vmem>> -> memref<128x128xf32, #tpu.memory_space<vmem>>
      %parallel_loop3A_350 = arith.index_cast %parallel_loop3A_293 : i32 to index
      %parallel_loop3A_351 = arith.constant 16 : index
      %parallel_loop3A_352 = tpu.vector_load %parallel_loop3A_349[%parallel_loop3A_350, %parallel_loop3A_351] {strides = array<i32>} : memref<128x128xf32, #tpu.memory_space<vmem>>, vector<16xf32>,
      %parallel_loop3A_353 = arith.constant 0 : i32
      %parallel_loop3A_354 = arith.constant 0 : i32
      %parallel_loop3A_355 = tpu.memref_slice %arg11[%parallel_loop3A_105, %parallel_loop3A_353, %parallel_loop3A_354] : memref<2x128x128xf32, #tpu.memory_space<vmem>> -> memref<1x128x128xf32, #tpu.memory_space<vmem>>
      %parallel_loop3A_356 = tpu.memref_squeeze %parallel_loop3A_355 : memref<1x128x128xf32, #tpu.memory_space<vmem>> -> memref<128x128xf32, #tpu.memory_space<vmem>>
      %parallel_loop3A_357 = arith.index_cast %parallel_loop3A_293 : i32 to index
      %parallel_loop3A_358 = arith.constant 80 : index
      %parallel_loop3A_359 = tpu.vector_load %parallel_loop3A_356[%parallel_loop3A_357, %parallel_loop3A_358] {strides = array<i32>} : memref<128x128xf32, #tpu.memory_space<vmem>>, vector<16xf32>,
      %parallel_loop3A_360 = arith.constant 0 : i32
      %parallel_loop3A_361 = arith.constant 0 : i32
      %parallel_loop3A_362 = tpu.memref_slice %arg12[%parallel_loop3A_106, %parallel_loop3A_360, %parallel_loop3A_361] : memref<2x128x128xf32, #tpu.memory_space<vmem>> -> memref<1x128x128xf32, #tpu.memory_space<vmem>>
      %parallel_loop3A_363 = tpu.memref_squeeze %parallel_loop3A_362 : memref<1x128x128xf32, #tpu.memory_space<vmem>> -> memref<128x128xf32, #tpu.memory_space<vmem>>
      %parallel_loop3A_364 = arith.index_cast %parallel_loop3A_293 : i32 to index
      %parallel_loop3A_365 = arith.constant 16 : index
      %parallel_loop3A_366 = tpu.vector_load %parallel_loop3A_363[%parallel_loop3A_364, %parallel_loop3A_365] {strides = array<i32>} : memref<128x128xf32, #tpu.memory_space<vmem>>, vector<16xf32>,
      %parallel_loop3A_367 = arith.constant 0 : i32
      %parallel_loop3A_368 = arith.constant 0 : i32
      %parallel_loop3A_369 = tpu.memref_slice %arg12[%parallel_loop3A_106, %parallel_loop3A_367, %parallel_loop3A_368] : memref<2x128x128xf32, #tpu.memory_space<vmem>> -> memref<1x128x128xf32, #tpu.memory_space<vmem>>
      %parallel_loop3A_370 = tpu.memref_squeeze %parallel_loop3A_369 : memref<1x128x128xf32, #tpu.memory_space<vmem>> -> memref<128x128xf32, #tpu.memory_space<vmem>>
      %parallel_loop3A_371 = arith.index_cast %parallel_loop3A_293 : i32 to index
      %parallel_loop3A_372 = arith.constant 80 : index
      %parallel_loop3A_373 = tpu.vector_load %parallel_loop3A_370[%parallel_loop3A_371, %parallel_loop3A_372] {strides = array<i32>} : memref<128x128xf32, #tpu.memory_space<vmem>>, vector<16xf32>,
      %parallel_loop3A_374 = arith.constant 0 : i32
      %parallel_loop3A_375 = arith.constant 0 : i32
      %parallel_loop3A_376 = tpu.memref_slice %arg13[%parallel_loop3A_107, %parallel_loop3A_374, %parallel_loop3A_375] : memref<2x128x128xf32, #tpu.memory_space<vmem>> -> memref<1x128x128xf32, #tpu.memory_space<vmem>>
      %parallel_loop3A_377 = tpu.memref_squeeze %parallel_loop3A_376 : memref<1x128x128xf32, #tpu.memory_space<vmem>> -> memref<128x128xf32, #tpu.memory_space<vmem>>
      %parallel_loop3A_378 = arith.index_cast %parallel_loop3A_293 : i32 to index
      %parallel_loop3A_379 = arith.constant 16 : index
      %parallel_loop3A_380 = tpu.vector_load %parallel_loop3A_377[%parallel_loop3A_378, %parallel_loop3A_379] {strides = array<i32>} : memref<128x128xf32, #tpu.memory_space<vmem>>, vector<16xf32>,
      %parallel_loop3A_381 = arith.constant 0 : i32
      %parallel_loop3A_382 = arith.constant 0 : i32
      %parallel_loop3A_383 = tpu.memref_slice %arg13[%parallel_loop3A_107, %parallel_loop3A_381, %parallel_loop3A_382] : memref<2x128x128xf32, #tpu.memory_space<vmem>> -> memref<1x128x128xf32, #tpu.memory_space<vmem>>
      %parallel_loop3A_384 = tpu.memref_squeeze %parallel_loop3A_383 : memref<1x128x128xf32, #tpu.memory_space<vmem>> -> memref<128x128xf32, #tpu.memory_space<vmem>>
      %parallel_loop3A_385 = arith.index_cast %parallel_loop3A_293 : i32 to index
      %parallel_loop3A_386 = arith.constant 80 : index
      %parallel_loop3A_387 = tpu.vector_load %parallel_loop3A_384[%parallel_loop3A_385, %parallel_loop3A_386] {strides = array<i32>} : memref<128x128xf32, #tpu.memory_space<vmem>>, vector<16xf32>,
      %parallel_loop3A_388 = arith.mulf %parallel_loop3A_366, %parallel_loop3A_380 : vector<16xf32>
      %parallel_loop3A_389 = arith.mulf %parallel_loop3A_373, %parallel_loop3A_387 : vector<16xf32>
      %parallel_loop3A_390 = arith.addf %parallel_loop3A_388, %parallel_loop3A_389 : vector<16xf32>
      %parallel_loop3A_391 = arith.mulf %parallel_loop3A_352, %parallel_loop3A_390 : vector<16xf32>
      %parallel_loop3A_392 = arith.mulf %parallel_loop3A_366, %parallel_loop3A_387 : vector<16xf32>
      %parallel_loop3A_393 = arith.mulf %parallel_loop3A_373, %parallel_loop3A_380 : vector<16xf32>
      %parallel_loop3A_394 = arith.subf %parallel_loop3A_392, %parallel_loop3A_393 : vector<16xf32>
      %parallel_loop3A_395 = arith.mulf %parallel_loop3A_359, %parallel_loop3A_394 : vector<16xf32>
      %parallel_loop3A_396 = arith.addf %parallel_loop3A_391, %parallel_loop3A_395 : vector<16xf32>
      %parallel_loop3A_397 = arith.constant 0 : i32
      %parallel_loop3A_398 = arith.constant 0 : i32
      %parallel_loop3A_399 = tpu.memref_slice %arg11[%parallel_loop3A_105, %parallel_loop3A_397, %parallel_loop3A_398] : memref<2x128x128xf32, #tpu.memory_space<vmem>> -> memref<1x128x128xf32, #tpu.memory_space<vmem>>
      %parallel_loop3A_400 = tpu.memref_squeeze %parallel_loop3A_399 : memref<1x128x128xf32, #tpu.memory_space<vmem>> -> memref<128x128xf32, #tpu.memory_space<vmem>>
      %parallel_loop3A_401 = arith.index_cast %parallel_loop3A_293 : i32 to index
      %parallel_loop3A_402 = arith.constant 32 : index
      %parallel_loop3A_403 = tpu.vector_load %parallel_loop3A_400[%parallel_loop3A_401, %parallel_loop3A_402] {strides = array<i32>} : memref<128x128xf32, #tpu.memory_space<vmem>>, vector<16xf32>,
      %parallel_loop3A_404 = arith.constant 0 : i32
      %parallel_loop3A_405 = arith.constant 0 : i32
      %parallel_loop3A_406 = tpu.memref_slice %arg11[%parallel_loop3A_105, %parallel_loop3A_404, %parallel_loop3A_405] : memref<2x128x128xf32, #tpu.memory_space<vmem>> -> memref<1x128x128xf32, #tpu.memory_space<vmem>>
      %parallel_loop3A_407 = tpu.memref_squeeze %parallel_loop3A_406 : memref<1x128x128xf32, #tpu.memory_space<vmem>> -> memref<128x128xf32, #tpu.memory_space<vmem>>
      %parallel_loop3A_408 = arith.index_cast %parallel_loop3A_293 : i32 to index
      %parallel_loop3A_409 = arith.constant 96 : index
      %parallel_loop3A_410 = tpu.vector_load %parallel_loop3A_407[%parallel_loop3A_408, %parallel_loop3A_409] {strides = array<i32>} : memref<128x128xf32, #tpu.memory_space<vmem>>, vector<16xf32>,
      %parallel_loop3A_411 = arith.constant 0 : i32
      %parallel_loop3A_412 = arith.constant 0 : i32
      %parallel_loop3A_413 = tpu.memref_slice %arg12[%parallel_loop3A_106, %parallel_loop3A_411, %parallel_loop3A_412] : memref<2x128x128xf32, #tpu.memory_space<vmem>> -> memref<1x128x128xf32, #tpu.memory_space<vmem>>
      %parallel_loop3A_414 = tpu.memref_squeeze %parallel_loop3A_413 : memref<1x128x128xf32, #tpu.memory_space<vmem>> -> memref<128x128xf32, #tpu.memory_space<vmem>>
      %parallel_loop3A_415 = arith.index_cast %parallel_loop3A_293 : i32 to index
      %parallel_loop3A_416 = arith.constant 32 : index
      %parallel_loop3A_417 = tpu.vector_load %parallel_loop3A_414[%parallel_loop3A_415, %parallel_loop3A_416] {strides = array<i32>} : memref<128x128xf32, #tpu.memory_space<vmem>>, vector<16xf32>,
      %parallel_loop3A_418 = arith.constant 0 : i32
      %parallel_loop3A_419 = arith.constant 0 : i32
      %parallel_loop3A_420 = tpu.memref_slice %arg12[%parallel_loop3A_106, %parallel_loop3A_418, %parallel_loop3A_419] : memref<2x128x128xf32, #tpu.memory_space<vmem>> -> memref<1x128x128xf32, #tpu.memory_space<vmem>>
      %parallel_loop3A_421 = tpu.memref_squeeze %parallel_loop3A_420 : memref<1x128x128xf32, #tpu.memory_space<vmem>> -> memref<128x128xf32, #tpu.memory_space<vmem>>
      %parallel_loop3A_422 = arith.index_cast %parallel_loop3A_293 : i32 to index
      %parallel_loop3A_423 = arith.constant 96 : index
      %parallel_loop3A_424 = tpu.vector_load %parallel_loop3A_421[%parallel_loop3A_422, %parallel_loop3A_423] {strides = array<i32>} : memref<128x128xf32, #tpu.memory_space<vmem>>, vector<16xf32>,
      %parallel_loop3A_425 = arith.constant 0 : i32
      %parallel_loop3A_426 = arith.constant 0 : i32
      %parallel_loop3A_427 = tpu.memref_slice %arg13[%parallel_loop3A_107, %parallel_loop3A_425, %parallel_loop3A_426] : memref<2x128x128xf32, #tpu.memory_space<vmem>> -> memref<1x128x128xf32, #tpu.memory_space<vmem>>
      %parallel_loop3A_428 = tpu.memref_squeeze %parallel_loop3A_427 : memref<1x128x128xf32, #tpu.memory_space<vmem>> -> memref<128x128xf32, #tpu.memory_space<vmem>>
      %parallel_loop3A_429 = arith.index_cast %parallel_loop3A_293 : i32 to index
      %parallel_loop3A_430 = arith.constant 32 : index
      %parallel_loop3A_431 = tpu.vector_load %parallel_loop3A_428[%parallel_loop3A_429, %parallel_loop3A_430] {strides = array<i32>} : memref<128x128xf32, #tpu.memory_space<vmem>>, vector<16xf32>,
      %parallel_loop3A_432 = arith.constant 0 : i32
      %parallel_loop3A_433 = arith.constant 0 : i32
      %parallel_loop3A_434 = tpu.memref_slice %arg13[%parallel_loop3A_107, %parallel_loop3A_432, %parallel_loop3A_433] : memref<2x128x128xf32, #tpu.memory_space<vmem>> -> memref<1x128x128xf32, #tpu.memory_space<vmem>>
      %parallel_loop3A_435 = tpu.memref_squeeze %parallel_loop3A_434 : memref<1x128x128xf32, #tpu.memory_space<vmem>> -> memref<128x128xf32, #tpu.memory_space<vmem>>
      %parallel_loop3A_436 = arith.index_cast %parallel_loop3A_293 : i32 to index
      %parallel_loop3A_437 = arith.constant 96 : index
      %parallel_loop3A_438 = tpu.vector_load %parallel_loop3A_435[%parallel_loop3A_436, %parallel_loop3A_437] {strides = array<i32>} : memref<128x128xf32, #tpu.memory_space<vmem>>, vector<16xf32>,
      %parallel_loop3A_439 = arith.mulf %parallel_loop3A_417, %parallel_loop3A_431 : vector<16xf32>
      %parallel_loop3A_440 = arith.mulf %parallel_loop3A_424, %parallel_loop3A_438 : vector<16xf32>
      %parallel_loop3A_441 = arith.addf %parallel_loop3A_439, %parallel_loop3A_440 : vector<16xf32>
      %parallel_loop3A_442 = arith.mulf %parallel_loop3A_403, %parallel_loop3A_441 : vector<16xf32>
      %parallel_loop3A_443 = arith.mulf %parallel_loop3A_417, %parallel_loop3A_438 : vector<16xf32>
      %parallel_loop3A_444 = arith.mulf %parallel_loop3A_424, %parallel_loop3A_431 : vector<16xf32>
      %parallel_loop3A_445 = arith.subf %parallel_loop3A_443, %parallel_loop3A_444 : vector<16xf32>
      %parallel_loop3A_446 = arith.mulf %parallel_loop3A_410, %parallel_loop3A_445 : vector<16xf32>
      %parallel_loop3A_447 = arith.addf %parallel_loop3A_442, %parallel_loop3A_446 : vector<16xf32>
      %parallel_loop3A_448 = arith.constant 0 : i32
      %parallel_loop3A_449 = arith.constant 0 : i32
      %parallel_loop3A_450 = tpu.memref_slice %arg11[%parallel_loop3A_105, %parallel_loop3A_448, %parallel_loop3A_449] : memref<2x128x128xf32, #tpu.memory_space<vmem>> -> memref<1x128x128xf32, #tpu.memory_space<vmem>>
      %parallel_loop3A_451 = tpu.memref_squeeze %parallel_loop3A_450 : memref<1x128x128xf32, #tpu.memory_space<vmem>> -> memref<128x128xf32, #tpu.memory_space<vmem>>
      %parallel_loop3A_452 = arith.index_cast %parallel_loop3A_293 : i32 to index
      %parallel_loop3A_453 = arith.constant 48 : index
      %parallel_loop3A_454 = tpu.vector_load %parallel_loop3A_451[%parallel_loop3A_452, %parallel_loop3A_453] {strides = array<i32>} : memref<128x128xf32, #tpu.memory_space<vmem>>, vector<16xf32>,
      %parallel_loop3A_455 = arith.constant 0 : i32
      %parallel_loop3A_456 = arith.constant 0 : i32
      %parallel_loop3A_457 = tpu.memref_slice %arg11[%parallel_loop3A_105, %parallel_loop3A_455, %parallel_loop3A_456] : memref<2x128x128xf32, #tpu.memory_space<vmem>> -> memref<1x128x128xf32, #tpu.memory_space<vmem>>
      %parallel_loop3A_458 = tpu.memref_squeeze %parallel_loop3A_457 : memref<1x128x128xf32, #tpu.memory_space<vmem>> -> memref<128x128xf32, #tpu.memory_space<vmem>>
      %parallel_loop3A_459 = arith.index_cast %parallel_loop3A_293 : i32 to index
      %parallel_loop3A_460 = arith.constant 112 : index
      %parallel_loop3A_461 = tpu.vector_load %parallel_loop3A_458[%parallel_loop3A_459, %parallel_loop3A_460] {strides = array<i32>} : memref<128x128xf32, #tpu.memory_space<vmem>>, vector<16xf32>,
      %parallel_loop3A_462 = arith.constant 0 : i32
      %parallel_loop3A_463 = arith.constant 0 : i32
      %parallel_loop3A_464 = tpu.memref_slice %arg12[%parallel_loop3A_106, %parallel_loop3A_462, %parallel_loop3A_463] : memref<2x128x128xf32, #tpu.memory_space<vmem>> -> memref<1x128x128xf32, #tpu.memory_space<vmem>>
      %parallel_loop3A_465 = tpu.memref_squeeze %parallel_loop3A_464 : memref<1x128x128xf32, #tpu.memory_space<vmem>> -> memref<128x128xf32, #tpu.memory_space<vmem>>
      %parallel_loop3A_466 = arith.index_cast %parallel_loop3A_293 : i32 to index
      %parallel_loop3A_467 = arith.constant 48 : index
      %parallel_loop3A_468 = tpu.vector_load %parallel_loop3A_465[%parallel_loop3A_466, %parallel_loop3A_467] {strides = array<i32>} : memref<128x128xf32, #tpu.memory_space<vmem>>, vector<16xf32>,
      %parallel_loop3A_469 = arith.constant 0 : i32
      %parallel_loop3A_470 = arith.constant 0 : i32
      %parallel_loop3A_471 = tpu.memref_slice %arg12[%parallel_loop3A_106, %parallel_loop3A_469, %parallel_loop3A_470] : memref<2x128x128xf32, #tpu.memory_space<vmem>> -> memref<1x128x128xf32, #tpu.memory_space<vmem>>
      %parallel_loop3A_472 = tpu.memref_squeeze %parallel_loop3A_471 : memref<1x128x128xf32, #tpu.memory_space<vmem>> -> memref<128x128xf32, #tpu.memory_space<vmem>>
      %parallel_loop3A_473 = arith.index_cast %parallel_loop3A_293 : i32 to index
      %parallel_loop3A_474 = arith.constant 112 : index
      %parallel_loop3A_475 = tpu.vector_load %parallel_loop3A_472[%parallel_loop3A_473, %parallel_loop3A_474] {strides = array<i32>} : memref<128x128xf32, #tpu.memory_space<vmem>>, vector<16xf32>,
      %parallel_loop3A_476 = arith.constant 0 : i32
      %parallel_loop3A_477 = arith.constant 0 : i32
      %parallel_loop3A_478 = tpu.memref_slice %arg13[%parallel_loop3A_107, %parallel_loop3A_476, %parallel_loop3A_477] : memref<2x128x128xf32, #tpu.memory_space<vmem>> -> memref<1x128x128xf32, #tpu.memory_space<vmem>>
      %parallel_loop3A_479 = tpu.memref_squeeze %parallel_loop3A_478 : memref<1x128x128xf32, #tpu.memory_space<vmem>> -> memref<128x128xf32, #tpu.memory_space<vmem>>
      %parallel_loop3A_480 = arith.index_cast %parallel_loop3A_293 : i32 to index
      %parallel_loop3A_481 = arith.constant 48 : index
      %parallel_loop3A_482 = tpu.vector_load %parallel_loop3A_479[%parallel_loop3A_480, %parallel_loop3A_481] {strides = array<i32>} : memref<128x128xf32, #tpu.memory_space<vmem>>, vector<16xf32>,
      %parallel_loop3A_483 = arith.constant 0 : i32
      %parallel_loop3A_484 = arith.constant 0 : i32
      %parallel_loop3A_485 = tpu.memref_slice %arg13[%parallel_loop3A_107, %parallel_loop3A_483, %parallel_loop3A_484] : memref<2x128x128xf32, #tpu.memory_space<vmem>> -> memref<1x128x128xf32, #tpu.memory_space<vmem>>
      %parallel_loop3A_486 = tpu.memref_squeeze %parallel_loop3A_485 : memref<1x128x128xf32, #tpu.memory_space<vmem>> -> memref<128x128xf32, #tpu.memory_space<vmem>>
      %parallel_loop3A_487 = arith.index_cast %parallel_loop3A_293 : i32 to index
      %parallel_loop3A_488 = arith.constant 112 : index
      %parallel_loop3A_489 = tpu.vector_load %parallel_loop3A_486[%parallel_loop3A_487, %parallel_loop3A_488] {strides = array<i32>} : memref<128x128xf32, #tpu.memory_space<vmem>>, vector<16xf32>,
      %parallel_loop3A_490 = arith.mulf %parallel_loop3A_468, %parallel_loop3A_482 : vector<16xf32>
      %parallel_loop3A_491 = arith.mulf %parallel_loop3A_475, %parallel_loop3A_489 : vector<16xf32>
      %parallel_loop3A_492 = arith.addf %parallel_loop3A_490, %parallel_loop3A_491 : vector<16xf32>
      %parallel_loop3A_493 = arith.mulf %parallel_loop3A_454, %parallel_loop3A_492 : vector<16xf32>
      %parallel_loop3A_494 = arith.mulf %parallel_loop3A_468, %parallel_loop3A_489 : vector<16xf32>
      %parallel_loop3A_495 = arith.mulf %parallel_loop3A_475, %parallel_loop3A_482 : vector<16xf32>
      %parallel_loop3A_496 = arith.subf %parallel_loop3A_494, %parallel_loop3A_495 : vector<16xf32>
      %parallel_loop3A_497 = arith.mulf %parallel_loop3A_461, %parallel_loop3A_496 : vector<16xf32>
      %parallel_loop3A_498 = arith.addf %parallel_loop3A_493, %parallel_loop3A_497 : vector<16xf32>
      %parallel_loop3A_499 = arith.addf %parallel_loop3A_345, %parallel_loop3A_396 : vector<16xf32>
      %parallel_loop3A_500 = arith.addf %parallel_loop3A_447, %parallel_loop3A_498 : vector<16xf32>
      %parallel_loop3A_501 = arith.addf %parallel_loop3A_499, %parallel_loop3A_500 : vector<16xf32>
      %parallel_loop3A_502 = arith.constant true
      %parallel_loop3A_503 = vector.broadcast %parallel_loop3A_502 : i1 to vector<16xi1>
      %parallel_loop3A_504 = tpu.scan <sum>, %parallel_loop3A_501 masked %parallel_loop3A_503 : vector<16xf32>, vector<16xi1> -> vector<16xf32>
      %parallel_loop3A_505 = arith.constant 0 : i32
      %parallel_loop3A_506 = arith.addi %parallel_loop3A_505, %parallel_loop3A_293 : i32
      %parallel_loop3A_507 = vector.broadcast %parallel_loop3A_506 : i32 to vector<16xi32>
      tpu.vector_store_idx %arg14[%parallel_loop3A_507], %parallel_loop3A_504 masked %eq3A_14 : memref<512xf32, #tpu.memory_space<vmem>>[vector<16xi32>], vector<16xf32>, vector<16xi1>
      scf.yield %parallel_loop3A_294 : i32
    } {sc.loop_unroll_factor = 4 : i64, sc.parallel_access}
    %scan3A_110 = arith.constant 0 : i32
    %scan3A_111 = arith.constant 0 : i32
    %scan3A_112 = arith.constant 0 : i32
    %scan3A_113 = arith.constant 8 : i32
    %scan3A_114 = arith.addi %scan3A_112, %scan3A_113 : i32
    %scan3A_115 = arith.constant 1 : i32
    scf.for %scan3A_293 = %scan3A_112 to %scan3A_114 step %scan3A_115  : i32 {
      %mul3A_294 = arith.constant 16 : i32
      %mul3A_295 = arith.muli %scan3A_293, %mul3A_294 : i32
      %add3A_296 = arith.constant 256 : i32
      %add3A_297 = arith.addi %add3A_296, %mul3A_295 : i32
      %get3A = arith.index_cast %add3A_297 : i32 to index
      %get3A_298 = tpu.vector_load %arg10[%get3A] {strides = array<i32>} : memref<512xi32, #tpu.memory_space<vmem>>, vector<16xi32>,
      %slice3A = vector.extract_strided_slice %get3A_298 {offsets = [0], sizes = [1], strides = [1]} : vector<16xi32> to vector<1xi32>
      %squeeze3A = vector.extract %slice3A[0] : i32 from vector<1xi32>
      %mul3A_299 = arith.constant 16 : i32
      %mul3A_300 = arith.muli %scan3A_293, %mul3A_299 : i32
      %add3A_301 = arith.constant 0 : i32
      %add3A_302 = arith.addi %mul3A_300, %add3A_301 : i32
      %dma_start3A_303 = arith.constant 0 : i32
      %dma_start3A_304 = arith.constant 0 : i32
      %dma_start3A_305 = tpu.memref_slice %arg13[%scan3A_111, %dma_start3A_303, %dma_start3A_304] : memref<2x128x128xf32, #tpu.memory_space<vmem>> -> memref<1x128x128xf32, #tpu.memory_space<vmem>>
      %dma_start3A_306 = tpu.memref_squeeze %dma_start3A_305 : memref<1x128x128xf32, #tpu.memory_space<vmem>> -> memref<128x128xf32, #tpu.memory_space<vmem>>
      %dma_start3A_307 = arith.constant 0 : i32
      %dma_start3A_308 = tpu.memref_slice %dma_start3A_306[%add3A_302, %dma_start3A_307] : memref<128x128xf32, #tpu.memory_space<vmem>> -> memref<1x128xf32, #tpu.memory_space<vmem>>
      %dma_start3A_309 = arith.constant 0 : i32
      %dma_start3A_310 = tpu.memref_slice %arg5[%squeeze3A, %dma_start3A_309] : memref<1000000x128xf32, #tpu.memory_space<hbm>> -> memref<1x128xf32, #tpu.memory_space<hbm>>
      %dma_start3A_311 = arith.constant 0 : i32
      %dma_start3A_312 = arith.constant 0 : i32
      %dma_start3A_313 = tpu.memref_slice %arg13[%scan3A_111, %dma_start3A_311, %dma_start3A_312] : memref<2x128x128xf32, #tpu.memory_space<vmem>> -> memref<1x128x128xf32, #tpu.memory_space<vmem>>
      %dma_start3A_314 = tpu.memref_squeeze %dma_start3A_313 : memref<1x128x128xf32, #tpu.memory_space<vmem>> -> memref<128x128xf32, #tpu.memory_space<vmem>>
      %dma_start3A_315 = arith.constant 0 : i32
      %dma_start3A_316 = tpu.memref_slice %dma_start3A_314[%add3A_302, %dma_start3A_315] : memref<128x128xf32, #tpu.memory_space<vmem>> -> memref<1x128xf32, #tpu.memory_space<vmem>>
      %dma_start3A_317 = arith.constant 0 : i32
      %dma_start3A_318 = tpu.memref_slice %arg5[%squeeze3A, %dma_start3A_317] : memref<1000000x128xf32, #tpu.memory_space<hbm>> -> memref<1x128xf32, #tpu.memory_space<hbm>>
      tpu.enqueue_dma source(%dma_start3A_318 : memref<1x128xf32, #tpu.memory_space<hbm>>) target(%dma_start3A_316 : memref<1x128xf32, #tpu.memory_space<vmem>>) target_semaphore(%arg17 : memref<!tpu.dma_semaphore, #tpu.memory_space<semaphore_mem>>)
      %slice3A_319 = vector.extract_strided_slice %get3A_298 {offsets = [1], sizes = [1], strides = [1]} : vector<16xi32> to vector<1xi32>
      %squeeze3A_320 = vector.extract %slice3A_319[0] : i32 from vector<1xi32>
      %mul3A_321 = arith.constant 16 : i32
      %mul3A_322 = arith.muli %scan3A_293, %mul3A_321 : i32
      %add3A_323 = arith.constant 1 : i32
      %add3A_324 = arith.addi %mul3A_322, %add3A_323 : i32
      %dma_start3A_325 = arith.constant 0 : i32
      %dma_start3A_326 = arith.constant 0 : i32
      %dma_start3A_327 = tpu.memref_slice %arg13[%scan3A_111, %dma_start3A_325, %dma_start3A_326] : memref<2x128x128xf32, #tpu.memory_space<vmem>> -> memref<1x128x128xf32, #tpu.memory_space<vmem>>
      %dma_start3A_328 = tpu.memref_squeeze %dma_start3A_327 : memref<1x128x128xf32, #tpu.memory_space<vmem>> -> memref<128x128xf32, #tpu.memory_space<vmem>>
      %dma_start3A_329 = arith.constant 0 : i32
      %dma_start3A_330 = tpu.memref_slice %dma_start3A_328[%add3A_324, %dma_start3A_329] : memref<128x128xf32, #tpu.memory_space<vmem>> -> memref<1x128xf32, #tpu.memory_space<vmem>>
      %dma_start3A_331 = arith.constant 0 : i32
      %dma_start3A_332 = tpu.memref_slice %arg5[%squeeze3A_320, %dma_start3A_331] : memref<1000000x128xf32, #tpu.memory_space<hbm>> -> memref<1x128xf32, #tpu.memory_space<hbm>>
      %dma_start3A_333 = arith.constant 0 : i32
      %dma_start3A_334 = arith.constant 0 : i32
      %dma_start3A_335 = tpu.memref_slice %arg13[%scan3A_111, %dma_start3A_333, %dma_start3A_334] : memref<2x128x128xf32, #tpu.memory_space<vmem>> -> memref<1x128x128xf32, #tpu.memory_space<vmem>>
      %dma_start3A_336 = tpu.memref_squeeze %dma_start3A_335 : memref<1x128x128xf32, #tpu.memory_space<vmem>> -> memref<128x128xf32, #tpu.memory_space<vmem>>
      %dma_start3A_337 = arith.constant 0 : i32
      %dma_start3A_338 = tpu.memref_slice %dma_start3A_336[%add3A_324, %dma_start3A_337] : memref<128x128xf32, #tpu.memory_space<vmem>> -> memref<1x128xf32, #tpu.memory_space<vmem>>
      %dma_start3A_339 = arith.constant 0 : i32
      %dma_start3A_340 = tpu.memref_slice %arg5[%squeeze3A_320, %dma_start3A_339] : memref<1000000x128xf32, #tpu.memory_space<hbm>> -> memref<1x128xf32, #tpu.memory_space<hbm>>
      tpu.enqueue_dma source(%dma_start3A_340 : memref<1x128xf32, #tpu.memory_space<hbm>>) target(%dma_start3A_338 : memref<1x128xf32, #tpu.memory_space<vmem>>) target_semaphore(%arg17 : memref<!tpu.dma_semaphore, #tpu.memory_space<semaphore_mem>>)
      %slice3A_341 = vector.extract_strided_slice %get3A_298 {offsets = [2], sizes = [1], strides = [1]} : vector<16xi32> to vector<1xi32>
      %squeeze3A_342 = vector.extract %slice3A_341[0] : i32 from vector<1xi32>
      %mul3A_343 = arith.constant 16 : i32
      %mul3A_344 = arith.muli %scan3A_293, %mul3A_343 : i32
      %add3A_345 = arith.constant 2 : i32
      %add3A_346 = arith.addi %mul3A_344, %add3A_345 : i32
      %dma_start3A_347 = arith.constant 0 : i32
      %dma_start3A_348 = arith.constant 0 : i32
      %dma_start3A_349 = tpu.memref_slice %arg13[%scan3A_111, %dma_start3A_347, %dma_start3A_348] : memref<2x128x128xf32, #tpu.memory_space<vmem>> -> memref<1x128x128xf32, #tpu.memory_space<vmem>>
      %dma_start3A_350 = tpu.memref_squeeze %dma_start3A_349 : memref<1x128x128xf32, #tpu.memory_space<vmem>> -> memref<128x128xf32, #tpu.memory_space<vmem>>
      %dma_start3A_351 = arith.constant 0 : i32
      %dma_start3A_352 = tpu.memref_slice %dma_start3A_350[%add3A_346, %dma_start3A_351] : memref<128x128xf32, #tpu.memory_space<vmem>> -> memref<1x128xf32, #tpu.memory_space<vmem>>
      %dma_start3A_353 = arith.constant 0 : i32
      %dma_start3A_354 = tpu.memref_slice %arg5[%squeeze3A_342, %dma_start3A_353] : memref<1000000x128xf32, #tpu.memory_space<hbm>> -> memref<1x128xf32, #tpu.memory_space<hbm>>
      %dma_start3A_355 = arith.constant 0 : i32
      %dma_start3A_356 = arith.constant 0 : i32
      %dma_start3A_357 = tpu.memref_slice %arg13[%scan3A_111, %dma_start3A_355, %dma_start3A_356] : memref<2x128x128xf32, #tpu.memory_space<vmem>> -> memref<1x128x128xf32, #tpu.memory_space<vmem>>
      %dma_start3A_358 = tpu.memref_squeeze %dma_start3A_357 : memref<1x128x128xf32, #tpu.memory_space<vmem>> -> memref<128x128xf32, #tpu.memory_space<vmem>>
      %dma_start3A_359 = arith.constant 0 : i32
      %dma_start3A_360 = tpu.memref_slice %dma_start3A_358[%add3A_346, %dma_start3A_359] : memref<128x128xf32, #tpu.memory_space<vmem>> -> memref<1x128xf32, #tpu.memory_space<vmem>>
      %dma_start3A_361 = arith.constant 0 : i32
      %dma_start3A_362 = tpu.memref_slice %arg5[%squeeze3A_342, %dma_start3A_361] : memref<1000000x128xf32, #tpu.memory_space<hbm>> -> memref<1x128xf32, #tpu.memory_space<hbm>>
      tpu.enqueue_dma source(%dma_start3A_362 : memref<1x128xf32, #tpu.memory_space<hbm>>) target(%dma_start3A_360 : memref<1x128xf32, #tpu.memory_space<vmem>>) target_semaphore(%arg17 : memref<!tpu.dma_semaphore, #tpu.memory_space<semaphore_mem>>)
      %slice3A_363 = vector.extract_strided_slice %get3A_298 {offsets = [3], sizes = [1], strides = [1]} : vector<16xi32> to vector<1xi32>
      %squeeze3A_364 = vector.extract %slice3A_363[0] : i32 from vector<1xi32>
      %mul3A_365 = arith.constant 16 : i32
      %mul3A_366 = arith.muli %scan3A_293, %mul3A_365 : i32
      %add3A_367 = arith.constant 3 : i32
      %add3A_368 = arith.addi %mul3A_366, %add3A_367 : i32
      %dma_start3A_369 = arith.constant 0 : i32
      %dma_start3A_370 = arith.constant 0 : i32
      %dma_start3A_371 = tpu.memref_slice %arg13[%scan3A_111, %dma_start3A_369, %dma_start3A_370] : memref<2x128x128xf32, #tpu.memory_space<vmem>> -> memref<1x128x128xf32, #tpu.memory_space<vmem>>
      %dma_start3A_372 = tpu.memref_squeeze %dma_start3A_371 : memref<1x128x128xf32, #tpu.memory_space<vmem>> -> memref<128x128xf32, #tpu.memory_space<vmem>>
      %dma_start3A_373 = arith.constant 0 : i32
      %dma_start3A_374 = tpu.memref_slice %dma_start3A_372[%add3A_368, %dma_start3A_373] : memref<128x128xf32, #tpu.memory_space<vmem>> -> memref<1x128xf32, #tpu.memory_space<vmem>>
      %dma_start3A_375 = arith.constant 0 : i32
      %dma_start3A_376 = tpu.memref_slice %arg5[%squeeze3A_364, %dma_start3A_375] : memref<1000000x128xf32, #tpu.memory_space<hbm>> -> memref<1x128xf32, #tpu.memory_space<hbm>>
      %dma_start3A_377 = arith.constant 0 : i32
      %dma_start3A_378 = arith.constant 0 : i32
      %dma_start3A_379 = tpu.memref_slice %arg13[%scan3A_111, %dma_start3A_377, %dma_start3A_378] : memref<2x128x128xf32, #tpu.memory_space<vmem>> -> memref<1x128x128xf32, #tpu.memory_space<vmem>>
      %dma_start3A_380 = tpu.memref_squeeze %dma_start3A_379 : memref<1x128x128xf32, #tpu.memory_space<vmem>> -> memref<128x128xf32, #tpu.memory_space<vmem>>
      %dma_start3A_381 = arith.constant 0 : i32
      %dma_start3A_382 = tpu.memref_slice %dma_start3A_380[%add3A_368, %dma_start3A_381] : memref<128x128xf32, #tpu.memory_space<vmem>> -> memref<1x128xf32, #tpu.memory_space<vmem>>
      %dma_start3A_383 = arith.constant 0 : i32
      %dma_start3A_384 = tpu.memref_slice %arg5[%squeeze3A_364, %dma_start3A_383] : memref<1000000x128xf32, #tpu.memory_space<hbm>> -> memref<1x128xf32, #tpu.memory_space<hbm>>
      tpu.enqueue_dma source(%dma_start3A_384 : memref<1x128xf32, #tpu.memory_space<hbm>>) target(%dma_start3A_382 : memref<1x128xf32, #tpu.memory_space<vmem>>) target_semaphore(%arg17 : memref<!tpu.dma_semaphore, #tpu.memory_space<semaphore_mem>>)
      %slice3A_385 = vector.extract_strided_slice %get3A_298 {offsets = [4], sizes = [1], strides = [1]} : vector<16xi32> to vector<1xi32>
      %squeeze3A_386 = vector.extract %slice3A_385[0] : i32 from vector<1xi32>
      %mul3A_387 = arith.constant 16 : i32
      %mul3A_388 = arith.muli %scan3A_293, %mul3A_387 : i32
      %add3A_389 = arith.constant 4 : i32
      %add3A_390 = arith.addi %mul3A_388, %add3A_389 : i32
      %dma_start3A_391 = arith.constant 0 : i32
      %dma_start3A_392 = arith.constant 0 : i32
      %dma_start3A_393 = tpu.memref_slice %arg13[%scan3A_111, %dma_start3A_391, %dma_start3A_392] : memref<2x128x128xf32, #tpu.memory_space<vmem>> -> memref<1x128x128xf32, #tpu.memory_space<vmem>>
      %dma_start3A_394 = tpu.memref_squeeze %dma_start3A_393 : memref<1x128x128xf32, #tpu.memory_space<vmem>> -> memref<128x128xf32, #tpu.memory_space<vmem>>
      %dma_start3A_395 = arith.constant 0 : i32
      %dma_start3A_396 = tpu.memref_slice %dma_start3A_394[%add3A_390, %dma_start3A_395] : memref<128x128xf32, #tpu.memory_space<vmem>> -> memref<1x128xf32, #tpu.memory_space<vmem>>
      %dma_start3A_397 = arith.constant 0 : i32
      %dma_start3A_398 = tpu.memref_slice %arg5[%squeeze3A_386, %dma_start3A_397] : memref<1000000x128xf32, #tpu.memory_space<hbm>> -> memref<1x128xf32, #tpu.memory_space<hbm>>
      %dma_start3A_399 = arith.constant 0 : i32
      %dma_start3A_400 = arith.constant 0 : i32
      %dma_start3A_401 = tpu.memref_slice %arg13[%scan3A_111, %dma_start3A_399, %dma_start3A_400] : memref<2x128x128xf32, #tpu.memory_space<vmem>> -> memref<1x128x128xf32, #tpu.memory_space<vmem>>
      %dma_start3A_402 = tpu.memref_squeeze %dma_start3A_401 : memref<1x128x128xf32, #tpu.memory_space<vmem>> -> memref<128x128xf32, #tpu.memory_space<vmem>>
      %dma_start3A_403 = arith.constant 0 : i32
      %dma_start3A_404 = tpu.memref_slice %dma_start3A_402[%add3A_390, %dma_start3A_403] : memref<128x128xf32, #tpu.memory_space<vmem>> -> memref<1x128xf32, #tpu.memory_space<vmem>>
      %dma_start3A_405 = arith.constant 0 : i32
      %dma_start3A_406 = tpu.memref_slice %arg5[%squeeze3A_386, %dma_start3A_405] : memref<1000000x128xf32, #tpu.memory_space<hbm>> -> memref<1x128xf32, #tpu.memory_space<hbm>>
      tpu.enqueue_dma source(%dma_start3A_406 : memref<1x128xf32, #tpu.memory_space<hbm>>) target(%dma_start3A_404 : memref<1x128xf32, #tpu.memory_space<vmem>>) target_semaphore(%arg17 : memref<!tpu.dma_semaphore, #tpu.memory_space<semaphore_mem>>)
      %slice3A_407 = vector.extract_strided_slice %get3A_298 {offsets = [5], sizes = [1], strides = [1]} : vector<16xi32> to vector<1xi32>
      %squeeze3A_408 = vector.extract %slice3A_407[0] : i32 from vector<1xi32>
      %mul3A_409 = arith.constant 16 : i32
      %mul3A_410 = arith.muli %scan3A_293, %mul3A_409 : i32
      %add3A_411 = arith.constant 5 : i32
      %add3A_412 = arith.addi %mul3A_410, %add3A_411 : i32
      %dma_start3A_413 = arith.constant 0 : i32
      %dma_start3A_414 = arith.constant 0 : i32
      %dma_start3A_415 = tpu.memref_slice %arg13[%scan3A_111, %dma_start3A_413, %dma_start3A_414] : memref<2x128x128xf32, #tpu.memory_space<vmem>> -> memref<1x128x128xf32, #tpu.memory_space<vmem>>
      %dma_start3A_416 = tpu.memref_squeeze %dma_start3A_415 : memref<1x128x128xf32, #tpu.memory_space<vmem>> -> memref<128x128xf32, #tpu.memory_space<vmem>>
      %dma_start3A_417 = arith.constant 0 : i32
      %dma_start3A_418 = tpu.memref_slice %dma_start3A_416[%add3A_412, %dma_start3A_417] : memref<128x128xf32, #tpu.memory_space<vmem>> -> memref<1x128xf32, #tpu.memory_space<vmem>>
      %dma_start3A_419 = arith.constant 0 : i32
      %dma_start3A_420 = tpu.memref_slice %arg5[%squeeze3A_408, %dma_start3A_419] : memref<1000000x128xf32, #tpu.memory_space<hbm>> -> memref<1x128xf32, #tpu.memory_space<hbm>>
      %dma_start3A_421 = arith.constant 0 : i32
      %dma_start3A_422 = arith.constant 0 : i32
      %dma_start3A_423 = tpu.memref_slice %arg13[%scan3A_111, %dma_start3A_421, %dma_start3A_422] : memref<2x128x128xf32, #tpu.memory_space<vmem>> -> memref<1x128x128xf32, #tpu.memory_space<vmem>>
      %dma_start3A_424 = tpu.memref_squeeze %dma_start3A_423 : memref<1x128x128xf32, #tpu.memory_space<vmem>> -> memref<128x128xf32, #tpu.memory_space<vmem>>
      %dma_start3A_425 = arith.constant 0 : i32
      %dma_start3A_426 = tpu.memref_slice %dma_start3A_424[%add3A_412, %dma_start3A_425] : memref<128x128xf32, #tpu.memory_space<vmem>> -> memref<1x128xf32, #tpu.memory_space<vmem>>
      %dma_start3A_427 = arith.constant 0 : i32
      %dma_start3A_428 = tpu.memref_slice %arg5[%squeeze3A_408, %dma_start3A_427] : memref<1000000x128xf32, #tpu.memory_space<hbm>> -> memref<1x128xf32, #tpu.memory_space<hbm>>
      tpu.enqueue_dma source(%dma_start3A_428 : memref<1x128xf32, #tpu.memory_space<hbm>>) target(%dma_start3A_426 : memref<1x128xf32, #tpu.memory_space<vmem>>) target_semaphore(%arg17 : memref<!tpu.dma_semaphore, #tpu.memory_space<semaphore_mem>>)
      %slice3A_429 = vector.extract_strided_slice %get3A_298 {offsets = [6], sizes = [1], strides = [1]} : vector<16xi32> to vector<1xi32>
      %squeeze3A_430 = vector.extract %slice3A_429[0] : i32 from vector<1xi32>
      %mul3A_431 = arith.constant 16 : i32
      %mul3A_432 = arith.muli %scan3A_293, %mul3A_431 : i32
      %add3A_433 = arith.constant 6 : i32
      %add3A_434 = arith.addi %mul3A_432, %add3A_433 : i32
      %dma_start3A_435 = arith.constant 0 : i32
      %dma_start3A_436 = arith.constant 0 : i32
      %dma_start3A_437 = tpu.memref_slice %arg13[%scan3A_111, %dma_start3A_435, %dma_start3A_436] : memref<2x128x128xf32, #tpu.memory_space<vmem>> -> memref<1x128x128xf32, #tpu.memory_space<vmem>>
      %dma_start3A_438 = tpu.memref_squeeze %dma_start3A_437 : memref<1x128x128xf32, #tpu.memory_space<vmem>> -> memref<128x128xf32, #tpu.memory_space<vmem>>
      %dma_start3A_439 = arith.constant 0 : i32
      %dma_start3A_440 = tpu.memref_slice %dma_start3A_438[%add3A_434, %dma_start3A_439] : memref<128x128xf32, #tpu.memory_space<vmem>> -> memref<1x128xf32, #tpu.memory_space<vmem>>
      %dma_start3A_441 = arith.constant 0 : i32
      %dma_start3A_442 = tpu.memref_slice %arg5[%squeeze3A_430, %dma_start3A_441] : memref<1000000x128xf32, #tpu.memory_space<hbm>> -> memref<1x128xf32, #tpu.memory_space<hbm>>
      %dma_start3A_443 = arith.constant 0 : i32
      %dma_start3A_444 = arith.constant 0 : i32
      %dma_start3A_445 = tpu.memref_slice %arg13[%scan3A_111, %dma_start3A_443, %dma_start3A_444] : memref<2x128x128xf32, #tpu.memory_space<vmem>> -> memref<1x128x128xf32, #tpu.memory_space<vmem>>
      %dma_start3A_446 = tpu.memref_squeeze %dma_start3A_445 : memref<1x128x128xf32, #tpu.memory_space<vmem>> -> memref<128x128xf32, #tpu.memory_space<vmem>>
      %dma_start3A_447 = arith.constant 0 : i32
      %dma_start3A_448 = tpu.memref_slice %dma_start3A_446[%add3A_434, %dma_start3A_447] : memref<128x128xf32, #tpu.memory_space<vmem>> -> memref<1x128xf32, #tpu.memory_space<vmem>>
      %dma_start3A_449 = arith.constant 0 : i32
      %dma_start3A_450 = tpu.memref_slice %arg5[%squeeze3A_430, %dma_start3A_449] : memref<1000000x128xf32, #tpu.memory_space<hbm>> -> memref<1x128xf32, #tpu.memory_space<hbm>>
      tpu.enqueue_dma source(%dma_start3A_450 : memref<1x128xf32, #tpu.memory_space<hbm>>) target(%dma_start3A_448 : memref<1x128xf32, #tpu.memory_space<vmem>>) target_semaphore(%arg17 : memref<!tpu.dma_semaphore, #tpu.memory_space<semaphore_mem>>)
      %slice3A_451 = vector.extract_strided_slice %get3A_298 {offsets = [7], sizes = [1], strides = [1]} : vector<16xi32> to vector<1xi32>
      %squeeze3A_452 = vector.extract %slice3A_451[0] : i32 from vector<1xi32>
      %mul3A_453 = arith.constant 16 : i32
      %mul3A_454 = arith.muli %scan3A_293, %mul3A_453 : i32
      %add3A_455 = arith.constant 7 : i32
      %add3A_456 = arith.addi %mul3A_454, %add3A_455 : i32
      %dma_start3A_457 = arith.constant 0 : i32
      %dma_start3A_458 = arith.constant 0 : i32
      %dma_start3A_459 = tpu.memref_slice %arg13[%scan3A_111, %dma_start3A_457, %dma_start3A_458] : memref<2x128x128xf32, #tpu.memory_space<vmem>> -> memref<1x128x128xf32, #tpu.memory_space<vmem>>
      %dma_start3A_460 = tpu.memref_squeeze %dma_start3A_459 : memref<1x128x128xf32, #tpu.memory_space<vmem>> -> memref<128x128xf32, #tpu.memory_space<vmem>>
      %dma_start3A_461 = arith.constant 0 : i32
      %dma_start3A_462 = tpu.memref_slice %dma_start3A_460[%add3A_456, %dma_start3A_461] : memref<128x128xf32, #tpu.memory_space<vmem>> -> memref<1x128xf32, #tpu.memory_space<vmem>>
      %dma_start3A_463 = arith.constant 0 : i32
      %dma_start3A_464 = tpu.memref_slice %arg5[%squeeze3A_452, %dma_start3A_463] : memref<1000000x128xf32, #tpu.memory_space<hbm>> -> memref<1x128xf32, #tpu.memory_space<hbm>>
      %dma_start3A_465 = arith.constant 0 : i32
      %dma_start3A_466 = arith.constant 0 : i32
      %dma_start3A_467 = tpu.memref_slice %arg13[%scan3A_111, %dma_start3A_465, %dma_start3A_466] : memref<2x128x128xf32, #tpu.memory_space<vmem>> -> memref<1x128x128xf32, #tpu.memory_space<vmem>>
      %dma_start3A_468 = tpu.memref_squeeze %dma_start3A_467 : memref<1x128x128xf32, #tpu.memory_space<vmem>> -> memref<128x128xf32, #tpu.memory_space<vmem>>
      %dma_start3A_469 = arith.constant 0 : i32
      %dma_start3A_470 = tpu.memref_slice %dma_start3A_468[%add3A_456, %dma_start3A_469] : memref<128x128xf32, #tpu.memory_space<vmem>> -> memref<1x128xf32, #tpu.memory_space<vmem>>
      %dma_start3A_471 = arith.constant 0 : i32
      %dma_start3A_472 = tpu.memref_slice %arg5[%squeeze3A_452, %dma_start3A_471] : memref<1000000x128xf32, #tpu.memory_space<hbm>> -> memref<1x128xf32, #tpu.memory_space<hbm>>
      tpu.enqueue_dma source(%dma_start3A_472 : memref<1x128xf32, #tpu.memory_space<hbm>>) target(%dma_start3A_470 : memref<1x128xf32, #tpu.memory_space<vmem>>) target_semaphore(%arg17 : memref<!tpu.dma_semaphore, #tpu.memory_space<semaphore_mem>>)
      %slice3A_473 = vector.extract_strided_slice %get3A_298 {offsets = [8], sizes = [1], strides = [1]} : vector<16xi32> to vector<1xi32>
      %squeeze3A_474 = vector.extract %slice3A_473[0] : i32 from vector<1xi32>
      %mul3A_475 = arith.constant 16 : i32
      %mul3A_476 = arith.muli %scan3A_293, %mul3A_475 : i32
      %add3A_477 = arith.constant 8 : i32
      %add3A_478 = arith.addi %mul3A_476, %add3A_477 : i32
      %dma_start3A_479 = arith.constant 0 : i32
      %dma_start3A_480 = arith.constant 0 : i32
      %dma_start3A_481 = tpu.memref_slice %arg13[%scan3A_111, %dma_start3A_479, %dma_start3A_480] : memref<2x128x128xf32, #tpu.memory_space<vmem>> -> memref<1x128x128xf32, #tpu.memory_space<vmem>>
      %dma_start3A_482 = tpu.memref_squeeze %dma_start3A_481 : memref<1x128x128xf32, #tpu.memory_space<vmem>> -> memref<128x128xf32, #tpu.memory_space<vmem>>
      %dma_start3A_483 = arith.constant 0 : i32
      %dma_start3A_484 = tpu.memref_slice %dma_start3A_482[%add3A_478, %dma_start3A_483] : memref<128x128xf32, #tpu.memory_space<vmem>> -> memref<1x128xf32, #tpu.memory_space<vmem>>
      %dma_start3A_485 = arith.constant 0 : i32
      %dma_start3A_486 = tpu.memref_slice %arg5[%squeeze3A_474, %dma_start3A_485] : memref<1000000x128xf32, #tpu.memory_space<hbm>> -> memref<1x128xf32, #tpu.memory_space<hbm>>
      %dma_start3A_487 = arith.constant 0 : i32
      %dma_start3A_488 = arith.constant 0 : i32
      %dma_start3A_489 = tpu.memref_slice %arg13[%scan3A_111, %dma_start3A_487, %dma_start3A_488] : memref<2x128x128xf32, #tpu.memory_space<vmem>> -> memref<1x128x128xf32, #tpu.memory_space<vmem>>
      %dma_start3A_490 = tpu.memref_squeeze %dma_start3A_489 : memref<1x128x128xf32, #tpu.memory_space<vmem>> -> memref<128x128xf32, #tpu.memory_space<vmem>>
      %dma_start3A_491 = arith.constant 0 : i32
      %dma_start3A_492 = tpu.memref_slice %dma_start3A_490[%add3A_478, %dma_start3A_491] : memref<128x128xf32, #tpu.memory_space<vmem>> -> memref<1x128xf32, #tpu.memory_space<vmem>>
      %dma_start3A_493 = arith.constant 0 : i32
      %dma_start3A_494 = tpu.memref_slice %arg5[%squeeze3A_474, %dma_start3A_493] : memref<1000000x128xf32, #tpu.memory_space<hbm>> -> memref<1x128xf32, #tpu.memory_space<hbm>>
      tpu.enqueue_dma source(%dma_start3A_494 : memref<1x128xf32, #tpu.memory_space<hbm>>) target(%dma_start3A_492 : memref<1x128xf32, #tpu.memory_space<vmem>>) target_semaphore(%arg17 : memref<!tpu.dma_semaphore, #tpu.memory_space<semaphore_mem>>)
      %slice3A_495 = vector.extract_strided_slice %get3A_298 {offsets = [9], sizes = [1], strides = [1]} : vector<16xi32> to vector<1xi32>
      %squeeze3A_496 = vector.extract %slice3A_495[0] : i32 from vector<1xi32>
      %mul3A_497 = arith.constant 16 : i32
      %mul3A_498 = arith.muli %scan3A_293, %mul3A_497 : i32
      %add3A_499 = arith.constant 9 : i32
      %add3A_500 = arith.addi %mul3A_498, %add3A_499 : i32
      %dma_start3A_501 = arith.constant 0 : i32
      %dma_start3A_502 = arith.constant 0 : i32
      %dma_start3A_503 = tpu.memref_slice %arg13[%scan3A_111, %dma_start3A_501, %dma_start3A_502] : memref<2x128x128xf32, #tpu.memory_space<vmem>> -> memref<1x128x128xf32, #tpu.memory_space<vmem>>
      %dma_start3A_504 = tpu.memref_squeeze %dma_start3A_503 : memref<1x128x128xf32, #tpu.memory_space<vmem>> -> memref<128x128xf32, #tpu.memory_space<vmem>>
      %dma_start3A_505 = arith.constant 0 : i32
      %dma_start3A_506 = tpu.memref_slice %dma_start3A_504[%add3A_500, %dma_start3A_505] : memref<128x128xf32, #tpu.memory_space<vmem>> -> memref<1x128xf32, #tpu.memory_space<vmem>>
      %dma_start3A_507 = arith.constant 0 : i32
      %dma_start3A_508 = tpu.memref_slice %arg5[%squeeze3A_496, %dma_start3A_507] : memref<1000000x128xf32, #tpu.memory_space<hbm>> -> memref<1x128xf32, #tpu.memory_space<hbm>>
      %dma_start3A_509 = arith.constant 0 : i32
      %dma_start3A_510 = arith.constant 0 : i32
      %dma_start3A_511 = tpu.memref_slice %arg13[%scan3A_111, %dma_start3A_509, %dma_start3A_510] : memref<2x128x128xf32, #tpu.memory_space<vmem>> -> memref<1x128x128xf32, #tpu.memory_space<vmem>>
      %dma_start3A_512 = tpu.memref_squeeze %dma_start3A_511 : memref<1x128x128xf32, #tpu.memory_space<vmem>> -> memref<128x128xf32, #tpu.memory_space<vmem>>
      %dma_start3A_513 = arith.constant 0 : i32
      %dma_start3A_514 = tpu.memref_slice %dma_start3A_512[%add3A_500, %dma_start3A_513] : memref<128x128xf32, #tpu.memory_space<vmem>> -> memref<1x128xf32, #tpu.memory_space<vmem>>
      %dma_start3A_515 = arith.constant 0 : i32
      %dma_start3A_516 = tpu.memref_slice %arg5[%squeeze3A_496, %dma_start3A_515] : memref<1000000x128xf32, #tpu.memory_space<hbm>> -> memref<1x128xf32, #tpu.memory_space<hbm>>
      tpu.enqueue_dma source(%dma_start3A_516 : memref<1x128xf32, #tpu.memory_space<hbm>>) target(%dma_start3A_514 : memref<1x128xf32, #tpu.memory_space<vmem>>) target_semaphore(%arg17 : memref<!tpu.dma_semaphore, #tpu.memory_space<semaphore_mem>>)
      %slice3A_517 = vector.extract_strided_slice %get3A_298 {offsets = [10], sizes = [1], strides = [1]} : vector<16xi32> to vector<1xi32>
      %squeeze3A_518 = vector.extract %slice3A_517[0] : i32 from vector<1xi32>
      %mul3A_519 = arith.constant 16 : i32
      %mul3A_520 = arith.muli %scan3A_293, %mul3A_519 : i32
      %add3A_521 = arith.constant 10 : i32
      %add3A_522 = arith.addi %mul3A_520, %add3A_521 : i32
      %dma_start3A_523 = arith.constant 0 : i32
      %dma_start3A_524 = arith.constant 0 : i32
      %dma_start3A_525 = tpu.memref_slice %arg13[%scan3A_111, %dma_start3A_523, %dma_start3A_524] : memref<2x128x128xf32, #tpu.memory_space<vmem>> -> memref<1x128x128xf32, #tpu.memory_space<vmem>>
      %dma_start3A_526 = tpu.memref_squeeze %dma_start3A_525 : memref<1x128x128xf32, #tpu.memory_space<vmem>> -> memref<128x128xf32, #tpu.memory_space<vmem>>
      %dma_start3A_527 = arith.constant 0 : i32
      %dma_start3A_528 = tpu.memref_slice %dma_start3A_526[%add3A_522, %dma_start3A_527] : memref<128x128xf32, #tpu.memory_space<vmem>> -> memref<1x128xf32, #tpu.memory_space<vmem>>
      %dma_start3A_529 = arith.constant 0 : i32
      %dma_start3A_530 = tpu.memref_slice %arg5[%squeeze3A_518, %dma_start3A_529] : memref<1000000x128xf32, #tpu.memory_space<hbm>> -> memref<1x128xf32, #tpu.memory_space<hbm>>
      %dma_start3A_531 = arith.constant 0 : i32
      %dma_start3A_532 = arith.constant 0 : i32
      %dma_start3A_533 = tpu.memref_slice %arg13[%scan3A_111, %dma_start3A_531, %dma_start3A_532] : memref<2x128x128xf32, #tpu.memory_space<vmem>> -> memref<1x128x128xf32, #tpu.memory_space<vmem>>
      %dma_start3A_534 = tpu.memref_squeeze %dma_start3A_533 : memref<1x128x128xf32, #tpu.memory_space<vmem>> -> memref<128x128xf32, #tpu.memory_space<vmem>>
      %dma_start3A_535 = arith.constant 0 : i32
      %dma_start3A_536 = tpu.memref_slice %dma_start3A_534[%add3A_522, %dma_start3A_535] : memref<128x128xf32, #tpu.memory_space<vmem>> -> memref<1x128xf32, #tpu.memory_space<vmem>>
      %dma_start3A_537 = arith.constant 0 : i32
      %dma_start3A_538 = tpu.memref_slice %arg5[%squeeze3A_518, %dma_start3A_537] : memref<1000000x128xf32, #tpu.memory_space<hbm>> -> memref<1x128xf32, #tpu.memory_space<hbm>>
      tpu.enqueue_dma source(%dma_start3A_538 : memref<1x128xf32, #tpu.memory_space<hbm>>) target(%dma_start3A_536 : memref<1x128xf32, #tpu.memory_space<vmem>>) target_semaphore(%arg17 : memref<!tpu.dma_semaphore, #tpu.memory_space<semaphore_mem>>)
      %slice3A_539 = vector.extract_strided_slice %get3A_298 {offsets = [11], sizes = [1], strides = [1]} : vector<16xi32> to vector<1xi32>
      %squeeze3A_540 = vector.extract %slice3A_539[0] : i32 from vector<1xi32>
      %mul3A_541 = arith.constant 16 : i32
      %mul3A_542 = arith.muli %scan3A_293, %mul3A_541 : i32
      %add3A_543 = arith.constant 11 : i32
      %add3A_544 = arith.addi %mul3A_542, %add3A_543 : i32
      %dma_start3A_545 = arith.constant 0 : i32
      %dma_start3A_546 = arith.constant 0 : i32
      %dma_start3A_547 = tpu.memref_slice %arg13[%scan3A_111, %dma_start3A_545, %dma_start3A_546] : memref<2x128x128xf32, #tpu.memory_space<vmem>> -> memref<1x128x128xf32, #tpu.memory_space<vmem>>
      %dma_start3A_548 = tpu.memref_squeeze %dma_start3A_547 : memref<1x128x128xf32, #tpu.memory_space<vmem>> -> memref<128x128xf32, #tpu.memory_space<vmem>>
      %dma_start3A_549 = arith.constant 0 : i32
      %dma_start3A_550 = tpu.memref_slice %dma_start3A_548[%add3A_544, %dma_start3A_549] : memref<128x128xf32, #tpu.memory_space<vmem>> -> memref<1x128xf32, #tpu.memory_space<vmem>>
      %dma_start3A_551 = arith.constant 0 : i32
      %dma_start3A_552 = tpu.memref_slice %arg5[%squeeze3A_540, %dma_start3A_551] : memref<1000000x128xf32, #tpu.memory_space<hbm>> -> memref<1x128xf32, #tpu.memory_space<hbm>>
      %dma_start3A_553 = arith.constant 0 : i32
      %dma_start3A_554 = arith.constant 0 : i32
      %dma_start3A_555 = tpu.memref_slice %arg13[%scan3A_111, %dma_start3A_553, %dma_start3A_554] : memref<2x128x128xf32, #tpu.memory_space<vmem>> -> memref<1x128x128xf32, #tpu.memory_space<vmem>>
      %dma_start3A_556 = tpu.memref_squeeze %dma_start3A_555 : memref<1x128x128xf32, #tpu.memory_space<vmem>> -> memref<128x128xf32, #tpu.memory_space<vmem>>
      %dma_start3A_557 = arith.constant 0 : i32
      %dma_start3A_558 = tpu.memref_slice %dma_start3A_556[%add3A_544, %dma_start3A_557] : memref<128x128xf32, #tpu.memory_space<vmem>> -> memref<1x128xf32, #tpu.memory_space<vmem>>
      %dma_start3A_559 = arith.constant 0 : i32
      %dma_start3A_560 = tpu.memref_slice %arg5[%squeeze3A_540, %dma_start3A_559] : memref<1000000x128xf32, #tpu.memory_space<hbm>> -> memref<1x128xf32, #tpu.memory_space<hbm>>
      tpu.enqueue_dma source(%dma_start3A_560 : memref<1x128xf32, #tpu.memory_space<hbm>>) target(%dma_start3A_558 : memref<1x128xf32, #tpu.memory_space<vmem>>) target_semaphore(%arg17 : memref<!tpu.dma_semaphore, #tpu.memory_space<semaphore_mem>>)
      %slice3A_561 = vector.extract_strided_slice %get3A_298 {offsets = [12], sizes = [1], strides = [1]} : vector<16xi32> to vector<1xi32>
      %squeeze3A_562 = vector.extract %slice3A_561[0] : i32 from vector<1xi32>
      %mul3A_563 = arith.constant 16 : i32
      %mul3A_564 = arith.muli %scan3A_293, %mul3A_563 : i32
      %add3A_565 = arith.constant 12 : i32
      %add3A_566 = arith.addi %mul3A_564, %add3A_565 : i32
      %dma_start3A_567 = arith.constant 0 : i32
      %dma_start3A_568 = arith.constant 0 : i32
      %dma_start3A_569 = tpu.memref_slice %arg13[%scan3A_111, %dma_start3A_567, %dma_start3A_568] : memref<2x128x128xf32, #tpu.memory_space<vmem>> -> memref<1x128x128xf32, #tpu.memory_space<vmem>>
      %dma_start3A_570 = tpu.memref_squeeze %dma_start3A_569 : memref<1x128x128xf32, #tpu.memory_space<vmem>> -> memref<128x128xf32, #tpu.memory_space<vmem>>
      %dma_start3A_571 = arith.constant 0 : i32
      %dma_start3A_572 = tpu.memref_slice %dma_start3A_570[%add3A_566, %dma_start3A_571] : memref<128x128xf32, #tpu.memory_space<vmem>> -> memref<1x128xf32, #tpu.memory_space<vmem>>
      %dma_start3A_573 = arith.constant 0 : i32
      %dma_start3A_574 = tpu.memref_slice %arg5[%squeeze3A_562, %dma_start3A_573] : memref<1000000x128xf32, #tpu.memory_space<hbm>> -> memref<1x128xf32, #tpu.memory_space<hbm>>
      %dma_start3A_575 = arith.constant 0 : i32
      %dma_start3A_576 = arith.constant 0 : i32
      %dma_start3A_577 = tpu.memref_slice %arg13[%scan3A_111, %dma_start3A_575, %dma_start3A_576] : memref<2x128x128xf32, #tpu.memory_space<vmem>> -> memref<1x128x128xf32, #tpu.memory_space<vmem>>
      %dma_start3A_578 = tpu.memref_squeeze %dma_start3A_577 : memref<1x128x128xf32, #tpu.memory_space<vmem>> -> memref<128x128xf32, #tpu.memory_space<vmem>>
      %dma_start3A_579 = arith.constant 0 : i32
      %dma_start3A_580 = tpu.memref_slice %dma_start3A_578[%add3A_566, %dma_start3A_579] : memref<128x128xf32, #tpu.memory_space<vmem>> -> memref<1x128xf32, #tpu.memory_space<vmem>>
      %dma_start3A_581 = arith.constant 0 : i32
      %dma_start3A_582 = tpu.memref_slice %arg5[%squeeze3A_562, %dma_start3A_581] : memref<1000000x128xf32, #tpu.memory_space<hbm>> -> memref<1x128xf32, #tpu.memory_space<hbm>>
      tpu.enqueue_dma source(%dma_start3A_582 : memref<1x128xf32, #tpu.memory_space<hbm>>) target(%dma_start3A_580 : memref<1x128xf32, #tpu.memory_space<vmem>>) target_semaphore(%arg17 : memref<!tpu.dma_semaphore, #tpu.memory_space<semaphore_mem>>)
      %slice3A_583 = vector.extract_strided_slice %get3A_298 {offsets = [13], sizes = [1], strides = [1]} : vector<16xi32> to vector<1xi32>
      %squeeze3A_584 = vector.extract %slice3A_583[0] : i32 from vector<1xi32>
      %mul3A_585 = arith.constant 16 : i32
      %mul3A_586 = arith.muli %scan3A_293, %mul3A_585 : i32
      %add3A_587 = arith.constant 13 : i32
      %add3A_588 = arith.addi %mul3A_586, %add3A_587 : i32
      %dma_start3A_589 = arith.constant 0 : i32
      %dma_start3A_590 = arith.constant 0 : i32
      %dma_start3A_591 = tpu.memref_slice %arg13[%scan3A_111, %dma_start3A_589, %dma_start3A_590] : memref<2x128x128xf32, #tpu.memory_space<vmem>> -> memref<1x128x128xf32, #tpu.memory_space<vmem>>
      %dma_start3A_592 = tpu.memref_squeeze %dma_start3A_591 : memref<1x128x128xf32, #tpu.memory_space<vmem>> -> memref<128x128xf32, #tpu.memory_space<vmem>>
      %dma_start3A_593 = arith.constant 0 : i32
      %dma_start3A_594 = tpu.memref_slice %dma_start3A_592[%add3A_588, %dma_start3A_593] : memref<128x128xf32, #tpu.memory_space<vmem>> -> memref<1x128xf32, #tpu.memory_space<vmem>>
      %dma_start3A_595 = arith.constant 0 : i32
      %dma_start3A_596 = tpu.memref_slice %arg5[%squeeze3A_584, %dma_start3A_595] : memref<1000000x128xf32, #tpu.memory_space<hbm>> -> memref<1x128xf32, #tpu.memory_space<hbm>>
      %dma_start3A_597 = arith.constant 0 : i32
      %dma_start3A_598 = arith.constant 0 : i32
      %dma_start3A_599 = tpu.memref_slice %arg13[%scan3A_111, %dma_start3A_597, %dma_start3A_598] : memref<2x128x128xf32, #tpu.memory_space<vmem>> -> memref<1x128x128xf32, #tpu.memory_space<vmem>>
      %dma_start3A_600 = tpu.memref_squeeze %dma_start3A_599 : memref<1x128x128xf32, #tpu.memory_space<vmem>> -> memref<128x128xf32, #tpu.memory_space<vmem>>
      %dma_start3A_601 = arith.constant 0 : i32
      %dma_start3A_602 = tpu.memref_slice %dma_start3A_600[%add3A_588, %dma_start3A_601] : memref<128x128xf32, #tpu.memory_space<vmem>> -> memref<1x128xf32, #tpu.memory_space<vmem>>
      %dma_start3A_603 = arith.constant 0 : i32
      %dma_start3A_604 = tpu.memref_slice %arg5[%squeeze3A_584, %dma_start3A_603] : memref<1000000x128xf32, #tpu.memory_space<hbm>> -> memref<1x128xf32, #tpu.memory_space<hbm>>
      tpu.enqueue_dma source(%dma_start3A_604 : memref<1x128xf32, #tpu.memory_space<hbm>>) target(%dma_start3A_602 : memref<1x128xf32, #tpu.memory_space<vmem>>) target_semaphore(%arg17 : memref<!tpu.dma_semaphore, #tpu.memory_space<semaphore_mem>>)
      %slice3A_605 = vector.extract_strided_slice %get3A_298 {offsets = [14], sizes = [1], strides = [1]} : vector<16xi32> to vector<1xi32>
      %squeeze3A_606 = vector.extract %slice3A_605[0] : i32 from vector<1xi32>
      %mul3A_607 = arith.constant 16 : i32
      %mul3A_608 = arith.muli %scan3A_293, %mul3A_607 : i32
      %add3A_609 = arith.constant 14 : i32
      %add3A_610 = arith.addi %mul3A_608, %add3A_609 : i32
      %dma_start3A_611 = arith.constant 0 : i32
      %dma_start3A_612 = arith.constant 0 : i32
      %dma_start3A_613 = tpu.memref_slice %arg13[%scan3A_111, %dma_start3A_611, %dma_start3A_612] : memref<2x128x128xf32, #tpu.memory_space<vmem>> -> memref<1x128x128xf32, #tpu.memory_space<vmem>>
      %dma_start3A_614 = tpu.memref_squeeze %dma_start3A_613 : memref<1x128x128xf32, #tpu.memory_space<vmem>> -> memref<128x128xf32, #tpu.memory_space<vmem>>
      %dma_start3A_615 = arith.constant 0 : i32
      %dma_start3A_616 = tpu.memref_slice %dma_start3A_614[%add3A_610, %dma_start3A_615] : memref<128x128xf32, #tpu.memory_space<vmem>> -> memref<1x128xf32, #tpu.memory_space<vmem>>
      %dma_start3A_617 = arith.constant 0 : i32
      %dma_start3A_618 = tpu.memref_slice %arg5[%squeeze3A_606, %dma_start3A_617] : memref<1000000x128xf32, #tpu.memory_space<hbm>> -> memref<1x128xf32, #tpu.memory_space<hbm>>
      %dma_start3A_619 = arith.constant 0 : i32
      %dma_start3A_620 = arith.constant 0 : i32
      %dma_start3A_621 = tpu.memref_slice %arg13[%scan3A_111, %dma_start3A_619, %dma_start3A_620] : memref<2x128x128xf32, #tpu.memory_space<vmem>> -> memref<1x128x128xf32, #tpu.memory_space<vmem>>
      %dma_start3A_622 = tpu.memref_squeeze %dma_start3A_621 : memref<1x128x128xf32, #tpu.memory_space<vmem>> -> memref<128x128xf32, #tpu.memory_space<vmem>>
      %dma_start3A_623 = arith.constant 0 : i32
      %dma_start3A_624 = tpu.memref_slice %dma_start3A_622[%add3A_610, %dma_start3A_623] : memref<128x128xf32, #tpu.memory_space<vmem>> -> memref<1x128xf32, #tpu.memory_space<vmem>>
      %dma_start3A_625 = arith.constant 0 : i32
      %dma_start3A_626 = tpu.memref_slice %arg5[%squeeze3A_606, %dma_start3A_625] : memref<1000000x128xf32, #tpu.memory_space<hbm>> -> memref<1x128xf32, #tpu.memory_space<hbm>>
      tpu.enqueue_dma source(%dma_start3A_626 : memref<1x128xf32, #tpu.memory_space<hbm>>) target(%dma_start3A_624 : memref<1x128xf32, #tpu.memory_space<vmem>>) target_semaphore(%arg17 : memref<!tpu.dma_semaphore, #tpu.memory_space<semaphore_mem>>)
      %slice3A_627 = vector.extract_strided_slice %get3A_298 {offsets = [15], sizes = [1], strides = [1]} : vector<16xi32> to vector<1xi32>
      %squeeze3A_628 = vector.extract %slice3A_627[0] : i32 from vector<1xi32>
      %mul3A_629 = arith.constant 16 : i32
      %mul3A_630 = arith.muli %scan3A_293, %mul3A_629 : i32
      %add3A_631 = arith.constant 15 : i32
      %add3A_632 = arith.addi %mul3A_630, %add3A_631 : i32
      %dma_start3A_633 = arith.constant 0 : i32
      %dma_start3A_634 = arith.constant 0 : i32
      %dma_start3A_635 = tpu.memref_slice %arg13[%scan3A_111, %dma_start3A_633, %dma_start3A_634] : memref<2x128x128xf32, #tpu.memory_space<vmem>> -> memref<1x128x128xf32, #tpu.memory_space<vmem>>
      %dma_start3A_636 = tpu.memref_squeeze %dma_start3A_635 : memref<1x128x128xf32, #tpu.memory_space<vmem>> -> memref<128x128xf32, #tpu.memory_space<vmem>>
      %dma_start3A_637 = arith.constant 0 : i32
      %dma_start3A_638 = tpu.memref_slice %dma_start3A_636[%add3A_632, %dma_start3A_637] : memref<128x128xf32, #tpu.memory_space<vmem>> -> memref<1x128xf32, #tpu.memory_space<vmem>>
      %dma_start3A_639 = arith.constant 0 : i32
      %dma_start3A_640 = tpu.memref_slice %arg5[%squeeze3A_628, %dma_start3A_639] : memref<1000000x128xf32, #tpu.memory_space<hbm>> -> memref<1x128xf32, #tpu.memory_space<hbm>>
      %dma_start3A_641 = arith.constant 0 : i32
      %dma_start3A_642 = arith.constant 0 : i32
      %dma_start3A_643 = tpu.memref_slice %arg13[%scan3A_111, %dma_start3A_641, %dma_start3A_642] : memref<2x128x128xf32, #tpu.memory_space<vmem>> -> memref<1x128x128xf32, #tpu.memory_space<vmem>>
      %dma_start3A_644 = tpu.memref_squeeze %dma_start3A_643 : memref<1x128x128xf32, #tpu.memory_space<vmem>> -> memref<128x128xf32, #tpu.memory_space<vmem>>
      %dma_start3A_645 = arith.constant 0 : i32
      %dma_start3A_646 = tpu.memref_slice %dma_start3A_644[%add3A_632, %dma_start3A_645] : memref<128x128xf32, #tpu.memory_space<vmem>> -> memref<1x128xf32, #tpu.memory_space<vmem>>
      %dma_start3A_647 = arith.constant 0 : i32
      %dma_start3A_648 = tpu.memref_slice %arg5[%squeeze3A_628, %dma_start3A_647] : memref<1000000x128xf32, #tpu.memory_space<hbm>> -> memref<1x128xf32, #tpu.memory_space<hbm>>
      tpu.enqueue_dma source(%dma_start3A_648 : memref<1x128xf32, #tpu.memory_space<hbm>>) target(%dma_start3A_646 : memref<1x128xf32, #tpu.memory_space<vmem>>) target_semaphore(%arg17 : memref<!tpu.dma_semaphore, #tpu.memory_space<semaphore_mem>>)
    }
    %scan3A_116 = arith.constant 8 : i32
    %dma_start3A_117 = arith.constant 0 : i32
    %dma_start3A_118 = arith.constant 0 : i32
    %dma_start3A_119 = arith.constant 0 : i32
    %dma_start3A_120 = tpu.memref_slice %arg11[%dma_start3A_117, %dma_start3A_118, %dma_start3A_119] : memref<2x128x128xf32, #tpu.memory_space<vmem>> -> memref<1x128x128xf32, #tpu.memory_space<vmem>>
    %dma_start3A_121 = tpu.memref_squeeze %dma_start3A_120 : memref<1x128x128xf32, #tpu.memory_space<vmem>> -> memref<128x128xf32, #tpu.memory_space<vmem>>
    %dma_start3A_122 = arith.constant 256 : i32
    %dma_start3A_123 = tpu.memref_slice %arg8[%dma_start3A_122] : memref<512xi32, #tpu.memory_space<vmem>> -> memref<128xi32, #tpu.memory_space<vmem>>
    %dma_start3A_124 = arith.constant 0 : i32
    %dma_start3A_125 = arith.constant 0 : i32
    %dma_start3A_126 = tpu.memref_slice %arg5[%dma_start3A_124, %dma_start3A_125] : memref<1000000x128xf32, #tpu.memory_space<hbm>> -> memref<1000000x128xf32, #tpu.memory_space<hbm>>
    tpu.enqueue_indirect_dma source(%dma_start3A_126 : memref<1000000x128xf32, #tpu.memory_space<hbm>>) target(%dma_start3A_121 : memref<128x128xf32, #tpu.memory_space<vmem>>) offsets(%dma_start3A_123 : memref<128xi32, #tpu.memory_space<vmem>>) semaphore(%arg15 : memref<!tpu.dma_semaphore, #tpu.memory_space<semaphore_mem>>)
    %dma_start3A_127 = arith.constant 0 : i32
    %dma_start3A_128 = arith.constant 0 : i32
    %dma_start3A_129 = arith.constant 0 : i32
    %dma_start3A_130 = tpu.memref_slice %arg12[%dma_start3A_127, %dma_start3A_128, %dma_start3A_129] : memref<2x128x128xf32, #tpu.memory_space<vmem>> -> memref<1x128x128xf32, #tpu.memory_space<vmem>>
    %dma_start3A_131 = tpu.memref_squeeze %dma_start3A_130 : memref<1x128x128xf32, #tpu.memory_space<vmem>> -> memref<128x128xf32, #tpu.memory_space<vmem>>
    %dma_start3A_132 = arith.constant 256 : i32
    %dma_start3A_133 = tpu.memref_slice %arg9[%dma_start3A_132] : memref<512xi32, #tpu.memory_space<vmem>> -> memref<128xi32, #tpu.memory_space<vmem>>
    %dma_start3A_134 = arith.constant 0 : i32
    %dma_start3A_135 = arith.constant 0 : i32
    %dma_start3A_136 = tpu.memref_slice %arg6[%dma_start3A_134, %dma_start3A_135] : memref<1000x128xf32, #tpu.memory_space<hbm>> -> memref<1000x128xf32, #tpu.memory_space<hbm>>
    tpu.enqueue_indirect_dma source(%dma_start3A_136 : memref<1000x128xf32, #tpu.memory_space<hbm>>) target(%dma_start3A_131 : memref<128x128xf32, #tpu.memory_space<vmem>>) offsets(%dma_start3A_133 : memref<128xi32, #tpu.memory_space<vmem>>) semaphore(%arg15 : memref<!tpu.dma_semaphore, #tpu.memory_space<semaphore_mem>>)
    %dma_wait3A_137 = arith.constant 1 : i32
    %dma_wait3A_138 = arith.constant 0 : i32
    %dma_wait3A_139 = arith.constant 0 : i32
    %dma_wait3A_140 = tpu.memref_slice %arg11[%dma_wait3A_137, %dma_wait3A_138, %dma_wait3A_139] : memref<2x128x128xf32, #tpu.memory_space<vmem>> -> memref<1x128x128xf32, #tpu.memory_space<vmem>>
    %dma_wait3A_141 = tpu.memref_squeeze %dma_wait3A_140 : memref<1x128x128xf32, #tpu.memory_space<vmem>> -> memref<128x128xf32, #tpu.memory_space<vmem>>
    %dma_wait3A_142 = arith.constant 128 : i32
    %dma_wait3A_143 = tpu.memref_slice %arg8[%dma_wait3A_142] : memref<512xi32, #tpu.memory_space<vmem>> -> memref<128xi32, #tpu.memory_space<vmem>>
    %dma_wait3A_144 = arith.constant 0 : i32
    %dma_wait3A_145 = arith.constant 0 : i32
    %dma_wait3A_146 = tpu.memref_slice %arg5[%dma_wait3A_144, %dma_wait3A_145] : memref<1000000x128xf32, #tpu.memory_space<hbm>> -> memref<1000000x128xf32, #tpu.memory_space<hbm>>
    tpu.wait_indirect_dma semaphore(%arg16 : memref<!tpu.dma_semaphore, #tpu.memory_space<semaphore_mem>>) src(%dma_wait3A_146 : memref<1000000x128xf32, #tpu.memory_space<hbm>>) dst(%dma_wait3A_141 : memref<128x128xf32, #tpu.memory_space<vmem>>)
    %dma_wait3A_147 = arith.constant 1 : i32
    %dma_wait3A_148 = arith.constant 0 : i32
    %dma_wait3A_149 = arith.constant 0 : i32
    %dma_wait3A_150 = tpu.memref_slice %arg12[%dma_wait3A_147, %dma_wait3A_148, %dma_wait3A_149] : memref<2x128x128xf32, #tpu.memory_space<vmem>> -> memref<1x128x128xf32, #tpu.memory_space<vmem>>
    %dma_wait3A_151 = tpu.memref_squeeze %dma_wait3A_150 : memref<1x128x128xf32, #tpu.memory_space<vmem>> -> memref<128x128xf32, #tpu.memory_space<vmem>>
    %dma_wait3A_152 = arith.constant 128 : i32
    %dma_wait3A_153 = tpu.memref_slice %arg9[%dma_wait3A_152] : memref<512xi32, #tpu.memory_space<vmem>> -> memref<128xi32, #tpu.memory_space<vmem>>
    %dma_wait3A_154 = arith.constant 0 : i32
    %dma_wait3A_155 = arith.constant 0 : i32
    %dma_wait3A_156 = tpu.memref_slice %arg6[%dma_wait3A_154, %dma_wait3A_155] : memref<1000x128xf32, #tpu.memory_space<hbm>> -> memref<1000x128xf32, #tpu.memory_space<hbm>>
    tpu.wait_indirect_dma semaphore(%arg16 : memref<!tpu.dma_semaphore, #tpu.memory_space<semaphore_mem>>) src(%dma_wait3A_156 : memref<1000x128xf32, #tpu.memory_space<hbm>>) dst(%dma_wait3A_151 : memref<128x128xf32, #tpu.memory_space<vmem>>)
    %dma_wait3A_157 = arith.constant 1 : i32
    %dma_wait3A_158 = arith.constant 0 : i32
    %dma_wait3A_159 = arith.constant 0 : i32
    %dma_wait3A_160 = tpu.memref_slice %arg13[%dma_wait3A_157, %dma_wait3A_158, %dma_wait3A_159] : memref<2x128x128xf32, #tpu.memory_space<vmem>> -> memref<1x128x128xf32, #tpu.memory_space<vmem>>
    %dma_wait3A_161 = tpu.memref_squeeze %dma_wait3A_160 : memref<1x128x128xf32, #tpu.memory_space<vmem>> -> memref<128x128xf32, #tpu.memory_space<vmem>>
    %dma_wait3A_162 = arith.constant 0 : i32
    %dma_wait3A_163 = arith.constant 0 : i32
    %dma_wait3A_164 = tpu.memref_slice %arg5[%dma_wait3A_162, %dma_wait3A_163] : memref<1000000x128xf32, #tpu.memory_space<hbm>> -> memref<128x128xf32, #tpu.memory_space<hbm>>
    %dma_wait3A_165 = arith.constant 0 : i32
    %dma_wait3A_166 = arith.constant 0 : i32
    %dma_wait3A_167 = tpu.memref_slice %arg13[%dma_wait3A_157, %dma_wait3A_165, %dma_wait3A_166] : memref<2x128x128xf32, #tpu.memory_space<vmem>> -> memref<1x128x128xf32, #tpu.memory_space<vmem>>
    %dma_wait3A_168 = tpu.memref_squeeze %dma_wait3A_167 : memref<1x128x128xf32, #tpu.memory_space<vmem>> -> memref<128x128xf32, #tpu.memory_space<vmem>>
    %dma_wait3A_169 = arith.constant 0 : i32
    %dma_wait3A_170 = arith.constant 0 : i32
    %dma_wait3A_171 = tpu.memref_slice %arg5[%dma_wait3A_169, %dma_wait3A_170] : memref<1000000x128xf32, #tpu.memory_space<hbm>> -> memref<128x128xf32, #tpu.memory_space<hbm>>
    tpu.wait_dma2 semaphore(%arg18 : memref<!tpu.dma_semaphore, #tpu.memory_space<semaphore_mem>>) src(%dma_wait3A_171 : memref<128x128xf32, #tpu.memory_space<hbm>>) dst(%dma_wait3A_168 : memref<128x128xf32, #tpu.memory_space<vmem>>)
    %parallel_loop3A_172 = arith.constant 0 : i32
    %parallel_loop3A_173 = arith.constant 128 : i32
    %parallel_loop3A_174 = arith.constant 1 : i32
    %parallel_loop3A_175 = arith.constant 1 : i32
    %parallel_loop3A_176 = arith.constant 1 : i32
    %parallel_loop3A_177 = arith.constant 1 : i32
    %parallel_loop3A_178 = arith.constant 0 : i32
    %parallel_loop3A_179 = scf.for %parallel_loop3A_293 = %parallel_loop3A_172 to %parallel_loop3A_173 step %parallel_loop3A_174 iter_args(%parallel_loop3A_294 = %parallel_loop3A_178) -> (i32)  : i32 {
      %parallel_loop3A_295 = arith.constant 0 : i32
      %parallel_loop3A_296 = arith.constant 0 : i32
      %parallel_loop3A_297 = tpu.memref_slice %arg11[%parallel_loop3A_175, %parallel_loop3A_295, %parallel_loop3A_296] : memref<2x128x128xf32, #tpu.memory_space<vmem>> -> memref<1x128x128xf32, #tpu.memory_space<vmem>>
      %parallel_loop3A_298 = tpu.memref_squeeze %parallel_loop3A_297 : memref<1x128x128xf32, #tpu.memory_space<vmem>> -> memref<128x128xf32, #tpu.memory_space<vmem>>
      %parallel_loop3A_299 = arith.index_cast %parallel_loop3A_293 : i32 to index
      %parallel_loop3A_300 = arith.constant 0 : index
      %parallel_loop3A_301 = tpu.vector_load %parallel_loop3A_298[%parallel_loop3A_299, %parallel_loop3A_300] {strides = array<i32>} : memref<128x128xf32, #tpu.memory_space<vmem>>, vector<16xf32>,
      %parallel_loop3A_302 = arith.constant 0 : i32
      %parallel_loop3A_303 = arith.constant 0 : i32
      %parallel_loop3A_304 = tpu.memref_slice %arg11[%parallel_loop3A_175, %parallel_loop3A_302, %parallel_loop3A_303] : memref<2x128x128xf32, #tpu.memory_space<vmem>> -> memref<1x128x128xf32, #tpu.memory_space<vmem>>
      %parallel_loop3A_305 = tpu.memref_squeeze %parallel_loop3A_304 : memref<1x128x128xf32, #tpu.memory_space<vmem>> -> memref<128x128xf32, #tpu.memory_space<vmem>>
      %parallel_loop3A_306 = arith.index_cast %parallel_loop3A_293 : i32 to index
      %parallel_loop3A_307 = arith.constant 64 : index
      %parallel_loop3A_308 = tpu.vector_load %parallel_loop3A_305[%parallel_loop3A_306, %parallel_loop3A_307] {strides = array<i32>} : memref<128x128xf32, #tpu.memory_space<vmem>>, vector<16xf32>,
      %parallel_loop3A_309 = arith.constant 0 : i32
      %parallel_loop3A_310 = arith.constant 0 : i32
      %parallel_loop3A_311 = tpu.memref_slice %arg12[%parallel_loop3A_176, %parallel_loop3A_309, %parallel_loop3A_310] : memref<2x128x128xf32, #tpu.memory_space<vmem>> -> memref<1x128x128xf32, #tpu.memory_space<vmem>>
      %parallel_loop3A_312 = tpu.memref_squeeze %parallel_loop3A_311 : memref<1x128x128xf32, #tpu.memory_space<vmem>> -> memref<128x128xf32, #tpu.memory_space<vmem>>
      %parallel_loop3A_313 = arith.index_cast %parallel_loop3A_293 : i32 to index
      %parallel_loop3A_314 = arith.constant 0 : index
      %parallel_loop3A_315 = tpu.vector_load %parallel_loop3A_312[%parallel_loop3A_313, %parallel_loop3A_314] {strides = array<i32>} : memref<128x128xf32, #tpu.memory_space<vmem>>, vector<16xf32>,
      %parallel_loop3A_316 = arith.constant 0 : i32
      %parallel_loop3A_317 = arith.constant 0 : i32
      %parallel_loop3A_318 = tpu.memref_slice %arg12[%parallel_loop3A_176, %parallel_loop3A_316, %parallel_loop3A_317] : memref<2x128x128xf32, #tpu.memory_space<vmem>> -> memref<1x128x128xf32, #tpu.memory_space<vmem>>
      %parallel_loop3A_319 = tpu.memref_squeeze %parallel_loop3A_318 : memref<1x128x128xf32, #tpu.memory_space<vmem>> -> memref<128x128xf32, #tpu.memory_space<vmem>>
      %parallel_loop3A_320 = arith.index_cast %parallel_loop3A_293 : i32 to index
      %parallel_loop3A_321 = arith.constant 64 : index
      %parallel_loop3A_322 = tpu.vector_load %parallel_loop3A_319[%parallel_loop3A_320, %parallel_loop3A_321] {strides = array<i32>} : memref<128x128xf32, #tpu.memory_space<vmem>>, vector<16xf32>,
      %parallel_loop3A_323 = arith.constant 0 : i32
      %parallel_loop3A_324 = arith.constant 0 : i32
      %parallel_loop3A_325 = tpu.memref_slice %arg13[%parallel_loop3A_177, %parallel_loop3A_323, %parallel_loop3A_324] : memref<2x128x128xf32, #tpu.memory_space<vmem>> -> memref<1x128x128xf32, #tpu.memory_space<vmem>>
      %parallel_loop3A_326 = tpu.memref_squeeze %parallel_loop3A_325 : memref<1x128x128xf32, #tpu.memory_space<vmem>> -> memref<128x128xf32, #tpu.memory_space<vmem>>
      %parallel_loop3A_327 = arith.index_cast %parallel_loop3A_293 : i32 to index
      %parallel_loop3A_328 = arith.constant 0 : index
      %parallel_loop3A_329 = tpu.vector_load %parallel_loop3A_326[%parallel_loop3A_327, %parallel_loop3A_328] {strides = array<i32>} : memref<128x128xf32, #tpu.memory_space<vmem>>, vector<16xf32>,
      %parallel_loop3A_330 = arith.constant 0 : i32
      %parallel_loop3A_331 = arith.constant 0 : i32
      %parallel_loop3A_332 = tpu.memref_slice %arg13[%parallel_loop3A_177, %parallel_loop3A_330, %parallel_loop3A_331] : memref<2x128x128xf32, #tpu.memory_space<vmem>> -> memref<1x128x128xf32, #tpu.memory_space<vmem>>
      %parallel_loop3A_333 = tpu.memref_squeeze %parallel_loop3A_332 : memref<1x128x128xf32, #tpu.memory_space<vmem>> -> memref<128x128xf32, #tpu.memory_space<vmem>>
      %parallel_loop3A_334 = arith.index_cast %parallel_loop3A_293 : i32 to index
      %parallel_loop3A_335 = arith.constant 64 : index
      %parallel_loop3A_336 = tpu.vector_load %parallel_loop3A_333[%parallel_loop3A_334, %parallel_loop3A_335] {strides = array<i32>} : memref<128x128xf32, #tpu.memory_space<vmem>>, vector<16xf32>,
      %parallel_loop3A_337 = arith.mulf %parallel_loop3A_315, %parallel_loop3A_329 : vector<16xf32>
      %parallel_loop3A_338 = arith.mulf %parallel_loop3A_322, %parallel_loop3A_336 : vector<16xf32>
      %parallel_loop3A_339 = arith.addf %parallel_loop3A_337, %parallel_loop3A_338 : vector<16xf32>
      %parallel_loop3A_340 = arith.mulf %parallel_loop3A_301, %parallel_loop3A_339 : vector<16xf32>
      %parallel_loop3A_341 = arith.mulf %parallel_loop3A_315, %parallel_loop3A_336 : vector<16xf32>
      %parallel_loop3A_342 = arith.mulf %parallel_loop3A_322, %parallel_loop3A_329 : vector<16xf32>
      %parallel_loop3A_343 = arith.subf %parallel_loop3A_341, %parallel_loop3A_342 : vector<16xf32>
      %parallel_loop3A_344 = arith.mulf %parallel_loop3A_308, %parallel_loop3A_343 : vector<16xf32>
      %parallel_loop3A_345 = arith.addf %parallel_loop3A_340, %parallel_loop3A_344 : vector<16xf32>
      %parallel_loop3A_346 = arith.constant 0 : i32
      %parallel_loop3A_347 = arith.constant 0 : i32
      %parallel_loop3A_348 = tpu.memref_slice %arg11[%parallel_loop3A_175, %parallel_loop3A_346, %parallel_loop3A_347] : memref<2x128x128xf32, #tpu.memory_space<vmem>> -> memref<1x128x128xf32, #tpu.memory_space<vmem>>
      %parallel_loop3A_349 = tpu.memref_squeeze %parallel_loop3A_348 : memref<1x128x128xf32, #tpu.memory_space<vmem>> -> memref<128x128xf32, #tpu.memory_space<vmem>>
      %parallel_loop3A_350 = arith.index_cast %parallel_loop3A_293 : i32 to index
      %parallel_loop3A_351 = arith.constant 16 : index
      %parallel_loop3A_352 = tpu.vector_load %parallel_loop3A_349[%parallel_loop3A_350, %parallel_loop3A_351] {strides = array<i32>} : memref<128x128xf32, #tpu.memory_space<vmem>>, vector<16xf32>,
      %parallel_loop3A_353 = arith.constant 0 : i32
      %parallel_loop3A_354 = arith.constant 0 : i32
      %parallel_loop3A_355 = tpu.memref_slice %arg11[%parallel_loop3A_175, %parallel_loop3A_353, %parallel_loop3A_354] : memref<2x128x128xf32, #tpu.memory_space<vmem>> -> memref<1x128x128xf32, #tpu.memory_space<vmem>>
      %parallel_loop3A_356 = tpu.memref_squeeze %parallel_loop3A_355 : memref<1x128x128xf32, #tpu.memory_space<vmem>> -> memref<128x128xf32, #tpu.memory_space<vmem>>
      %parallel_loop3A_357 = arith.index_cast %parallel_loop3A_293 : i32 to index
      %parallel_loop3A_358 = arith.constant 80 : index
      %parallel_loop3A_359 = tpu.vector_load %parallel_loop3A_356[%parallel_loop3A_357, %parallel_loop3A_358] {strides = array<i32>} : memref<128x128xf32, #tpu.memory_space<vmem>>, vector<16xf32>,
      %parallel_loop3A_360 = arith.constant 0 : i32
      %parallel_loop3A_361 = arith.constant 0 : i32
      %parallel_loop3A_362 = tpu.memref_slice %arg12[%parallel_loop3A_176, %parallel_loop3A_360, %parallel_loop3A_361] : memref<2x128x128xf32, #tpu.memory_space<vmem>> -> memref<1x128x128xf32, #tpu.memory_space<vmem>>
      %parallel_loop3A_363 = tpu.memref_squeeze %parallel_loop3A_362 : memref<1x128x128xf32, #tpu.memory_space<vmem>> -> memref<128x128xf32, #tpu.memory_space<vmem>>
      %parallel_loop3A_364 = arith.index_cast %parallel_loop3A_293 : i32 to index
      %parallel_loop3A_365 = arith.constant 16 : index
      %parallel_loop3A_366 = tpu.vector_load %parallel_loop3A_363[%parallel_loop3A_364, %parallel_loop3A_365] {strides = array<i32>} : memref<128x128xf32, #tpu.memory_space<vmem>>, vector<16xf32>,
      %parallel_loop3A_367 = arith.constant 0 : i32
      %parallel_loop3A_368 = arith.constant 0 : i32
      %parallel_loop3A_369 = tpu.memref_slice %arg12[%parallel_loop3A_176, %parallel_loop3A_367, %parallel_loop3A_368] : memref<2x128x128xf32, #tpu.memory_space<vmem>> -> memref<1x128x128xf32, #tpu.memory_space<vmem>>
      %parallel_loop3A_370 = tpu.memref_squeeze %parallel_loop3A_369 : memref<1x128x128xf32, #tpu.memory_space<vmem>> -> memref<128x128xf32, #tpu.memory_space<vmem>>
      %parallel_loop3A_371 = arith.index_cast %parallel_loop3A_293 : i32 to index
      %parallel_loop3A_372 = arith.constant 80 : index
      %parallel_loop3A_373 = tpu.vector_load %parallel_loop3A_370[%parallel_loop3A_371, %parallel_loop3A_372] {strides = array<i32>} : memref<128x128xf32, #tpu.memory_space<vmem>>, vector<16xf32>,
      %parallel_loop3A_374 = arith.constant 0 : i32
      %parallel_loop3A_375 = arith.constant 0 : i32
      %parallel_loop3A_376 = tpu.memref_slice %arg13[%parallel_loop3A_177, %parallel_loop3A_374, %parallel_loop3A_375] : memref<2x128x128xf32, #tpu.memory_space<vmem>> -> memref<1x128x128xf32, #tpu.memory_space<vmem>>
      %parallel_loop3A_377 = tpu.memref_squeeze %parallel_loop3A_376 : memref<1x128x128xf32, #tpu.memory_space<vmem>> -> memref<128x128xf32, #tpu.memory_space<vmem>>
      %parallel_loop3A_378 = arith.index_cast %parallel_loop3A_293 : i32 to index
      %parallel_loop3A_379 = arith.constant 16 : index
      %parallel_loop3A_380 = tpu.vector_load %parallel_loop3A_377[%parallel_loop3A_378, %parallel_loop3A_379] {strides = array<i32>} : memref<128x128xf32, #tpu.memory_space<vmem>>, vector<16xf32>,
      %parallel_loop3A_381 = arith.constant 0 : i32
      %parallel_loop3A_382 = arith.constant 0 : i32
      %parallel_loop3A_383 = tpu.memref_slice %arg13[%parallel_loop3A_177, %parallel_loop3A_381, %parallel_loop3A_382] : memref<2x128x128xf32, #tpu.memory_space<vmem>> -> memref<1x128x128xf32, #tpu.memory_space<vmem>>
      %parallel_loop3A_384 = tpu.memref_squeeze %parallel_loop3A_383 : memref<1x128x128xf32, #tpu.memory_space<vmem>> -> memref<128x128xf32, #tpu.memory_space<vmem>>
      %parallel_loop3A_385 = arith.index_cast %parallel_loop3A_293 : i32 to index
      %parallel_loop3A_386 = arith.constant 80 : index
      %parallel_loop3A_387 = tpu.vector_load %parallel_loop3A_384[%parallel_loop3A_385, %parallel_loop3A_386] {strides = array<i32>} : memref<128x128xf32, #tpu.memory_space<vmem>>, vector<16xf32>,
      %parallel_loop3A_388 = arith.mulf %parallel_loop3A_366, %parallel_loop3A_380 : vector<16xf32>
      %parallel_loop3A_389 = arith.mulf %parallel_loop3A_373, %parallel_loop3A_387 : vector<16xf32>
      %parallel_loop3A_390 = arith.addf %parallel_loop3A_388, %parallel_loop3A_389 : vector<16xf32>
      %parallel_loop3A_391 = arith.mulf %parallel_loop3A_352, %parallel_loop3A_390 : vector<16xf32>
      %parallel_loop3A_392 = arith.mulf %parallel_loop3A_366, %parallel_loop3A_387 : vector<16xf32>
      %parallel_loop3A_393 = arith.mulf %parallel_loop3A_373, %parallel_loop3A_380 : vector<16xf32>
      %parallel_loop3A_394 = arith.subf %parallel_loop3A_392, %parallel_loop3A_393 : vector<16xf32>
      %parallel_loop3A_395 = arith.mulf %parallel_loop3A_359, %parallel_loop3A_394 : vector<16xf32>
      %parallel_loop3A_396 = arith.addf %parallel_loop3A_391, %parallel_loop3A_395 : vector<16xf32>
      %parallel_loop3A_397 = arith.constant 0 : i32
      %parallel_loop3A_398 = arith.constant 0 : i32
      %parallel_loop3A_399 = tpu.memref_slice %arg11[%parallel_loop3A_175, %parallel_loop3A_397, %parallel_loop3A_398] : memref<2x128x128xf32, #tpu.memory_space<vmem>> -> memref<1x128x128xf32, #tpu.memory_space<vmem>>
      %parallel_loop3A_400 = tpu.memref_squeeze %parallel_loop3A_399 : memref<1x128x128xf32, #tpu.memory_space<vmem>> -> memref<128x128xf32, #tpu.memory_space<vmem>>
      %parallel_loop3A_401 = arith.index_cast %parallel_loop3A_293 : i32 to index
      %parallel_loop3A_402 = arith.constant 32 : index
      %parallel_loop3A_403 = tpu.vector_load %parallel_loop3A_400[%parallel_loop3A_401, %parallel_loop3A_402] {strides = array<i32>} : memref<128x128xf32, #tpu.memory_space<vmem>>, vector<16xf32>,
      %parallel_loop3A_404 = arith.constant 0 : i32
      %parallel_loop3A_405 = arith.constant 0 : i32
      %parallel_loop3A_406 = tpu.memref_slice %arg11[%parallel_loop3A_175, %parallel_loop3A_404, %parallel_loop3A_405] : memref<2x128x128xf32, #tpu.memory_space<vmem>> -> memref<1x128x128xf32, #tpu.memory_space<vmem>>
      %parallel_loop3A_407 = tpu.memref_squeeze %parallel_loop3A_406 : memref<1x128x128xf32, #tpu.memory_space<vmem>> -> memref<128x128xf32, #tpu.memory_space<vmem>>
      %parallel_loop3A_408 = arith.index_cast %parallel_loop3A_293 : i32 to index
      %parallel_loop3A_409 = arith.constant 96 : index
      %parallel_loop3A_410 = tpu.vector_load %parallel_loop3A_407[%parallel_loop3A_408, %parallel_loop3A_409] {strides = array<i32>} : memref<128x128xf32, #tpu.memory_space<vmem>>, vector<16xf32>,
      %parallel_loop3A_411 = arith.constant 0 : i32
      %parallel_loop3A_412 = arith.constant 0 : i32
      %parallel_loop3A_413 = tpu.memref_slice %arg12[%parallel_loop3A_176, %parallel_loop3A_411, %parallel_loop3A_412] : memref<2x128x128xf32, #tpu.memory_space<vmem>> -> memref<1x128x128xf32, #tpu.memory_space<vmem>>
      %parallel_loop3A_414 = tpu.memref_squeeze %parallel_loop3A_413 : memref<1x128x128xf32, #tpu.memory_space<vmem>> -> memref<128x128xf32, #tpu.memory_space<vmem>>
      %parallel_loop3A_415 = arith.index_cast %parallel_loop3A_293 : i32 to index
      %parallel_loop3A_416 = arith.constant 32 : index
      %parallel_loop3A_417 = tpu.vector_load %parallel_loop3A_414[%parallel_loop3A_415, %parallel_loop3A_416] {strides = array<i32>} : memref<128x128xf32, #tpu.memory_space<vmem>>, vector<16xf32>,
      %parallel_loop3A_418 = arith.constant 0 : i32
      %parallel_loop3A_419 = arith.constant 0 : i32
      %parallel_loop3A_420 = tpu.memref_slice %arg12[%parallel_loop3A_176, %parallel_loop3A_418, %parallel_loop3A_419] : memref<2x128x128xf32, #tpu.memory_space<vmem>> -> memref<1x128x128xf32, #tpu.memory_space<vmem>>
      %parallel_loop3A_421 = tpu.memref_squeeze %parallel_loop3A_420 : memref<1x128x128xf32, #tpu.memory_space<vmem>> -> memref<128x128xf32, #tpu.memory_space<vmem>>
      %parallel_loop3A_422 = arith.index_cast %parallel_loop3A_293 : i32 to index
      %parallel_loop3A_423 = arith.constant 96 : index
      %parallel_loop3A_424 = tpu.vector_load %parallel_loop3A_421[%parallel_loop3A_422, %parallel_loop3A_423] {strides = array<i32>} : memref<128x128xf32, #tpu.memory_space<vmem>>, vector<16xf32>,
      %parallel_loop3A_425 = arith.constant 0 : i32
      %parallel_loop3A_426 = arith.constant 0 : i32
      %parallel_loop3A_427 = tpu.memref_slice %arg13[%parallel_loop3A_177, %parallel_loop3A_425, %parallel_loop3A_426] : memref<2x128x128xf32, #tpu.memory_space<vmem>> -> memref<1x128x128xf32, #tpu.memory_space<vmem>>
      %parallel_loop3A_428 = tpu.memref_squeeze %parallel_loop3A_427 : memref<1x128x128xf32, #tpu.memory_space<vmem>> -> memref<128x128xf32, #tpu.memory_space<vmem>>
      %parallel_loop3A_429 = arith.index_cast %parallel_loop3A_293 : i32 to index
      %parallel_loop3A_430 = arith.constant 32 : index
      %parallel_loop3A_431 = tpu.vector_load %parallel_loop3A_428[%parallel_loop3A_429, %parallel_loop3A_430] {strides = array<i32>} : memref<128x128xf32, #tpu.memory_space<vmem>>, vector<16xf32>,
      %parallel_loop3A_432 = arith.constant 0 : i32
      %parallel_loop3A_433 = arith.constant 0 : i32
      %parallel_loop3A_434 = tpu.memref_slice %arg13[%parallel_loop3A_177, %parallel_loop3A_432, %parallel_loop3A_433] : memref<2x128x128xf32, #tpu.memory_space<vmem>> -> memref<1x128x128xf32, #tpu.memory_space<vmem>>
      %parallel_loop3A_435 = tpu.memref_squeeze %parallel_loop3A_434 : memref<1x128x128xf32, #tpu.memory_space<vmem>> -> memref<128x128xf32, #tpu.memory_space<vmem>>
      %parallel_loop3A_436 = arith.index_cast %parallel_loop3A_293 : i32 to index
      %parallel_loop3A_437 = arith.constant 96 : index
      %parallel_loop3A_438 = tpu.vector_load %parallel_loop3A_435[%parallel_loop3A_436, %parallel_loop3A_437] {strides = array<i32>} : memref<128x128xf32, #tpu.memory_space<vmem>>, vector<16xf32>,
      %parallel_loop3A_439 = arith.mulf %parallel_loop3A_417, %parallel_loop3A_431 : vector<16xf32>
      %parallel_loop3A_440 = arith.mulf %parallel_loop3A_424, %parallel_loop3A_438 : vector<16xf32>
      %parallel_loop3A_441 = arith.addf %parallel_loop3A_439, %parallel_loop3A_440 : vector<16xf32>
      %parallel_loop3A_442 = arith.mulf %parallel_loop3A_403, %parallel_loop3A_441 : vector<16xf32>
      %parallel_loop3A_443 = arith.mulf %parallel_loop3A_417, %parallel_loop3A_438 : vector<16xf32>
      %parallel_loop3A_444 = arith.mulf %parallel_loop3A_424, %parallel_loop3A_431 : vector<16xf32>
      %parallel_loop3A_445 = arith.subf %parallel_loop3A_443, %parallel_loop3A_444 : vector<16xf32>
      %parallel_loop3A_446 = arith.mulf %parallel_loop3A_410, %parallel_loop3A_445 : vector<16xf32>
      %parallel_loop3A_447 = arith.addf %parallel_loop3A_442, %parallel_loop3A_446 : vector<16xf32>
      %parallel_loop3A_448 = arith.constant 0 : i32
      %parallel_loop3A_449 = arith.constant 0 : i32
      %parallel_loop3A_450 = tpu.memref_slice %arg11[%parallel_loop3A_175, %parallel_loop3A_448, %parallel_loop3A_449] : memref<2x128x128xf32, #tpu.memory_space<vmem>> -> memref<1x128x128xf32, #tpu.memory_space<vmem>>
      %parallel_loop3A_451 = tpu.memref_squeeze %parallel_loop3A_450 : memref<1x128x128xf32, #tpu.memory_space<vmem>> -> memref<128x128xf32, #tpu.memory_space<vmem>>
      %parallel_loop3A_452 = arith.index_cast %parallel_loop3A_293 : i32 to index
      %parallel_loop3A_453 = arith.constant 48 : index
      %parallel_loop3A_454 = tpu.vector_load %parallel_loop3A_451[%parallel_loop3A_452, %parallel_loop3A_453] {strides = array<i32>} : memref<128x128xf32, #tpu.memory_space<vmem>>, vector<16xf32>,
      %parallel_loop3A_455 = arith.constant 0 : i32
      %parallel_loop3A_456 = arith.constant 0 : i32
      %parallel_loop3A_457 = tpu.memref_slice %arg11[%parallel_loop3A_175, %parallel_loop3A_455, %parallel_loop3A_456] : memref<2x128x128xf32, #tpu.memory_space<vmem>> -> memref<1x128x128xf32, #tpu.memory_space<vmem>>
      %parallel_loop3A_458 = tpu.memref_squeeze %parallel_loop3A_457 : memref<1x128x128xf32, #tpu.memory_space<vmem>> -> memref<128x128xf32, #tpu.memory_space<vmem>>
      %parallel_loop3A_459 = arith.index_cast %parallel_loop3A_293 : i32 to index
      %parallel_loop3A_460 = arith.constant 112 : index
      %parallel_loop3A_461 = tpu.vector_load %parallel_loop3A_458[%parallel_loop3A_459, %parallel_loop3A_460] {strides = array<i32>} : memref<128x128xf32, #tpu.memory_space<vmem>>, vector<16xf32>,
      %parallel_loop3A_462 = arith.constant 0 : i32
      %parallel_loop3A_463 = arith.constant 0 : i32
      %parallel_loop3A_464 = tpu.memref_slice %arg12[%parallel_loop3A_176, %parallel_loop3A_462, %parallel_loop3A_463] : memref<2x128x128xf32, #tpu.memory_space<vmem>> -> memref<1x128x128xf32, #tpu.memory_space<vmem>>
      %parallel_loop3A_465 = tpu.memref_squeeze %parallel_loop3A_464 : memref<1x128x128xf32, #tpu.memory_space<vmem>> -> memref<128x128xf32, #tpu.memory_space<vmem>>
      %parallel_loop3A_466 = arith.index_cast %parallel_loop3A_293 : i32 to index
      %parallel_loop3A_467 = arith.constant 48 : index
      %parallel_loop3A_468 = tpu.vector_load %parallel_loop3A_465[%parallel_loop3A_466, %parallel_loop3A_467] {strides = array<i32>} : memref<128x128xf32, #tpu.memory_space<vmem>>, vector<16xf32>,
      %parallel_loop3A_469 = arith.constant 0 : i32
      %parallel_loop3A_470 = arith.constant 0 : i32
      %parallel_loop3A_471 = tpu.memref_slice %arg12[%parallel_loop3A_176, %parallel_loop3A_469, %parallel_loop3A_470] : memref<2x128x128xf32, #tpu.memory_space<vmem>> -> memref<1x128x128xf32, #tpu.memory_space<vmem>>
      %parallel_loop3A_472 = tpu.memref_squeeze %parallel_loop3A_471 : memref<1x128x128xf32, #tpu.memory_space<vmem>> -> memref<128x128xf32, #tpu.memory_space<vmem>>
      %parallel_loop3A_473 = arith.index_cast %parallel_loop3A_293 : i32 to index
      %parallel_loop3A_474 = arith.constant 112 : index
      %parallel_loop3A_475 = tpu.vector_load %parallel_loop3A_472[%parallel_loop3A_473, %parallel_loop3A_474] {strides = array<i32>} : memref<128x128xf32, #tpu.memory_space<vmem>>, vector<16xf32>,
      %parallel_loop3A_476 = arith.constant 0 : i32
      %parallel_loop3A_477 = arith.constant 0 : i32
      %parallel_loop3A_478 = tpu.memref_slice %arg13[%parallel_loop3A_177, %parallel_loop3A_476, %parallel_loop3A_477] : memref<2x128x128xf32, #tpu.memory_space<vmem>> -> memref<1x128x128xf32, #tpu.memory_space<vmem>>
      %parallel_loop3A_479 = tpu.memref_squeeze %parallel_loop3A_478 : memref<1x128x128xf32, #tpu.memory_space<vmem>> -> memref<128x128xf32, #tpu.memory_space<vmem>>
      %parallel_loop3A_480 = arith.index_cast %parallel_loop3A_293 : i32 to index
      %parallel_loop3A_481 = arith.constant 48 : index
      %parallel_loop3A_482 = tpu.vector_load %parallel_loop3A_479[%parallel_loop3A_480, %parallel_loop3A_481] {strides = array<i32>} : memref<128x128xf32, #tpu.memory_space<vmem>>, vector<16xf32>,
      %parallel_loop3A_483 = arith.constant 0 : i32
      %parallel_loop3A_484 = arith.constant 0 : i32
      %parallel_loop3A_485 = tpu.memref_slice %arg13[%parallel_loop3A_177, %parallel_loop3A_483, %parallel_loop3A_484] : memref<2x128x128xf32, #tpu.memory_space<vmem>> -> memref<1x128x128xf32, #tpu.memory_space<vmem>>
      %parallel_loop3A_486 = tpu.memref_squeeze %parallel_loop3A_485 : memref<1x128x128xf32, #tpu.memory_space<vmem>> -> memref<128x128xf32, #tpu.memory_space<vmem>>
      %parallel_loop3A_487 = arith.index_cast %parallel_loop3A_293 : i32 to index
      %parallel_loop3A_488 = arith.constant 112 : index
      %parallel_loop3A_489 = tpu.vector_load %parallel_loop3A_486[%parallel_loop3A_487, %parallel_loop3A_488] {strides = array<i32>} : memref<128x128xf32, #tpu.memory_space<vmem>>, vector<16xf32>,
      %parallel_loop3A_490 = arith.mulf %parallel_loop3A_468, %parallel_loop3A_482 : vector<16xf32>
      %parallel_loop3A_491 = arith.mulf %parallel_loop3A_475, %parallel_loop3A_489 : vector<16xf32>
      %parallel_loop3A_492 = arith.addf %parallel_loop3A_490, %parallel_loop3A_491 : vector<16xf32>
      %parallel_loop3A_493 = arith.mulf %parallel_loop3A_454, %parallel_loop3A_492 : vector<16xf32>
      %parallel_loop3A_494 = arith.mulf %parallel_loop3A_468, %parallel_loop3A_489 : vector<16xf32>
      %parallel_loop3A_495 = arith.mulf %parallel_loop3A_475, %parallel_loop3A_482 : vector<16xf32>
      %parallel_loop3A_496 = arith.subf %parallel_loop3A_494, %parallel_loop3A_495 : vector<16xf32>
      %parallel_loop3A_497 = arith.mulf %parallel_loop3A_461, %parallel_loop3A_496 : vector<16xf32>
      %parallel_loop3A_498 = arith.addf %parallel_loop3A_493, %parallel_loop3A_497 : vector<16xf32>
      %parallel_loop3A_499 = arith.addf %parallel_loop3A_345, %parallel_loop3A_396 : vector<16xf32>
      %parallel_loop3A_500 = arith.addf %parallel_loop3A_447, %parallel_loop3A_498 : vector<16xf32>
      %parallel_loop3A_501 = arith.addf %parallel_loop3A_499, %parallel_loop3A_500 : vector<16xf32>
      %parallel_loop3A_502 = arith.constant true
      %parallel_loop3A_503 = vector.broadcast %parallel_loop3A_502 : i1 to vector<16xi1>
      %parallel_loop3A_504 = tpu.scan <sum>, %parallel_loop3A_501 masked %parallel_loop3A_503 : vector<16xf32>, vector<16xi1> -> vector<16xf32>
      %parallel_loop3A_505 = arith.constant 128 : i32
      %parallel_loop3A_506 = arith.addi %parallel_loop3A_505, %parallel_loop3A_293 : i32
      %parallel_loop3A_507 = vector.broadcast %parallel_loop3A_506 : i32 to vector<16xi32>
      tpu.vector_store_idx %arg14[%parallel_loop3A_507], %parallel_loop3A_504 masked %eq3A_14 : memref<512xf32, #tpu.memory_space<vmem>>[vector<16xi32>], vector<16xf32>, vector<16xi1>
      scf.yield %parallel_loop3A_294 : i32
    } {sc.loop_unroll_factor = 4 : i64, sc.parallel_access}
    %scan3A_180 = arith.constant 0 : i32
    %scan3A_181 = arith.constant 1 : i32
    %scan3A_182 = arith.constant 0 : i32
    %scan3A_183 = arith.constant 8 : i32
    %scan3A_184 = arith.addi %scan3A_182, %scan3A_183 : i32
    %scan3A_185 = arith.constant 1 : i32
    scf.for %scan3A_293 = %scan3A_182 to %scan3A_184 step %scan3A_185  : i32 {
      %mul3A_294 = arith.constant 16 : i32
      %mul3A_295 = arith.muli %scan3A_293, %mul3A_294 : i32
      %add3A_296 = arith.constant 384 : i32
      %add3A_297 = arith.addi %add3A_296, %mul3A_295 : i32
      %get3A = arith.index_cast %add3A_297 : i32 to index
      %get3A_298 = tpu.vector_load %arg10[%get3A] {strides = array<i32>} : memref<512xi32, #tpu.memory_space<vmem>>, vector<16xi32>,
      %slice3A = vector.extract_strided_slice %get3A_298 {offsets = [0], sizes = [1], strides = [1]} : vector<16xi32> to vector<1xi32>
      %squeeze3A = vector.extract %slice3A[0] : i32 from vector<1xi32>
      %mul3A_299 = arith.constant 16 : i32
      %mul3A_300 = arith.muli %scan3A_293, %mul3A_299 : i32
      %add3A_301 = arith.constant 0 : i32
      %add3A_302 = arith.addi %mul3A_300, %add3A_301 : i32
      %dma_start3A_303 = arith.constant 0 : i32
      %dma_start3A_304 = arith.constant 0 : i32
      %dma_start3A_305 = tpu.memref_slice %arg13[%scan3A_181, %dma_start3A_303, %dma_start3A_304] : memref<2x128x128xf32, #tpu.memory_space<vmem>> -> memref<1x128x128xf32, #tpu.memory_space<vmem>>
      %dma_start3A_306 = tpu.memref_squeeze %dma_start3A_305 : memref<1x128x128xf32, #tpu.memory_space<vmem>> -> memref<128x128xf32, #tpu.memory_space<vmem>>
      %dma_start3A_307 = arith.constant 0 : i32
      %dma_start3A_308 = tpu.memref_slice %dma_start3A_306[%add3A_302, %dma_start3A_307] : memref<128x128xf32, #tpu.memory_space<vmem>> -> memref<1x128xf32, #tpu.memory_space<vmem>>
      %dma_start3A_309 = arith.constant 0 : i32
      %dma_start3A_310 = tpu.memref_slice %arg5[%squeeze3A, %dma_start3A_309] : memref<1000000x128xf32, #tpu.memory_space<hbm>> -> memref<1x128xf32, #tpu.memory_space<hbm>>
      %dma_start3A_311 = arith.constant 0 : i32
      %dma_start3A_312 = arith.constant 0 : i32
      %dma_start3A_313 = tpu.memref_slice %arg13[%scan3A_181, %dma_start3A_311, %dma_start3A_312] : memref<2x128x128xf32, #tpu.memory_space<vmem>> -> memref<1x128x128xf32, #tpu.memory_space<vmem>>
      %dma_start3A_314 = tpu.memref_squeeze %dma_start3A_313 : memref<1x128x128xf32, #tpu.memory_space<vmem>> -> memref<128x128xf32, #tpu.memory_space<vmem>>
      %dma_start3A_315 = arith.constant 0 : i32
      %dma_start3A_316 = tpu.memref_slice %dma_start3A_314[%add3A_302, %dma_start3A_315] : memref<128x128xf32, #tpu.memory_space<vmem>> -> memref<1x128xf32, #tpu.memory_space<vmem>>
      %dma_start3A_317 = arith.constant 0 : i32
      %dma_start3A_318 = tpu.memref_slice %arg5[%squeeze3A, %dma_start3A_317] : memref<1000000x128xf32, #tpu.memory_space<hbm>> -> memref<1x128xf32, #tpu.memory_space<hbm>>
      tpu.enqueue_dma source(%dma_start3A_318 : memref<1x128xf32, #tpu.memory_space<hbm>>) target(%dma_start3A_316 : memref<1x128xf32, #tpu.memory_space<vmem>>) target_semaphore(%arg18 : memref<!tpu.dma_semaphore, #tpu.memory_space<semaphore_mem>>)
      %slice3A_319 = vector.extract_strided_slice %get3A_298 {offsets = [1], sizes = [1], strides = [1]} : vector<16xi32> to vector<1xi32>
      %squeeze3A_320 = vector.extract %slice3A_319[0] : i32 from vector<1xi32>
      %mul3A_321 = arith.constant 16 : i32
      %mul3A_322 = arith.muli %scan3A_293, %mul3A_321 : i32
      %add3A_323 = arith.constant 1 : i32
      %add3A_324 = arith.addi %mul3A_322, %add3A_323 : i32
      %dma_start3A_325 = arith.constant 0 : i32
      %dma_start3A_326 = arith.constant 0 : i32
      %dma_start3A_327 = tpu.memref_slice %arg13[%scan3A_181, %dma_start3A_325, %dma_start3A_326] : memref<2x128x128xf32, #tpu.memory_space<vmem>> -> memref<1x128x128xf32, #tpu.memory_space<vmem>>
      %dma_start3A_328 = tpu.memref_squeeze %dma_start3A_327 : memref<1x128x128xf32, #tpu.memory_space<vmem>> -> memref<128x128xf32, #tpu.memory_space<vmem>>
      %dma_start3A_329 = arith.constant 0 : i32
      %dma_start3A_330 = tpu.memref_slice %dma_start3A_328[%add3A_324, %dma_start3A_329] : memref<128x128xf32, #tpu.memory_space<vmem>> -> memref<1x128xf32, #tpu.memory_space<vmem>>
      %dma_start3A_331 = arith.constant 0 : i32
      %dma_start3A_332 = tpu.memref_slice %arg5[%squeeze3A_320, %dma_start3A_331] : memref<1000000x128xf32, #tpu.memory_space<hbm>> -> memref<1x128xf32, #tpu.memory_space<hbm>>
      %dma_start3A_333 = arith.constant 0 : i32
      %dma_start3A_334 = arith.constant 0 : i32
      %dma_start3A_335 = tpu.memref_slice %arg13[%scan3A_181, %dma_start3A_333, %dma_start3A_334] : memref<2x128x128xf32, #tpu.memory_space<vmem>> -> memref<1x128x128xf32, #tpu.memory_space<vmem>>
      %dma_start3A_336 = tpu.memref_squeeze %dma_start3A_335 : memref<1x128x128xf32, #tpu.memory_space<vmem>> -> memref<128x128xf32, #tpu.memory_space<vmem>>
      %dma_start3A_337 = arith.constant 0 : i32
      %dma_start3A_338 = tpu.memref_slice %dma_start3A_336[%add3A_324, %dma_start3A_337] : memref<128x128xf32, #tpu.memory_space<vmem>> -> memref<1x128xf32, #tpu.memory_space<vmem>>
      %dma_start3A_339 = arith.constant 0 : i32
      %dma_start3A_340 = tpu.memref_slice %arg5[%squeeze3A_320, %dma_start3A_339] : memref<1000000x128xf32, #tpu.memory_space<hbm>> -> memref<1x128xf32, #tpu.memory_space<hbm>>
      tpu.enqueue_dma source(%dma_start3A_340 : memref<1x128xf32, #tpu.memory_space<hbm>>) target(%dma_start3A_338 : memref<1x128xf32, #tpu.memory_space<vmem>>) target_semaphore(%arg18 : memref<!tpu.dma_semaphore, #tpu.memory_space<semaphore_mem>>)
      %slice3A_341 = vector.extract_strided_slice %get3A_298 {offsets = [2], sizes = [1], strides = [1]} : vector<16xi32> to vector<1xi32>
      %squeeze3A_342 = vector.extract %slice3A_341[0] : i32 from vector<1xi32>
      %mul3A_343 = arith.constant 16 : i32
      %mul3A_344 = arith.muli %scan3A_293, %mul3A_343 : i32
      %add3A_345 = arith.constant 2 : i32
      %add3A_346 = arith.addi %mul3A_344, %add3A_345 : i32
      %dma_start3A_347 = arith.constant 0 : i32
      %dma_start3A_348 = arith.constant 0 : i32
      %dma_start3A_349 = tpu.memref_slice %arg13[%scan3A_181, %dma_start3A_347, %dma_start3A_348] : memref<2x128x128xf32, #tpu.memory_space<vmem>> -> memref<1x128x128xf32, #tpu.memory_space<vmem>>
      %dma_start3A_350 = tpu.memref_squeeze %dma_start3A_349 : memref<1x128x128xf32, #tpu.memory_space<vmem>> -> memref<128x128xf32, #tpu.memory_space<vmem>>
      %dma_start3A_351 = arith.constant 0 : i32
      %dma_start3A_352 = tpu.memref_slice %dma_start3A_350[%add3A_346, %dma_start3A_351] : memref<128x128xf32, #tpu.memory_space<vmem>> -> memref<1x128xf32, #tpu.memory_space<vmem>>
      %dma_start3A_353 = arith.constant 0 : i32
      %dma_start3A_354 = tpu.memref_slice %arg5[%squeeze3A_342, %dma_start3A_353] : memref<1000000x128xf32, #tpu.memory_space<hbm>> -> memref<1x128xf32, #tpu.memory_space<hbm>>
      %dma_start3A_355 = arith.constant 0 : i32
      %dma_start3A_356 = arith.constant 0 : i32
      %dma_start3A_357 = tpu.memref_slice %arg13[%scan3A_181, %dma_start3A_355, %dma_start3A_356] : memref<2x128x128xf32, #tpu.memory_space<vmem>> -> memref<1x128x128xf32, #tpu.memory_space<vmem>>
      %dma_start3A_358 = tpu.memref_squeeze %dma_start3A_357 : memref<1x128x128xf32, #tpu.memory_space<vmem>> -> memref<128x128xf32, #tpu.memory_space<vmem>>
      %dma_start3A_359 = arith.constant 0 : i32
      %dma_start3A_360 = tpu.memref_slice %dma_start3A_358[%add3A_346, %dma_start3A_359] : memref<128x128xf32, #tpu.memory_space<vmem>> -> memref<1x128xf32, #tpu.memory_space<vmem>>
      %dma_start3A_361 = arith.constant 0 : i32
      %dma_start3A_362 = tpu.memref_slice %arg5[%squeeze3A_342, %dma_start3A_361] : memref<1000000x128xf32, #tpu.memory_space<hbm>> -> memref<1x128xf32, #tpu.memory_space<hbm>>
      tpu.enqueue_dma source(%dma_start3A_362 : memref<1x128xf32, #tpu.memory_space<hbm>>) target(%dma_start3A_360 : memref<1x128xf32, #tpu.memory_space<vmem>>) target_semaphore(%arg18 : memref<!tpu.dma_semaphore, #tpu.memory_space<semaphore_mem>>)
      %slice3A_363 = vector.extract_strided_slice %get3A_298 {offsets = [3], sizes = [1], strides = [1]} : vector<16xi32> to vector<1xi32>
      %squeeze3A_364 = vector.extract %slice3A_363[0] : i32 from vector<1xi32>
      %mul3A_365 = arith.constant 16 : i32
      %mul3A_366 = arith.muli %scan3A_293, %mul3A_365 : i32
      %add3A_367 = arith.constant 3 : i32
      %add3A_368 = arith.addi %mul3A_366, %add3A_367 : i32
      %dma_start3A_369 = arith.constant 0 : i32
      %dma_start3A_370 = arith.constant 0 : i32
      %dma_start3A_371 = tpu.memref_slice %arg13[%scan3A_181, %dma_start3A_369, %dma_start3A_370] : memref<2x128x128xf32, #tpu.memory_space<vmem>> -> memref<1x128x128xf32, #tpu.memory_space<vmem>>
      %dma_start3A_372 = tpu.memref_squeeze %dma_start3A_371 : memref<1x128x128xf32, #tpu.memory_space<vmem>> -> memref<128x128xf32, #tpu.memory_space<vmem>>
      %dma_start3A_373 = arith.constant 0 : i32
      %dma_start3A_374 = tpu.memref_slice %dma_start3A_372[%add3A_368, %dma_start3A_373] : memref<128x128xf32, #tpu.memory_space<vmem>> -> memref<1x128xf32, #tpu.memory_space<vmem>>
      %dma_start3A_375 = arith.constant 0 : i32
      %dma_start3A_376 = tpu.memref_slice %arg5[%squeeze3A_364, %dma_start3A_375] : memref<1000000x128xf32, #tpu.memory_space<hbm>> -> memref<1x128xf32, #tpu.memory_space<hbm>>
      %dma_start3A_377 = arith.constant 0 : i32
      %dma_start3A_378 = arith.constant 0 : i32
      %dma_start3A_379 = tpu.memref_slice %arg13[%scan3A_181, %dma_start3A_377, %dma_start3A_378] : memref<2x128x128xf32, #tpu.memory_space<vmem>> -> memref<1x128x128xf32, #tpu.memory_space<vmem>>
      %dma_start3A_380 = tpu.memref_squeeze %dma_start3A_379 : memref<1x128x128xf32, #tpu.memory_space<vmem>> -> memref<128x128xf32, #tpu.memory_space<vmem>>
      %dma_start3A_381 = arith.constant 0 : i32
      %dma_start3A_382 = tpu.memref_slice %dma_start3A_380[%add3A_368, %dma_start3A_381] : memref<128x128xf32, #tpu.memory_space<vmem>> -> memref<1x128xf32, #tpu.memory_space<vmem>>
      %dma_start3A_383 = arith.constant 0 : i32
      %dma_start3A_384 = tpu.memref_slice %arg5[%squeeze3A_364, %dma_start3A_383] : memref<1000000x128xf32, #tpu.memory_space<hbm>> -> memref<1x128xf32, #tpu.memory_space<hbm>>
      tpu.enqueue_dma source(%dma_start3A_384 : memref<1x128xf32, #tpu.memory_space<hbm>>) target(%dma_start3A_382 : memref<1x128xf32, #tpu.memory_space<vmem>>) target_semaphore(%arg18 : memref<!tpu.dma_semaphore, #tpu.memory_space<semaphore_mem>>)
      %slice3A_385 = vector.extract_strided_slice %get3A_298 {offsets = [4], sizes = [1], strides = [1]} : vector<16xi32> to vector<1xi32>
      %squeeze3A_386 = vector.extract %slice3A_385[0] : i32 from vector<1xi32>
      %mul3A_387 = arith.constant 16 : i32
      %mul3A_388 = arith.muli %scan3A_293, %mul3A_387 : i32
      %add3A_389 = arith.constant 4 : i32
      %add3A_390 = arith.addi %mul3A_388, %add3A_389 : i32
      %dma_start3A_391 = arith.constant 0 : i32
      %dma_start3A_392 = arith.constant 0 : i32
      %dma_start3A_393 = tpu.memref_slice %arg13[%scan3A_181, %dma_start3A_391, %dma_start3A_392] : memref<2x128x128xf32, #tpu.memory_space<vmem>> -> memref<1x128x128xf32, #tpu.memory_space<vmem>>
      %dma_start3A_394 = tpu.memref_squeeze %dma_start3A_393 : memref<1x128x128xf32, #tpu.memory_space<vmem>> -> memref<128x128xf32, #tpu.memory_space<vmem>>
      %dma_start3A_395 = arith.constant 0 : i32
      %dma_start3A_396 = tpu.memref_slice %dma_start3A_394[%add3A_390, %dma_start3A_395] : memref<128x128xf32, #tpu.memory_space<vmem>> -> memref<1x128xf32, #tpu.memory_space<vmem>>
      %dma_start3A_397 = arith.constant 0 : i32
      %dma_start3A_398 = tpu.memref_slice %arg5[%squeeze3A_386, %dma_start3A_397] : memref<1000000x128xf32, #tpu.memory_space<hbm>> -> memref<1x128xf32, #tpu.memory_space<hbm>>
      %dma_start3A_399 = arith.constant 0 : i32
      %dma_start3A_400 = arith.constant 0 : i32
      %dma_start3A_401 = tpu.memref_slice %arg13[%scan3A_181, %dma_start3A_399, %dma_start3A_400] : memref<2x128x128xf32, #tpu.memory_space<vmem>> -> memref<1x128x128xf32, #tpu.memory_space<vmem>>
      %dma_start3A_402 = tpu.memref_squeeze %dma_start3A_401 : memref<1x128x128xf32, #tpu.memory_space<vmem>> -> memref<128x128xf32, #tpu.memory_space<vmem>>
      %dma_start3A_403 = arith.constant 0 : i32
      %dma_start3A_404 = tpu.memref_slice %dma_start3A_402[%add3A_390, %dma_start3A_403] : memref<128x128xf32, #tpu.memory_space<vmem>> -> memref<1x128xf32, #tpu.memory_space<vmem>>
      %dma_start3A_405 = arith.constant 0 : i32
      %dma_start3A_406 = tpu.memref_slice %arg5[%squeeze3A_386, %dma_start3A_405] : memref<1000000x128xf32, #tpu.memory_space<hbm>> -> memref<1x128xf32, #tpu.memory_space<hbm>>
      tpu.enqueue_dma source(%dma_start3A_406 : memref<1x128xf32, #tpu.memory_space<hbm>>) target(%dma_start3A_404 : memref<1x128xf32, #tpu.memory_space<vmem>>) target_semaphore(%arg18 : memref<!tpu.dma_semaphore, #tpu.memory_space<semaphore_mem>>)
      %slice3A_407 = vector.extract_strided_slice %get3A_298 {offsets = [5], sizes = [1], strides = [1]} : vector<16xi32> to vector<1xi32>
      %squeeze3A_408 = vector.extract %slice3A_407[0] : i32 from vector<1xi32>
      %mul3A_409 = arith.constant 16 : i32
      %mul3A_410 = arith.muli %scan3A_293, %mul3A_409 : i32
      %add3A_411 = arith.constant 5 : i32
      %add3A_412 = arith.addi %mul3A_410, %add3A_411 : i32
      %dma_start3A_413 = arith.constant 0 : i32
      %dma_start3A_414 = arith.constant 0 : i32
      %dma_start3A_415 = tpu.memref_slice %arg13[%scan3A_181, %dma_start3A_413, %dma_start3A_414] : memref<2x128x128xf32, #tpu.memory_space<vmem>> -> memref<1x128x128xf32, #tpu.memory_space<vmem>>
      %dma_start3A_416 = tpu.memref_squeeze %dma_start3A_415 : memref<1x128x128xf32, #tpu.memory_space<vmem>> -> memref<128x128xf32, #tpu.memory_space<vmem>>
      %dma_start3A_417 = arith.constant 0 : i32
      %dma_start3A_418 = tpu.memref_slice %dma_start3A_416[%add3A_412, %dma_start3A_417] : memref<128x128xf32, #tpu.memory_space<vmem>> -> memref<1x128xf32, #tpu.memory_space<vmem>>
      %dma_start3A_419 = arith.constant 0 : i32
      %dma_start3A_420 = tpu.memref_slice %arg5[%squeeze3A_408, %dma_start3A_419] : memref<1000000x128xf32, #tpu.memory_space<hbm>> -> memref<1x128xf32, #tpu.memory_space<hbm>>
      %dma_start3A_421 = arith.constant 0 : i32
      %dma_start3A_422 = arith.constant 0 : i32
      %dma_start3A_423 = tpu.memref_slice %arg13[%scan3A_181, %dma_start3A_421, %dma_start3A_422] : memref<2x128x128xf32, #tpu.memory_space<vmem>> -> memref<1x128x128xf32, #tpu.memory_space<vmem>>
      %dma_start3A_424 = tpu.memref_squeeze %dma_start3A_423 : memref<1x128x128xf32, #tpu.memory_space<vmem>> -> memref<128x128xf32, #tpu.memory_space<vmem>>
      %dma_start3A_425 = arith.constant 0 : i32
      %dma_start3A_426 = tpu.memref_slice %dma_start3A_424[%add3A_412, %dma_start3A_425] : memref<128x128xf32, #tpu.memory_space<vmem>> -> memref<1x128xf32, #tpu.memory_space<vmem>>
      %dma_start3A_427 = arith.constant 0 : i32
      %dma_start3A_428 = tpu.memref_slice %arg5[%squeeze3A_408, %dma_start3A_427] : memref<1000000x128xf32, #tpu.memory_space<hbm>> -> memref<1x128xf32, #tpu.memory_space<hbm>>
      tpu.enqueue_dma source(%dma_start3A_428 : memref<1x128xf32, #tpu.memory_space<hbm>>) target(%dma_start3A_426 : memref<1x128xf32, #tpu.memory_space<vmem>>) target_semaphore(%arg18 : memref<!tpu.dma_semaphore, #tpu.memory_space<semaphore_mem>>)
      %slice3A_429 = vector.extract_strided_slice %get3A_298 {offsets = [6], sizes = [1], strides = [1]} : vector<16xi32> to vector<1xi32>
      %squeeze3A_430 = vector.extract %slice3A_429[0] : i32 from vector<1xi32>
      %mul3A_431 = arith.constant 16 : i32
      %mul3A_432 = arith.muli %scan3A_293, %mul3A_431 : i32
      %add3A_433 = arith.constant 6 : i32
      %add3A_434 = arith.addi %mul3A_432, %add3A_433 : i32
      %dma_start3A_435 = arith.constant 0 : i32
      %dma_start3A_436 = arith.constant 0 : i32
      %dma_start3A_437 = tpu.memref_slice %arg13[%scan3A_181, %dma_start3A_435, %dma_start3A_436] : memref<2x128x128xf32, #tpu.memory_space<vmem>> -> memref<1x128x128xf32, #tpu.memory_space<vmem>>
      %dma_start3A_438 = tpu.memref_squeeze %dma_start3A_437 : memref<1x128x128xf32, #tpu.memory_space<vmem>> -> memref<128x128xf32, #tpu.memory_space<vmem>>
      %dma_start3A_439 = arith.constant 0 : i32
      %dma_start3A_440 = tpu.memref_slice %dma_start3A_438[%add3A_434, %dma_start3A_439] : memref<128x128xf32, #tpu.memory_space<vmem>> -> memref<1x128xf32, #tpu.memory_space<vmem>>
      %dma_start3A_441 = arith.constant 0 : i32
      %dma_start3A_442 = tpu.memref_slice %arg5[%squeeze3A_430, %dma_start3A_441] : memref<1000000x128xf32, #tpu.memory_space<hbm>> -> memref<1x128xf32, #tpu.memory_space<hbm>>
      %dma_start3A_443 = arith.constant 0 : i32
      %dma_start3A_444 = arith.constant 0 : i32
      %dma_start3A_445 = tpu.memref_slice %arg13[%scan3A_181, %dma_start3A_443, %dma_start3A_444] : memref<2x128x128xf32, #tpu.memory_space<vmem>> -> memref<1x128x128xf32, #tpu.memory_space<vmem>>
      %dma_start3A_446 = tpu.memref_squeeze %dma_start3A_445 : memref<1x128x128xf32, #tpu.memory_space<vmem>> -> memref<128x128xf32, #tpu.memory_space<vmem>>
      %dma_start3A_447 = arith.constant 0 : i32
      %dma_start3A_448 = tpu.memref_slice %dma_start3A_446[%add3A_434, %dma_start3A_447] : memref<128x128xf32, #tpu.memory_space<vmem>> -> memref<1x128xf32, #tpu.memory_space<vmem>>
      %dma_start3A_449 = arith.constant 0 : i32
      %dma_start3A_450 = tpu.memref_slice %arg5[%squeeze3A_430, %dma_start3A_449] : memref<1000000x128xf32, #tpu.memory_space<hbm>> -> memref<1x128xf32, #tpu.memory_space<hbm>>
      tpu.enqueue_dma source(%dma_start3A_450 : memref<1x128xf32, #tpu.memory_space<hbm>>) target(%dma_start3A_448 : memref<1x128xf32, #tpu.memory_space<vmem>>) target_semaphore(%arg18 : memref<!tpu.dma_semaphore, #tpu.memory_space<semaphore_mem>>)
      %slice3A_451 = vector.extract_strided_slice %get3A_298 {offsets = [7], sizes = [1], strides = [1]} : vector<16xi32> to vector<1xi32>
      %squeeze3A_452 = vector.extract %slice3A_451[0] : i32 from vector<1xi32>
      %mul3A_453 = arith.constant 16 : i32
      %mul3A_454 = arith.muli %scan3A_293, %mul3A_453 : i32
      %add3A_455 = arith.constant 7 : i32
      %add3A_456 = arith.addi %mul3A_454, %add3A_455 : i32
      %dma_start3A_457 = arith.constant 0 : i32
      %dma_start3A_458 = arith.constant 0 : i32
      %dma_start3A_459 = tpu.memref_slice %arg13[%scan3A_181, %dma_start3A_457, %dma_start3A_458] : memref<2x128x128xf32, #tpu.memory_space<vmem>> -> memref<1x128x128xf32, #tpu.memory_space<vmem>>
      %dma_start3A_460 = tpu.memref_squeeze %dma_start3A_459 : memref<1x128x128xf32, #tpu.memory_space<vmem>> -> memref<128x128xf32, #tpu.memory_space<vmem>>
      %dma_start3A_461 = arith.constant 0 : i32
      %dma_start3A_462 = tpu.memref_slice %dma_start3A_460[%add3A_456, %dma_start3A_461] : memref<128x128xf32, #tpu.memory_space<vmem>> -> memref<1x128xf32, #tpu.memory_space<vmem>>
      %dma_start3A_463 = arith.constant 0 : i32
      %dma_start3A_464 = tpu.memref_slice %arg5[%squeeze3A_452, %dma_start3A_463] : memref<1000000x128xf32, #tpu.memory_space<hbm>> -> memref<1x128xf32, #tpu.memory_space<hbm>>
      %dma_start3A_465 = arith.constant 0 : i32
      %dma_start3A_466 = arith.constant 0 : i32
      %dma_start3A_467 = tpu.memref_slice %arg13[%scan3A_181, %dma_start3A_465, %dma_start3A_466] : memref<2x128x128xf32, #tpu.memory_space<vmem>> -> memref<1x128x128xf32, #tpu.memory_space<vmem>>
      %dma_start3A_468 = tpu.memref_squeeze %dma_start3A_467 : memref<1x128x128xf32, #tpu.memory_space<vmem>> -> memref<128x128xf32, #tpu.memory_space<vmem>>
      %dma_start3A_469 = arith.constant 0 : i32
      %dma_start3A_470 = tpu.memref_slice %dma_start3A_468[%add3A_456, %dma_start3A_469] : memref<128x128xf32, #tpu.memory_space<vmem>> -> memref<1x128xf32, #tpu.memory_space<vmem>>
      %dma_start3A_471 = arith.constant 0 : i32
      %dma_start3A_472 = tpu.memref_slice %arg5[%squeeze3A_452, %dma_start3A_471] : memref<1000000x128xf32, #tpu.memory_space<hbm>> -> memref<1x128xf32, #tpu.memory_space<hbm>>
      tpu.enqueue_dma source(%dma_start3A_472 : memref<1x128xf32, #tpu.memory_space<hbm>>) target(%dma_start3A_470 : memref<1x128xf32, #tpu.memory_space<vmem>>) target_semaphore(%arg18 : memref<!tpu.dma_semaphore, #tpu.memory_space<semaphore_mem>>)
      %slice3A_473 = vector.extract_strided_slice %get3A_298 {offsets = [8], sizes = [1], strides = [1]} : vector<16xi32> to vector<1xi32>
      %squeeze3A_474 = vector.extract %slice3A_473[0] : i32 from vector<1xi32>
      %mul3A_475 = arith.constant 16 : i32
      %mul3A_476 = arith.muli %scan3A_293, %mul3A_475 : i32
      %add3A_477 = arith.constant 8 : i32
      %add3A_478 = arith.addi %mul3A_476, %add3A_477 : i32
      %dma_start3A_479 = arith.constant 0 : i32
      %dma_start3A_480 = arith.constant 0 : i32
      %dma_start3A_481 = tpu.memref_slice %arg13[%scan3A_181, %dma_start3A_479, %dma_start3A_480] : memref<2x128x128xf32, #tpu.memory_space<vmem>> -> memref<1x128x128xf32, #tpu.memory_space<vmem>>
      %dma_start3A_482 = tpu.memref_squeeze %dma_start3A_481 : memref<1x128x128xf32, #tpu.memory_space<vmem>> -> memref<128x128xf32, #tpu.memory_space<vmem>>
      %dma_start3A_483 = arith.constant 0 : i32
      %dma_start3A_484 = tpu.memref_slice %dma_start3A_482[%add3A_478, %dma_start3A_483] : memref<128x128xf32, #tpu.memory_space<vmem>> -> memref<1x128xf32, #tpu.memory_space<vmem>>
      %dma_start3A_485 = arith.constant 0 : i32
      %dma_start3A_486 = tpu.memref_slice %arg5[%squeeze3A_474, %dma_start3A_485] : memref<1000000x128xf32, #tpu.memory_space<hbm>> -> memref<1x128xf32, #tpu.memory_space<hbm>>
      %dma_start3A_487 = arith.constant 0 : i32
      %dma_start3A_488 = arith.constant 0 : i32
      %dma_start3A_489 = tpu.memref_slice %arg13[%scan3A_181, %dma_start3A_487, %dma_start3A_488] : memref<2x128x128xf32, #tpu.memory_space<vmem>> -> memref<1x128x128xf32, #tpu.memory_space<vmem>>
      %dma_start3A_490 = tpu.memref_squeeze %dma_start3A_489 : memref<1x128x128xf32, #tpu.memory_space<vmem>> -> memref<128x128xf32, #tpu.memory_space<vmem>>
      %dma_start3A_491 = arith.constant 0 : i32
      %dma_start3A_492 = tpu.memref_slice %dma_start3A_490[%add3A_478, %dma_start3A_491] : memref<128x128xf32, #tpu.memory_space<vmem>> -> memref<1x128xf32, #tpu.memory_space<vmem>>
      %dma_start3A_493 = arith.constant 0 : i32
      %dma_start3A_494 = tpu.memref_slice %arg5[%squeeze3A_474, %dma_start3A_493] : memref<1000000x128xf32, #tpu.memory_space<hbm>> -> memref<1x128xf32, #tpu.memory_space<hbm>>
      tpu.enqueue_dma source(%dma_start3A_494 : memref<1x128xf32, #tpu.memory_space<hbm>>) target(%dma_start3A_492 : memref<1x128xf32, #tpu.memory_space<vmem>>) target_semaphore(%arg18 : memref<!tpu.dma_semaphore, #tpu.memory_space<semaphore_mem>>)
      %slice3A_495 = vector.extract_strided_slice %get3A_298 {offsets = [9], sizes = [1], strides = [1]} : vector<16xi32> to vector<1xi32>
      %squeeze3A_496 = vector.extract %slice3A_495[0] : i32 from vector<1xi32>
      %mul3A_497 = arith.constant 16 : i32
      %mul3A_498 = arith.muli %scan3A_293, %mul3A_497 : i32
      %add3A_499 = arith.constant 9 : i32
      %add3A_500 = arith.addi %mul3A_498, %add3A_499 : i32
      %dma_start3A_501 = arith.constant 0 : i32
      %dma_start3A_502 = arith.constant 0 : i32
      %dma_start3A_503 = tpu.memref_slice %arg13[%scan3A_181, %dma_start3A_501, %dma_start3A_502] : memref<2x128x128xf32, #tpu.memory_space<vmem>> -> memref<1x128x128xf32, #tpu.memory_space<vmem>>
      %dma_start3A_504 = tpu.memref_squeeze %dma_start3A_503 : memref<1x128x128xf32, #tpu.memory_space<vmem>> -> memref<128x128xf32, #tpu.memory_space<vmem>>
      %dma_start3A_505 = arith.constant 0 : i32
      %dma_start3A_506 = tpu.memref_slice %dma_start3A_504[%add3A_500, %dma_start3A_505] : memref<128x128xf32, #tpu.memory_space<vmem>> -> memref<1x128xf32, #tpu.memory_space<vmem>>
      %dma_start3A_507 = arith.constant 0 : i32
      %dma_start3A_508 = tpu.memref_slice %arg5[%squeeze3A_496, %dma_start3A_507] : memref<1000000x128xf32, #tpu.memory_space<hbm>> -> memref<1x128xf32, #tpu.memory_space<hbm>>
      %dma_start3A_509 = arith.constant 0 : i32
      %dma_start3A_510 = arith.constant 0 : i32
      %dma_start3A_511 = tpu.memref_slice %arg13[%scan3A_181, %dma_start3A_509, %dma_start3A_510] : memref<2x128x128xf32, #tpu.memory_space<vmem>> -> memref<1x128x128xf32, #tpu.memory_space<vmem>>
      %dma_start3A_512 = tpu.memref_squeeze %dma_start3A_511 : memref<1x128x128xf32, #tpu.memory_space<vmem>> -> memref<128x128xf32, #tpu.memory_space<vmem>>
      %dma_start3A_513 = arith.constant 0 : i32
      %dma_start3A_514 = tpu.memref_slice %dma_start3A_512[%add3A_500, %dma_start3A_513] : memref<128x128xf32, #tpu.memory_space<vmem>> -> memref<1x128xf32, #tpu.memory_space<vmem>>
      %dma_start3A_515 = arith.constant 0 : i32
      %dma_start3A_516 = tpu.memref_slice %arg5[%squeeze3A_496, %dma_start3A_515] : memref<1000000x128xf32, #tpu.memory_space<hbm>> -> memref<1x128xf32, #tpu.memory_space<hbm>>
      tpu.enqueue_dma source(%dma_start3A_516 : memref<1x128xf32, #tpu.memory_space<hbm>>) target(%dma_start3A_514 : memref<1x128xf32, #tpu.memory_space<vmem>>) target_semaphore(%arg18 : memref<!tpu.dma_semaphore, #tpu.memory_space<semaphore_mem>>)
      %slice3A_517 = vector.extract_strided_slice %get3A_298 {offsets = [10], sizes = [1], strides = [1]} : vector<16xi32> to vector<1xi32>
      %squeeze3A_518 = vector.extract %slice3A_517[0] : i32 from vector<1xi32>
      %mul3A_519 = arith.constant 16 : i32
      %mul3A_520 = arith.muli %scan3A_293, %mul3A_519 : i32
      %add3A_521 = arith.constant 10 : i32
      %add3A_522 = arith.addi %mul3A_520, %add3A_521 : i32
      %dma_start3A_523 = arith.constant 0 : i32
      %dma_start3A_524 = arith.constant 0 : i32
      %dma_start3A_525 = tpu.memref_slice %arg13[%scan3A_181, %dma_start3A_523, %dma_start3A_524] : memref<2x128x128xf32, #tpu.memory_space<vmem>> -> memref<1x128x128xf32, #tpu.memory_space<vmem>>
      %dma_start3A_526 = tpu.memref_squeeze %dma_start3A_525 : memref<1x128x128xf32, #tpu.memory_space<vmem>> -> memref<128x128xf32, #tpu.memory_space<vmem>>
      %dma_start3A_527 = arith.constant 0 : i32
      %dma_start3A_528 = tpu.memref_slice %dma_start3A_526[%add3A_522, %dma_start3A_527] : memref<128x128xf32, #tpu.memory_space<vmem>> -> memref<1x128xf32, #tpu.memory_space<vmem>>
      %dma_start3A_529 = arith.constant 0 : i32
      %dma_start3A_530 = tpu.memref_slice %arg5[%squeeze3A_518, %dma_start3A_529] : memref<1000000x128xf32, #tpu.memory_space<hbm>> -> memref<1x128xf32, #tpu.memory_space<hbm>>
      %dma_start3A_531 = arith.constant 0 : i32
      %dma_start3A_532 = arith.constant 0 : i32
      %dma_start3A_533 = tpu.memref_slice %arg13[%scan3A_181, %dma_start3A_531, %dma_start3A_532] : memref<2x128x128xf32, #tpu.memory_space<vmem>> -> memref<1x128x128xf32, #tpu.memory_space<vmem>>
      %dma_start3A_534 = tpu.memref_squeeze %dma_start3A_533 : memref<1x128x128xf32, #tpu.memory_space<vmem>> -> memref<128x128xf32, #tpu.memory_space<vmem>>
      %dma_start3A_535 = arith.constant 0 : i32
      %dma_start3A_536 = tpu.memref_slice %dma_start3A_534[%add3A_522, %dma_start3A_535] : memref<128x128xf32, #tpu.memory_space<vmem>> -> memref<1x128xf32, #tpu.memory_space<vmem>>
      %dma_start3A_537 = arith.constant 0 : i32
      %dma_start3A_538 = tpu.memref_slice %arg5[%squeeze3A_518, %dma_start3A_537] : memref<1000000x128xf32, #tpu.memory_space<hbm>> -> memref<1x128xf32, #tpu.memory_space<hbm>>
      tpu.enqueue_dma source(%dma_start3A_538 : memref<1x128xf32, #tpu.memory_space<hbm>>) target(%dma_start3A_536 : memref<1x128xf32, #tpu.memory_space<vmem>>) target_semaphore(%arg18 : memref<!tpu.dma_semaphore, #tpu.memory_space<semaphore_mem>>)
      %slice3A_539 = vector.extract_strided_slice %get3A_298 {offsets = [11], sizes = [1], strides = [1]} : vector<16xi32> to vector<1xi32>
      %squeeze3A_540 = vector.extract %slice3A_539[0] : i32 from vector<1xi32>
      %mul3A_541 = arith.constant 16 : i32
      %mul3A_542 = arith.muli %scan3A_293, %mul3A_541 : i32
      %add3A_543 = arith.constant 11 : i32
      %add3A_544 = arith.addi %mul3A_542, %add3A_543 : i32
      %dma_start3A_545 = arith.constant 0 : i32
      %dma_start3A_546 = arith.constant 0 : i32
      %dma_start3A_547 = tpu.memref_slice %arg13[%scan3A_181, %dma_start3A_545, %dma_start3A_546] : memref<2x128x128xf32, #tpu.memory_space<vmem>> -> memref<1x128x128xf32, #tpu.memory_space<vmem>>
      %dma_start3A_548 = tpu.memref_squeeze %dma_start3A_547 : memref<1x128x128xf32, #tpu.memory_space<vmem>> -> memref<128x128xf32, #tpu.memory_space<vmem>>
      %dma_start3A_549 = arith.constant 0 : i32
      %dma_start3A_550 = tpu.memref_slice %dma_start3A_548[%add3A_544, %dma_start3A_549] : memref<128x128xf32, #tpu.memory_space<vmem>> -> memref<1x128xf32, #tpu.memory_space<vmem>>
      %dma_start3A_551 = arith.constant 0 : i32
      %dma_start3A_552 = tpu.memref_slice %arg5[%squeeze3A_540, %dma_start3A_551] : memref<1000000x128xf32, #tpu.memory_space<hbm>> -> memref<1x128xf32, #tpu.memory_space<hbm>>
      %dma_start3A_553 = arith.constant 0 : i32
      %dma_start3A_554 = arith.constant 0 : i32
      %dma_start3A_555 = tpu.memref_slice %arg13[%scan3A_181, %dma_start3A_553, %dma_start3A_554] : memref<2x128x128xf32, #tpu.memory_space<vmem>> -> memref<1x128x128xf32, #tpu.memory_space<vmem>>
      %dma_start3A_556 = tpu.memref_squeeze %dma_start3A_555 : memref<1x128x128xf32, #tpu.memory_space<vmem>> -> memref<128x128xf32, #tpu.memory_space<vmem>>
      %dma_start3A_557 = arith.constant 0 : i32
      %dma_start3A_558 = tpu.memref_slice %dma_start3A_556[%add3A_544, %dma_start3A_557] : memref<128x128xf32, #tpu.memory_space<vmem>> -> memref<1x128xf32, #tpu.memory_space<vmem>>
      %dma_start3A_559 = arith.constant 0 : i32
      %dma_start3A_560 = tpu.memref_slice %arg5[%squeeze3A_540, %dma_start3A_559] : memref<1000000x128xf32, #tpu.memory_space<hbm>> -> memref<1x128xf32, #tpu.memory_space<hbm>>
      tpu.enqueue_dma source(%dma_start3A_560 : memref<1x128xf32, #tpu.memory_space<hbm>>) target(%dma_start3A_558 : memref<1x128xf32, #tpu.memory_space<vmem>>) target_semaphore(%arg18 : memref<!tpu.dma_semaphore, #tpu.memory_space<semaphore_mem>>)
      %slice3A_561 = vector.extract_strided_slice %get3A_298 {offsets = [12], sizes = [1], strides = [1]} : vector<16xi32> to vector<1xi32>
      %squeeze3A_562 = vector.extract %slice3A_561[0] : i32 from vector<1xi32>
      %mul3A_563 = arith.constant 16 : i32
      %mul3A_564 = arith.muli %scan3A_293, %mul3A_563 : i32
      %add3A_565 = arith.constant 12 : i32
      %add3A_566 = arith.addi %mul3A_564, %add3A_565 : i32
      %dma_start3A_567 = arith.constant 0 : i32
      %dma_start3A_568 = arith.constant 0 : i32
      %dma_start3A_569 = tpu.memref_slice %arg13[%scan3A_181, %dma_start3A_567, %dma_start3A_568] : memref<2x128x128xf32, #tpu.memory_space<vmem>> -> memref<1x128x128xf32, #tpu.memory_space<vmem>>
      %dma_start3A_570 = tpu.memref_squeeze %dma_start3A_569 : memref<1x128x128xf32, #tpu.memory_space<vmem>> -> memref<128x128xf32, #tpu.memory_space<vmem>>
      %dma_start3A_571 = arith.constant 0 : i32
      %dma_start3A_572 = tpu.memref_slice %dma_start3A_570[%add3A_566, %dma_start3A_571] : memref<128x128xf32, #tpu.memory_space<vmem>> -> memref<1x128xf32, #tpu.memory_space<vmem>>
      %dma_start3A_573 = arith.constant 0 : i32
      %dma_start3A_574 = tpu.memref_slice %arg5[%squeeze3A_562, %dma_start3A_573] : memref<1000000x128xf32, #tpu.memory_space<hbm>> -> memref<1x128xf32, #tpu.memory_space<hbm>>
      %dma_start3A_575 = arith.constant 0 : i32
      %dma_start3A_576 = arith.constant 0 : i32
      %dma_start3A_577 = tpu.memref_slice %arg13[%scan3A_181, %dma_start3A_575, %dma_start3A_576] : memref<2x128x128xf32, #tpu.memory_space<vmem>> -> memref<1x128x128xf32, #tpu.memory_space<vmem>>
      %dma_start3A_578 = tpu.memref_squeeze %dma_start3A_577 : memref<1x128x128xf32, #tpu.memory_space<vmem>> -> memref<128x128xf32, #tpu.memory_space<vmem>>
      %dma_start3A_579 = arith.constant 0 : i32
      %dma_start3A_580 = tpu.memref_slice %dma_start3A_578[%add3A_566, %dma_start3A_579] : memref<128x128xf32, #tpu.memory_space<vmem>> -> memref<1x128xf32, #tpu.memory_space<vmem>>
      %dma_start3A_581 = arith.constant 0 : i32
      %dma_start3A_582 = tpu.memref_slice %arg5[%squeeze3A_562, %dma_start3A_581] : memref<1000000x128xf32, #tpu.memory_space<hbm>> -> memref<1x128xf32, #tpu.memory_space<hbm>>
      tpu.enqueue_dma source(%dma_start3A_582 : memref<1x128xf32, #tpu.memory_space<hbm>>) target(%dma_start3A_580 : memref<1x128xf32, #tpu.memory_space<vmem>>) target_semaphore(%arg18 : memref<!tpu.dma_semaphore, #tpu.memory_space<semaphore_mem>>)
      %slice3A_583 = vector.extract_strided_slice %get3A_298 {offsets = [13], sizes = [1], strides = [1]} : vector<16xi32> to vector<1xi32>
      %squeeze3A_584 = vector.extract %slice3A_583[0] : i32 from vector<1xi32>
      %mul3A_585 = arith.constant 16 : i32
      %mul3A_586 = arith.muli %scan3A_293, %mul3A_585 : i32
      %add3A_587 = arith.constant 13 : i32
      %add3A_588 = arith.addi %mul3A_586, %add3A_587 : i32
      %dma_start3A_589 = arith.constant 0 : i32
      %dma_start3A_590 = arith.constant 0 : i32
      %dma_start3A_591 = tpu.memref_slice %arg13[%scan3A_181, %dma_start3A_589, %dma_start3A_590] : memref<2x128x128xf32, #tpu.memory_space<vmem>> -> memref<1x128x128xf32, #tpu.memory_space<vmem>>
      %dma_start3A_592 = tpu.memref_squeeze %dma_start3A_591 : memref<1x128x128xf32, #tpu.memory_space<vmem>> -> memref<128x128xf32, #tpu.memory_space<vmem>>
      %dma_start3A_593 = arith.constant 0 : i32
      %dma_start3A_594 = tpu.memref_slice %dma_start3A_592[%add3A_588, %dma_start3A_593] : memref<128x128xf32, #tpu.memory_space<vmem>> -> memref<1x128xf32, #tpu.memory_space<vmem>>
      %dma_start3A_595 = arith.constant 0 : i32
      %dma_start3A_596 = tpu.memref_slice %arg5[%squeeze3A_584, %dma_start3A_595] : memref<1000000x128xf32, #tpu.memory_space<hbm>> -> memref<1x128xf32, #tpu.memory_space<hbm>>
      %dma_start3A_597 = arith.constant 0 : i32
      %dma_start3A_598 = arith.constant 0 : i32
      %dma_start3A_599 = tpu.memref_slice %arg13[%scan3A_181, %dma_start3A_597, %dma_start3A_598] : memref<2x128x128xf32, #tpu.memory_space<vmem>> -> memref<1x128x128xf32, #tpu.memory_space<vmem>>
      %dma_start3A_600 = tpu.memref_squeeze %dma_start3A_599 : memref<1x128x128xf32, #tpu.memory_space<vmem>> -> memref<128x128xf32, #tpu.memory_space<vmem>>
      %dma_start3A_601 = arith.constant 0 : i32
      %dma_start3A_602 = tpu.memref_slice %dma_start3A_600[%add3A_588, %dma_start3A_601] : memref<128x128xf32, #tpu.memory_space<vmem>> -> memref<1x128xf32, #tpu.memory_space<vmem>>
      %dma_start3A_603 = arith.constant 0 : i32
      %dma_start3A_604 = tpu.memref_slice %arg5[%squeeze3A_584, %dma_start3A_603] : memref<1000000x128xf32, #tpu.memory_space<hbm>> -> memref<1x128xf32, #tpu.memory_space<hbm>>
      tpu.enqueue_dma source(%dma_start3A_604 : memref<1x128xf32, #tpu.memory_space<hbm>>) target(%dma_start3A_602 : memref<1x128xf32, #tpu.memory_space<vmem>>) target_semaphore(%arg18 : memref<!tpu.dma_semaphore, #tpu.memory_space<semaphore_mem>>)
      %slice3A_605 = vector.extract_strided_slice %get3A_298 {offsets = [14], sizes = [1], strides = [1]} : vector<16xi32> to vector<1xi32>
      %squeeze3A_606 = vector.extract %slice3A_605[0] : i32 from vector<1xi32>
      %mul3A_607 = arith.constant 16 : i32
      %mul3A_608 = arith.muli %scan3A_293, %mul3A_607 : i32
      %add3A_609 = arith.constant 14 : i32
      %add3A_610 = arith.addi %mul3A_608, %add3A_609 : i32
      %dma_start3A_611 = arith.constant 0 : i32
      %dma_start3A_612 = arith.constant 0 : i32
      %dma_start3A_613 = tpu.memref_slice %arg13[%scan3A_181, %dma_start3A_611, %dma_start3A_612] : memref<2x128x128xf32, #tpu.memory_space<vmem>> -> memref<1x128x128xf32, #tpu.memory_space<vmem>>
      %dma_start3A_614 = tpu.memref_squeeze %dma_start3A_613 : memref<1x128x128xf32, #tpu.memory_space<vmem>> -> memref<128x128xf32, #tpu.memory_space<vmem>>
      %dma_start3A_615 = arith.constant 0 : i32
      %dma_start3A_616 = tpu.memref_slice %dma_start3A_614[%add3A_610, %dma_start3A_615] : memref<128x128xf32, #tpu.memory_space<vmem>> -> memref<1x128xf32, #tpu.memory_space<vmem>>
      %dma_start3A_617 = arith.constant 0 : i32
      %dma_start3A_618 = tpu.memref_slice %arg5[%squeeze3A_606, %dma_start3A_617] : memref<1000000x128xf32, #tpu.memory_space<hbm>> -> memref<1x128xf32, #tpu.memory_space<hbm>>
      %dma_start3A_619 = arith.constant 0 : i32
      %dma_start3A_620 = arith.constant 0 : i32
      %dma_start3A_621 = tpu.memref_slice %arg13[%scan3A_181, %dma_start3A_619, %dma_start3A_620] : memref<2x128x128xf32, #tpu.memory_space<vmem>> -> memref<1x128x128xf32, #tpu.memory_space<vmem>>
      %dma_start3A_622 = tpu.memref_squeeze %dma_start3A_621 : memref<1x128x128xf32, #tpu.memory_space<vmem>> -> memref<128x128xf32, #tpu.memory_space<vmem>>
      %dma_start3A_623 = arith.constant 0 : i32
      %dma_start3A_624 = tpu.memref_slice %dma_start3A_622[%add3A_610, %dma_start3A_623] : memref<128x128xf32, #tpu.memory_space<vmem>> -> memref<1x128xf32, #tpu.memory_space<vmem>>
      %dma_start3A_625 = arith.constant 0 : i32
      %dma_start3A_626 = tpu.memref_slice %arg5[%squeeze3A_606, %dma_start3A_625] : memref<1000000x128xf32, #tpu.memory_space<hbm>> -> memref<1x128xf32, #tpu.memory_space<hbm>>
      tpu.enqueue_dma source(%dma_start3A_626 : memref<1x128xf32, #tpu.memory_space<hbm>>) target(%dma_start3A_624 : memref<1x128xf32, #tpu.memory_space<vmem>>) target_semaphore(%arg18 : memref<!tpu.dma_semaphore, #tpu.memory_space<semaphore_mem>>)
      %slice3A_627 = vector.extract_strided_slice %get3A_298 {offsets = [15], sizes = [1], strides = [1]} : vector<16xi32> to vector<1xi32>
      %squeeze3A_628 = vector.extract %slice3A_627[0] : i32 from vector<1xi32>
      %mul3A_629 = arith.constant 16 : i32
      %mul3A_630 = arith.muli %scan3A_293, %mul3A_629 : i32
      %add3A_631 = arith.constant 15 : i32
      %add3A_632 = arith.addi %mul3A_630, %add3A_631 : i32
      %dma_start3A_633 = arith.constant 0 : i32
      %dma_start3A_634 = arith.constant 0 : i32
      %dma_start3A_635 = tpu.memref_slice %arg13[%scan3A_181, %dma_start3A_633, %dma_start3A_634] : memref<2x128x128xf32, #tpu.memory_space<vmem>> -> memref<1x128x128xf32, #tpu.memory_space<vmem>>
      %dma_start3A_636 = tpu.memref_squeeze %dma_start3A_635 : memref<1x128x128xf32, #tpu.memory_space<vmem>> -> memref<128x128xf32, #tpu.memory_space<vmem>>
      %dma_start3A_637 = arith.constant 0 : i32
      %dma_start3A_638 = tpu.memref_slice %dma_start3A_636[%add3A_632, %dma_start3A_637] : memref<128x128xf32, #tpu.memory_space<vmem>> -> memref<1x128xf32, #tpu.memory_space<vmem>>
      %dma_start3A_639 = arith.constant 0 : i32
      %dma_start3A_640 = tpu.memref_slice %arg5[%squeeze3A_628, %dma_start3A_639] : memref<1000000x128xf32, #tpu.memory_space<hbm>> -> memref<1x128xf32, #tpu.memory_space<hbm>>
      %dma_start3A_641 = arith.constant 0 : i32
      %dma_start3A_642 = arith.constant 0 : i32
      %dma_start3A_643 = tpu.memref_slice %arg13[%scan3A_181, %dma_start3A_641, %dma_start3A_642] : memref<2x128x128xf32, #tpu.memory_space<vmem>> -> memref<1x128x128xf32, #tpu.memory_space<vmem>>
      %dma_start3A_644 = tpu.memref_squeeze %dma_start3A_643 : memref<1x128x128xf32, #tpu.memory_space<vmem>> -> memref<128x128xf32, #tpu.memory_space<vmem>>
      %dma_start3A_645 = arith.constant 0 : i32
      %dma_start3A_646 = tpu.memref_slice %dma_start3A_644[%add3A_632, %dma_start3A_645] : memref<128x128xf32, #tpu.memory_space<vmem>> -> memref<1x128xf32, #tpu.memory_space<vmem>>
      %dma_start3A_647 = arith.constant 0 : i32
      %dma_start3A_648 = tpu.memref_slice %arg5[%squeeze3A_628, %dma_start3A_647] : memref<1000000x128xf32, #tpu.memory_space<hbm>> -> memref<1x128xf32, #tpu.memory_space<hbm>>
      tpu.enqueue_dma source(%dma_start3A_648 : memref<1x128xf32, #tpu.memory_space<hbm>>) target(%dma_start3A_646 : memref<1x128xf32, #tpu.memory_space<vmem>>) target_semaphore(%arg18 : memref<!tpu.dma_semaphore, #tpu.memory_space<semaphore_mem>>)
    }
    %scan3A_186 = arith.constant 8 : i32
    %dma_start3A_187 = arith.constant 1 : i32
    %dma_start3A_188 = arith.constant 0 : i32
    %dma_start3A_189 = arith.constant 0 : i32
    %dma_start3A_190 = tpu.memref_slice %arg11[%dma_start3A_187, %dma_start3A_188, %dma_start3A_189] : memref<2x128x128xf32, #tpu.memory_space<vmem>> -> memref<1x128x128xf32, #tpu.memory_space<vmem>>
    %dma_start3A_191 = tpu.memref_squeeze %dma_start3A_190 : memref<1x128x128xf32, #tpu.memory_space<vmem>> -> memref<128x128xf32, #tpu.memory_space<vmem>>
    %dma_start3A_192 = arith.constant 384 : i32
    %dma_start3A_193 = tpu.memref_slice %arg8[%dma_start3A_192] : memref<512xi32, #tpu.memory_space<vmem>> -> memref<128xi32, #tpu.memory_space<vmem>>
    %dma_start3A_194 = arith.constant 0 : i32
    %dma_start3A_195 = arith.constant 0 : i32
    %dma_start3A_196 = tpu.memref_slice %arg5[%dma_start3A_194, %dma_start3A_195] : memref<1000000x128xf32, #tpu.memory_space<hbm>> -> memref<1000000x128xf32, #tpu.memory_space<hbm>>
    tpu.enqueue_indirect_dma source(%dma_start3A_196 : memref<1000000x128xf32, #tpu.memory_space<hbm>>) target(%dma_start3A_191 : memref<128x128xf32, #tpu.memory_space<vmem>>) offsets(%dma_start3A_193 : memref<128xi32, #tpu.memory_space<vmem>>) semaphore(%arg16 : memref<!tpu.dma_semaphore, #tpu.memory_space<semaphore_mem>>)
    %dma_start3A_197 = arith.constant 1 : i32
    %dma_start3A_198 = arith.constant 0 : i32
    %dma_start3A_199 = arith.constant 0 : i32
    %dma_start3A_200 = tpu.memref_slice %arg12[%dma_start3A_197, %dma_start3A_198, %dma_start3A_199] : memref<2x128x128xf32, #tpu.memory_space<vmem>> -> memref<1x128x128xf32, #tpu.memory_space<vmem>>
    %dma_start3A_201 = tpu.memref_squeeze %dma_start3A_200 : memref<1x128x128xf32, #tpu.memory_space<vmem>> -> memref<128x128xf32, #tpu.memory_space<vmem>>
    %dma_start3A_202 = arith.constant 384 : i32
    %dma_start3A_203 = tpu.memref_slice %arg9[%dma_start3A_202] : memref<512xi32, #tpu.memory_space<vmem>> -> memref<128xi32, #tpu.memory_space<vmem>>
    %dma_start3A_204 = arith.constant 0 : i32
    %dma_start3A_205 = arith.constant 0 : i32
    %dma_start3A_206 = tpu.memref_slice %arg6[%dma_start3A_204, %dma_start3A_205] : memref<1000x128xf32, #tpu.memory_space<hbm>> -> memref<1000x128xf32, #tpu.memory_space<hbm>>
    tpu.enqueue_indirect_dma source(%dma_start3A_206 : memref<1000x128xf32, #tpu.memory_space<hbm>>) target(%dma_start3A_201 : memref<128x128xf32, #tpu.memory_space<vmem>>) offsets(%dma_start3A_203 : memref<128xi32, #tpu.memory_space<vmem>>) semaphore(%arg16 : memref<!tpu.dma_semaphore, #tpu.memory_space<semaphore_mem>>)
    %dma_wait3A_207 = arith.constant 0 : i32
    %dma_wait3A_208 = arith.constant 0 : i32
    %dma_wait3A_209 = arith.constant 0 : i32
    %dma_wait3A_210 = tpu.memref_slice %arg11[%dma_wait3A_207, %dma_wait3A_208, %dma_wait3A_209] : memref<2x128x128xf32, #tpu.memory_space<vmem>> -> memref<1x128x128xf32, #tpu.memory_space<vmem>>
    %dma_wait3A_211 = tpu.memref_squeeze %dma_wait3A_210 : memref<1x128x128xf32, #tpu.memory_space<vmem>> -> memref<128x128xf32, #tpu.memory_space<vmem>>
    %dma_wait3A_212 = arith.constant 256 : i32
    %dma_wait3A_213 = tpu.memref_slice %arg8[%dma_wait3A_212] : memref<512xi32, #tpu.memory_space<vmem>> -> memref<128xi32, #tpu.memory_space<vmem>>
    %dma_wait3A_214 = arith.constant 0 : i32
    %dma_wait3A_215 = arith.constant 0 : i32
    %dma_wait3A_216 = tpu.memref_slice %arg5[%dma_wait3A_214, %dma_wait3A_215] : memref<1000000x128xf32, #tpu.memory_space<hbm>> -> memref<1000000x128xf32, #tpu.memory_space<hbm>>
    tpu.wait_indirect_dma semaphore(%arg15 : memref<!tpu.dma_semaphore, #tpu.memory_space<semaphore_mem>>) src(%dma_wait3A_216 : memref<1000000x128xf32, #tpu.memory_space<hbm>>) dst(%dma_wait3A_211 : memref<128x128xf32, #tpu.memory_space<vmem>>)
    %dma_wait3A_217 = arith.constant 0 : i32
    %dma_wait3A_218 = arith.constant 0 : i32
    %dma_wait3A_219 = arith.constant 0 : i32
    %dma_wait3A_220 = tpu.memref_slice %arg12[%dma_wait3A_217, %dma_wait3A_218, %dma_wait3A_219] : memref<2x128x128xf32, #tpu.memory_space<vmem>> -> memref<1x128x128xf32, #tpu.memory_space<vmem>>
    %dma_wait3A_221 = tpu.memref_squeeze %dma_wait3A_220 : memref<1x128x128xf32, #tpu.memory_space<vmem>> -> memref<128x128xf32, #tpu.memory_space<vmem>>
    %dma_wait3A_222 = arith.constant 256 : i32
    %dma_wait3A_223 = tpu.memref_slice %arg9[%dma_wait3A_222] : memref<512xi32, #tpu.memory_space<vmem>> -> memref<128xi32, #tpu.memory_space<vmem>>
    %dma_wait3A_224 = arith.constant 0 : i32
    %dma_wait3A_225 = arith.constant 0 : i32
    %dma_wait3A_226 = tpu.memref_slice %arg6[%dma_wait3A_224, %dma_wait3A_225] : memref<1000x128xf32, #tpu.memory_space<hbm>> -> memref<1000x128xf32, #tpu.memory_space<hbm>>
    tpu.wait_indirect_dma semaphore(%arg15 : memref<!tpu.dma_semaphore, #tpu.memory_space<semaphore_mem>>) src(%dma_wait3A_226 : memref<1000x128xf32, #tpu.memory_space<hbm>>) dst(%dma_wait3A_221 : memref<128x128xf32, #tpu.memory_space<vmem>>)
    %dma_wait3A_227 = arith.constant 0 : i32
    %dma_wait3A_228 = arith.constant 0 : i32
    %dma_wait3A_229 = arith.constant 0 : i32
    %dma_wait3A_230 = tpu.memref_slice %arg13[%dma_wait3A_227, %dma_wait3A_228, %dma_wait3A_229] : memref<2x128x128xf32, #tpu.memory_space<vmem>> -> memref<1x128x128xf32, #tpu.memory_space<vmem>>
    %dma_wait3A_231 = tpu.memref_squeeze %dma_wait3A_230 : memref<1x128x128xf32, #tpu.memory_space<vmem>> -> memref<128x128xf32, #tpu.memory_space<vmem>>
    %dma_wait3A_232 = arith.constant 0 : i32
    %dma_wait3A_233 = arith.constant 0 : i32
    %dma_wait3A_234 = tpu.memref_slice %arg5[%dma_wait3A_232, %dma_wait3A_233] : memref<1000000x128xf32, #tpu.memory_space<hbm>> -> memref<128x128xf32, #tpu.memory_space<hbm>>
    %dma_wait3A_235 = arith.constant 0 : i32
    %dma_wait3A_236 = arith.constant 0 : i32
    %dma_wait3A_237 = tpu.memref_slice %arg13[%dma_wait3A_227, %dma_wait3A_235, %dma_wait3A_236] : memref<2x128x128xf32, #tpu.memory_space<vmem>> -> memref<1x128x128xf32, #tpu.memory_space<vmem>>
    %dma_wait3A_238 = tpu.memref_squeeze %dma_wait3A_237 : memref<1x128x128xf32, #tpu.memory_space<vmem>> -> memref<128x128xf32, #tpu.memory_space<vmem>>
    %dma_wait3A_239 = arith.constant 0 : i32
    %dma_wait3A_240 = arith.constant 0 : i32
    %dma_wait3A_241 = tpu.memref_slice %arg5[%dma_wait3A_239, %dma_wait3A_240] : memref<1000000x128xf32, #tpu.memory_space<hbm>> -> memref<128x128xf32, #tpu.memory_space<hbm>>
    tpu.wait_dma2 semaphore(%arg17 : memref<!tpu.dma_semaphore, #tpu.memory_space<semaphore_mem>>) src(%dma_wait3A_241 : memref<128x128xf32, #tpu.memory_space<hbm>>) dst(%dma_wait3A_238 : memref<128x128xf32, #tpu.memory_space<vmem>>)
    %parallel_loop3A_242 = arith.constant 0 : i32
    %parallel_loop3A_243 = arith.constant 128 : i32
    %parallel_loop3A_244 = arith.constant 1 : i32
    %parallel_loop3A_245 = arith.constant 0 : i32
    %parallel_loop3A_246 = arith.constant 0 : i32
    %parallel_loop3A_247 = arith.constant 0 : i32
    %parallel_loop3A_248 = arith.constant 0 : i32
    %parallel_loop3A_249 = scf.for %parallel_loop3A_293 = %parallel_loop3A_242 to %parallel_loop3A_243 step %parallel_loop3A_244 iter_args(%parallel_loop3A_294 = %parallel_loop3A_248) -> (i32)  : i32 {
      %parallel_loop3A_295 = arith.constant 0 : i32
      %parallel_loop3A_296 = arith.constant 0 : i32
      %parallel_loop3A_297 = tpu.memref_slice %arg11[%parallel_loop3A_245, %parallel_loop3A_295, %parallel_loop3A_296] : memref<2x128x128xf32, #tpu.memory_space<vmem>> -> memref<1x128x128xf32, #tpu.memory_space<vmem>>
      %parallel_loop3A_298 = tpu.memref_squeeze %parallel_loop3A_297 : memref<1x128x128xf32, #tpu.memory_space<vmem>> -> memref<128x128xf32, #tpu.memory_space<vmem>>
      %parallel_loop3A_299 = arith.index_cast %parallel_loop3A_293 : i32 to index
      %parallel_loop3A_300 = arith.constant 0 : index
      %parallel_loop3A_301 = tpu.vector_load %parallel_loop3A_298[%parallel_loop3A_299, %parallel_loop3A_300] {strides = array<i32>} : memref<128x128xf32, #tpu.memory_space<vmem>>, vector<16xf32>,
      %parallel_loop3A_302 = arith.constant 0 : i32
      %parallel_loop3A_303 = arith.constant 0 : i32
      %parallel_loop3A_304 = tpu.memref_slice %arg11[%parallel_loop3A_245, %parallel_loop3A_302, %parallel_loop3A_303] : memref<2x128x128xf32, #tpu.memory_space<vmem>> -> memref<1x128x128xf32, #tpu.memory_space<vmem>>
      %parallel_loop3A_305 = tpu.memref_squeeze %parallel_loop3A_304 : memref<1x128x128xf32, #tpu.memory_space<vmem>> -> memref<128x128xf32, #tpu.memory_space<vmem>>
      %parallel_loop3A_306 = arith.index_cast %parallel_loop3A_293 : i32 to index
      %parallel_loop3A_307 = arith.constant 64 : index
      %parallel_loop3A_308 = tpu.vector_load %parallel_loop3A_305[%parallel_loop3A_306, %parallel_loop3A_307] {strides = array<i32>} : memref<128x128xf32, #tpu.memory_space<vmem>>, vector<16xf32>,
      %parallel_loop3A_309 = arith.constant 0 : i32
      %parallel_loop3A_310 = arith.constant 0 : i32
      %parallel_loop3A_311 = tpu.memref_slice %arg12[%parallel_loop3A_246, %parallel_loop3A_309, %parallel_loop3A_310] : memref<2x128x128xf32, #tpu.memory_space<vmem>> -> memref<1x128x128xf32, #tpu.memory_space<vmem>>
      %parallel_loop3A_312 = tpu.memref_squeeze %parallel_loop3A_311 : memref<1x128x128xf32, #tpu.memory_space<vmem>> -> memref<128x128xf32, #tpu.memory_space<vmem>>
      %parallel_loop3A_313 = arith.index_cast %parallel_loop3A_293 : i32 to index
      %parallel_loop3A_314 = arith.constant 0 : index
      %parallel_loop3A_315 = tpu.vector_load %parallel_loop3A_312[%parallel_loop3A_313, %parallel_loop3A_314] {strides = array<i32>} : memref<128x128xf32, #tpu.memory_space<vmem>>, vector<16xf32>,
      %parallel_loop3A_316 = arith.constant 0 : i32
      %parallel_loop3A_317 = arith.constant 0 : i32
      %parallel_loop3A_318 = tpu.memref_slice %arg12[%parallel_loop3A_246, %parallel_loop3A_316, %parallel_loop3A_317] : memref<2x128x128xf32, #tpu.memory_space<vmem>> -> memref<1x128x128xf32, #tpu.memory_space<vmem>>
      %parallel_loop3A_319 = tpu.memref_squeeze %parallel_loop3A_318 : memref<1x128x128xf32, #tpu.memory_space<vmem>> -> memref<128x128xf32, #tpu.memory_space<vmem>>
      %parallel_loop3A_320 = arith.index_cast %parallel_loop3A_293 : i32 to index
      %parallel_loop3A_321 = arith.constant 64 : index
      %parallel_loop3A_322 = tpu.vector_load %parallel_loop3A_319[%parallel_loop3A_320, %parallel_loop3A_321] {strides = array<i32>} : memref<128x128xf32, #tpu.memory_space<vmem>>, vector<16xf32>,
      %parallel_loop3A_323 = arith.constant 0 : i32
      %parallel_loop3A_324 = arith.constant 0 : i32
      %parallel_loop3A_325 = tpu.memref_slice %arg13[%parallel_loop3A_247, %parallel_loop3A_323, %parallel_loop3A_324] : memref<2x128x128xf32, #tpu.memory_space<vmem>> -> memref<1x128x128xf32, #tpu.memory_space<vmem>>
      %parallel_loop3A_326 = tpu.memref_squeeze %parallel_loop3A_325 : memref<1x128x128xf32, #tpu.memory_space<vmem>> -> memref<128x128xf32, #tpu.memory_space<vmem>>
      %parallel_loop3A_327 = arith.index_cast %parallel_loop3A_293 : i32 to index
      %parallel_loop3A_328 = arith.constant 0 : index
      %parallel_loop3A_329 = tpu.vector_load %parallel_loop3A_326[%parallel_loop3A_327, %parallel_loop3A_328] {strides = array<i32>} : memref<128x128xf32, #tpu.memory_space<vmem>>, vector<16xf32>,
      %parallel_loop3A_330 = arith.constant 0 : i32
      %parallel_loop3A_331 = arith.constant 0 : i32
      %parallel_loop3A_332 = tpu.memref_slice %arg13[%parallel_loop3A_247, %parallel_loop3A_330, %parallel_loop3A_331] : memref<2x128x128xf32, #tpu.memory_space<vmem>> -> memref<1x128x128xf32, #tpu.memory_space<vmem>>
      %parallel_loop3A_333 = tpu.memref_squeeze %parallel_loop3A_332 : memref<1x128x128xf32, #tpu.memory_space<vmem>> -> memref<128x128xf32, #tpu.memory_space<vmem>>
      %parallel_loop3A_334 = arith.index_cast %parallel_loop3A_293 : i32 to index
      %parallel_loop3A_335 = arith.constant 64 : index
      %parallel_loop3A_336 = tpu.vector_load %parallel_loop3A_333[%parallel_loop3A_334, %parallel_loop3A_335] {strides = array<i32>} : memref<128x128xf32, #tpu.memory_space<vmem>>, vector<16xf32>,
      %parallel_loop3A_337 = arith.mulf %parallel_loop3A_315, %parallel_loop3A_329 : vector<16xf32>
      %parallel_loop3A_338 = arith.mulf %parallel_loop3A_322, %parallel_loop3A_336 : vector<16xf32>
      %parallel_loop3A_339 = arith.addf %parallel_loop3A_337, %parallel_loop3A_338 : vector<16xf32>
      %parallel_loop3A_340 = arith.mulf %parallel_loop3A_301, %parallel_loop3A_339 : vector<16xf32>
      %parallel_loop3A_341 = arith.mulf %parallel_loop3A_315, %parallel_loop3A_336 : vector<16xf32>
      %parallel_loop3A_342 = arith.mulf %parallel_loop3A_322, %parallel_loop3A_329 : vector<16xf32>
      %parallel_loop3A_343 = arith.subf %parallel_loop3A_341, %parallel_loop3A_342 : vector<16xf32>
      %parallel_loop3A_344 = arith.mulf %parallel_loop3A_308, %parallel_loop3A_343 : vector<16xf32>
      %parallel_loop3A_345 = arith.addf %parallel_loop3A_340, %parallel_loop3A_344 : vector<16xf32>
      %parallel_loop3A_346 = arith.constant 0 : i32
      %parallel_loop3A_347 = arith.constant 0 : i32
      %parallel_loop3A_348 = tpu.memref_slice %arg11[%parallel_loop3A_245, %parallel_loop3A_346, %parallel_loop3A_347] : memref<2x128x128xf32, #tpu.memory_space<vmem>> -> memref<1x128x128xf32, #tpu.memory_space<vmem>>
      %parallel_loop3A_349 = tpu.memref_squeeze %parallel_loop3A_348 : memref<1x128x128xf32, #tpu.memory_space<vmem>> -> memref<128x128xf32, #tpu.memory_space<vmem>>
      %parallel_loop3A_350 = arith.index_cast %parallel_loop3A_293 : i32 to index
      %parallel_loop3A_351 = arith.constant 16 : index
      %parallel_loop3A_352 = tpu.vector_load %parallel_loop3A_349[%parallel_loop3A_350, %parallel_loop3A_351] {strides = array<i32>} : memref<128x128xf32, #tpu.memory_space<vmem>>, vector<16xf32>,
      %parallel_loop3A_353 = arith.constant 0 : i32
      %parallel_loop3A_354 = arith.constant 0 : i32
      %parallel_loop3A_355 = tpu.memref_slice %arg11[%parallel_loop3A_245, %parallel_loop3A_353, %parallel_loop3A_354] : memref<2x128x128xf32, #tpu.memory_space<vmem>> -> memref<1x128x128xf32, #tpu.memory_space<vmem>>
      %parallel_loop3A_356 = tpu.memref_squeeze %parallel_loop3A_355 : memref<1x128x128xf32, #tpu.memory_space<vmem>> -> memref<128x128xf32, #tpu.memory_space<vmem>>
      %parallel_loop3A_357 = arith.index_cast %parallel_loop3A_293 : i32 to index
      %parallel_loop3A_358 = arith.constant 80 : index
      %parallel_loop3A_359 = tpu.vector_load %parallel_loop3A_356[%parallel_loop3A_357, %parallel_loop3A_358] {strides = array<i32>} : memref<128x128xf32, #tpu.memory_space<vmem>>, vector<16xf32>,
      %parallel_loop3A_360 = arith.constant 0 : i32
      %parallel_loop3A_361 = arith.constant 0 : i32
      %parallel_loop3A_362 = tpu.memref_slice %arg12[%parallel_loop3A_246, %parallel_loop3A_360, %parallel_loop3A_361] : memref<2x128x128xf32, #tpu.memory_space<vmem>> -> memref<1x128x128xf32, #tpu.memory_space<vmem>>
      %parallel_loop3A_363 = tpu.memref_squeeze %parallel_loop3A_362 : memref<1x128x128xf32, #tpu.memory_space<vmem>> -> memref<128x128xf32, #tpu.memory_space<vmem>>
      %parallel_loop3A_364 = arith.index_cast %parallel_loop3A_293 : i32 to index
      %parallel_loop3A_365 = arith.constant 16 : index
      %parallel_loop3A_366 = tpu.vector_load %parallel_loop3A_363[%parallel_loop3A_364, %parallel_loop3A_365] {strides = array<i32>} : memref<128x128xf32, #tpu.memory_space<vmem>>, vector<16xf32>,
      %parallel_loop3A_367 = arith.constant 0 : i32
      %parallel_loop3A_368 = arith.constant 0 : i32
      %parallel_loop3A_369 = tpu.memref_slice %arg12[%parallel_loop3A_246, %parallel_loop3A_367, %parallel_loop3A_368] : memref<2x128x128xf32, #tpu.memory_space<vmem>> -> memref<1x128x128xf32, #tpu.memory_space<vmem>>
      %parallel_loop3A_370 = tpu.memref_squeeze %parallel_loop3A_369 : memref<1x128x128xf32, #tpu.memory_space<vmem>> -> memref<128x128xf32, #tpu.memory_space<vmem>>
      %parallel_loop3A_371 = arith.index_cast %parallel_loop3A_293 : i32 to index
      %parallel_loop3A_372 = arith.constant 80 : index
      %parallel_loop3A_373 = tpu.vector_load %parallel_loop3A_370[%parallel_loop3A_371, %parallel_loop3A_372] {strides = array<i32>} : memref<128x128xf32, #tpu.memory_space<vmem>>, vector<16xf32>,
      %parallel_loop3A_374 = arith.constant 0 : i32
      %parallel_loop3A_375 = arith.constant 0 : i32
      %parallel_loop3A_376 = tpu.memref_slice %arg13[%parallel_loop3A_247, %parallel_loop3A_374, %parallel_loop3A_375] : memref<2x128x128xf32, #tpu.memory_space<vmem>> -> memref<1x128x128xf32, #tpu.memory_space<vmem>>
      %parallel_loop3A_377 = tpu.memref_squeeze %parallel_loop3A_376 : memref<1x128x128xf32, #tpu.memory_space<vmem>> -> memref<128x128xf32, #tpu.memory_space<vmem>>
      %parallel_loop3A_378 = arith.index_cast %parallel_loop3A_293 : i32 to index
      %parallel_loop3A_379 = arith.constant 16 : index
      %parallel_loop3A_380 = tpu.vector_load %parallel_loop3A_377[%parallel_loop3A_378, %parallel_loop3A_379] {strides = array<i32>} : memref<128x128xf32, #tpu.memory_space<vmem>>, vector<16xf32>,
      %parallel_loop3A_381 = arith.constant 0 : i32
      %parallel_loop3A_382 = arith.constant 0 : i32
      %parallel_loop3A_383 = tpu.memref_slice %arg13[%parallel_loop3A_247, %parallel_loop3A_381, %parallel_loop3A_382] : memref<2x128x128xf32, #tpu.memory_space<vmem>> -> memref<1x128x128xf32, #tpu.memory_space<vmem>>
      %parallel_loop3A_384 = tpu.memref_squeeze %parallel_loop3A_383 : memref<1x128x128xf32, #tpu.memory_space<vmem>> -> memref<128x128xf32, #tpu.memory_space<vmem>>
      %parallel_loop3A_385 = arith.index_cast %parallel_loop3A_293 : i32 to index
      %parallel_loop3A_386 = arith.constant 80 : index
      %parallel_loop3A_387 = tpu.vector_load %parallel_loop3A_384[%parallel_loop3A_385, %parallel_loop3A_386] {strides = array<i32>} : memref<128x128xf32, #tpu.memory_space<vmem>>, vector<16xf32>,
      %parallel_loop3A_388 = arith.mulf %parallel_loop3A_366, %parallel_loop3A_380 : vector<16xf32>
      %parallel_loop3A_389 = arith.mulf %parallel_loop3A_373, %parallel_loop3A_387 : vector<16xf32>
      %parallel_loop3A_390 = arith.addf %parallel_loop3A_388, %parallel_loop3A_389 : vector<16xf32>
      %parallel_loop3A_391 = arith.mulf %parallel_loop3A_352, %parallel_loop3A_390 : vector<16xf32>
      %parallel_loop3A_392 = arith.mulf %parallel_loop3A_366, %parallel_loop3A_387 : vector<16xf32>
      %parallel_loop3A_393 = arith.mulf %parallel_loop3A_373, %parallel_loop3A_380 : vector<16xf32>
      %parallel_loop3A_394 = arith.subf %parallel_loop3A_392, %parallel_loop3A_393 : vector<16xf32>
      %parallel_loop3A_395 = arith.mulf %parallel_loop3A_359, %parallel_loop3A_394 : vector<16xf32>
      %parallel_loop3A_396 = arith.addf %parallel_loop3A_391, %parallel_loop3A_395 : vector<16xf32>
      %parallel_loop3A_397 = arith.constant 0 : i32
      %parallel_loop3A_398 = arith.constant 0 : i32
      %parallel_loop3A_399 = tpu.memref_slice %arg11[%parallel_loop3A_245, %parallel_loop3A_397, %parallel_loop3A_398] : memref<2x128x128xf32, #tpu.memory_space<vmem>> -> memref<1x128x128xf32, #tpu.memory_space<vmem>>
      %parallel_loop3A_400 = tpu.memref_squeeze %parallel_loop3A_399 : memref<1x128x128xf32, #tpu.memory_space<vmem>> -> memref<128x128xf32, #tpu.memory_space<vmem>>
      %parallel_loop3A_401 = arith.index_cast %parallel_loop3A_293 : i32 to index
      %parallel_loop3A_402 = arith.constant 32 : index
      %parallel_loop3A_403 = tpu.vector_load %parallel_loop3A_400[%parallel_loop3A_401, %parallel_loop3A_402] {strides = array<i32>} : memref<128x128xf32, #tpu.memory_space<vmem>>, vector<16xf32>,
      %parallel_loop3A_404 = arith.constant 0 : i32
      %parallel_loop3A_405 = arith.constant 0 : i32
      %parallel_loop3A_406 = tpu.memref_slice %arg11[%parallel_loop3A_245, %parallel_loop3A_404, %parallel_loop3A_405] : memref<2x128x128xf32, #tpu.memory_space<vmem>> -> memref<1x128x128xf32, #tpu.memory_space<vmem>>
      %parallel_loop3A_407 = tpu.memref_squeeze %parallel_loop3A_406 : memref<1x128x128xf32, #tpu.memory_space<vmem>> -> memref<128x128xf32, #tpu.memory_space<vmem>>
      %parallel_loop3A_408 = arith.index_cast %parallel_loop3A_293 : i32 to index
      %parallel_loop3A_409 = arith.constant 96 : index
      %parallel_loop3A_410 = tpu.vector_load %parallel_loop3A_407[%parallel_loop3A_408, %parallel_loop3A_409] {strides = array<i32>} : memref<128x128xf32, #tpu.memory_space<vmem>>, vector<16xf32>,
      %parallel_loop3A_411 = arith.constant 0 : i32
      %parallel_loop3A_412 = arith.constant 0 : i32
      %parallel_loop3A_413 = tpu.memref_slice %arg12[%parallel_loop3A_246, %parallel_loop3A_411, %parallel_loop3A_412] : memref<2x128x128xf32, #tpu.memory_space<vmem>> -> memref<1x128x128xf32, #tpu.memory_space<vmem>>
      %parallel_loop3A_414 = tpu.memref_squeeze %parallel_loop3A_413 : memref<1x128x128xf32, #tpu.memory_space<vmem>> -> memref<128x128xf32, #tpu.memory_space<vmem>>
      %parallel_loop3A_415 = arith.index_cast %parallel_loop3A_293 : i32 to index
      %parallel_loop3A_416 = arith.constant 32 : index
      %parallel_loop3A_417 = tpu.vector_load %parallel_loop3A_414[%parallel_loop3A_415, %parallel_loop3A_416] {strides = array<i32>} : memref<128x128xf32, #tpu.memory_space<vmem>>, vector<16xf32>,
      %parallel_loop3A_418 = arith.constant 0 : i32
      %parallel_loop3A_419 = arith.constant 0 : i32
      %parallel_loop3A_420 = tpu.memref_slice %arg12[%parallel_loop3A_246, %parallel_loop3A_418, %parallel_loop3A_419] : memref<2x128x128xf32, #tpu.memory_space<vmem>> -> memref<1x128x128xf32, #tpu.memory_space<vmem>>
      %parallel_loop3A_421 = tpu.memref_squeeze %parallel_loop3A_420 : memref<1x128x128xf32, #tpu.memory_space<vmem>> -> memref<128x128xf32, #tpu.memory_space<vmem>>
      %parallel_loop3A_422 = arith.index_cast %parallel_loop3A_293 : i32 to index
      %parallel_loop3A_423 = arith.constant 96 : index
      %parallel_loop3A_424 = tpu.vector_load %parallel_loop3A_421[%parallel_loop3A_422, %parallel_loop3A_423] {strides = array<i32>} : memref<128x128xf32, #tpu.memory_space<vmem>>, vector<16xf32>,
      %parallel_loop3A_425 = arith.constant 0 : i32
      %parallel_loop3A_426 = arith.constant 0 : i32
      %parallel_loop3A_427 = tpu.memref_slice %arg13[%parallel_loop3A_247, %parallel_loop3A_425, %parallel_loop3A_426] : memref<2x128x128xf32, #tpu.memory_space<vmem>> -> memref<1x128x128xf32, #tpu.memory_space<vmem>>
      %parallel_loop3A_428 = tpu.memref_squeeze %parallel_loop3A_427 : memref<1x128x128xf32, #tpu.memory_space<vmem>> -> memref<128x128xf32, #tpu.memory_space<vmem>>
      %parallel_loop3A_429 = arith.index_cast %parallel_loop3A_293 : i32 to index
      %parallel_loop3A_430 = arith.constant 32 : index
      %parallel_loop3A_431 = tpu.vector_load %parallel_loop3A_428[%parallel_loop3A_429, %parallel_loop3A_430] {strides = array<i32>} : memref<128x128xf32, #tpu.memory_space<vmem>>, vector<16xf32>,
      %parallel_loop3A_432 = arith.constant 0 : i32
      %parallel_loop3A_433 = arith.constant 0 : i32
      %parallel_loop3A_434 = tpu.memref_slice %arg13[%parallel_loop3A_247, %parallel_loop3A_432, %parallel_loop3A_433] : memref<2x128x128xf32, #tpu.memory_space<vmem>> -> memref<1x128x128xf32, #tpu.memory_space<vmem>>
      %parallel_loop3A_435 = tpu.memref_squeeze %parallel_loop3A_434 : memref<1x128x128xf32, #tpu.memory_space<vmem>> -> memref<128x128xf32, #tpu.memory_space<vmem>>
      %parallel_loop3A_436 = arith.index_cast %parallel_loop3A_293 : i32 to index
      %parallel_loop3A_437 = arith.constant 96 : index
      %parallel_loop3A_438 = tpu.vector_load %parallel_loop3A_435[%parallel_loop3A_436, %parallel_loop3A_437] {strides = array<i32>} : memref<128x128xf32, #tpu.memory_space<vmem>>, vector<16xf32>,
      %parallel_loop3A_439 = arith.mulf %parallel_loop3A_417, %parallel_loop3A_431 : vector<16xf32>
      %parallel_loop3A_440 = arith.mulf %parallel_loop3A_424, %parallel_loop3A_438 : vector<16xf32>
      %parallel_loop3A_441 = arith.addf %parallel_loop3A_439, %parallel_loop3A_440 : vector<16xf32>
      %parallel_loop3A_442 = arith.mulf %parallel_loop3A_403, %parallel_loop3A_441 : vector<16xf32>
      %parallel_loop3A_443 = arith.mulf %parallel_loop3A_417, %parallel_loop3A_438 : vector<16xf32>
      %parallel_loop3A_444 = arith.mulf %parallel_loop3A_424, %parallel_loop3A_431 : vector<16xf32>
      %parallel_loop3A_445 = arith.subf %parallel_loop3A_443, %parallel_loop3A_444 : vector<16xf32>
      %parallel_loop3A_446 = arith.mulf %parallel_loop3A_410, %parallel_loop3A_445 : vector<16xf32>
      %parallel_loop3A_447 = arith.addf %parallel_loop3A_442, %parallel_loop3A_446 : vector<16xf32>
      %parallel_loop3A_448 = arith.constant 0 : i32
      %parallel_loop3A_449 = arith.constant 0 : i32
      %parallel_loop3A_450 = tpu.memref_slice %arg11[%parallel_loop3A_245, %parallel_loop3A_448, %parallel_loop3A_449] : memref<2x128x128xf32, #tpu.memory_space<vmem>> -> memref<1x128x128xf32, #tpu.memory_space<vmem>>
      %parallel_loop3A_451 = tpu.memref_squeeze %parallel_loop3A_450 : memref<1x128x128xf32, #tpu.memory_space<vmem>> -> memref<128x128xf32, #tpu.memory_space<vmem>>
      %parallel_loop3A_452 = arith.index_cast %parallel_loop3A_293 : i32 to index
      %parallel_loop3A_453 = arith.constant 48 : index
      %parallel_loop3A_454 = tpu.vector_load %parallel_loop3A_451[%parallel_loop3A_452, %parallel_loop3A_453] {strides = array<i32>} : memref<128x128xf32, #tpu.memory_space<vmem>>, vector<16xf32>,
      %parallel_loop3A_455 = arith.constant 0 : i32
      %parallel_loop3A_456 = arith.constant 0 : i32
      %parallel_loop3A_457 = tpu.memref_slice %arg11[%parallel_loop3A_245, %parallel_loop3A_455, %parallel_loop3A_456] : memref<2x128x128xf32, #tpu.memory_space<vmem>> -> memref<1x128x128xf32, #tpu.memory_space<vmem>>
      %parallel_loop3A_458 = tpu.memref_squeeze %parallel_loop3A_457 : memref<1x128x128xf32, #tpu.memory_space<vmem>> -> memref<128x128xf32, #tpu.memory_space<vmem>>
      %parallel_loop3A_459 = arith.index_cast %parallel_loop3A_293 : i32 to index
      %parallel_loop3A_460 = arith.constant 112 : index
      %parallel_loop3A_461 = tpu.vector_load %parallel_loop3A_458[%parallel_loop3A_459, %parallel_loop3A_460] {strides = array<i32>} : memref<128x128xf32, #tpu.memory_space<vmem>>, vector<16xf32>,
      %parallel_loop3A_462 = arith.constant 0 : i32
      %parallel_loop3A_463 = arith.constant 0 : i32
      %parallel_loop3A_464 = tpu.memref_slice %arg12[%parallel_loop3A_246, %parallel_loop3A_462, %parallel_loop3A_463] : memref<2x128x128xf32, #tpu.memory_space<vmem>> -> memref<1x128x128xf32, #tpu.memory_space<vmem>>
      %parallel_loop3A_465 = tpu.memref_squeeze %parallel_loop3A_464 : memref<1x128x128xf32, #tpu.memory_space<vmem>> -> memref<128x128xf32, #tpu.memory_space<vmem>>
      %parallel_loop3A_466 = arith.index_cast %parallel_loop3A_293 : i32 to index
      %parallel_loop3A_467 = arith.constant 48 : index
      %parallel_loop3A_468 = tpu.vector_load %parallel_loop3A_465[%parallel_loop3A_466, %parallel_loop3A_467] {strides = array<i32>} : memref<128x128xf32, #tpu.memory_space<vmem>>, vector<16xf32>,
      %parallel_loop3A_469 = arith.constant 0 : i32
      %parallel_loop3A_470 = arith.constant 0 : i32
      %parallel_loop3A_471 = tpu.memref_slice %arg12[%parallel_loop3A_246, %parallel_loop3A_469, %parallel_loop3A_470] : memref<2x128x128xf32, #tpu.memory_space<vmem>> -> memref<1x128x128xf32, #tpu.memory_space<vmem>>
      %parallel_loop3A_472 = tpu.memref_squeeze %parallel_loop3A_471 : memref<1x128x128xf32, #tpu.memory_space<vmem>> -> memref<128x128xf32, #tpu.memory_space<vmem>>
      %parallel_loop3A_473 = arith.index_cast %parallel_loop3A_293 : i32 to index
      %parallel_loop3A_474 = arith.constant 112 : index
      %parallel_loop3A_475 = tpu.vector_load %parallel_loop3A_472[%parallel_loop3A_473, %parallel_loop3A_474] {strides = array<i32>} : memref<128x128xf32, #tpu.memory_space<vmem>>, vector<16xf32>,
      %parallel_loop3A_476 = arith.constant 0 : i32
      %parallel_loop3A_477 = arith.constant 0 : i32
      %parallel_loop3A_478 = tpu.memref_slice %arg13[%parallel_loop3A_247, %parallel_loop3A_476, %parallel_loop3A_477] : memref<2x128x128xf32, #tpu.memory_space<vmem>> -> memref<1x128x128xf32, #tpu.memory_space<vmem>>
      %parallel_loop3A_479 = tpu.memref_squeeze %parallel_loop3A_478 : memref<1x128x128xf32, #tpu.memory_space<vmem>> -> memref<128x128xf32, #tpu.memory_space<vmem>>
      %parallel_loop3A_480 = arith.index_cast %parallel_loop3A_293 : i32 to index
      %parallel_loop3A_481 = arith.constant 48 : index
      %parallel_loop3A_482 = tpu.vector_load %parallel_loop3A_479[%parallel_loop3A_480, %parallel_loop3A_481] {strides = array<i32>} : memref<128x128xf32, #tpu.memory_space<vmem>>, vector<16xf32>,
      %parallel_loop3A_483 = arith.constant 0 : i32
      %parallel_loop3A_484 = arith.constant 0 : i32
      %parallel_loop3A_485 = tpu.memref_slice %arg13[%parallel_loop3A_247, %parallel_loop3A_483, %parallel_loop3A_484] : memref<2x128x128xf32, #tpu.memory_space<vmem>> -> memref<1x128x128xf32, #tpu.memory_space<vmem>>
      %parallel_loop3A_486 = tpu.memref_squeeze %parallel_loop3A_485 : memref<1x128x128xf32, #tpu.memory_space<vmem>> -> memref<128x128xf32, #tpu.memory_space<vmem>>
      %parallel_loop3A_487 = arith.index_cast %parallel_loop3A_293 : i32 to index
      %parallel_loop3A_488 = arith.constant 112 : index
      %parallel_loop3A_489 = tpu.vector_load %parallel_loop3A_486[%parallel_loop3A_487, %parallel_loop3A_488] {strides = array<i32>} : memref<128x128xf32, #tpu.memory_space<vmem>>, vector<16xf32>,
      %parallel_loop3A_490 = arith.mulf %parallel_loop3A_468, %parallel_loop3A_482 : vector<16xf32>
      %parallel_loop3A_491 = arith.mulf %parallel_loop3A_475, %parallel_loop3A_489 : vector<16xf32>
      %parallel_loop3A_492 = arith.addf %parallel_loop3A_490, %parallel_loop3A_491 : vector<16xf32>
      %parallel_loop3A_493 = arith.mulf %parallel_loop3A_454, %parallel_loop3A_492 : vector<16xf32>
      %parallel_loop3A_494 = arith.mulf %parallel_loop3A_468, %parallel_loop3A_489 : vector<16xf32>
      %parallel_loop3A_495 = arith.mulf %parallel_loop3A_475, %parallel_loop3A_482 : vector<16xf32>
      %parallel_loop3A_496 = arith.subf %parallel_loop3A_494, %parallel_loop3A_495 : vector<16xf32>
      %parallel_loop3A_497 = arith.mulf %parallel_loop3A_461, %parallel_loop3A_496 : vector<16xf32>
      %parallel_loop3A_498 = arith.addf %parallel_loop3A_493, %parallel_loop3A_497 : vector<16xf32>
      %parallel_loop3A_499 = arith.addf %parallel_loop3A_345, %parallel_loop3A_396 : vector<16xf32>
      %parallel_loop3A_500 = arith.addf %parallel_loop3A_447, %parallel_loop3A_498 : vector<16xf32>
      %parallel_loop3A_501 = arith.addf %parallel_loop3A_499, %parallel_loop3A_500 : vector<16xf32>
      %parallel_loop3A_502 = arith.constant true
      %parallel_loop3A_503 = vector.broadcast %parallel_loop3A_502 : i1 to vector<16xi1>
      %parallel_loop3A_504 = tpu.scan <sum>, %parallel_loop3A_501 masked %parallel_loop3A_503 : vector<16xf32>, vector<16xi1> -> vector<16xf32>
      %parallel_loop3A_505 = arith.constant 256 : i32
      %parallel_loop3A_506 = arith.addi %parallel_loop3A_505, %parallel_loop3A_293 : i32
      %parallel_loop3A_507 = vector.broadcast %parallel_loop3A_506 : i32 to vector<16xi32>
      tpu.vector_store_idx %arg14[%parallel_loop3A_507], %parallel_loop3A_504 masked %eq3A_14 : memref<512xf32, #tpu.memory_space<vmem>>[vector<16xi32>], vector<16xf32>, vector<16xi1>
      scf.yield %parallel_loop3A_294 : i32
    } {sc.loop_unroll_factor = 4 : i64, sc.parallel_access}
    %dma_wait3A_250 = arith.constant 1 : i32
    %dma_wait3A_251 = arith.constant 0 : i32
    %dma_wait3A_252 = arith.constant 0 : i32
    %dma_wait3A_253 = tpu.memref_slice %arg11[%dma_wait3A_250, %dma_wait3A_251, %dma_wait3A_252] : memref<2x128x128xf32, #tpu.memory_space<vmem>> -> memref<1x128x128xf32, #tpu.memory_space<vmem>>
    %dma_wait3A_254 = tpu.memref_squeeze %dma_wait3A_253 : memref<1x128x128xf32, #tpu.memory_space<vmem>> -> memref<128x128xf32, #tpu.memory_space<vmem>>
    %dma_wait3A_255 = arith.constant 384 : i32
    %dma_wait3A_256 = tpu.memref_slice %arg8[%dma_wait3A_255] : memref<512xi32, #tpu.memory_space<vmem>> -> memref<128xi32, #tpu.memory_space<vmem>>
    %dma_wait3A_257 = arith.constant 0 : i32
    %dma_wait3A_258 = arith.constant 0 : i32
    %dma_wait3A_259 = tpu.memref_slice %arg5[%dma_wait3A_257, %dma_wait3A_258] : memref<1000000x128xf32, #tpu.memory_space<hbm>> -> memref<1000000x128xf32, #tpu.memory_space<hbm>>
    tpu.wait_indirect_dma semaphore(%arg16 : memref<!tpu.dma_semaphore, #tpu.memory_space<semaphore_mem>>) src(%dma_wait3A_259 : memref<1000000x128xf32, #tpu.memory_space<hbm>>) dst(%dma_wait3A_254 : memref<128x128xf32, #tpu.memory_space<vmem>>)
    %dma_wait3A_260 = arith.constant 1 : i32
    %dma_wait3A_261 = arith.constant 0 : i32
    %dma_wait3A_262 = arith.constant 0 : i32
    %dma_wait3A_263 = tpu.memref_slice %arg12[%dma_wait3A_260, %dma_wait3A_261, %dma_wait3A_262] : memref<2x128x128xf32, #tpu.memory_space<vmem>> -> memref<1x128x128xf32, #tpu.memory_space<vmem>>
    %dma_wait3A_264 = tpu.memref_squeeze %dma_wait3A_263 : memref<1x128x128xf32, #tpu.memory_space<vmem>> -> memref<128x128xf32, #tpu.memory_space<vmem>>
    %dma_wait3A_265 = arith.constant 384 : i32
    %dma_wait3A_266 = tpu.memref_slice %arg9[%dma_wait3A_265] : memref<512xi32, #tpu.memory_space<vmem>> -> memref<128xi32, #tpu.memory_space<vmem>>
    %dma_wait3A_267 = arith.constant 0 : i32
    %dma_wait3A_268 = arith.constant 0 : i32
    %dma_wait3A_269 = tpu.memref_slice %arg6[%dma_wait3A_267, %dma_wait3A_268] : memref<1000x128xf32, #tpu.memory_space<hbm>> -> memref<1000x128xf32, #tpu.memory_space<hbm>>
    tpu.wait_indirect_dma semaphore(%arg16 : memref<!tpu.dma_semaphore, #tpu.memory_space<semaphore_mem>>) src(%dma_wait3A_269 : memref<1000x128xf32, #tpu.memory_space<hbm>>) dst(%dma_wait3A_264 : memref<128x128xf32, #tpu.memory_space<vmem>>)
    %dma_wait3A_270 = arith.constant 1 : i32
    %dma_wait3A_271 = arith.constant 0 : i32
    %dma_wait3A_272 = arith.constant 0 : i32
    %dma_wait3A_273 = tpu.memref_slice %arg13[%dma_wait3A_270, %dma_wait3A_271, %dma_wait3A_272] : memref<2x128x128xf32, #tpu.memory_space<vmem>> -> memref<1x128x128xf32, #tpu.memory_space<vmem>>
    %dma_wait3A_274 = tpu.memref_squeeze %dma_wait3A_273 : memref<1x128x128xf32, #tpu.memory_space<vmem>> -> memref<128x128xf32, #tpu.memory_space<vmem>>
    %dma_wait3A_275 = arith.constant 0 : i32
    %dma_wait3A_276 = arith.constant 0 : i32
    %dma_wait3A_277 = tpu.memref_slice %arg5[%dma_wait3A_275, %dma_wait3A_276] : memref<1000000x128xf32, #tpu.memory_space<hbm>> -> memref<128x128xf32, #tpu.memory_space<hbm>>
    %dma_wait3A_278 = arith.constant 0 : i32
    %dma_wait3A_279 = arith.constant 0 : i32
    %dma_wait3A_280 = tpu.memref_slice %arg13[%dma_wait3A_270, %dma_wait3A_278, %dma_wait3A_279] : memref<2x128x128xf32, #tpu.memory_space<vmem>> -> memref<1x128x128xf32, #tpu.memory_space<vmem>>
    %dma_wait3A_281 = tpu.memref_squeeze %dma_wait3A_280 : memref<1x128x128xf32, #tpu.memory_space<vmem>> -> memref<128x128xf32, #tpu.memory_space<vmem>>
    %dma_wait3A_282 = arith.constant 0 : i32
    %dma_wait3A_283 = arith.constant 0 : i32
    %dma_wait3A_284 = tpu.memref_slice %arg5[%dma_wait3A_282, %dma_wait3A_283] : memref<1000000x128xf32, #tpu.memory_space<hbm>> -> memref<128x128xf32, #tpu.memory_space<hbm>>
    tpu.wait_dma2 semaphore(%arg18 : memref<!tpu.dma_semaphore, #tpu.memory_space<semaphore_mem>>) src(%dma_wait3A_284 : memref<128x128xf32, #tpu.memory_space<hbm>>) dst(%dma_wait3A_281 : memref<128x128xf32, #tpu.memory_space<vmem>>)
    %parallel_loop3A_285 = arith.constant 0 : i32
    %parallel_loop3A_286 = arith.constant 128 : i32
    %parallel_loop3A_287 = arith.constant 1 : i32
    %parallel_loop3A_288 = arith.constant 1 : i32
    %parallel_loop3A_289 = arith.constant 1 : i32
    %parallel_loop3A_290 = arith.constant 1 : i32
    %parallel_loop3A_291 = arith.constant 0 : i32
    %parallel_loop3A_292 = scf.for %parallel_loop3A_293 = %parallel_loop3A_285 to %parallel_loop3A_286 step %parallel_loop3A_287 iter_args(%parallel_loop3A_294 = %parallel_loop3A_291) -> (i32)  : i32 {
      %parallel_loop3A_295 = arith.constant 0 : i32
      %parallel_loop3A_296 = arith.constant 0 : i32
      %parallel_loop3A_297 = tpu.memref_slice %arg11[%parallel_loop3A_288, %parallel_loop3A_295, %parallel_loop3A_296] : memref<2x128x128xf32, #tpu.memory_space<vmem>> -> memref<1x128x128xf32, #tpu.memory_space<vmem>>
      %parallel_loop3A_298 = tpu.memref_squeeze %parallel_loop3A_297 : memref<1x128x128xf32, #tpu.memory_space<vmem>> -> memref<128x128xf32, #tpu.memory_space<vmem>>
      %parallel_loop3A_299 = arith.index_cast %parallel_loop3A_293 : i32 to index
      %parallel_loop3A_300 = arith.constant 0 : index
      %parallel_loop3A_301 = tpu.vector_load %parallel_loop3A_298[%parallel_loop3A_299, %parallel_loop3A_300] {strides = array<i32>} : memref<128x128xf32, #tpu.memory_space<vmem>>, vector<16xf32>,
      %parallel_loop3A_302 = arith.constant 0 : i32
      %parallel_loop3A_303 = arith.constant 0 : i32
      %parallel_loop3A_304 = tpu.memref_slice %arg11[%parallel_loop3A_288, %parallel_loop3A_302, %parallel_loop3A_303] : memref<2x128x128xf32, #tpu.memory_space<vmem>> -> memref<1x128x128xf32, #tpu.memory_space<vmem>>
      %parallel_loop3A_305 = tpu.memref_squeeze %parallel_loop3A_304 : memref<1x128x128xf32, #tpu.memory_space<vmem>> -> memref<128x128xf32, #tpu.memory_space<vmem>>
      %parallel_loop3A_306 = arith.index_cast %parallel_loop3A_293 : i32 to index
      %parallel_loop3A_307 = arith.constant 64 : index
      %parallel_loop3A_308 = tpu.vector_load %parallel_loop3A_305[%parallel_loop3A_306, %parallel_loop3A_307] {strides = array<i32>} : memref<128x128xf32, #tpu.memory_space<vmem>>, vector<16xf32>,
      %parallel_loop3A_309 = arith.constant 0 : i32
      %parallel_loop3A_310 = arith.constant 0 : i32
      %parallel_loop3A_311 = tpu.memref_slice %arg12[%parallel_loop3A_289, %parallel_loop3A_309, %parallel_loop3A_310] : memref<2x128x128xf32, #tpu.memory_space<vmem>> -> memref<1x128x128xf32, #tpu.memory_space<vmem>>
      %parallel_loop3A_312 = tpu.memref_squeeze %parallel_loop3A_311 : memref<1x128x128xf32, #tpu.memory_space<vmem>> -> memref<128x128xf32, #tpu.memory_space<vmem>>
      %parallel_loop3A_313 = arith.index_cast %parallel_loop3A_293 : i32 to index
      %parallel_loop3A_314 = arith.constant 0 : index
      %parallel_loop3A_315 = tpu.vector_load %parallel_loop3A_312[%parallel_loop3A_313, %parallel_loop3A_314] {strides = array<i32>} : memref<128x128xf32, #tpu.memory_space<vmem>>, vector<16xf32>,
      %parallel_loop3A_316 = arith.constant 0 : i32
      %parallel_loop3A_317 = arith.constant 0 : i32
      %parallel_loop3A_318 = tpu.memref_slice %arg12[%parallel_loop3A_289, %parallel_loop3A_316, %parallel_loop3A_317] : memref<2x128x128xf32, #tpu.memory_space<vmem>> -> memref<1x128x128xf32, #tpu.memory_space<vmem>>
      %parallel_loop3A_319 = tpu.memref_squeeze %parallel_loop3A_318 : memref<1x128x128xf32, #tpu.memory_space<vmem>> -> memref<128x128xf32, #tpu.memory_space<vmem>>
      %parallel_loop3A_320 = arith.index_cast %parallel_loop3A_293 : i32 to index
      %parallel_loop3A_321 = arith.constant 64 : index
      %parallel_loop3A_322 = tpu.vector_load %parallel_loop3A_319[%parallel_loop3A_320, %parallel_loop3A_321] {strides = array<i32>} : memref<128x128xf32, #tpu.memory_space<vmem>>, vector<16xf32>,
      %parallel_loop3A_323 = arith.constant 0 : i32
      %parallel_loop3A_324 = arith.constant 0 : i32
      %parallel_loop3A_325 = tpu.memref_slice %arg13[%parallel_loop3A_290, %parallel_loop3A_323, %parallel_loop3A_324] : memref<2x128x128xf32, #tpu.memory_space<vmem>> -> memref<1x128x128xf32, #tpu.memory_space<vmem>>
      %parallel_loop3A_326 = tpu.memref_squeeze %parallel_loop3A_325 : memref<1x128x128xf32, #tpu.memory_space<vmem>> -> memref<128x128xf32, #tpu.memory_space<vmem>>
      %parallel_loop3A_327 = arith.index_cast %parallel_loop3A_293 : i32 to index
      %parallel_loop3A_328 = arith.constant 0 : index
      %parallel_loop3A_329 = tpu.vector_load %parallel_loop3A_326[%parallel_loop3A_327, %parallel_loop3A_328] {strides = array<i32>} : memref<128x128xf32, #tpu.memory_space<vmem>>, vector<16xf32>,
      %parallel_loop3A_330 = arith.constant 0 : i32
      %parallel_loop3A_331 = arith.constant 0 : i32
      %parallel_loop3A_332 = tpu.memref_slice %arg13[%parallel_loop3A_290, %parallel_loop3A_330, %parallel_loop3A_331] : memref<2x128x128xf32, #tpu.memory_space<vmem>> -> memref<1x128x128xf32, #tpu.memory_space<vmem>>
      %parallel_loop3A_333 = tpu.memref_squeeze %parallel_loop3A_332 : memref<1x128x128xf32, #tpu.memory_space<vmem>> -> memref<128x128xf32, #tpu.memory_space<vmem>>
      %parallel_loop3A_334 = arith.index_cast %parallel_loop3A_293 : i32 to index
      %parallel_loop3A_335 = arith.constant 64 : index
      %parallel_loop3A_336 = tpu.vector_load %parallel_loop3A_333[%parallel_loop3A_334, %parallel_loop3A_335] {strides = array<i32>} : memref<128x128xf32, #tpu.memory_space<vmem>>, vector<16xf32>,
      %parallel_loop3A_337 = arith.mulf %parallel_loop3A_315, %parallel_loop3A_329 : vector<16xf32>
      %parallel_loop3A_338 = arith.mulf %parallel_loop3A_322, %parallel_loop3A_336 : vector<16xf32>
      %parallel_loop3A_339 = arith.addf %parallel_loop3A_337, %parallel_loop3A_338 : vector<16xf32>
      %parallel_loop3A_340 = arith.mulf %parallel_loop3A_301, %parallel_loop3A_339 : vector<16xf32>
      %parallel_loop3A_341 = arith.mulf %parallel_loop3A_315, %parallel_loop3A_336 : vector<16xf32>
      %parallel_loop3A_342 = arith.mulf %parallel_loop3A_322, %parallel_loop3A_329 : vector<16xf32>
      %parallel_loop3A_343 = arith.subf %parallel_loop3A_341, %parallel_loop3A_342 : vector<16xf32>
      %parallel_loop3A_344 = arith.mulf %parallel_loop3A_308, %parallel_loop3A_343 : vector<16xf32>
      %parallel_loop3A_345 = arith.addf %parallel_loop3A_340, %parallel_loop3A_344 : vector<16xf32>
      %parallel_loop3A_346 = arith.constant 0 : i32
      %parallel_loop3A_347 = arith.constant 0 : i32
      %parallel_loop3A_348 = tpu.memref_slice %arg11[%parallel_loop3A_288, %parallel_loop3A_346, %parallel_loop3A_347] : memref<2x128x128xf32, #tpu.memory_space<vmem>> -> memref<1x128x128xf32, #tpu.memory_space<vmem>>
      %parallel_loop3A_349 = tpu.memref_squeeze %parallel_loop3A_348 : memref<1x128x128xf32, #tpu.memory_space<vmem>> -> memref<128x128xf32, #tpu.memory_space<vmem>>
      %parallel_loop3A_350 = arith.index_cast %parallel_loop3A_293 : i32 to index
      %parallel_loop3A_351 = arith.constant 16 : index
      %parallel_loop3A_352 = tpu.vector_load %parallel_loop3A_349[%parallel_loop3A_350, %parallel_loop3A_351] {strides = array<i32>} : memref<128x128xf32, #tpu.memory_space<vmem>>, vector<16xf32>,
      %parallel_loop3A_353 = arith.constant 0 : i32
      %parallel_loop3A_354 = arith.constant 0 : i32
      %parallel_loop3A_355 = tpu.memref_slice %arg11[%parallel_loop3A_288, %parallel_loop3A_353, %parallel_loop3A_354] : memref<2x128x128xf32, #tpu.memory_space<vmem>> -> memref<1x128x128xf32, #tpu.memory_space<vmem>>
      %parallel_loop3A_356 = tpu.memref_squeeze %parallel_loop3A_355 : memref<1x128x128xf32, #tpu.memory_space<vmem>> -> memref<128x128xf32, #tpu.memory_space<vmem>>
      %parallel_loop3A_357 = arith.index_cast %parallel_loop3A_293 : i32 to index
      %parallel_loop3A_358 = arith.constant 80 : index
      %parallel_loop3A_359 = tpu.vector_load %parallel_loop3A_356[%parallel_loop3A_357, %parallel_loop3A_358] {strides = array<i32>} : memref<128x128xf32, #tpu.memory_space<vmem>>, vector<16xf32>,
      %parallel_loop3A_360 = arith.constant 0 : i32
      %parallel_loop3A_361 = arith.constant 0 : i32
      %parallel_loop3A_362 = tpu.memref_slice %arg12[%parallel_loop3A_289, %parallel_loop3A_360, %parallel_loop3A_361] : memref<2x128x128xf32, #tpu.memory_space<vmem>> -> memref<1x128x128xf32, #tpu.memory_space<vmem>>
      %parallel_loop3A_363 = tpu.memref_squeeze %parallel_loop3A_362 : memref<1x128x128xf32, #tpu.memory_space<vmem>> -> memref<128x128xf32, #tpu.memory_space<vmem>>
      %parallel_loop3A_364 = arith.index_cast %parallel_loop3A_293 : i32 to index
      %parallel_loop3A_365 = arith.constant 16 : index
      %parallel_loop3A_366 = tpu.vector_load %parallel_loop3A_363[%parallel_loop3A_364, %parallel_loop3A_365] {strides = array<i32>} : memref<128x128xf32, #tpu.memory_space<vmem>>, vector<16xf32>,
      %parallel_loop3A_367 = arith.constant 0 : i32
      %parallel_loop3A_368 = arith.constant 0 : i32
      %parallel_loop3A_369 = tpu.memref_slice %arg12[%parallel_loop3A_289, %parallel_loop3A_367, %parallel_loop3A_368] : memref<2x128x128xf32, #tpu.memory_space<vmem>> -> memref<1x128x128xf32, #tpu.memory_space<vmem>>
      %parallel_loop3A_370 = tpu.memref_squeeze %parallel_loop3A_369 : memref<1x128x128xf32, #tpu.memory_space<vmem>> -> memref<128x128xf32, #tpu.memory_space<vmem>>
      %parallel_loop3A_371 = arith.index_cast %parallel_loop3A_293 : i32 to index
      %parallel_loop3A_372 = arith.constant 80 : index
      %parallel_loop3A_373 = tpu.vector_load %parallel_loop3A_370[%parallel_loop3A_371, %parallel_loop3A_372] {strides = array<i32>} : memref<128x128xf32, #tpu.memory_space<vmem>>, vector<16xf32>,
      %parallel_loop3A_374 = arith.constant 0 : i32
      %parallel_loop3A_375 = arith.constant 0 : i32
      %parallel_loop3A_376 = tpu.memref_slice %arg13[%parallel_loop3A_290, %parallel_loop3A_374, %parallel_loop3A_375] : memref<2x128x128xf32, #tpu.memory_space<vmem>> -> memref<1x128x128xf32, #tpu.memory_space<vmem>>
      %parallel_loop3A_377 = tpu.memref_squeeze %parallel_loop3A_376 : memref<1x128x128xf32, #tpu.memory_space<vmem>> -> memref<128x128xf32, #tpu.memory_space<vmem>>
      %parallel_loop3A_378 = arith.index_cast %parallel_loop3A_293 : i32 to index
      %parallel_loop3A_379 = arith.constant 16 : index
      %parallel_loop3A_380 = tpu.vector_load %parallel_loop3A_377[%parallel_loop3A_378, %parallel_loop3A_379] {strides = array<i32>} : memref<128x128xf32, #tpu.memory_space<vmem>>, vector<16xf32>,
      %parallel_loop3A_381 = arith.constant 0 : i32
      %parallel_loop3A_382 = arith.constant 0 : i32
      %parallel_loop3A_383 = tpu.memref_slice %arg13[%parallel_loop3A_290, %parallel_loop3A_381, %parallel_loop3A_382] : memref<2x128x128xf32, #tpu.memory_space<vmem>> -> memref<1x128x128xf32, #tpu.memory_space<vmem>>
      %parallel_loop3A_384 = tpu.memref_squeeze %parallel_loop3A_383 : memref<1x128x128xf32, #tpu.memory_space<vmem>> -> memref<128x128xf32, #tpu.memory_space<vmem>>
      %parallel_loop3A_385 = arith.index_cast %parallel_loop3A_293 : i32 to index
      %parallel_loop3A_386 = arith.constant 80 : index
      %parallel_loop3A_387 = tpu.vector_load %parallel_loop3A_384[%parallel_loop3A_385, %parallel_loop3A_386] {strides = array<i32>} : memref<128x128xf32, #tpu.memory_space<vmem>>, vector<16xf32>,
      %parallel_loop3A_388 = arith.mulf %parallel_loop3A_366, %parallel_loop3A_380 : vector<16xf32>
      %parallel_loop3A_389 = arith.mulf %parallel_loop3A_373, %parallel_loop3A_387 : vector<16xf32>
      %parallel_loop3A_390 = arith.addf %parallel_loop3A_388, %parallel_loop3A_389 : vector<16xf32>
      %parallel_loop3A_391 = arith.mulf %parallel_loop3A_352, %parallel_loop3A_390 : vector<16xf32>
      %parallel_loop3A_392 = arith.mulf %parallel_loop3A_366, %parallel_loop3A_387 : vector<16xf32>
      %parallel_loop3A_393 = arith.mulf %parallel_loop3A_373, %parallel_loop3A_380 : vector<16xf32>
      %parallel_loop3A_394 = arith.subf %parallel_loop3A_392, %parallel_loop3A_393 : vector<16xf32>
      %parallel_loop3A_395 = arith.mulf %parallel_loop3A_359, %parallel_loop3A_394 : vector<16xf32>
      %parallel_loop3A_396 = arith.addf %parallel_loop3A_391, %parallel_loop3A_395 : vector<16xf32>
      %parallel_loop3A_397 = arith.constant 0 : i32
      %parallel_loop3A_398 = arith.constant 0 : i32
      %parallel_loop3A_399 = tpu.memref_slice %arg11[%parallel_loop3A_288, %parallel_loop3A_397, %parallel_loop3A_398] : memref<2x128x128xf32, #tpu.memory_space<vmem>> -> memref<1x128x128xf32, #tpu.memory_space<vmem>>
      %parallel_loop3A_400 = tpu.memref_squeeze %parallel_loop3A_399 : memref<1x128x128xf32, #tpu.memory_space<vmem>> -> memref<128x128xf32, #tpu.memory_space<vmem>>
      %parallel_loop3A_401 = arith.index_cast %parallel_loop3A_293 : i32 to index
      %parallel_loop3A_402 = arith.constant 32 : index
      %parallel_loop3A_403 = tpu.vector_load %parallel_loop3A_400[%parallel_loop3A_401, %parallel_loop3A_402] {strides = array<i32>} : memref<128x128xf32, #tpu.memory_space<vmem>>, vector<16xf32>,
      %parallel_loop3A_404 = arith.constant 0 : i32
      %parallel_loop3A_405 = arith.constant 0 : i32
      %parallel_loop3A_406 = tpu.memref_slice %arg11[%parallel_loop3A_288, %parallel_loop3A_404, %parallel_loop3A_405] : memref<2x128x128xf32, #tpu.memory_space<vmem>> -> memref<1x128x128xf32, #tpu.memory_space<vmem>>
      %parallel_loop3A_407 = tpu.memref_squeeze %parallel_loop3A_406 : memref<1x128x128xf32, #tpu.memory_space<vmem>> -> memref<128x128xf32, #tpu.memory_space<vmem>>
      %parallel_loop3A_408 = arith.index_cast %parallel_loop3A_293 : i32 to index
      %parallel_loop3A_409 = arith.constant 96 : index
      %parallel_loop3A_410 = tpu.vector_load %parallel_loop3A_407[%parallel_loop3A_408, %parallel_loop3A_409] {strides = array<i32>} : memref<128x128xf32, #tpu.memory_space<vmem>>, vector<16xf32>,
      %parallel_loop3A_411 = arith.constant 0 : i32
      %parallel_loop3A_412 = arith.constant 0 : i32
      %parallel_loop3A_413 = tpu.memref_slice %arg12[%parallel_loop3A_289, %parallel_loop3A_411, %parallel_loop3A_412] : memref<2x128x128xf32, #tpu.memory_space<vmem>> -> memref<1x128x128xf32, #tpu.memory_space<vmem>>
      %parallel_loop3A_414 = tpu.memref_squeeze %parallel_loop3A_413 : memref<1x128x128xf32, #tpu.memory_space<vmem>> -> memref<128x128xf32, #tpu.memory_space<vmem>>
      %parallel_loop3A_415 = arith.index_cast %parallel_loop3A_293 : i32 to index
      %parallel_loop3A_416 = arith.constant 32 : index
      %parallel_loop3A_417 = tpu.vector_load %parallel_loop3A_414[%parallel_loop3A_415, %parallel_loop3A_416] {strides = array<i32>} : memref<128x128xf32, #tpu.memory_space<vmem>>, vector<16xf32>,
      %parallel_loop3A_418 = arith.constant 0 : i32
      %parallel_loop3A_419 = arith.constant 0 : i32
      %parallel_loop3A_420 = tpu.memref_slice %arg12[%parallel_loop3A_289, %parallel_loop3A_418, %parallel_loop3A_419] : memref<2x128x128xf32, #tpu.memory_space<vmem>> -> memref<1x128x128xf32, #tpu.memory_space<vmem>>
      %parallel_loop3A_421 = tpu.memref_squeeze %parallel_loop3A_420 : memref<1x128x128xf32, #tpu.memory_space<vmem>> -> memref<128x128xf32, #tpu.memory_space<vmem>>
      %parallel_loop3A_422 = arith.index_cast %parallel_loop3A_293 : i32 to index
      %parallel_loop3A_423 = arith.constant 96 : index
      %parallel_loop3A_424 = tpu.vector_load %parallel_loop3A_421[%parallel_loop3A_422, %parallel_loop3A_423] {strides = array<i32>} : memref<128x128xf32, #tpu.memory_space<vmem>>, vector<16xf32>,
      %parallel_loop3A_425 = arith.constant 0 : i32
      %parallel_loop3A_426 = arith.constant 0 : i32
      %parallel_loop3A_427 = tpu.memref_slice %arg13[%parallel_loop3A_290, %parallel_loop3A_425, %parallel_loop3A_426] : memref<2x128x128xf32, #tpu.memory_space<vmem>> -> memref<1x128x128xf32, #tpu.memory_space<vmem>>
      %parallel_loop3A_428 = tpu.memref_squeeze %parallel_loop3A_427 : memref<1x128x128xf32, #tpu.memory_space<vmem>> -> memref<128x128xf32, #tpu.memory_space<vmem>>
      %parallel_loop3A_429 = arith.index_cast %parallel_loop3A_293 : i32 to index
      %parallel_loop3A_430 = arith.constant 32 : index
      %parallel_loop3A_431 = tpu.vector_load %parallel_loop3A_428[%parallel_loop3A_429, %parallel_loop3A_430] {strides = array<i32>} : memref<128x128xf32, #tpu.memory_space<vmem>>, vector<16xf32>,
      %parallel_loop3A_432 = arith.constant 0 : i32
      %parallel_loop3A_433 = arith.constant 0 : i32
      %parallel_loop3A_434 = tpu.memref_slice %arg13[%parallel_loop3A_290, %parallel_loop3A_432, %parallel_loop3A_433] : memref<2x128x128xf32, #tpu.memory_space<vmem>> -> memref<1x128x128xf32, #tpu.memory_space<vmem>>
      %parallel_loop3A_435 = tpu.memref_squeeze %parallel_loop3A_434 : memref<1x128x128xf32, #tpu.memory_space<vmem>> -> memref<128x128xf32, #tpu.memory_space<vmem>>
      %parallel_loop3A_436 = arith.index_cast %parallel_loop3A_293 : i32 to index
      %parallel_loop3A_437 = arith.constant 96 : index
      %parallel_loop3A_438 = tpu.vector_load %parallel_loop3A_435[%parallel_loop3A_436, %parallel_loop3A_437] {strides = array<i32>} : memref<128x128xf32, #tpu.memory_space<vmem>>, vector<16xf32>,
      %parallel_loop3A_439 = arith.mulf %parallel_loop3A_417, %parallel_loop3A_431 : vector<16xf32>
      %parallel_loop3A_440 = arith.mulf %parallel_loop3A_424, %parallel_loop3A_438 : vector<16xf32>
      %parallel_loop3A_441 = arith.addf %parallel_loop3A_439, %parallel_loop3A_440 : vector<16xf32>
      %parallel_loop3A_442 = arith.mulf %parallel_loop3A_403, %parallel_loop3A_441 : vector<16xf32>
      %parallel_loop3A_443 = arith.mulf %parallel_loop3A_417, %parallel_loop3A_438 : vector<16xf32>
      %parallel_loop3A_444 = arith.mulf %parallel_loop3A_424, %parallel_loop3A_431 : vector<16xf32>
      %parallel_loop3A_445 = arith.subf %parallel_loop3A_443, %parallel_loop3A_444 : vector<16xf32>
      %parallel_loop3A_446 = arith.mulf %parallel_loop3A_410, %parallel_loop3A_445 : vector<16xf32>
      %parallel_loop3A_447 = arith.addf %parallel_loop3A_442, %parallel_loop3A_446 : vector<16xf32>
      %parallel_loop3A_448 = arith.constant 0 : i32
      %parallel_loop3A_449 = arith.constant 0 : i32
      %parallel_loop3A_450 = tpu.memref_slice %arg11[%parallel_loop3A_288, %parallel_loop3A_448, %parallel_loop3A_449] : memref<2x128x128xf32, #tpu.memory_space<vmem>> -> memref<1x128x128xf32, #tpu.memory_space<vmem>>
      %parallel_loop3A_451 = tpu.memref_squeeze %parallel_loop3A_450 : memref<1x128x128xf32, #tpu.memory_space<vmem>> -> memref<128x128xf32, #tpu.memory_space<vmem>>
      %parallel_loop3A_452 = arith.index_cast %parallel_loop3A_293 : i32 to index
      %parallel_loop3A_453 = arith.constant 48 : index
      %parallel_loop3A_454 = tpu.vector_load %parallel_loop3A_451[%parallel_loop3A_452, %parallel_loop3A_453] {strides = array<i32>} : memref<128x128xf32, #tpu.memory_space<vmem>>, vector<16xf32>,
      %parallel_loop3A_455 = arith.constant 0 : i32
      %parallel_loop3A_456 = arith.constant 0 : i32
      %parallel_loop3A_457 = tpu.memref_slice %arg11[%parallel_loop3A_288, %parallel_loop3A_455, %parallel_loop3A_456] : memref<2x128x128xf32, #tpu.memory_space<vmem>> -> memref<1x128x128xf32, #tpu.memory_space<vmem>>
      %parallel_loop3A_458 = tpu.memref_squeeze %parallel_loop3A_457 : memref<1x128x128xf32, #tpu.memory_space<vmem>> -> memref<128x128xf32, #tpu.memory_space<vmem>>
      %parallel_loop3A_459 = arith.index_cast %parallel_loop3A_293 : i32 to index
      %parallel_loop3A_460 = arith.constant 112 : index
      %parallel_loop3A_461 = tpu.vector_load %parallel_loop3A_458[%parallel_loop3A_459, %parallel_loop3A_460] {strides = array<i32>} : memref<128x128xf32, #tpu.memory_space<vmem>>, vector<16xf32>,
      %parallel_loop3A_462 = arith.constant 0 : i32
      %parallel_loop3A_463 = arith.constant 0 : i32
      %parallel_loop3A_464 = tpu.memref_slice %arg12[%parallel_loop3A_289, %parallel_loop3A_462, %parallel_loop3A_463] : memref<2x128x128xf32, #tpu.memory_space<vmem>> -> memref<1x128x128xf32, #tpu.memory_space<vmem>>
      %parallel_loop3A_465 = tpu.memref_squeeze %parallel_loop3A_464 : memref<1x128x128xf32, #tpu.memory_space<vmem>> -> memref<128x128xf32, #tpu.memory_space<vmem>>
      %parallel_loop3A_466 = arith.index_cast %parallel_loop3A_293 : i32 to index
      %parallel_loop3A_467 = arith.constant 48 : index
      %parallel_loop3A_468 = tpu.vector_load %parallel_loop3A_465[%parallel_loop3A_466, %parallel_loop3A_467] {strides = array<i32>} : memref<128x128xf32, #tpu.memory_space<vmem>>, vector<16xf32>,
      %parallel_loop3A_469 = arith.constant 0 : i32
      %parallel_loop3A_470 = arith.constant 0 : i32
      %parallel_loop3A_471 = tpu.memref_slice %arg12[%parallel_loop3A_289, %parallel_loop3A_469, %parallel_loop3A_470] : memref<2x128x128xf32, #tpu.memory_space<vmem>> -> memref<1x128x128xf32, #tpu.memory_space<vmem>>
      %parallel_loop3A_472 = tpu.memref_squeeze %parallel_loop3A_471 : memref<1x128x128xf32, #tpu.memory_space<vmem>> -> memref<128x128xf32, #tpu.memory_space<vmem>>
      %parallel_loop3A_473 = arith.index_cast %parallel_loop3A_293 : i32 to index
      %parallel_loop3A_474 = arith.constant 112 : index
      %parallel_loop3A_475 = tpu.vector_load %parallel_loop3A_472[%parallel_loop3A_473, %parallel_loop3A_474] {strides = array<i32>} : memref<128x128xf32, #tpu.memory_space<vmem>>, vector<16xf32>,
      %parallel_loop3A_476 = arith.constant 0 : i32
      %parallel_loop3A_477 = arith.constant 0 : i32
      %parallel_loop3A_478 = tpu.memref_slice %arg13[%parallel_loop3A_290, %parallel_loop3A_476, %parallel_loop3A_477] : memref<2x128x128xf32, #tpu.memory_space<vmem>> -> memref<1x128x128xf32, #tpu.memory_space<vmem>>
      %parallel_loop3A_479 = tpu.memref_squeeze %parallel_loop3A_478 : memref<1x128x128xf32, #tpu.memory_space<vmem>> -> memref<128x128xf32, #tpu.memory_space<vmem>>
      %parallel_loop3A_480 = arith.index_cast %parallel_loop3A_293 : i32 to index
      %parallel_loop3A_481 = arith.constant 48 : index
      %parallel_loop3A_482 = tpu.vector_load %parallel_loop3A_479[%parallel_loop3A_480, %parallel_loop3A_481] {strides = array<i32>} : memref<128x128xf32, #tpu.memory_space<vmem>>, vector<16xf32>,
      %parallel_loop3A_483 = arith.constant 0 : i32
      %parallel_loop3A_484 = arith.constant 0 : i32
      %parallel_loop3A_485 = tpu.memref_slice %arg13[%parallel_loop3A_290, %parallel_loop3A_483, %parallel_loop3A_484] : memref<2x128x128xf32, #tpu.memory_space<vmem>> -> memref<1x128x128xf32, #tpu.memory_space<vmem>>
      %parallel_loop3A_486 = tpu.memref_squeeze %parallel_loop3A_485 : memref<1x128x128xf32, #tpu.memory_space<vmem>> -> memref<128x128xf32, #tpu.memory_space<vmem>>
      %parallel_loop3A_487 = arith.index_cast %parallel_loop3A_293 : i32 to index
      %parallel_loop3A_488 = arith.constant 112 : index
      %parallel_loop3A_489 = tpu.vector_load %parallel_loop3A_486[%parallel_loop3A_487, %parallel_loop3A_488] {strides = array<i32>} : memref<128x128xf32, #tpu.memory_space<vmem>>, vector<16xf32>,
      %parallel_loop3A_490 = arith.mulf %parallel_loop3A_468, %parallel_loop3A_482 : vector<16xf32>
      %parallel_loop3A_491 = arith.mulf %parallel_loop3A_475, %parallel_loop3A_489 : vector<16xf32>
      %parallel_loop3A_492 = arith.addf %parallel_loop3A_490, %parallel_loop3A_491 : vector<16xf32>
      %parallel_loop3A_493 = arith.mulf %parallel_loop3A_454, %parallel_loop3A_492 : vector<16xf32>
      %parallel_loop3A_494 = arith.mulf %parallel_loop3A_468, %parallel_loop3A_489 : vector<16xf32>
      %parallel_loop3A_495 = arith.mulf %parallel_loop3A_475, %parallel_loop3A_482 : vector<16xf32>
      %parallel_loop3A_496 = arith.subf %parallel_loop3A_494, %parallel_loop3A_495 : vector<16xf32>
      %parallel_loop3A_497 = arith.mulf %parallel_loop3A_461, %parallel_loop3A_496 : vector<16xf32>
      %parallel_loop3A_498 = arith.addf %parallel_loop3A_493, %parallel_loop3A_497 : vector<16xf32>
      %parallel_loop3A_499 = arith.addf %parallel_loop3A_345, %parallel_loop3A_396 : vector<16xf32>
      %parallel_loop3A_500 = arith.addf %parallel_loop3A_447, %parallel_loop3A_498 : vector<16xf32>
      %parallel_loop3A_501 = arith.addf %parallel_loop3A_499, %parallel_loop3A_500 : vector<16xf32>
      %parallel_loop3A_502 = arith.constant true
      %parallel_loop3A_503 = vector.broadcast %parallel_loop3A_502 : i1 to vector<16xi1>
      %parallel_loop3A_504 = tpu.scan <sum>, %parallel_loop3A_501 masked %parallel_loop3A_503 : vector<16xf32>, vector<16xi1> -> vector<16xf32>
      %parallel_loop3A_505 = arith.constant 384 : i32
      %parallel_loop3A_506 = arith.addi %parallel_loop3A_505, %parallel_loop3A_293 : i32
      %parallel_loop3A_507 = vector.broadcast %parallel_loop3A_506 : i32 to vector<16xi32>
      tpu.vector_store_idx %arg14[%parallel_loop3A_507], %parallel_loop3A_504 masked %eq3A_14 : memref<512xf32, #tpu.memory_space<vmem>>[vector<16xi32>], vector<16xf32>, vector<16xi1>
      scf.yield %parallel_loop3A_294 : i32
    } {sc.loop_unroll_factor = 4 : i64, sc.parallel_access}
    "tpu.region"() ({
      %run_scoped3A = tpu.sem_alloc : memref<!tpu.dma_semaphore, #tpu.memory_space<semaphore_mem>>
      %dma_start3A_293 = tpu.memref_slice %arg7[%mul3A_2] : memref<16384xf32, #tpu.memory_space<hbm>> -> memref<512xf32, #tpu.memory_space<hbm>>
      %dma_start3A_294 = tpu.memref_slice %arg7[%mul3A_2] : memref<16384xf32, #tpu.memory_space<hbm>> -> memref<512xf32, #tpu.memory_space<hbm>>
      tpu.enqueue_dma source(%arg14 : memref<512xf32, #tpu.memory_space<vmem>>) target(%dma_start3A_294 : memref<512xf32, #tpu.memory_space<hbm>>) target_semaphore(%run_scoped3A : memref<!tpu.dma_semaphore, #tpu.memory_space<semaphore_mem>>)
      %dma_wait3A_295 = tpu.memref_slice %arg7[%mul3A_2] : memref<16384xf32, #tpu.memory_space<hbm>> -> memref<512xf32, #tpu.memory_space<hbm>>
      %dma_wait3A_296 = tpu.memref_slice %arg7[%mul3A_2] : memref<16384xf32, #tpu.memory_space<hbm>> -> memref<512xf32, #tpu.memory_space<hbm>>
      tpu.wait_dma2 semaphore(%run_scoped3A : memref<!tpu.dma_semaphore, #tpu.memory_space<semaphore_mem>>) src(%arg14 : memref<512xf32, #tpu.memory_space<vmem>>) dst(%dma_wait3A_296 : memref<512xf32, #tpu.memory_space<hbm>>)
      tpu.yield
    }) : () -> ()
    return
  }
}

</mosaic_0001>

<sc_bundles>
// kernel: kernel.3.cloned.1.call-start
scs
__scs_entry_jumppad:
0x0: {  	(pc) =	sbr.rel $0x88, $3  }
0x1: {  	(tag) =	ssettag $0x0;
	lr =	simm.s32 $0x1  }
0x2: {  	[smem:$0x3F9C] =	sst lr;
	_ =	strace $0xD0000000  }
0x3: {  	_ = 	snop  }
0x4: {  	_ = 	snop  }
0x5: {  	_ = 	snop  }
0x6: {  	_ = 	snop  }
0x7: {  	_ = 	snop  }
__scs_overlays_trampoline_lowered:
0x8: {  	[smem:$0x3FAB] =	sst s0  }
0x9: {  	[smem:$0x3FAC] =	sst s1  }
0xa: {  	[smem:$0x3FAD] =	sst s2  }
0xb: {  	[smem:$0x3FAE] =	sst s3  }
0xc: {  	[smem:$0x3FAF] =	sst s4  }
0xd: {  	[smem:$0x3FB0] =	sst s5  }
0xe: {  	[smem:$0x3FB1] =	sst s6  }
0xf: {  	[smem:$0x3FB2] =	sst s7  }
0x10: {  	[smem:$0x3FB3] =	sst s8  }
0x11: {  	[smem:$0x3FB4] =	sst s9;
	s0 =	simm.s32 @!p0 $0x0  }
0x12: {  	s1 =	sld [smem:$0x3F9A];
	s0 =	simm.s32 @p0 $0x1  }
0x13: {  	[smem:$0x3FB5] =	sst s0;
	s0 =	simm.s32 @!p1 $0x0  }
0x14: {  	s2 =	sld [smem:$0x3F99];
	s0 =	simm.s32 @p1 $0x1  }
0x15: {  	[smem:$0x3FB6] =	sst s0;
	s0 =	simm.s32 @!p2 $0x0  }
0x16: {  	s3 =	sld [smem:$0x3FDB];
	s0 =	simm.s32 @p2 $0x1  }
0x17: {  	s4 =	simm.s32 $0x1BF5;
	[smem:$0x3FB8] =	sst s0  }
0x18: {  	s0 =	sld [smem:$0x3F9B];
	_ =	swait.ge [sflag:s4], $0x0  }
0x19: {  	s7 =	sld [smem:$0x3F9C]  }
0x1a: {  	s8 =	sadd.s32 $0xFFFFE003, lr  }
0x1b: {  	s9 =	sadd.s32 $0xFFFFFEF7, lr;
	s5 =	simm.s32 $0xFFFFFFFF;
	p2 =	slt.u32 s8, $0xFFFFF086  }
0x1c: {  	p1 =	slt.u32 s9, $0xF7A;
	s5 =	simm.s32 @!p2 $0x0  }
0x1d: {  	s5 =	simm.s32 @p1 $0x1;
	p0 =	seq.s32 s7, s2  }
0x1e: {  	s7 =	smul.u32 @!p0 $0xF7A, s2;
	p2 =	seq.s32 @!p0 s5, $0x0  }
0x1f: {  	s9 =	smul.u32 $0xF7A, s1;
	s8 =	simm.s32 @!p0 $0x1BF5;
	p2 =	por !p2, p0  }
0x20: {  	[sflag:s8] =	ssyncset.s32 @!p0 $0xFFFFF086;
	s6 =	sadd.s32 @!p0 s3, s7;
	s7 =	simm.s32 @!p0 $0x108  }
0x21: {  	s3 =	sadd.s32 s3, s9;
	s6 =	sadd.s32 @!p0 $0x88, s6;
	s7 =	simm.s32 @p2 $0x1082  }
0x22: {  	[simem:s7], [sflag:s8] =	dma.local @!p0 [hbm:s6], $0xF7A  }
0x23: {  	s9 =	sor.u32 $0xD0000000, s2;
	s6 =	simm.s32 $0x108;
	_ =	swait.ge @!p0 [sflag:s8], $0x0  }
0x24: {  	s3 =	sadd.s32 $0x88, s3;
	s6 =	simm.s32 @!p1 $0x1082;
	[sflag:s4] =	ssyncset.s32 $0xFFFFF086  }
0x25: {  	[simem:s6], [sflag:s4] =	dma.local [hbm:s3], $0xF7A  }
0x26: {  	[smem:$0x3F9C] =	sst s1;
	(tag) =	ssettag s2;
	_ =	strace s9  }
0x27: {  	s1 =	sld [smem:$0x3FAC]  }
0x28: {  	s2 =	sld [smem:$0x3FAD]  }
0x29: {  	s4 =	sld [smem:$0x3FAF]  }
0x2a: {  	p0 =	seq.s32 s5, $0x0;
	s5 =	sld [smem:$0x3FB0]  }
0x2b: {  	s6 =	sld [smem:$0x3FB1]  }
0x2c: {  	s7 =	sld [smem:$0x3FB2]  }
0x2d: {  	s3 =	simm.s32 $0x108;
	s8 =	sld [smem:$0x3FB3]  }
0x2e: {  	s3 =	simm.s32 @!p0 $0x1082;
	s9 =	sld [smem:$0x3FB4]  }
0x2f: {  	lr =	sadd.s32 s0, s3;
	s0 =	sld [smem:$0x3FAB]  }
0x30: {  	s3 =	sld [smem:$0x3FAE]  }
0x31: {  	[smem:$0x3FB7] =	sst s10  }
0x32: {  	s10 =	sld [smem:$0x3FB5];
	_ =	sdelay $0x3  }
0x33: {  	p0 =	seq.s32 s10, $0x1;
	s10 =	sld [smem:$0x3FB7];
	_ =	sdelay $0x3  }
0x34: {  	[smem:$0x3FB7] =	sst s10  }
0x35: {  	s10 =	sld [smem:$0x3FB6];
	_ =	sdelay $0x3  }
0x36: {  	p1 =	seq.s32 s10, $0x1;
	s10 =	sld [smem:$0x3FB7];
	_ =	sdelay $0x3  }
0x37: {  	[smem:$0x3FB7] =	sst s10  }
0x38: {  	s10 =	sld [smem:$0x3FB8]  }
0x39: {  	_ = 	snop;
	(pc) =	sbr.ind lr, $3  }
0x3a: {  	_ = 	snop  }
0x3b: {  	_ = 	snop  }
0x3c: {  	p2 =	seq.s32 s10, $0x1;
	s10 =	sld [smem:$0x3FB7]  }
0x3d: {  	_ =	shalt  }
0x3e: {  	_ =	shalt  }
0x3f: {  	_ =	shalt  }
0x40: {  	_ =	shalt  }
0x41: {  	_ =	shalt  }
0x42: {  	_ =	shalt  }
0x43: {  	_ =	shalt  }
0x44: {  	_ =	shalt  }
0x45: {  	_ =	shalt  }
0x46: {  	_ =	shalt  }
0x47: {  	_ =	shalt  }
0x48: {  	_ =	shalt  }
0x49: {  	_ =	shalt  }
0x4a: {  	_ =	shalt  }
0x4b: {  	_ =	shalt  }
0x4c: {  	_ =	shalt  }
0x4d: {  	_ =	shalt  }
0x4e: {  	_ =	shalt  }
0x4f: {  	_ =	shalt  }
0x50: {  	_ =	shalt  }
0x51: {  	_ =	shalt  }
0x52: {  	_ =	shalt  }
0x53: {  	_ =	shalt  }
0x54: {  	_ =	shalt  }
0x55: {  	_ =	shalt  }
0x56: {  	_ =	shalt  }
0x57: {  	_ =	shalt  }
0x58: {  	_ =	shalt  }
0x59: {  	_ =	shalt  }
0x5a: {  	_ =	shalt  }
0x5b: {  	_ =	shalt  }
0x5c: {  	_ =	shalt  }
0x5d: {  	_ =	shalt  }
0x5e: {  	_ =	shalt  }
0x5f: {  	_ =	shalt  }
0x60: {  	_ =	shalt  }
0x61: {  	_ =	shalt  }
0x62: {  	_ =	shalt  }
0x63: {  	_ =	shalt  }
0x64: {  	_ =	shalt  }
0x65: {  	_ =	shalt  }
0x66: {  	_ =	shalt  }
0x67: {  	_ =	shalt  }
0x68: {  	_ =	shalt  }
0x69: {  	_ =	shalt  }
0x6a: {  	_ =	shalt  }
0x6b: {  	_ =	shalt  }
0x6c: {  	_ =	shalt  }
0x6d: {  	_ =	shalt  }
0x6e: {  	_ =	shalt  }
0x6f: {  	_ =	shalt  }
0x70: {  	_ =	shalt  }
0x71: {  	_ =	shalt  }
0x72: {  	_ =	shalt  }
0x73: {  	_ =	shalt  }
0x74: {  	_ =	shalt  }
0x75: {  	_ =	shalt  }
0x76: {  	_ =	shalt  }
0x77: {  	_ =	shalt  }
0x78: {  	_ =	shalt  }
0x79: {  	_ =	shalt  }
0x7a: {  	_ =	shalt  }
0x7b: {  	_ =	shalt  }
0x7c: {  	_ =	shalt  }
0x7d: {  	_ =	shalt  }
0x7e: {  	_ =	shalt  }
0x7f: {  	_ =	shalt  }
0x80: {  	_ =	shalt  }
0x81: {  	_ =	shalt  }
0x82: {  	_ =	shalt  }
0x83: {  	_ =	shalt  }
0x84: {  	_ =	shalt  }
0x85: {  	_ =	shalt  }
0x86: {  	_ =	shalt  }
0x87: {  	_ =	shalt  }
.Lfunc_end0:
.L_simem_size_0:
called_computation_lowered:
.L_overlay_start_0:
0x88: {  	s2 =	sld [smem:$0x3FD9]  }
0x89: {  	s3 =	sld [smem:$0x3FFE];
	_ =	sdelay $0x1  }
0x8a: {  	s1 =	srdreg.scid  }
0x8b: {  	s0 =	sand.u32 $0x1, s1  }
0x8c: {  	s18 =	sshll.u32 s0, $0xA;
	s2 =	sadd.s32 s3, s2  }
0x8d: {  	s2 =	sadd.s32 s2, s18  }
0x8e: {  	[smem:$0x3FC3] =	sst s2  }
0x8f: {  	_ = 	snop  }
0x90: {  	s2 =	sld [smem:$0x3FC9]  }
0x91: {  	s19 =	sld [smem:$0x3FC8]  }
0x92: {  	s4 =	sld [smem:$0x3FC7]  }
0x93: {  	s5 =	sld [smem:$0x3FC6]  }
0x94: {  	s6 =	sld [smem:$0x3FC5]  }
0x95: {  	s7 =	sld [smem:$0x3FD0];
	(tm) =	ssettm $0x1  }
0x96: {  	s8 =	sld [smem:$0x3FFB];
	_ =	sdelay $0x3  }
0x97: {  	_ =	strace s8  }
0x98: {  	s8 =	sld [smem:$0x3FFC];
	_ =	sdelay $0x3  }
0x99: {  	_ =	strace s8  }
0x9a: {  	s8 =	sld [smem:$0x3FFD];
	_ =	sdelay $0x3  }
0x9b: {  	_ =	strace s8  }
0x9c: {  	_ =	strace $0x8FFFFFFF  }
0x9d: {  	s20 =	sld [smem:$0x3FDB];
	_ =	sdelay $0x1  }
0x9e: {  	s9 =	simm.s32 $_scs_section_size  }
0x9f: {  	s10 =	simm.s32 $_size__tile_overlayer_lowered;
	s11 =	simm.s32 $_tile_overlayer_lowered  }
0xa0: {  	s23 =	simm.s32 $0x1BFF;
	s22 =	sshll.u32 s11, $0x1;
	s8 =	sadd.s32 s9, s20  }
0xa1: {  	s12 =	simm.s32 $0x0;
	s21 =	sshll.u32 s10, $0x1;
	s10 =	sadd.s32 s22, s8  }
0xa2: {  	[timem:s12], [sflag:s23] =	dma.local [hbm:s10], s21  }
0xa3: {  	_ =	swait.ge [sflag:s23], s21  }
0xa4: {  	s9 =	ssub.s32 $0x0, s21;
	[sflag:s23] =	ssyncset.done $0x0  }
0xa5: {  	[sflag:s23] =	ssyncadd.s32 s9;
	_ =	sdelay $0x1  }
0xa6: {  	s24 =	simm.s32 $0x1B8B  }
0xa7: {  	_ =	swait.ge [sflag:s24], $0x1  }
0xa8: {  	[sflag:s24] =	ssyncset.done $0x0  }
0xa9: {  	s25 =	simm.s32 $0x1B8E;
	[sflag:s24] =	ssyncadd.s32 $0xFFFFFFFF  }
0xaa: {  	s26 =	simm.s32 $execute0_lowered;
	[smem:$0x3FD2] =	sst s25  }
0xab: {  	s9 =	sshll.u32 s26, $0x1;
	_ =	strace $0x80000046;
	[dreg:$0x1] =	wrdreg $0xFFFFFFFF  }
0xac: {  	s28 =	simm.s32 $_size_execute0_lowered;
	s8 =	sadd.s32 s8, s9;
	[dreg:$0x0] =	wrdreg $0x0  }
0xad: {  	s9 =	sshll.u32 s28, $0x1;
	[dreg:$0x2] =	wrdreg s8  }
0xae: {  	[dreg:$0x3] =	wrdreg s9  }
0xaf: {  	[dreg:$0x4] =	wrdreg $0xC0  }
0xb0: {  	_ =	task [dreg:s12], $0x5FFFF  }
0xb1: {  	[dreg:$0x1] =	wrdreg $0xFFFFFFFF  }
0xb2: {  	[dreg:$0x0] =	wrdreg $0x60  }
0xb3: {  	[dreg:$0x2] =	wrdreg s2  }
0xb4: {  	[dreg:$0x3] =	wrdreg s19  }
0xb5: {  	[dreg:$0x4] =	wrdreg s4  }
0xb6: {  	[dreg:$0x5] =	wrdreg s5  }
0xb7: {  	[dreg:$0x6] =	wrdreg s6  }
0xb8: {  	[dreg:$0x7] =	wrdreg s7  }
0xb9: {  	[dreg:$0x8] =	wrdreg $0x9  }
0xba: {  	_ =	task.clear_ibuf [dreg:s12], $0x9FFFF;
	_ =	strace $0x90000046  }
0xbb: {  	s29 =	simm.s32 $0x9;
	_ =	strace $0x80000048  }
0xbc: {  	_ =	swait.ge [sflag:s29], $0x1  }
0xbd: {  	[sflag:s29] =	ssyncadd.s32 $0xFFFFFFFF  }
0xbe: {  	_ =	strace $0x90000048  }
0xbf: {  	_ =	sfence  }
0xc0: {  	s30 =	sld [smem:$0x0];
	_ =	sdelay $0x2  }
0xc1: {  	s31 =	sshll.u32 s1, $0xD;
	s1 =	sshrl.u32 s1, $0x2  }
0xc2: {  	s3 =	sand.u32 $0x4000, s31;
	s1 =	sadd.s32 s1, s30  }
0xc3: {  	s0 =	sor.u32 s3, s0;
	s1 =	sshll.u32 s1, $0x11  }
0xc4: {  	s0 =	sor.u32 s1, s0  }
0xc5: {  	s0 =	sadd.s32 $0x8F2B, s0  }
0xc6: {  	[sflag:s0] =	ssyncadd.remote.s32 $0x1  }
0xc7: {  	_ =	sfence.sel $0xFFFF  }
0xc8: {  	[dreg:$0x0] =	wrdreg $0xFFFFFFFF;
	(pc) =	sbr.abs _section_cstart, $3  }
0xc9: {  	[dreg:$0x1] =	wrdreg $0xFFFFFFFF  }
0xca: {  	_ =	task.clear_ibuf [dreg:s12], $0x2FFFF;
	_ =	strace $0x9FFFFFFF  }
0xcb: {  	(tm) =	ssettm $0x7FFFFFFF  }
tec
execute0_lowered:
.L_overlay_start_1:
0x0: {  	(tag) =	ssettag $0x1  }
0x1: {  	s0 =	rddreg [dreg:$0x0]  }
0x2: {  	s3 =	rddreg [dreg:$0x1]  }
0x3: {  	s7 =	rddreg [dreg:$0x2]  }
0x4: {  	s1 =	rddreg [dreg:$0x3]  }
0x5: {  	s2 =	rddreg [dreg:$0x4]  }
0x6: {  	s8 =	rddreg [dreg:$0x5]  }
0x7: {  	s4 =	simm.s32 $0x0;
	s5 =	srdreg.scid;
	s9 =	stileid.u32  }
0x8: {  	s11 =	simm.s32 $0x1;
	s12 =	simm.s32 $0x80;
	s5 =	sand.u32 $0x1, s5  }
0x9: {  	s9 =	sshll.u32 s9, $0x7;
	s6 =	ssub.s32 $0x2, s5;
	s5 =	sshll.u32 s5, $0x6  }
0xa: {  	s18 =	simm.s32 $0x3;
	s19 =	simm.s32 $0x18600;
	s9 =	sor.u32 s5, s9  }
0xb: {  	s22 =	simm.s32 $0x2;
	[smem:$0x7FF] =	sst s4;
	s0 =	sadd.s32 s0, s9  }
0xc: {  	_ =	strace $0x80000047;
	s26 =	sadd.s32 s3, s9;
	[dreg:$0x7] =	wrdreg s0  }
0xd: {  	s10 =	sshrl.u32 s6, $0x1;
	s29 =	sadd.s32 s7, s9;
	[dreg:$0x8] =	wrdreg s26  }
0xe: {  	s10 =	ssub.s32 s6, s10;
	s30 =	sadd.s32 s8, s9;
	[dreg:$0x9] =	wrdreg s29  }
0xf: {  	s23 =	simm.s32 $0x4;
	[dreg:$0xa] =	wrdreg s30;
	s31 =	smax.u32 s10, $0x1  }
0x10: {  	vm0 =	vcmask $0x3F3C;
	s28 =	simm.s32 $0x0;
	s26 =	simm.s32 $0x5;
	[dreg:$0xb] =	wrdreg s31  }
.LBB2_1:
0x11: {  	s0 =	rddreg [dreg:$0x7]  }
0x12: {  	[tilespmem:s4], [sflag:$0x1] =	stream.linear.gather [hbm4b:s0+s4], $0x200, $0x38;
	[tilespmem:$0x18800] =	vst v63  }
0x13: {  	s30 =	rddreg [dreg:$0x8];
	s3 =	simm.s32 $0x200  }
0x14: {  	[tilespmem:s3], [sflag:$0x1] =	stream.linear.gather [hbm4b:s30+s4], $0x200, $0x38;
	[tilespmem:$0x18800] =	vst v63  }
0x15: {  	s31 =	rddreg [dreg:$0x9];
	s3 =	simm.s32 $0x400  }
0x16: {  	[tilespmem:s3], [sflag:$0x1] =	stream.linear.gather [hbm4b:s31+s4], $0x200, $0x38;
	[tilespmem:$0x18800] =	vst v63  }
0x17: {  	_ =	swait.ge [sflag:s11], $0x200  }
0x18: {  	[sflag:s11] =	ssyncset.done $0x0  }
0x19: {  	[sflag:s11] =	ssyncadd.s32 $0xFFFFFE00  }
0x1a: {  	_ =	swait.ge [sflag:s11], $0x200  }
0x1b: {  	[sflag:s11] =	ssyncset.done $0x0  }
0x1c: {  	[sflag:s11] =	ssyncadd.s32 $0xFFFFFE00  }
0x1d: {  	_ =	swait.ge [sflag:s11], $0x200  }
0x1e: {  	[sflag:s11] =	ssyncset.done $0x0  }
0x1f: {  	[sflag:s11] =	ssyncadd.s32 $0xFFFFFE00  }
0x20: {  	v0 =	vld [tilespmem:s3+$0x0];
	_ =	sdelay $0x4  }
0x21: {  	v0 =	vshll.u32 v0, $0x4  }
0x22: {  	(v2sf) =	vpush v0, $0x0  }
0x23: {  	(v2sf) =	vpush v0, $0x1  }
0x24: {  	(v2sf) =	vpush v0, $0x2;
	_ =	sdelay $0x1  }
0x25: {  	(v2sf) =	vpush v0, $0x4;
	_ =	sdelay $0x1  }
0x26: {  	(v2sf) =	vpush v0, $0x3  }
0x27: {  	(v2sf) =	vpush v0, $0x5  }
0x28: {  	s29 =	simm.s32 $0x2000;
	s0 =	simm.s32 $0x0;
	(v2sf) =	vpush v0, $0x6  }
.LBB2_2:
0x29: {  	p0 =	sne.s32 s29, $0xE000  }
0x2a: {  	s14 =	sadd.s32 $0x10680, s0;
	s20 =	sadd.s32 $0x10B80, s0;
	s30 =	smov.u32 s29  }
0x2b: {  	s29 =	sadd.s32 $0x2000, s29;
	s25 =	sadd.s32 $0x10980, s0;
	s31 =	sadd.s32 $0x10C00, s0;
	(v2sf) =	vpush v0, $0x7  }
0x2c: {  	s13 =	sadd.s32 $0x10880, s0;
	s24 =	sadd.s32 $0x10A00, s0;
	s16 =	sadd.s32 $0x10C80, s0  }
0x2d: {  	s15 =	sadd.s32 $0x10600, s0;
	s17 =	sadd.s32 $0x10800, s0;
	(v2sf) =	vpush v0, $0x8  }
0x2e: {  	s5 =	sadd.s32 $0x10900, s0;
	s3 =	sadd.s32 $0x10, s3  }
0x2f: {  	s6 =	sadd.s32 $0x10700, s0;
	s21 =	sadd.s32 $0x10B00, s0;
	s10 =	spop (v2sf);
	(v2sf) =	vpush v0, $0x9  }
0x30: {  	s7 =	sand.u32 $0x1FFFFFF0, s10;
	s10 =	sadd.s32 $0x10A80, s0;
	s8 =	spop (v2sf)  }
0x31: {  	s7 =	sadd.s32 s1, s7;
	s8 =	sand.u32 $0x1FFFFFF0, s8;
	s9 =	spop (v2sf);
	(v2sf) =	vpush v0, $0xA  }
0x32: {  	[tilespmem:s15], [sflag:$0x3] =	stream.linear.gather [hbm4b:s7+s4], $0x80, $0x38;
	[tilespmem:$0x18800] =	vst v63  }
0x33: {  	s7 =	sadd.s32 s1, s8;
	s8 =	sadd.s32 $0x10780, s0;
	s15 =	spop (v2sf);
	(v2sf) =	vpush v0, $0xB  }
0x34: {  	[tilespmem:s14], [sflag:$0x3] =	stream.linear.gather [hbm4b:s7+s4], $0x80, $0x38;
	[tilespmem:$0x18800] =	vst v63  }
0x35: {  	s7 =	sand.u32 $0x1FFFFFF0, s9;
	s9 =	sand.u32 $0x1FFFFFF0, s15;
	s14 =	spop (v2sf);
	(v2sf) =	vpush v0, $0xC  }
0x36: {  	s7 =	sadd.s32 s1, s7;
	s14 =	sand.u32 $0x1FFFFFF0, s14;
	s15 =	spop (v2sf)  }
0x37: {  	[tilespmem:s6], [sflag:$0x3] =	stream.linear.gather [hbm4b:s7+s4], $0x80, $0x38;
	(v2sf) =	vpush v0, $0xD;
	[tilespmem:$0x18800] =	vst v63  }
0x38: {  	s6 =	sadd.s32 s1, s14;
	s7 =	sand.u32 $0x1FFFFFF0, s15;
	s14 =	spop (v2sf)  }
0x39: {  	[tilespmem:s8], [sflag:$0x3] =	stream.linear.gather [hbm4b:s6+s4], $0x80, $0x38;
	(v2sf) =	vpush v0, $0xE;
	[tilespmem:$0x18800] =	vst v63  }
0x3a: {  	s6 =	sadd.s32 s1, s9;
	s8 =	sand.u32 $0x1FFFFFF0, s14;
	s9 =	spop (v2sf)  }
0x3b: {  	[tilespmem:s17], [sflag:$0x3] =	stream.linear.gather [hbm4b:s6+s4], $0x80, $0x38;
	(v2sf) =	vpush v0, $0xF;
	[tilespmem:$0x18800] =	vst v63  }
0x3c: {  	s6 =	sadd.s32 s1, s7;
	s7 =	sand.u32 $0x1FFFFFF0, s9;
	s9 =	spop (v2sf)  }
0x3d: {  	[tilespmem:s13], [sflag:$0x3] =	stream.linear.gather [hbm4b:s6+s4], $0x80, $0x38;
	[tilespmem:$0x18800] =	vst v63  }
0x3e: {  	s6 =	sadd.s32 s1, s8;
	s8 =	sand.u32 $0x1FFFFFF0, s9;
	s9 =	spop (v2sf)  }
0x3f: {  	[tilespmem:s5], [sflag:$0x3] =	stream.linear.gather [hbm4b:s6+s4], $0x80, $0x38;
	[tilespmem:$0x18800] =	vst v63  }
0x40: {  	s5 =	sadd.s32 s1, s7;
	s6 =	sand.u32 $0x1FFFFFF0, s9;
	s7 =	spop (v2sf)  }
0x41: {  	[tilespmem:s25], [sflag:$0x3] =	stream.linear.gather [hbm4b:s5+s4], $0x80, $0x38;
	[tilespmem:$0x18800] =	vst v63  }
0x42: {  	s5 =	sadd.s32 s1, s8;
	s7 =	sand.u32 $0x1FFFFFF0, s7;
	s8 =	spop (v2sf)  }
0x43: {  	[tilespmem:s24], [sflag:$0x3] =	stream.linear.gather [hbm4b:s5+s4], $0x80, $0x38;
	[tilespmem:$0x18800] =	vst v63  }
0x44: {  	s5 =	sadd.s32 s1, s6;
	s6 =	sand.u32 $0x1FFFFFF0, s8;
	s8 =	spop (v2sf)  }
0x45: {  	[tilespmem:s10], [sflag:$0x3] =	stream.linear.gather [hbm4b:s5+s4], $0x80, $0x38;
	[tilespmem:$0x18800] =	vst v63  }
0x46: {  	s5 =	sadd.s32 s1, s7;
	s7 =	sand.u32 $0x1FFFFFF0, s8;
	s8 =	spop (v2sf)  }
0x47: {  	[tilespmem:s21], [sflag:$0x3] =	stream.linear.gather [hbm4b:s5+s4], $0x80, $0x38;
	[tilespmem:$0x18800] =	vst v63  }
0x48: {  	s5 =	sadd.s32 s1, s6;
	s6 =	sand.u32 $0x1FFFFFF0, s8;
	s8 =	spop (v2sf)  }
0x49: {  	[tilespmem:s20], [sflag:$0x3] =	stream.linear.gather [hbm4b:s5+s4], $0x80, $0x38;
	[tilespmem:$0x18800] =	vst v63  }
0x4a: {  	s5 =	sadd.s32 s1, s7;
	s7 =	sand.u32 $0x1FFFFFF0, s8;
	s8 =	spop (v2sf)  }
0x4b: {  	[tilespmem:s31], [sflag:$0x3] =	stream.linear.gather [hbm4b:s5+s4], $0x80, $0x38;
	[tilespmem:$0x18800] =	vst v63  }
0x4c: {  	s5 =	sadd.s32 s1, s6;
	s6 =	sand.u32 $0x1FFFFFF0, s8  }
0x4d: {  	[tilespmem:s16], [sflag:$0x3] =	stream.linear.gather [hbm4b:s5+s4], $0x80, $0x38;
	[tilespmem:$0x18800] =	vst v63  }
0x4e: {  	s7 =	sadd.s32 s1, s7;
	s5 =	sadd.s32 $0x10D00, s0  }
0x4f: {  	[tilespmem:s5], [sflag:$0x3] =	stream.linear.gather [hbm4b:s7+s4], $0x80, $0x38;
	[tilespmem:$0x18800] =	vst v63  }
0x50: {  	s0 =	sadd.s32 $0x10D80, s0;
	s5 =	sadd.s32 s1, s6  }
0x51: {  	[tilespmem:s0], [sflag:$0x3] =	stream.linear.gather [hbm4b:s5+s4], $0x80, $0x38;
	[tilespmem:$0x18800] =	vst v63  }
0x52: {  	v0 =	vld [tilespmem:s3+$0x0];
	_ =	sdelay $0x4  }
0x53: {  	v0 =	vshll.u32 v0, $0x4  }
0x54: {  	(v2sf) =	vpush v0, $0x0  }
0x55: {  	(v2sf) =	vpush v0, $0x1  }
0x56: {  	(v2sf) =	vpush v0, $0x2;
	_ =	sdelay $0x1  }
0x57: {  	(v2sf) =	vpush v0, $0x4  }
.Ltmp0:
0x58: {  	(pc) =	sbr.rel @p0 .LBB2_2-.Ltmp0, $3  }
0x59: {  	(v2sf) =	vpush v0, $0x3  }
0x5a: {  	(v2sf) =	vpush v0, $0x5;
	_ =	sdelay $0x1  }
0x5b: {  	s0 =	sshra.s32 s30, $0x2;
	(v2sf) =	vpush v0, $0x6  }
0x5c: {  	_ =	sdelay $0x1  }
0x5d: {  	s5 =	sadd.s32 $0x10680, s0;
	s20 =	sadd.s32 $0x10B80, s0  }
0x5e: {  	s6 =	sadd.s32 $0x10980, s0;
	s3 =	sadd.s32 $0x10C00, s0;
	(v2sf) =	vpush v0, $0x7;
	s7 =	sadd.s32 $0x10880, s0  }
0x5f: {  	s8 =	sadd.s32 $0x10A00, s0;
	s16 =	sadd.s32 $0x10C80, s0;
	s9 =	sadd.s32 $0x10600, s0  }
0x60: {  	s10 =	sadd.s32 $0x10800, s0;
	s13 =	sadd.s32 $0x10900, s0;
	(v2sf) =	vpush v0, $0x8;
	s14 =	spop (v2sf)  }
0x61: {  	s15 =	sadd.s32 $0x10700, s0;
	s14 =	sand.u32 $0x1FFFFFF0, s14;
	s17 =	spop (v2sf)  }
0x62: {  	(v2sf) =	vpush v0, $0x9;
	s14 =	sadd.s32 s1, s14;
	s17 =	sand.u32 $0x1FFFFFF0, s17;
	s21 =	spop (v2sf)  }
0x63: {  	[tilespmem:s9], [sflag:$0x3] =	stream.linear.gather [hbm4b:s14+s4], $0x80, $0x38;
	[tilespmem:$0x18800] =	vst v63  }
0x64: {  	s24 =	sadd.s32 $0x10780, s0;
	(v2sf) =	vpush v0, $0xA;
	s30 =	sadd.s32 s1, s17;
	s31 =	spop (v2sf)  }
0x65: {  	[tilespmem:s5], [sflag:$0x3] =	stream.linear.gather [hbm4b:s30+s4], $0x80, $0x38;
	[tilespmem:$0x18800] =	vst v63  }
0x66: {  	s9 =	sadd.s32 $0x10B00, s0;
	s21 =	sand.u32 $0x1FFFFFF0, s21;
	(v2sf) =	vpush v0, $0xB;
	s25 =	spop (v2sf)  }
0x67: {  	s14 =	sadd.s32 s1, s21;
	s5 =	sadd.s32 $0x10A80, s0;
	s21 =	sand.u32 $0x1FFFFFF0, s25  }
0x68: {  	(v2sf) =	vpush v0, $0xC;
	[tilespmem:s15], [sflag:$0x3] =	stream.linear.gather [hbm4b:s14+s4], $0x80, $0x38;
	[tilespmem:$0x18800] =	vst v63  }
0x69: {  	s30 =	sand.u32 $0x1FFFFFF0, s31;
	s31 =	spop (v2sf);
	s21 =	sadd.s32 s1, s21  }
0x6a: {  	(v2sf) =	vpush v0, $0xD;
	[tilespmem:s24], [sflag:$0x3] =	stream.linear.gather [hbm4b:s21+s4], $0x80, $0x38;
	[tilespmem:$0x18800] =	vst v63  }
0x6b: {  	s14 =	sadd.s32 s1, s30;
	s15 =	sand.u32 $0x1FFFFFF0, s31;
	s24 =	spop (v2sf)  }
0x6c: {  	(v2sf) =	vpush v0, $0xE;
	[tilespmem:s10], [sflag:$0x3] =	stream.linear.gather [hbm4b:s14+s4], $0x80, $0x38;
	[tilespmem:$0x18800] =	vst v63  }
0x6d: {  	s15 =	sadd.s32 s1, s15;
	s25 =	sand.u32 $0x1FFFFFF0, s24;
	s30 =	spop (v2sf)  }
0x6e: {  	(v2sf) =	vpush v0, $0xF;
	[tilespmem:s7], [sflag:$0x3] =	stream.linear.gather [hbm4b:s15+s4], $0x80, $0x38;
	[tilespmem:$0x18800] =	vst v63  }
0x6f: {  	s31 =	sand.u32 $0x1FFFFFF0, s30;
	s10 =	sadd.s32 s1, s25;
	s15 =	spop (v2sf)  }
0x70: {  	[tilespmem:s13], [sflag:$0x3] =	stream.linear.gather [hbm4b:s10+s4], $0x80, $0x38;
	[tilespmem:$0x18800] =	vst v63  }
0x71: {  	s7 =	sadd.s32 s1, s31;
	s17 =	sand.u32 $0x1FFFFFF0, s15;
	s21 =	spop (v2sf)  }
0x72: {  	[tilespmem:s6], [sflag:$0x3] =	stream.linear.gather [hbm4b:s7+s4], $0x80, $0x38;
	[tilespmem:$0x18800] =	vst v63  }
0x73: {  	s10 =	sadd.s32 s1, s17;
	s24 =	sand.u32 $0x1FFFFFF0, s21;
	s25 =	spop (v2sf)  }
0x74: {  	[tilespmem:s8], [sflag:$0x3] =	stream.linear.gather [hbm4b:s10+s4], $0x80, $0x38;
	[tilespmem:$0x18800] =	vst v63  }
0x75: {  	s7 =	sand.u32 $0x1FFFFFF0, s25;
	s6 =	sadd.s32 s1, s24;
	s30 =	spop (v2sf)  }
0x76: {  	[tilespmem:s5], [sflag:$0x3] =	stream.linear.gather [hbm4b:s6+s4], $0x80, $0x38;
	[tilespmem:$0x18800] =	vst v63  }
0x77: {  	s7 =	sadd.s32 s1, s7;
	s31 =	sand.u32 $0x1FFFFFF0, s30;
	s8 =	spop (v2sf)  }
0x78: {  	[tilespmem:s9], [sflag:$0x3] =	stream.linear.gather [hbm4b:s7+s4], $0x80, $0x38;
	[tilespmem:$0x18800] =	vst v63  }
0x79: {  	s5 =	sadd.s32 s1, s31;
	s6 =	sand.u32 $0x1FFFFFF0, s8;
	s9 =	spop (v2sf)  }
0x7a: {  	[tilespmem:s20], [sflag:$0x3] =	stream.linear.gather [hbm4b:s5+s4], $0x80, $0x38;
	[tilespmem:$0x18800] =	vst v63  }
0x7b: {  	s6 =	sadd.s32 s1, s6;
	s10 =	sand.u32 $0x1FFFFFF0, s9;
	s13 =	spop (v2sf)  }
0x7c: {  	[tilespmem:s3], [sflag:$0x3] =	stream.linear.gather [hbm4b:s6+s4], $0x80, $0x38;
	[tilespmem:$0x18800] =	vst v63  }
0x7d: {  	s14 =	sand.u32 $0x1FFFFFF0, s13;
	s15 =	spop (v2sf);
	s5 =	sadd.s32 s1, s10  }
0x7e: {  	[tilespmem:s16], [sflag:$0x3] =	stream.linear.gather [hbm4b:s5+s4], $0x80, $0x38;
	[tilespmem:$0x18800] =	vst v63  }
0x7f: {  	s17 =	sadd.s32 $0x10D00, s0;
	s3 =	sadd.s32 s1, s14;
	s16 =	sand.u32 $0x1FFFFFF0, s15  }
0x80: {  	[tilespmem:s17], [sflag:$0x3] =	stream.linear.gather [hbm4b:s3+s4], $0x80, $0x38;
	[tilespmem:$0x18800] =	vst v63  }
0x81: {  	s20 =	sadd.s32 $0x10D80, s0;
	s21 =	sadd.s32 s1, s16  }
0x82: {  	[tilespmem:s20], [sflag:$0x3] =	stream.linear.gather [hbm4b:s21+s4], $0x80, $0x38;
	[tilespmem:$0x18800] =	vst v63  }
0x83: {  	s24 =	simm.s32 $0x0;
	s25 =	simm.s32 $0x600  }
0x84: {  	[tilespmem:s25], [sflag:$0x1] =	stream.indirect.gather [hbm4b:s1+s12], $0x80, s24, s12, $0xb8;
	[tilespmem:$0x18800] =	vst v63  }
0x85: {  	s30 =	simm.s32 $0x200;
	s31 =	simm.s32 $0x8600;
	s3 =	simm.s32 $0x480  }
0x86: {  	[tilespmem:s31], [sflag:$0x1] =	stream.indirect.gather [hbm4b:s2+s12], $0x80, s30, s12, $0xb8;
	[tilespmem:$0x18800] =	vst v63  }
0x87: {  	v0 =	vld [tilespmem:s3+$0x0];
	_ =	sdelay $0x4  }
0x88: {  	v0 =	vshll.u32 v0, $0x4  }
0x89: {  	(v2sf) =	vpush v0, $0x0  }
0x8a: {  	(v2sf) =	vpush v0, $0x1  }
0x8b: {  	(v2sf) =	vpush v0, $0x2;
	_ =	sdelay $0x1  }
0x8c: {  	(v2sf) =	vpush v0, $0x4;
	_ =	sdelay $0x1  }
0x8d: {  	(v2sf) =	vpush v0, $0x3  }
0x8e: {  	(v2sf) =	vpush v0, $0x5  }
0x8f: {  	s29 =	simm.s32 $0x2000;
	s0 =	simm.s32 $0x0;
	(v2sf) =	vpush v0, $0x6  }
.LBB2_4:
0x90: {  	p0 =	sne.s32 s29, $0xE000  }
0x91: {  	s5 =	sadd.s32 $0x14680, s0;
	s20 =	sadd.s32 $0x14B80, s0;
	s30 =	smov.u32 s29  }
0x92: {  	s29 =	sadd.s32 $0x2000, s29;
	s25 =	sadd.s32 $0x14980, s0;
	s16 =	sadd.s32 $0x14C00, s0;
	(v2sf) =	vpush v0, $0x7  }
0x93: {  	s13 =	sadd.s32 $0x14880, s0;
	s24 =	sadd.s32 $0x14A00, s0;
	s31 =	sadd.s32 $0x14C80, s0  }
0x94: {  	s6 =	sadd.s32 $0x14600, s0;
	s7 =	sadd.s32 $0x14800, s0;
	(v2sf) =	vpush v0, $0x8  }
0x95: {  	s8 =	sadd.s32 $0x14900, s0;
	s3 =	sadd.s32 $0x10, s3  }
0x96: {  	s9 =	sadd.s32 $0x14700, s0;
	s21 =	sadd.s32 $0x14B00, s0;
	s10 =	spop (v2sf);
	(v2sf) =	vpush v0, $0x9  }
0x97: {  	s14 =	sand.u32 $0x1FFFFFF0, s10;
	s10 =	sadd.s32 $0x14A80, s0;
	s15 =	spop (v2sf)  }
0x98: {  	s14 =	sadd.s32 s1, s14;
	s15 =	sand.u32 $0x1FFFFFF0, s15;
	s17 =	spop (v2sf);
	(v2sf) =	vpush v0, $0xA  }
0x99: {  	[tilespmem:s6], [sflag:$0x4] =	stream.linear.gather [hbm4b:s14+s4], $0x80, $0x38;
	[tilespmem:$0x18800] =	vst v63  }
0x9a: {  	s6 =	sadd.s32 s1, s15;
	s14 =	sadd.s32 $0x14780, s0;
	s15 =	spop (v2sf);
	(v2sf) =	vpush v0, $0xB  }
0x9b: {  	[tilespmem:s5], [sflag:$0x4] =	stream.linear.gather [hbm4b:s6+s4], $0x80, $0x38;
	[tilespmem:$0x18800] =	vst v63  }
0x9c: {  	s5 =	sand.u32 $0x1FFFFFF0, s17;
	s6 =	sand.u32 $0x1FFFFFF0, s15;
	s15 =	spop (v2sf);
	(v2sf) =	vpush v0, $0xC  }
0x9d: {  	s5 =	sadd.s32 s1, s5;
	s15 =	sand.u32 $0x1FFFFFF0, s15;
	s17 =	spop (v2sf)  }
0x9e: {  	[tilespmem:s9], [sflag:$0x4] =	stream.linear.gather [hbm4b:s5+s4], $0x80, $0x38;
	(v2sf) =	vpush v0, $0xD;
	[tilespmem:$0x18800] =	vst v63  }
0x9f: {  	s5 =	sadd.s32 s1, s15;
	s9 =	sand.u32 $0x1FFFFFF0, s17;
	s15 =	spop (v2sf)  }
0xa0: {  	[tilespmem:s14], [sflag:$0x4] =	stream.linear.gather [hbm4b:s5+s4], $0x80, $0x38;
	(v2sf) =	vpush v0, $0xE;
	[tilespmem:$0x18800] =	vst v63  }
0xa1: {  	s5 =	sadd.s32 s1, s6;
	s6 =	sand.u32 $0x1FFFFFF0, s15;
	s14 =	spop (v2sf)  }
0xa2: {  	[tilespmem:s7], [sflag:$0x4] =	stream.linear.gather [hbm4b:s5+s4], $0x80, $0x38;
	(v2sf) =	vpush v0, $0xF;
	[tilespmem:$0x18800] =	vst v63  }
0xa3: {  	s5 =	sadd.s32 s1, s9;
	s7 =	sand.u32 $0x1FFFFFF0, s14;
	s9 =	spop (v2sf)  }
0xa4: {  	[tilespmem:s13], [sflag:$0x4] =	stream.linear.gather [hbm4b:s5+s4], $0x80, $0x38;
	[tilespmem:$0x18800] =	vst v63  }
0xa5: {  	s5 =	sadd.s32 s1, s6;
	s6 =	sand.u32 $0x1FFFFFF0, s9;
	s9 =	spop (v2sf)  }
0xa6: {  	[tilespmem:s8], [sflag:$0x4] =	stream.linear.gather [hbm4b:s5+s4], $0x80, $0x38;
	[tilespmem:$0x18800] =	vst v63  }
0xa7: {  	s5 =	sadd.s32 s1, s7;
	s7 =	sand.u32 $0x1FFFFFF0, s9;
	s8 =	spop (v2sf)  }
0xa8: {  	[tilespmem:s25], [sflag:$0x4] =	stream.linear.gather [hbm4b:s5+s4], $0x80, $0x38;
	[tilespmem:$0x18800] =	vst v63  }
0xa9: {  	s5 =	sadd.s32 s1, s6;
	s6 =	sand.u32 $0x1FFFFFF0, s8;
	s8 =	spop (v2sf)  }
0xaa: {  	[tilespmem:s24], [sflag:$0x4] =	stream.linear.gather [hbm4b:s5+s4], $0x80, $0x38;
	[tilespmem:$0x18800] =	vst v63  }
0xab: {  	s5 =	sadd.s32 s1, s7;
	s7 =	sand.u32 $0x1FFFFFF0, s8;
	s8 =	spop (v2sf)  }
0xac: {  	[tilespmem:s10], [sflag:$0x4] =	stream.linear.gather [hbm4b:s5+s4], $0x80, $0x38;
	[tilespmem:$0x18800] =	vst v63  }
0xad: {  	s5 =	sadd.s32 s1, s6;
	s6 =	sand.u32 $0x1FFFFFF0, s8;
	s8 =	spop (v2sf)  }
0xae: {  	[tilespmem:s21], [sflag:$0x4] =	stream.linear.gather [hbm4b:s5+s4], $0x80, $0x38;
	[tilespmem:$0x18800] =	vst v63  }
0xaf: {  	s5 =	sadd.s32 s1, s7;
	s7 =	sand.u32 $0x1FFFFFF0, s8;
	s8 =	spop (v2sf)  }
0xb0: {  	[tilespmem:s20], [sflag:$0x4] =	stream.linear.gather [hbm4b:s5+s4], $0x80, $0x38;
	[tilespmem:$0x18800] =	vst v63  }
0xb1: {  	s5 =	sadd.s32 s1, s6;
	s6 =	sand.u32 $0x1FFFFFF0, s8;
	s8 =	spop (v2sf)  }
0xb2: {  	[tilespmem:s16], [sflag:$0x4] =	stream.linear.gather [hbm4b:s5+s4], $0x80, $0x38;
	[tilespmem:$0x18800] =	vst v63  }
0xb3: {  	s5 =	sadd.s32 s1, s7;
	s7 =	sand.u32 $0x1FFFFFF0, s8  }
0xb4: {  	[tilespmem:s31], [sflag:$0x4] =	stream.linear.gather [hbm4b:s5+s4], $0x80, $0x38;
	[tilespmem:$0x18800] =	vst v63  }
0xb5: {  	s6 =	sadd.s32 s1, s6;
	s5 =	sadd.s32 $0x14D00, s0  }
0xb6: {  	[tilespmem:s5], [sflag:$0x4] =	stream.linear.gather [hbm4b:s6+s4], $0x80, $0x38;
	[tilespmem:$0x18800] =	vst v63  }
0xb7: {  	s0 =	sadd.s32 $0x14D80, s0;
	s5 =	sadd.s32 s1, s7  }
0xb8: {  	[tilespmem:s0], [sflag:$0x4] =	stream.linear.gather [hbm4b:s5+s4], $0x80, $0x38;
	[tilespmem:$0x18800] =	vst v63  }
0xb9: {  	v0 =	vld [tilespmem:s3+$0x0];
	_ =	sdelay $0x4  }
0xba: {  	v0 =	vshll.u32 v0, $0x4  }
0xbb: {  	(v2sf) =	vpush v0, $0x0  }
0xbc: {  	(v2sf) =	vpush v0, $0x1  }
0xbd: {  	(v2sf) =	vpush v0, $0x2;
	_ =	sdelay $0x1  }
0xbe: {  	(v2sf) =	vpush v0, $0x4  }
.Ltmp1:
0xbf: {  	(pc) =	sbr.rel @p0 .LBB2_4-.Ltmp1, $3  }
0xc0: {  	(v2sf) =	vpush v0, $0x3  }
0xc1: {  	(v2sf) =	vpush v0, $0x5;
	_ =	sdelay $0x1  }
0xc2: {  	s0 =	sshra.s32 s30, $0x2;
	(v2sf) =	vpush v0, $0x6  }
0xc3: {  	_ =	sdelay $0x3  }
0xc4: {  	s5 =	sadd.s32 $0x14600, s0;
	s14 =	sadd.s32 $0x14680, s0  }
0xc5: {  	s21 =	sadd.s32 $0x14700, s0;
	s24 =	sadd.s32 $0x14780, s0;
	s3 =	spop (v2sf);
	(v2sf) =	vpush v0, $0x7  }
0xc6: {  	s25 =	sadd.s32 $0x14800, s0;
	s3 =	sand.u32 $0x1FFFFFF0, s3;
	s6 =	spop (v2sf)  }
0xc7: {  	s3 =	sadd.s32 s1, s3;
	s6 =	sand.u32 $0x1FFFFFF0, s6;
	s7 =	spop (v2sf);
	(v2sf) =	vpush v0, $0x8  }
0xc8: {  	[tilespmem:s5], [sflag:$0x4] =	stream.linear.gather [hbm4b:s3+s4], $0x80, $0x38;
	(v2sf) =	vpush v0, $0x9;
	[tilespmem:$0x18800] =	vst v63  }
0xc9: {  	s15 =	sadd.s32 s1, s6;
	s17 =	sand.u32 $0x1FFFFFF0, s7;
	s16 =	spop (v2sf)  }
0xca: {  	[tilespmem:s14], [sflag:$0x4] =	stream.linear.gather [hbm4b:s15+s4], $0x80, $0x38;
	[tilespmem:$0x18800] =	vst v63  }
0xcb: {  	s10 =	sadd.s32 $0x14880, s0;
	s3 =	sadd.s32 s1, s17;
	s20 =	spop (v2sf)  }
0xcc: {  	s7 =	sand.u32 $0x1FFFFFF0, s16;
	s14 =	sadd.s32 $0x14900, s0;
	(v2sf) =	vpush v0, $0xA;
	s5 =	sand.u32 $0x1FFFFFF0, s20  }
0xcd: {  	[tilespmem:s21], [sflag:$0x4] =	stream.linear.gather [hbm4b:s3+s4], $0x80, $0x38;
	[tilespmem:$0x18800] =	vst v63  }
0xce: {  	s16 =	sadd.s32 $0x14980, s0;
	(v2sf) =	vpush v0, $0xB;
	s8 =	spop (v2sf);
	s5 =	sadd.s32 s1, s5  }
0xcf: {  	(v2sf) =	vpush v0, $0xC;
	[tilespmem:s24], [sflag:$0x4] =	stream.linear.gather [hbm4b:s5+s4], $0x80, $0x38;
	[tilespmem:$0x18800] =	vst v63  }
0xd0: {  	s6 =	sand.u32 $0x1FFFFFF0, s8;
	s9 =	spop (v2sf);
	s5 =	sadd.s32 s1, s7  }
0xd1: {  	(v2sf) =	vpush v0, $0xD;
	[tilespmem:s25], [sflag:$0x4] =	stream.linear.gather [hbm4b:s5+s4], $0x80, $0x38;
	[tilespmem:$0x18800] =	vst v63  }
0xd2: {  	s8 =	sadd.s32 $0x14B00, s0;
	s6 =	sadd.s32 s1, s6;
	s13 =	sand.u32 $0x1FFFFFF0, s9  }
0xd3: {  	(v2sf) =	vpush v0, $0xE;
	[tilespmem:s10], [sflag:$0x4] =	stream.linear.gather [hbm4b:s6+s4], $0x80, $0x38;
	[tilespmem:$0x18800] =	vst v63  }
0xd4: {  	s24 =	sadd.s32 $0x14A00, s0;
	s5 =	sadd.s32 s1, s13;
	s15 =	spop (v2sf)  }
0xd5: {  	[tilespmem:s14], [sflag:$0x4] =	stream.linear.gather [hbm4b:s5+s4], $0x80, $0x38;
	(v2sf) =	vpush v0, $0xF;
	[tilespmem:$0x18800] =	vst v63  }
0xd6: {  	s14 =	sadd.s32 $0x14B80, s0;
	s17 =	sand.u32 $0x1FFFFFF0, s15;
	s20 =	spop (v2sf)  }
0xd7: {  	s5 =	sadd.s32 s1, s17;
	s6 =	sand.u32 $0x1FFFFFF0, s20;
	s21 =	spop (v2sf)  }
0xd8: {  	[tilespmem:s16], [sflag:$0x4] =	stream.linear.gather [hbm4b:s5+s4], $0x80, $0x38;
	[tilespmem:$0x18800] =	vst v63  }
0xd9: {  	s16 =	sadd.s32 $0x14C00, s0;
	s25 =	sand.u32 $0x1FFFFFF0, s21;
	s6 =	sadd.s32 s1, s6  }
0xda: {  	[tilespmem:s24], [sflag:$0x4] =	stream.linear.gather [hbm4b:s6+s4], $0x80, $0x38;
	[tilespmem:$0x18800] =	vst v63  }
0xdb: {  	s6 =	sadd.s32 $0x14A80, s0;
	s5 =	sadd.s32 s1, s25;
	s7 =	spop (v2sf)  }
0xdc: {  	[tilespmem:s6], [sflag:$0x4] =	stream.linear.gather [hbm4b:s5+s4], $0x80, $0x38;
	[tilespmem:$0x18800] =	vst v63  }
0xdd: {  	s20 =	sadd.s32 $0x14C80, s0;
	s9 =	sand.u32 $0x1FFFFFF0, s7;
	s10 =	spop (v2sf)  }
0xde: {  	s6 =	sand.u32 $0x1FFFFFF0, s10;
	s13 =	spop (v2sf);
	s5 =	sadd.s32 s1, s9  }
0xdf: {  	[tilespmem:s8], [sflag:$0x4] =	stream.linear.gather [hbm4b:s5+s4], $0x80, $0x38;
	[tilespmem:$0x18800] =	vst v63  }
0xe0: {  	s15 =	sand.u32 $0x1FFFFFF0, s13;
	s6 =	sadd.s32 s1, s6;
	s17 =	spop (v2sf)  }
0xe1: {  	[tilespmem:s14], [sflag:$0x4] =	stream.linear.gather [hbm4b:s6+s4], $0x80, $0x38;
	[tilespmem:$0x18800] =	vst v63  }
0xe2: {  	s5 =	sadd.s32 s1, s15;
	s21 =	sand.u32 $0x1FFFFFF0, s17;
	s24 =	spop (v2sf)  }
0xe3: {  	[tilespmem:s16], [sflag:$0x4] =	stream.linear.gather [hbm4b:s5+s4], $0x80, $0x38;
	[tilespmem:$0x18800] =	vst v63  }
0xe4: {  	s6 =	sand.u32 $0x1FFFFFF0, s24;
	s5 =	sadd.s32 s1, s21;
	s25 =	spop (v2sf)  }
0xe5: {  	[tilespmem:s20], [sflag:$0x4] =	stream.linear.gather [hbm4b:s5+s4], $0x80, $0x38;
	[tilespmem:$0x18800] =	vst v63  }
0xe6: {  	s8 =	sadd.s32 $0x14D00, s0;
	s6 =	sadd.s32 s1, s6;
	s7 =	sand.u32 $0x1FFFFFF0, s25  }
0xe7: {  	[tilespmem:s8], [sflag:$0x4] =	stream.linear.gather [hbm4b:s6+s4], $0x80, $0x38;
	[tilespmem:$0x18800] =	vst v63  }
0xe8: {  	s9 =	sadd.s32 $0x14D80, s0;
	s3 =	sadd.s32 s1, s7  }
0xe9: {  	[tilespmem:s9], [sflag:$0x4] =	stream.linear.gather [hbm4b:s3+s4], $0x80, $0x38;
	[tilespmem:$0x18800] =	vst v63  }
0xea: {  	s10 =	simm.s32 $0x4600  }
0xeb: {  	[tilespmem:s10], [sflag:$0x2] =	stream.indirect.gather [hbm4b:s1+s12], $0x80, s12, s12, $0xb8;
	[tilespmem:$0x18800] =	vst v63  }
0xec: {  	s13 =	simm.s32 $0x280;
	s14 =	simm.s32 $0xC600  }
0xed: {  	[tilespmem:s14], [sflag:$0x2] =	stream.indirect.gather [hbm4b:s2+s12], $0x80, s13, s12, $0xb8;
	[tilespmem:$0x18800] =	vst v63  }
0xee: {  	_ =	swait.ge [sflag:s11], $0x4000  }
0xef: {  	[sflag:s11] =	ssyncset.done $0x0  }
0xf0: {  	[sflag:s11] =	ssyncadd.s32 $0xFFFFC000  }
0xf1: {  	_ =	swait.ge [sflag:s11], $0x4000  }
0xf2: {  	[sflag:s11] =	ssyncset.done $0x0  }
0xf3: {  	[sflag:s11] =	ssyncadd.s32 $0xFFFFC000  }
0xf4: {  	_ =	swait.ge [sflag:s18], $0x4000  }
0xf5: {  	[sflag:s18] =	ssyncset.done $0x0  }
0xf6: {  	s15 =	simm.s32 $0x700;
	[sflag:s18] =	ssyncadd.s32 $0xFFFFC000  }
0xf7: {  	v0 =	vld [tilespmem:s15+$0x80]  }
0xf8: {  	s16 =	simm.s32 $0x8700;
	v1 =	vld [tilespmem:s15+$0xC0]  }
0xf9: {  	v2 =	vld [tilespmem:s16+$0x80]  }
0xfa: {  	s17 =	simm.s32 $0x10700;
	v3 =	vld [tilespmem:s16+$0xC0]  }
0xfb: {  	v4 =	vld [tilespmem:s17+$0x80]  }
0xfc: {  	v5 =	vld [tilespmem:s17+$0xC0]  }
0xfd: {  	v6 =	vld [tilespmem:s16+$0x90]  }
0xfe: {  	v7 =	vld [tilespmem:s16+$0xD0]  }
0xff: {  	v8 =	vld [tilespmem:s17+$0x90]  }
0x100: {  	v9 =	vld [tilespmem:s17+$0xD0]  }
0x101: {  	v10 =	vld [tilespmem:s16+$0xA0]  }
0x102: {  	v11 =	vld [tilespmem:s16+$0xE0]  }
0x103: {  	v12 =	vld [tilespmem:s17+$0xA0]  }
0x104: {  	v13 =	vld [tilespmem:s17+$0xE0]  }
0x105: {  	v14 =	vld [tilespmem:s16+$0xB0]  }
0x106: {  	v15 =	vld [tilespmem:s16+$0xF0]  }
0x107: {  	v16 =	vld [tilespmem:s17+$0xB0]  }
0x108: {  	v17 =	vld [tilespmem:s17+$0xF0]  }
0x109: {  	v18 =	vld [tilespmem:s15+$0x90]  }
0x10a: {  	v19 =	vld [tilespmem:s15+$0xD0]  }
0x10b: {  	v20 =	vld [tilespmem:s15+$0xA0]  }
0x10c: {  	v21 =	vld [tilespmem:s15+$0xE0]  }
0x10d: {  	v22 =	vld [tilespmem:s15+$0xB0]  }
0x10e: {  	v23 =	vld [tilespmem:s15+$0xF0]  }
0x10f: {  	v24 =	vld [tilespmem:s16+$0xFFFFFF00]  }
0x110: {  	v25 =	vld [tilespmem:s16+$0xFFFFFF40]  }
0x111: {  	v26 =	vld [tilespmem:s17+$0xFFFFFF00]  }
0x112: {  	v27 =	vld [tilespmem:s17+$0xFFFFFF40]  }
0x113: {  	v28 =	vld [tilespmem:s16+$0xFFFFFF10]  }
0x114: {  	v29 =	vld [tilespmem:s16+$0xFFFFFF50]  }
0x115: {  	v30 =	vld [tilespmem:s17+$0xFFFFFF10]  }
0x116: {  	v31 =	vld [tilespmem:s17+$0xFFFFFF50]  }
0x117: {  	v32 =	vld [tilespmem:s16+$0xFFFFFF20]  }
0x118: {  	v33 =	vld [tilespmem:s16+$0xFFFFFF60]  }
0x119: {  	v34 =	vld [tilespmem:s17+$0xFFFFFF20]  }
0x11a: {  	v35 =	vld [tilespmem:s17+$0xFFFFFF60]  }
0x11b: {  	v36 =	vld [tilespmem:s16+$0xFFFFFF30]  }
0x11c: {  	v37 =	vld [tilespmem:s16+$0xFFFFFF70]  }
0x11d: {  	v38 =	vld [tilespmem:s17+$0xFFFFFF30]  }
0x11e: {  	v39 =	vld [tilespmem:s17+$0xFFFFFF70]  }
0x11f: {  	v40 =	vld [tilespmem:s16+$0xFFFFFF80]  }
0x120: {  	v41 =	vld [tilespmem:s16+$0xFFFFFFC0]  }
0x121: {  	v42 =	vld [tilespmem:s17+$0xFFFFFF80]  }
0x122: {  	v43 =	vld [tilespmem:s17+$0xFFFFFFC0]  }
0x123: {  	v44 =	vld [tilespmem:s16+$0xFFFFFF90]  }
0x124: {  	v45 =	vld [tilespmem:s16+$0xFFFFFFD0]  }
0x125: {  	v46 =	vld [tilespmem:s17+$0xFFFFFF90]  }
0x126: {  	v47 =	vld [tilespmem:s17+$0xFFFFFFD0]  }
0x127: {  	v48 =	vld [tilespmem:s16+$0xFFFFFFA0];
	v55 =	vmul.f32 v4, v2;
	v56 =	vmul.f32 v5, v3  }
0x128: {  	v49 =	vld [tilespmem:s16+$0xFFFFFFE0];
	v2 =	vmul.f32 v5, v2;
	v3 =	vmul.f32 v4, v3  }
0x129: {  	v50 =	vld [tilespmem:s17+$0xFFFFFFA0];
	v5 =	vmul.f32 v8, v6;
	v58 =	vmul.f32 v9, v7  }
0x12a: {  	v51 =	vld [tilespmem:s17+$0xFFFFFFE0];
	v6 =	vmul.f32 v9, v6;
	v7 =	vmul.f32 v8, v7  }
0x12b: {  	v52 =	vld [tilespmem:s16+$0xFFFFFFB0];
	v9 =	vmul.f32 v12, v10;
	v10 =	vmul.f32 v13, v10  }
0x12c: {  	v53 =	vld [tilespmem:s16+$0xFFFFFFF0];
	v13 =	vmul.f32 v13, v11;
	v11 =	vmul.f32 v12, v11  }
0x12d: {  	v54 =	vld [tilespmem:s17+$0xFFFFFFB0];
	v61 =	vmul.f32 v42, v40;
	v62 =	vmul.f32 v43, v41  }
0x12e: {  	v57 =	vld [tilespmem:s17+$0xFFFFFFF0];
	v63 =	vmul.f32 v46, v44;
	v12 =	vadd.f32 v56, v55;
	v2 =	vsub.f32 v2, v3  }
0x12f: {  	v59 =	vld [tilespmem:s16+$0x40];
	v3 =	vmul.f32 v16, v14;
	v6 =	vsub.f32 v6, v7;
	v7 =	vmul.f32 v17, v15  }
0x130: {  	v60 =	vld [tilespmem:s17+$0x40];
	v14 =	vmul.f32 v17, v14;
	v10 =	vsub.f32 v10, v11;
	v11 =	vmul.f32 v16, v15  }
0x131: {  	v4 =	vld [tilespmem:s16+$0x0];
	v5 =	vadd.f32 v58, v5;
	v16 =	vmul.f32 v27, v24;
	v58 =	vmul.f32 v39, v37  }
0x132: {  	v8 =	vld [tilespmem:s17+$0x0];
	v9 =	vadd.f32 v13, v9;
	v0 =	vmul.f32 v12, v0;
	v1 =	vmul.f32 v2, v1  }
0x133: {  	v55 =	vld [tilespmem:s16+$0x10];
	v5 =	vmul.f32 v5, v18;
	v6 =	vmul.f32 v6, v19  }
0x134: {  	v56 =	vld [tilespmem:s16+$0x50];
	v2 =	vadd.f32 v7, v3;
	v9 =	vmul.f32 v9, v20;
	v10 =	vmul.f32 v10, v21  }
0x135: {  	v17 =	vld [tilespmem:s17+$0x10];
	v7 =	vsub.f32 v14, v11;
	v14 =	vmul.f32 v27, v25;
	v18 =	vmul.f32 v30, v28  }
0x136: {  	v13 =	vld [tilespmem:s17+$0x50];
	v20 =	vmul.f32 v31, v29;
	v27 =	vmul.f32 v46, v45  }
0x137: {  	v15 =	vld [tilespmem:s16+$0x70];
	v46 =	vmul.f32 v47, v45;
	v2 =	vmul.f32 v2, v22;
	v0 =	vadd.f32 v1, v0  }
0x138: {  	v3 =	vld [tilespmem:s16+$0x20];
	v7 =	vmul.f32 v7, v23;
	v5 =	vadd.f32 v6, v5;
	v6 =	vadd.f32 v10, v9  }
0x139: {  	v11 =	vld [tilespmem:s16+$0x60];
	v9 =	vmul.f32 v26, v24;
	v23 =	vmul.f32 v35, v33;
	v18 =	vadd.f32 v20, v18  }
0x13a: {  	v12 =	vld [tilespmem:s17+$0x20];
	v20 =	vmul.f32 v38, v37;
	v2 =	vadd.f32 v7, v2;
	v7 =	vmul.f32 v26, v25  }
0x13b: {  	v19 =	vld [tilespmem:s17+$0x30];
	v5 =	vadd.f32 v5, v0;
	v0 =	vadd.f32 v14, v9;
	v9 =	vmul.f32 v31, v28  }
0x13c: {  	v21 =	vld [tilespmem:s17+$0x70];
	v14 =	vmul.f32 v34, v32;
	v25 =	vmul.f32 v38, v36  }
0x13d: {  	v1 =	vld [tilespmem:s17+$0x60];
	v2 =	vadd.f32 v2, v6;
	v6 =	vmul.f32 v30, v29;
	v7 =	vsub.f32 v16, v7  }
0x13e: {  	v10 =	vld [tilespmem:s16+$0x30];
	v16 =	vmul.f32 v35, v32;
	v14 =	vadd.f32 v23, v14;
	v23 =	vmul.f32 v42, v41  }
0x13f: {  	v22 =	vld [tilespmem:s15+$0xFFFFFF40];
	v25 =	vadd.f32 v58, v25;
	v58 =	vmul.f32 v50, v48;
	v50 =	vmul.f32 v50, v49  }
0x140: {  	v24 =	vld [tilespmem:s15+$0xFFFFFF10];
	v29 =	vadd.f32 v62, v61;
	v61 =	vmul.f32 v51, v49;
	v62 =	vmul.f32 v54, v52  }
0x141: {  	v26 =	vld [tilespmem:s15+$0xFFFFFF50];
	v5 =	vadd.f32 v2, v5;
	v2 =	vmul.f32 v34, v33;
	v6 =	vsub.f32 v9, v6  }
0x142: {  	v28 =	vld [tilespmem:s15+$0xFFFFFF20];
	v9 =	vmul.f32 v39, v36;
	v33 =	vadd.f32 v46, v63;
	v63 =	vmul.f32 v54, v53  }
0x143: {  	v38 =	vld [tilespmem:s15+$0xFFFFFFC0];
	v53 =	vmul.f32 v57, v53;
	v54 =	vmul.f32 v57, v52  }
0x144: {  	v30 =	vld [tilespmem:s15+$0xFFFFFF60];
	v57 =	vmul.f32 v8, v4;
	v8 =	vmul.f32 v8, v59  }
0x145: {  	v32 =	vld [tilespmem:s15+$0xFFFFFF30];
	v37 =	vadd.f32 v61, v58;
	v58 =	vmul.f32 v60, v59;
	v4 =	vmul.f32 v60, v4  }
0x146: {  	v42 =	vld [tilespmem:s15+$0xFFFFFFD0];
	v59 =	vmul.f32 v17, v55;
	v17 =	vmul.f32 v17, v56  }
0x147: {  	v34 =	vld [tilespmem:s15+$0xFFFFFF70];
	v61 =	vmul.f32 v13, v56;
	v13 =	vmul.f32 v13, v55  }
0x148: {  	v36 =	vld [tilespmem:s15+$0xFFFFFF80];
	v7 =	vmul.f32 v7, v22;
	v14 =	vmul.f32 v14, v28  }
0x149: {  	v46 =	vld [tilespmem:s15+$0xFFFFFFE0];
	v16 =	vsub.f32 v16, v2;
	v2 =	vmul.f32 v43, v40;
	v9 =	vsub.f32 v9, v20  }
0x14a: {  	v60 =	vld [tilespmem:s15+$0xFFFFFFF0];
	v20 =	vmul.f32 v47, v44;
	v13 =	vsub.f32 v13, v17;
	v17 =	vmul.f32 v18, v24  }
0x14b: {  	v52 =	vld [tilespmem:s15+$0x40];
	v6 =	vmul.f32 v6, v26;
	v2 =	vsub.f32 v2, v23;
	v23 =	vmul.f32 v51, v48  }
0x14c: {  	v56 =	vld [tilespmem:s15+$0x30];
	v20 =	vsub.f32 v20, v27;
	v27 =	vsub.f32 v54, v63;
	v63 =	vmul.f32 v12, v3  }
0x14d: {  	v40 =	vld [tilespmem:s15+$0xFFFFFF90];
	v41 =	vadd.f32 v53, v62;
	v12 =	vmul.f32 v12, v11;
	v11 =	vmul.f32 v1, v11  }
0x14e: {  	v44 =	vld [tilespmem:s15+$0xFFFFFFA0];
	v39 =	vadd.f32 v58, v57;
	v1 =	vmul.f32 v1, v3;
	v3 =	vmul.f32 v19, v10  }
0x14f: {  	s31 =	simm.s32 $0x8900;
	v47 =	vld [tilespmem:s15+$0xFFFFFFB0];
	v4 =	vsub.f32 v4, v8;
	v19 =	vmul.f32 v19, v15;
	v15 =	vmul.f32 v21, v15  }
0x150: {  	v22 =	vld [tilespmem:s31+$0x80];
	v31 =	vadd.f32 v61, v59;
	v10 =	vmul.f32 v21, v10;
	v16 =	vmul.f32 v16, v30  }
0x151: {  	v62 =	vld [tilespmem:s15+$0x0];
	v6 =	vadd.f32 v6, v17;
	v21 =	vmul.f32 v29, v36;
	v55 =	vmul.f32 v2, v38  }
0x152: {  	v53 =	vld [tilespmem:s15+$0x10];
	v23 =	vsub.f32 v23, v50;
	v20 =	vmul.f32 v20, v42;
	v27 =	vmul.f32 v27, v60  }
0x153: {  	v8 =	vld [tilespmem:s15+$0x50];
	v1 =	vsub.f32 v1, v12;
	v12 =	vmul.f32 v33, v40;
	v58 =	vmul.f32 v37, v44  }
0x154: {  	v59 =	vld [tilespmem:s15+$0xFFFFFF00];
	v10 =	vsub.f32 v10, v19;
	v19 =	vmul.f32 v41, v47;
	v23 =	vmul.f32 v23, v46  }
0x155: {  	v18 =	vld [tilespmem:s15+$0x60];
	v9 =	vmul.f32 v9, v34;
	v21 =	vadd.f32 v55, v21;
	v12 =	vadd.f32 v20, v12  }
0x156: {  	v54 =	vld [tilespmem:s15+$0x20];
	v4 =	vmul.f32 v4, v52;
	v19 =	vadd.f32 v27, v19;
	v20 =	vadd.f32 v23, v58  }
0x157: {  	s0 =	simm.s32 $0x10900;
	v57 =	vld [tilespmem:s15+$0x70];
	v11 =	vadd.f32 v11, v63;
	v14 =	vadd.f32 v16, v14;
	v16 =	vmul.f32 v39, v62  }
0x158: {  	v61 =	vld [tilespmem:s0+$0x90];
	v8 =	vmul.f32 v13, v8;
	v12 =	vadd.f32 v12, v21;
	v19 =	vadd.f32 v19, v20  }
0x159: {  	s29 =	simm.s32 $0x900;
	(xrf2) =	vadd.scan.msk.f32 $0xffff, v5;
	v17 =	vld [tilespmem:s31+$0xC0];
	v15 =	vadd.f32 v15, v3;
	v0 =	vmul.f32 v0, v59;
	v23 =	vmul.f32 v25, v32  }
0x15a: {  	v2 =	vld [tilespmem:s29+$0x80];
	v1 =	vmul.f32 v1, v18;
	v13 =	vadd.f32 v4, v16;
	v12 =	vadd.f32 v19, v12  }
0x15b: {  	v3 =	vld [tilespmem:s29+$0xC0];
	v4 =	vmul.f32 v11, v54;
	v5 =	vadd.f32 v9, v23;
	v9 =	vmul.f32 v31, v53  }
0x15c: {  	v10 =	vmul.f32 v10, v57;
	v0 =	vadd.f32 v7, v0;
	v7 =	vld [tilespmem:s0+$0xA0];
	(xrf2) =	vadd.scan.msk.f32 $0xffff, v12  }
0x15d: {  	s20 =	simm.s32 $0x3;
	v11 =	vld [tilespmem:s0+$0xE0];
	v1 =	vadd.f32 v1, v4;
	v8 =	vadd.f32 v8, v9;
	v9 =	vmul.f32 v15, v56  }
0x15e: {  	s21 =	simm.s32 $0x1;
	v60 =	vmov s20;
	v21 =	vld [tilespmem:s0+$0xC0];
	v14 =	vadd.f32 v5, v14;
	v15 =	vadd.f32 v6, v0  }
0x15f: {  	s24 =	simm.s32 $0x0;
	v20 =	vld [tilespmem:s0+$0x80];
	v18 =	vadd.f32 v8, v13;
	v8 =	vadd.f32 v10, v9;
	v9 =	vmov s21  }
0x160: {  	s25 =	simm.s32 $0x2;
	v4 =	vld [tilespmem:s31+$0xA0];
	v10 =	vmov s24;
	v63 =	vadd.f32 v14, v15;
	v9 =	vand.u32 $0xFFFFFFFD, v9  }
0x161: {  	v23 =	vld [tilespmem:s31+$0xD0];
	v62 =	vbroadcast v9, $0x0;
	v9 =	vand.u32 $0xFFFFFFFC, v10;
	v10 =	vmov s25  }
0x162: {  	v19 =	vld [tilespmem:s31+$0x90];
	v0 =	vbroadcast v9, $0x0;
	v9 =	vand.u32 $0xFFFFFFFE, v10;
	v10 =	vadd.f32 v8, v1  }
0x163: {  	v5 =	vld [tilespmem:s31+$0xE0];
	v16 =	vmul.f32 v21, v17;
	v15 =	vmul.f32 v21, v22;
	v21, _, _ =	vpop (xrf2);
	(xrf2) =	vadd.scan.msk.f32 $0xffff, v63  }
0x164: {  	v12 =	vld [tilespmem:s0+$0xD0];
	v13 =	vmul.f32 v20, v22;
	v22 =	vadd.f32 v10, v18  }
0x165: {  	v6 =	vld [tilespmem:s31+$0xB0]  }
0x166: {  	v14 =	vld [tilespmem:s0+$0xF0];
	[tilespmem:v60+s19+$0x0] =	vst.idx.msk vm0, v21;
	v21, _, _ =	vpop (xrf2);
	(xrf2) =	vadd.scan.msk.f32 $0xffff, v22  }
0x167: {  	v1 =	vbroadcast v9, $0x0;
	v9 =	vld [tilespmem:s0+$0xB0]  }
0x168: {  	v8 =	vld [tilespmem:s31+$0xF0];
	v18 =	vmul.f32 v20, v17;
	v17 =	vmul.f32 v61, v19  }
0x169: {  	v10 =	vld [tilespmem:s29+$0x90];
	v20 =	vmul.f32 v12, v23;
	v19 =	vmul.f32 v12, v19  }
0x16a: {  	s30 =	simm.s32 $0x4;
	s3 =	simm.s32 $0x8;
	v12 =	vld [tilespmem:s29+$0xD0];
	v22 =	vmul.f32 v61, v23;
	[tilespmem:v62+s19+$0x0] =	vst.idx.msk vm0, v21;
	v21 =	vmul.f32 v7, v4  }
.LBB2_6:
0x16b: {  	p0 =	slt.u32 s3, $0x7C;
	v23 =	vld [tilespmem:s29+$0xA0];
	v24 =	vmul.f32 v11, v5;
	v4 =	vmul.f32 v11, v4  }
0x16c: {  	v5 =	vmul.f32 v7, v5;
	v11 =	vld [tilespmem:s29+$0xE0];
	v7 =	vmul.f32 v9, v6  }
0x16d: {  	v13 =	vadd.f32 v16, v13;
	v15 =	vsub.f32 v15, v18;
	v16 =	vld [tilespmem:s29+$0xB0];
	v18 =	vmul.f32 v14, v8;
	v25, _, _ =	vpop (xrf2)  }
0x16e: {  	v17 =	vadd.f32 v20, v17;
	v19 =	vsub.f32 v19, v22;
	v6 =	vmul.f32 v14, v6;
	v20 =	vld [tilespmem:s29+$0xF0]  }
0x16f: {  	v21 =	vadd.f32 v24, v21;
	v4 =	vsub.f32 v4, v5;
	v5 =	vmul.f32 v9, v8;
	v14 =	vld [tilespmem:s31+$0xFFFFFF00]  }
0x170: {  	v2 =	vmul.f32 v13, v2;
	v3 =	vmul.f32 v15, v3;
	v7 =	vadd.f32 v18, v7;
	v8 =	vld [tilespmem:s31+$0xFFFFFF40];
	v9, _, _ =	vpop (xrf2)  }
0x171: {  	v10 =	vmul.f32 v17, v10;
	v12 =	vmul.f32 v19, v12;
	v5 =	vsub.f32 v6, v5;
	v13 =	vld [tilespmem:s0+$0xFFFFFF00]  }
0x172: {  	v15 =	vmul.f32 v21, v23;
	v4 =	vmul.f32 v4, v11;
	v6 =	vld [tilespmem:s0+$0xFFFFFF40];
	[tilespmem:v0+s19+$0x0] =	vst.idx.msk vm0, v25  }
0x173: {  	v0 =	vmul.f32 v7, v16;
	v11 =	vld [tilespmem:s31+$0xFFFFFF10];
	v5 =	vmul.f32 v5, v20;
	[tilespmem:v1+s19+$0x0] =	vst.idx.msk vm0, v9  }
0x174: {  	v1 =	vadd.f32 v3, v2;
	v2 =	vadd.f32 v12, v10;
	v7 =	vld [tilespmem:s31+$0xFFFFFF50]  }
0x175: {  	v4 =	vadd.f32 v4, v15;
	v3 =	vld [tilespmem:s0+$0xFFFFFF10];
	v0 =	vadd.f32 v5, v0  }
0x176: {  	v5 =	vmul.f32 v13, v14;
	v9 =	vmul.f32 v13, v8;
	v10 =	vld [tilespmem:s0+$0xFFFFFF50]  }
0x177: {  	v1 =	vadd.f32 v2, v1;
	v8 =	vmul.f32 v6, v8;
	v12 =	vld [tilespmem:s31+$0xFFFFFF20];
	v2 =	vadd.f32 v0, v4  }
0x178: {  	v4 =	vmul.f32 v6, v14;
	v6 =	vld [tilespmem:s31+$0xFFFFFF60]  }
0x179: {  	v0 =	vadd.f32 v8, v5;
	v5 =	vld [tilespmem:s0+$0xFFFFFF20];
	v2 =	vadd.f32 v2, v1  }
0x17a: {  	v1 =	vsub.f32 v4, v9;
	v4 =	vmul.f32 v3, v11;
	v8 =	vmul.f32 v3, v7;
	v9 =	vld [tilespmem:s0+$0xFFFFFF60]  }
0x17b: {  	v3 =	vmul.f32 v10, v7;
	v7 =	vmul.f32 v10, v11;
	v10 =	vld [tilespmem:s31+$0xFFFFFF30];
	(xrf2) =	vadd.scan.msk.f32 $0xffff, v2  }
0x17c: {  	v11 =	vld [tilespmem:s31+$0xFFFFFF70]  }
0x17d: {  	v3 =	vadd.f32 v3, v4;
	v2 =	vsub.f32 v7, v8;
	v7 =	vld [tilespmem:s0+$0xFFFFFF30]  }
0x17e: {  	v4 =	vmul.f32 v5, v12;
	v8 =	vmul.f32 v5, v6;
	v13 =	vld [tilespmem:s0+$0xFFFFFF70]  }
0x17f: {  	v5 =	vmul.f32 v9, v6;
	v6 =	vmul.f32 v9, v12;
	v9 =	vld [tilespmem:s31+$0xFFFFFF80]  }
0x180: {  	s5 =	sadd.s32 $0x3, s30;
	v12 =	vld [tilespmem:s31+$0xFFFFFFC0]  }
0x181: {  	v14 =	vmov s5;
	v5 =	vadd.f32 v5, v4;
	v4 =	vsub.f32 v6, v8;
	v8 =	vld [tilespmem:s0+$0xFFFFFF80]  }
0x182: {  	v6 =	vmul.f32 v7, v10;
	v17 =	vmul.f32 v7, v11;
	v16 =	vld [tilespmem:s0+$0xFFFFFFC0]  }
0x183: {  	v7 =	vmul.f32 v13, v11;
	v10 =	vmul.f32 v13, v10;
	v11 =	vld [tilespmem:s31+$0xFFFFFF90]  }
0x184: {  	v13 =	vld [tilespmem:s31+$0xFFFFFFD0]  }
0x185: {  	v7 =	vadd.f32 v7, v6;
	v6 =	vsub.f32 v10, v17;
	v10 =	vld [tilespmem:s0+$0xFFFFFF90];
	v15, _, _ =	vpop (xrf2)  }
0x186: {  	v17 =	vmul.f32 v8, v9;
	v8 =	vmul.f32 v8, v12;
	v18 =	vld [tilespmem:s0+$0xFFFFFFD0];
	[tilespmem:v14+s19+$0x0] =	vst.idx.msk vm0, v15  }
0x187: {  	v12 =	vmul.f32 v16, v12;
	v9 =	vmul.f32 v16, v9;
	v14 =	vld [tilespmem:s31+$0xFFFFFFA0]  }
0x188: {  	v15 =	vld [tilespmem:s31+$0xFFFFFFE0]  }
0x189: {  	v12 =	vadd.f32 v12, v17;
	v8 =	vsub.f32 v9, v8;
	v9 =	vld [tilespmem:s0+$0xFFFFFFA0]  }
0x18a: {  	v16 =	vmul.f32 v10, v11;
	v10 =	vmul.f32 v10, v13;
	v17 =	vld [tilespmem:s0+$0xFFFFFFE0]  }
0x18b: {  	v13 =	vmul.f32 v18, v13;
	v11 =	vmul.f32 v18, v11;
	v18 =	vld [tilespmem:s31+$0xFFFFFFB0]  }
0x18c: {  	v19 =	vld [tilespmem:s31+$0xFFFFFFF0]  }
0x18d: {  	v13 =	vadd.f32 v13, v16;
	v10 =	vsub.f32 v11, v10;
	v11 =	vld [tilespmem:s0+$0xFFFFFFB0]  }
0x18e: {  	v16 =	vmul.f32 v9, v14;
	v9 =	vmul.f32 v9, v15;
	v20 =	vld [tilespmem:s0+$0xFFFFFFF0]  }
0x18f: {  	v15 =	vmul.f32 v17, v15;
	v14 =	vmul.f32 v17, v14;
	v17 =	vld [tilespmem:s31+$0x0]  }
0x190: {  	v21 =	vld [tilespmem:s31+$0x40]  }
0x191: {  	v15 =	vadd.f32 v15, v16;
	v9 =	vsub.f32 v14, v9;
	v14 =	vld [tilespmem:s0+$0x0]  }
0x192: {  	v16 =	vmul.f32 v11, v18;
	v11 =	vmul.f32 v11, v19;
	v22 =	vld [tilespmem:s0+$0x40]  }
0x193: {  	v19 =	vmul.f32 v20, v19;
	v18 =	vmul.f32 v20, v18;
	v20 =	vld [tilespmem:s31+$0x10]  }
0x194: {  	v23 =	vld [tilespmem:s31+$0x50]  }
0x195: {  	v16 =	vadd.f32 v19, v16;
	v11 =	vsub.f32 v18, v11;
	v18 =	vld [tilespmem:s0+$0x10]  }
0x196: {  	v19 =	vmul.f32 v14, v17;
	v14 =	vmul.f32 v14, v21;
	v24 =	vld [tilespmem:s0+$0x50]  }
0x197: {  	v21 =	vmul.f32 v22, v21;
	v17 =	vmul.f32 v22, v17;
	v22 =	vld [tilespmem:s31+$0x20]  }
0x198: {  	v25 =	vld [tilespmem:s31+$0x60]  }
0x199: {  	v19 =	vadd.f32 v21, v19;
	v14 =	vsub.f32 v17, v14;
	v17 =	vld [tilespmem:s0+$0x20]  }
0x19a: {  	v21 =	vmul.f32 v18, v20;
	v18 =	vmul.f32 v18, v23;
	v26 =	vld [tilespmem:s0+$0x60]  }
0x19b: {  	v23 =	vmul.f32 v24, v23;
	v20 =	vmul.f32 v24, v20;
	v24 =	vld [tilespmem:s31+$0x30]  }
0x19c: {  	v27 =	vld [tilespmem:s31+$0x70]  }
0x19d: {  	v21 =	vadd.f32 v23, v21;
	v18 =	vsub.f32 v20, v18;
	v20 =	vld [tilespmem:s0+$0x30]  }
0x19e: {  	v23 =	vmul.f32 v17, v22;
	v17 =	vmul.f32 v17, v25;
	v28 =	vld [tilespmem:s0+$0x70]  }
0x19f: {  	v29 =	vld [tilespmem:s29+$0xFFFFFF40];
	v25 =	vmul.f32 v26, v25;
	v22 =	vmul.f32 v26, v22  }
0x1a0: {  	v26 =	vld [tilespmem:s29+$0xFFFFFF10]  }
0x1a1: {  	v30 =	vld [tilespmem:s29+$0xFFFFFF50];
	v23 =	vadd.f32 v25, v23;
	v17 =	vsub.f32 v22, v17  }
0x1a2: {  	v22 =	vld [tilespmem:s29+$0xFFFFFF20];
	v25 =	vmul.f32 v20, v24;
	v20 =	vmul.f32 v20, v27  }
0x1a3: {  	v31 =	vld [tilespmem:s29+$0xFFFFFF60];
	v27 =	vmul.f32 v28, v27;
	v24 =	vmul.f32 v28, v24  }
0x1a4: {  	v1 =	vmul.f32 v1, v29;
	v28 =	vld [tilespmem:s29+$0xFFFFFF30]  }
0x1a5: {  	v3 =	vmul.f32 v3, v26;
	v26 =	vld [tilespmem:s29+$0xFFFFFF70];
	v25 =	vadd.f32 v27, v25;
	v20 =	vsub.f32 v24, v20  }
0x1a6: {  	v2 =	vmul.f32 v2, v30;
	v24 =	vld [tilespmem:s29+$0xFFFFFF80]  }
0x1a7: {  	v5 =	vmul.f32 v5, v22;
	v22 =	vld [tilespmem:s29+$0xFFFFFFC0]  }
0x1a8: {  	v27 =	vadd.f32 v2, v3;
	v2 =	vmul.f32 v4, v31;
	v3 =	vld [tilespmem:s29+$0xFFFFFF90]  }
0x1a9: {  	v4 =	vmul.f32 v7, v28;
	v7 =	vld [tilespmem:s29+$0xFFFFFFD0]  }
0x1aa: {  	v2 =	vadd.f32 v2, v5;
	v5 =	vmul.f32 v6, v26;
	v6 =	vld [tilespmem:s29+$0xFFFFFFA0]  }
0x1ab: {  	v12 =	vmul.f32 v12, v24;
	v24 =	vld [tilespmem:s29+$0xFFFFFFE0]  }
0x1ac: {  	v4 =	vadd.f32 v5, v4;
	v5 =	vmul.f32 v8, v22;
	v8 =	vld [tilespmem:s29+$0xFFFFFFB0]  }
0x1ad: {  	v3 =	vmul.f32 v13, v3;
	v13 =	vld [tilespmem:s29+$0xFFFFFFF0]  }
0x1ae: {  	v22 =	vadd.f32 v4, v2;
	v2 =	vadd.f32 v5, v12;
	v4 =	vmul.f32 v10, v7;
	v5 =	vld [tilespmem:s29+$0x0]  }
0x1af: {  	v6 =	vmul.f32 v15, v6;
	v7 =	vld [tilespmem:s29+$0x40]  }
0x1b0: {  	v3 =	vadd.f32 v4, v3;
	v4 =	vmul.f32 v9, v24;
	v9 =	vld [tilespmem:s29+$0x10]  }
0x1b1: {  	v8 =	vmul.f32 v16, v8;
	v10 =	vld [tilespmem:s29+$0x50]  }
0x1b2: {  	v4 =	vadd.f32 v4, v6;
	v6 =	vmul.f32 v11, v13;
	v11 =	vadd.f32 v3, v2;
	v3 =	vld [tilespmem:s29+$0x20]  }
0x1b3: {  	v2 =	vmul.f32 v19, v5;
	v5 =	vld [tilespmem:s29+$0x60]  }
0x1b4: {  	v6 =	vadd.f32 v6, v8;
	v7 =	vmul.f32 v14, v7;
	v8 =	vld [tilespmem:s29+$0x30]  }
0x1b5: {  	v9 =	vmul.f32 v21, v9;
	v12 =	vld [tilespmem:s29+$0x70]  }
0x1b6: {  	v13 =	vld [tilespmem:s29+$0xFFFFFF00];
	v4 =	vadd.f32 v6, v4;
	v6 =	vadd.f32 v7, v2;
	v7 =	vmul.f32 v18, v10;
	s29 =	sadd.s32 $0x200, s29  }
0x1b7: {  	v2 =	vld [tilespmem:s29+$0x80];
	v10 =	vmul.f32 v23, v3  }
0x1b8: {  	s31 =	sadd.s32 $0x200, s31;
	v3 =	vld [tilespmem:s29+$0xC0];
	v4 =	vadd.f32 v4, v11;
	v7 =	vadd.f32 v7, v9;
	v5 =	vmul.f32 v17, v5  }
0x1b9: {  	v9 =	vld [tilespmem:s31+$0x80];
	v8 =	vmul.f32 v25, v8  }
0x1ba: {  	s0 =	sadd.s32 $0x200, s0;
	v14 =	vld [tilespmem:s31+$0xC0];
	v5 =	vadd.f32 v5, v10;
	v10 =	vmul.f32 v20, v12;
	v6 =	vadd.f32 v7, v6;
	(xrf2) =	vadd.scan.msk.f32 $0xffff, v4  }
0x1bb: {  	v12 =	vld [tilespmem:s0+$0x80];
	v0 =	vmul.f32 v0, v13  }
0x1bc: {  	s5 =	sadd.s32 $0x1, s30;
	v15 =	vld [tilespmem:s0+$0xC0];
	v4 =	vadd.f32 v10, v8  }
0x1bd: {  	v19 =	vld [tilespmem:s31+$0x90];
	v0 =	vadd.f32 v1, v0;
	v1 =	vmov s5  }
0x1be: {  	v21 =	vld [tilespmem:s31+$0xD0];
	v1 =	vand.u32 $0xFFFFFFFD, v1;
	v4 =	vadd.f32 v4, v5  }
0x1bf: {  	v23 =	vld [tilespmem:s0+$0x90];
	v0 =	vadd.f32 v27, v0;
	v1 =	vbroadcast v1, $0x0  }
0x1c0: {  	v24 =	vld [tilespmem:s0+$0xD0];
	v10 =	vadd.f32 v4, v6  }
0x1c1: {  	v4 =	vld [tilespmem:s31+$0xA0];
	v0 =	vadd.f32 v22, v0  }
0x1c2: {  	v5 =	vld [tilespmem:s31+$0xE0]  }
0x1c3: {  	s5 =	sadd.s32 $0x2, s30;
	v6 =	vmov s30;
	s30 =	smov.u32 s3;
	v7 =	vld [tilespmem:s0+$0xA0];
	(xrf2) =	vadd.scan.msk.f32 $0xffff, v0  }
0x1c4: {  	v8 =	vmov s5;
	v0 =	vand.u32 $0xFFFFFFFC, v6;
	v11 =	vld [tilespmem:s0+$0xE0];
	v13, _, _ =	vpop (xrf2)  }
0x1c5: {  	v0 =	vbroadcast v0, $0x0;
	v6 =	vld [tilespmem:s31+$0xB0];
	[tilespmem:v1+s19+$0x0] =	vst.idx.msk vm0, v13;
	v1 =	vand.u32 $0xFFFFFFFE, v8  }
.Ltmp2:
0x1c6: {  	v13 =	vmul.f32 v12, v9;
	v8 =	vld [tilespmem:s31+$0xF0];
	v1 =	vbroadcast v1, $0x0;
	(xrf2) =	vadd.scan.msk.f32 $0xffff, v10;
	(pc) =	sbr.rel @p0 .LBB2_6-.Ltmp2, $4  }
0x1c7: {  	v16 =	vmul.f32 v15, v14;
	v15 =	vmul.f32 v15, v9;
	v9 =	vld [tilespmem:s0+$0xB0]  }
0x1c8: {  	v18 =	vmul.f32 v12, v14;
	v17 =	vmul.f32 v23, v19;
	v14 =	vld [tilespmem:s0+$0xF0]  }
0x1c9: {  	v20 =	vmul.f32 v24, v21;
	v19 =	vmul.f32 v24, v19;
	v10 =	vld [tilespmem:s29+$0x90]  }
0x1ca: {  	s3 =	sadd.s32 $0x4, s3;
	v22 =	vmul.f32 v23, v21;
	v21 =	vmul.f32 v7, v4;
	v12 =	vld [tilespmem:s29+$0xD0]  }
0x1cb: {  	v23 =	vld [tilespmem:s29+$0xA0]  }
0x1cc: {  	v24 =	vld [tilespmem:s29+$0xE0]  }
0x1cd: {  	v25 =	vld [tilespmem:s29+$0xB0]  }
0x1ce: {  	v26 =	vld [tilespmem:s29+$0xF0]  }
0x1cf: {  	v27 =	vld [tilespmem:s31+$0xFFFFFF00]  }
0x1d0: {  	v28 =	vld [tilespmem:s31+$0xFFFFFF40]  }
0x1d1: {  	v29 =	vld [tilespmem:s0+$0xFFFFFF00]  }
0x1d2: {  	v30 =	vld [tilespmem:s0+$0xFFFFFF40]  }
0x1d3: {  	v31 =	vld [tilespmem:s31+$0xFFFFFF10]  }
0x1d4: {  	v32 =	vld [tilespmem:s31+$0xFFFFFF50]  }
0x1d5: {  	v33 =	vld [tilespmem:s0+$0xFFFFFF10]  }
0x1d6: {  	v34 =	vld [tilespmem:s0+$0xFFFFFF50]  }
0x1d7: {  	v35 =	vld [tilespmem:s31+$0xFFFFFF20]  }
0x1d8: {  	v36 =	vld [tilespmem:s31+$0xFFFFFF60]  }
0x1d9: {  	v37 =	vld [tilespmem:s0+$0xFFFFFF20]  }
0x1da: {  	v38 =	vld [tilespmem:s0+$0xFFFFFF60]  }
0x1db: {  	v39 =	vld [tilespmem:s31+$0xFFFFFF30]  }
0x1dc: {  	v40 =	vld [tilespmem:s31+$0xFFFFFF70]  }
0x1dd: {  	v41 =	vld [tilespmem:s0+$0xFFFFFF30]  }
0x1de: {  	v42 =	vld [tilespmem:s0+$0xFFFFFF70]  }
0x1df: {  	v43 =	vld [tilespmem:s31+$0xFFFFFF80]  }
0x1e0: {  	v44 =	vld [tilespmem:s31+$0xFFFFFFC0]  }
0x1e1: {  	v45 =	vld [tilespmem:s0+$0xFFFFFF80]  }
0x1e2: {  	v46 =	vld [tilespmem:s0+$0xFFFFFFC0]  }
0x1e3: {  	v47 =	vld [tilespmem:s31+$0xFFFFFF90]  }
0x1e4: {  	v48 =	vld [tilespmem:s31+$0xFFFFFFD0]  }
0x1e5: {  	v49 =	vld [tilespmem:s0+$0xFFFFFF90]  }
0x1e6: {  	v50 =	vld [tilespmem:s0+$0xFFFFFFD0]  }
0x1e7: {  	v51 =	vld [tilespmem:s31+$0xFFFFFFA0]  }
0x1e8: {  	v52 =	vld [tilespmem:s31+$0xFFFFFFE0]  }
0x1e9: {  	v53 =	vld [tilespmem:s0+$0xFFFFFFA0]  }
0x1ea: {  	v54 =	vld [tilespmem:s0+$0xFFFFFFE0]  }
0x1eb: {  	v55 =	vld [tilespmem:s31+$0xFFFFFFB0];
	v4 =	vmul.f32 v11, v4;
	v58 =	vmul.f32 v11, v5;
	v60 =	vadd.f32 v16, v13  }
0x1ec: {  	v56 =	vld [tilespmem:s31+$0xFFFFFFF0];
	v59 =	vmul.f32 v7, v5;
	v15 =	vsub.f32 v15, v18;
	v17 =	vadd.f32 v20, v17  }
0x1ed: {  	v57 =	vld [tilespmem:s0+$0xFFFFFFB0];
	v61 =	vmul.f32 v9, v6;
	v19 =	vsub.f32 v19, v22;
	v62 =	vmul.f32 v14, v8  }
0x1ee: {  	v13 =	vld [tilespmem:s0+$0xFFFFFFF0];
	v63 =	vmul.f32 v14, v6;
	v11 =	vadd.f32 v58, v21;
	v21 =	vmul.f32 v9, v8  }
0x1ef: {  	v18 =	vld [tilespmem:s31+$0x0];
	v4 =	vsub.f32 v4, v59;
	v2 =	vmul.f32 v60, v2;
	v3 =	vmul.f32 v15, v3  }
0x1f0: {  	v16 =	vld [tilespmem:s31+$0x20];
	v10 =	vmul.f32 v17, v10;
	v12 =	vmul.f32 v19, v12  }
0x1f1: {  	v14 =	vld [tilespmem:s31+$0x40];
	v11 =	vmul.f32 v11, v23;
	v4 =	vmul.f32 v4, v24  }
0x1f2: {  	v8 =	vld [tilespmem:s0+$0x0];
	v58 =	vmul.f32 v29, v27;
	v59 =	vmul.f32 v29, v28  }
0x1f3: {  	v9 =	vld [tilespmem:s0+$0x40];
	v22 =	vadd.f32 v62, v61;
	v60 =	vmul.f32 v30, v28;
	v61 =	vmul.f32 v30, v27  }
0x1f4: {  	v6 =	vld [tilespmem:s31+$0x10];
	v5 =	vsub.f32 v63, v21;
	v62 =	vmul.f32 v33, v31;
	v63 =	vmul.f32 v33, v32  }
0x1f5: {  	v15 =	vld [tilespmem:s31+$0x50];
	v32 =	vmul.f32 v34, v32;
	v33 =	vmul.f32 v34, v31  }
0x1f6: {  	v2 =	vadd.f32 v3, v2;
	v3 =	vld [tilespmem:s0+$0x10];
	v34 =	vmul.f32 v37, v35;
	v24 =	vmul.f32 v37, v36  }
0x1f7: {  	v19 =	vld [tilespmem:s31+$0x60];
	v37 =	vmul.f32 v38, v36;
	v38 =	vmul.f32 v38, v35  }
0x1f8: {  	v21 =	vld [tilespmem:s0+$0x20];
	v7 =	vmul.f32 v22, v25;
	v5 =	vmul.f32 v5, v26  }
0x1f9: {  	v23 =	vld [tilespmem:s0+$0x60];
	v36 =	vmul.f32 v49, v48;
	v10 =	vadd.f32 v12, v10;
	v4 =	vadd.f32 v4, v11  }
0x1fa: {  	v27 =	vld [tilespmem:s31+$0x70];
	v20 =	vsub.f32 v33, v63;
	v63 =	vmul.f32 v45, v44;
	v5 =	vadd.f32 v5, v7  }
0x1fb: {  	v29 =	vld [tilespmem:s0+$0x30];
	v44 =	vmul.f32 v46, v44;
	v2 =	vadd.f32 v10, v2;
	v7 =	vadd.f32 v60, v58  }
0x1fc: {  	v31 =	vld [tilespmem:s0+$0x70];
	v10 =	vsub.f32 v61, v59;
	v58 =	vmul.f32 v41, v39;
	v59 =	vmul.f32 v41, v40  }
0x1fd: {  	v35 =	vld [tilespmem:s29+$0xFFFFFF10];
	v60 =	vmul.f32 v42, v40;
	v61 =	vmul.f32 v42, v39  }
0x1fe: {  	v25 =	vld [tilespmem:s31+$0x30];
	v4 =	vadd.f32 v5, v4;
	v5 =	vadd.f32 v32, v62;
	v62 =	vmul.f32 v45, v43  }
0x1ff: {  	v11 =	vld [tilespmem:s0+$0x50];
	v45 =	vmul.f32 v46, v43;
	v46 =	vmul.f32 v49, v47  }
0x200: {  	v33 =	vld [tilespmem:s29+$0xFFFFFF40];
	v17 =	vadd.f32 v60, v58;
	v49 =	vmul.f32 v50, v48;
	v50 =	vmul.f32 v50, v47  }
0x201: {  	v39 =	vld [tilespmem:s29+$0xFFFFFF20];
	v28 =	vsub.f32 v61, v59;
	v58 =	vmul.f32 v53, v51;
	v59 =	vmul.f32 v53, v52  }
0x202: {  	v41 =	vld [tilespmem:s29+$0xFFFFFF60];
	v60 =	vmul.f32 v54, v52;
	v61 =	vmul.f32 v54, v51  }
0x203: {  	v43 =	vld [tilespmem:s29+$0xFFFFFF30];
	v53 =	vmul.f32 v3, v6;
	v3 =	vmul.f32 v3, v15  }
0x204: {  	v48 =	vld [tilespmem:s29+$0xFFFFFF70];
	v12 =	vadd.f32 v44, v62;
	v32 =	vsub.f32 v45, v63;
	v62 =	vmul.f32 v57, v55  }
0x205: {  	v51 =	vld [tilespmem:s29+$0xFFFFFFC0];
	v22 =	vadd.f32 v49, v46;
	v63 =	vmul.f32 v57, v56;
	v49 =	vmul.f32 v13, v56  }
0x206: {  	v52 =	vld [tilespmem:s29+$0xFFFFFF90];
	v36 =	vsub.f32 v50, v36;
	v13 =	vmul.f32 v13, v55;
	v50 =	vmul.f32 v8, v18  }
0x207: {  	v54 =	vld [tilespmem:s29+$0xFFFFFFD0];
	v2 =	vadd.f32 v4, v2;
	v8 =	vmul.f32 v8, v14;
	v14 =	vmul.f32 v9, v14  }
0x208: {  	v4 =	vadd.f32 v37, v34;
	v37 =	vld [tilespmem:s29+$0xFFFFFF50];
	v9 =	vmul.f32 v9, v18;
	v15 =	vmul.f32 v11, v15  }
0x209: {  	v24 =	vsub.f32 v38, v24;
	v46 =	vld [tilespmem:s29+$0xFFFFFF80];
	v6 =	vmul.f32 v11, v6;
	v56 =	vmul.f32 v21, v16  }
0x20a: {  	v26 =	vadd.f32 v60, v58;
	v55 =	vld [tilespmem:s29+$0xFFFFFFA0];
	v21 =	vmul.f32 v21, v19;
	v58 =	vmul.f32 v23, v19  }
0x20b: {  	v40 =	vsub.f32 v61, v59;
	v57 =	vld [tilespmem:s29+$0xFFFFFFE0];
	v16 =	vmul.f32 v23, v16;
	v60 =	vmul.f32 v29, v25  }
0x20c: {  	v59 =	vld [tilespmem:s29+$0xFFFFFFB0];
	v29 =	vmul.f32 v29, v27;
	v25 =	vmul.f32 v31, v25;
	v30 =	vadd.f32 v49, v62  }
0x20d: {  	v61 =	vld [tilespmem:s29+$0xFFFFFFF0];
	v10 =	vmul.f32 v10, v33;
	v13 =	vsub.f32 v13, v63;
	v14 =	vadd.f32 v14, v50  }
0x20e: {  	v5 =	vmul.f32 v5, v35;
	v35 =	vld [tilespmem:s29+$0x40];
	v8 =	vsub.f32 v9, v8;
	v15 =	vadd.f32 v15, v53  }
0x20f: {  	v3 =	vsub.f32 v6, v3;
	v62 =	vmul.f32 v31, v27;
	v63 =	vld [tilespmem:s29+$0x0];
	v4 =	vmul.f32 v4, v39  }
0x210: {  	v9 =	vadd.f32 v58, v56;
	v39 =	vmul.f32 v24, v41;
	v41 =	vld [tilespmem:s29+$0x10];
	v17 =	vmul.f32 v17, v43  }
0x211: {  	v16 =	vsub.f32 v16, v21;
	v49 =	vld [tilespmem:s29+$0x20];
	v45 =	vmul.f32 v28, v48;
	v50 =	vmul.f32 v32, v51  }
0x212: {  	v25 =	vsub.f32 v25, v29;
	v53 =	vld [tilespmem:s29+$0x30];
	v18 =	vmul.f32 v22, v52;
	v52 =	vmul.f32 v36, v54  }
0x213: {  	v56 =	vld [tilespmem:s29+$0x70];
	v6 =	vadd.f32 v62, v60;
	v20 =	vmul.f32 v20, v37;
	v12 =	vmul.f32 v12, v46  }
0x214: {  	v48 =	vld [tilespmem:s29+$0x50];
	v4 =	vadd.f32 v39, v4;
	v11 =	vmul.f32 v26, v55;
	v54 =	vmul.f32 v40, v57  }
0x215: {  	v17 =	vadd.f32 v45, v17;
	v55 =	vld [tilespmem:s29+$0xFFFFFF00];
	v19 =	vmul.f32 v30, v59;
	v13 =	vmul.f32 v13, v61  }
0x216: {  	v51 =	vld [tilespmem:s29+$0x60];
	v18 =	vadd.f32 v52, v18;
	v8 =	vmul.f32 v8, v35;
	v5 =	vadd.f32 v20, v5  }
0x217: {  	v4 =	vadd.f32 v17, v4;
	v12 =	vadd.f32 v50, v12;
	v14 =	vmul.f32 v14, v63  }
0x218: {  	v11 =	vadd.f32 v54, v11;
	v15 =	vmul.f32 v15, v41;
	v9 =	vmul.f32 v9, v49  }
0x219: {  	v13 =	vadd.f32 v13, v19;
	v6 =	vmul.f32 v6, v53;
	v58 =	vmul.f32 v25, v56  }
0x21a: {  	v3 =	vmul.f32 v3, v48;
	v12 =	vadd.f32 v18, v12;
	v7 =	vmul.f32 v7, v55  }
0x21b: {  	v57 =	vmul.f32 v16, v51;
	v11 =	vadd.f32 v13, v11;
	v8 =	vadd.f32 v8, v14  }
0x21c: {  	v6 =	vadd.f32 v58, v6;
	v7 =	vadd.f32 v10, v7  }
0x21d: {  	v3 =	vadd.f32 v3, v15;
	v9 =	vadd.f32 v57, v9  }
0x21e: {  	v59 =	vadd.f32 v11, v12;
	v5 =	vadd.f32 v5, v7  }
0x21f: {  	v3 =	vadd.f32 v3, v8;
	v6 =	vadd.f32 v6, v9  }
0x220: {  	(xrf2) =	vadd.scan.msk.f32 $0xffff, v2;
	v2 =	vadd.f32 v4, v5  }
0x221: {  	(xrf2) =	vadd.scan.msk.f32 $0xffff, v59;
	v3 =	vadd.f32 v6, v3  }
0x222: {  	(xrf2) =	vadd.scan.msk.f32 $0xffff, v2  }
0x223: {  	s25 =	sadd.s32 $0x1, s30;
	(xrf2) =	vadd.scan.msk.f32 $0xffff, v3  }
0x224: {  	s31 =	sadd.s32 $0x2, s30;
	v2 =	vmov s25  }
0x225: {  	s3 =	sadd.s32 $0x3, s30;
	v60 =	vmov s30;
	v61 =	vmov s31;
	v2 =	vand.u32 $0xFFFFFFFD, v2  }
0x226: {  	v4 =	vand.u32 $0xFFFFFFFC, v60;
	v3 =	vmov s3;
	v2 =	vbroadcast v2, $0x0  }
0x227: {  	v5 =	vand.u32 $0xFFFFFFFE, v61;
	v4 =	vbroadcast v4, $0x0  }
0x228: {  	v62, _, _ =	vpop (xrf2);
	v5 =	vbroadcast v5, $0x0  }
0x229: {  	v63, _, _ =	vpop (xrf2);
	[tilespmem:v0+s19+$0x0] =	vst.idx.msk vm0, v62  }
0x22a: {  	[tilespmem:v1+s19+$0x0] =	vst.idx.msk vm0, v63;
	v0, _, _ =	vpop (xrf2)  }
0x22b: {  	v1, _, _ =	vpop (xrf2);
	[tilespmem:v3+s19+$0x0] =	vst.idx.msk vm0, v0  }
0x22c: {  	[tilespmem:v2+s19+$0x0] =	vst.idx.msk vm0, v1;
	v0, _, _ =	vpop (xrf2)  }
0x22d: {  	v1, _, _ =	vpop (xrf2);
	[tilespmem:v4+s19+$0x0] =	vst.idx.msk vm0, v0  }
0x22e: {  	s3 =	simm.s32 $0x500;
	[tilespmem:v5+s19+$0x0] =	vst.idx.msk vm0, v1  }
0x22f: {  	v0 =	vld [tilespmem:s3+$0x0];
	_ =	sdelay $0x4  }
0x230: {  	v0 =	vshll.u32 v0, $0x4  }
0x231: {  	(v2sf) =	vpush v0, $0x0  }
0x232: {  	(v2sf) =	vpush v0, $0x1  }
0x233: {  	(v2sf) =	vpush v0, $0x2;
	_ =	sdelay $0x1  }
0x234: {  	(v2sf) =	vpush v0, $0x4;
	_ =	sdelay $0x1  }
0x235: {  	(v2sf) =	vpush v0, $0x3  }
0x236: {  	(v2sf) =	vpush v0, $0x5  }
0x237: {  	s0 =	simm.s32 $0x0;
	s29 =	simm.s32 $0x2000;
	(v2sf) =	vpush v0, $0x6  }
.LBB2_8:
0x238: {  	p0 =	sne.s32 s29, $0xE000  }
0x239: {  	s5 =	sadd.s32 $0x10680, s0;
	s20 =	sadd.s32 $0x10B80, s0;
	s30 =	smov.u32 s29  }
0x23a: {  	s29 =	sadd.s32 $0x2000, s29;
	s25 =	sadd.s32 $0x10980, s0;
	s16 =	sadd.s32 $0x10C00, s0;
	(v2sf) =	vpush v0, $0x7  }
0x23b: {  	s13 =	sadd.s32 $0x10880, s0;
	s24 =	sadd.s32 $0x10A00, s0;
	s31 =	sadd.s32 $0x10C80, s0  }
0x23c: {  	s6 =	sadd.s32 $0x10600, s0;
	s7 =	sadd.s32 $0x10800, s0;
	(v2sf) =	vpush v0, $0x8  }
0x23d: {  	s8 =	sadd.s32 $0x10900, s0;
	s3 =	sadd.s32 $0x10, s3  }
0x23e: {  	s9 =	sadd.s32 $0x10700, s0;
	s21 =	sadd.s32 $0x10B00, s0;
	s10 =	spop (v2sf);
	(v2sf) =	vpush v0, $0x9  }
0x23f: {  	s14 =	sand.u32 $0x1FFFFFF0, s10;
	s10 =	sadd.s32 $0x10A80, s0;
	s15 =	spop (v2sf)  }
0x240: {  	s14 =	sadd.s32 s1, s14;
	s15 =	sand.u32 $0x1FFFFFF0, s15;
	s17 =	spop (v2sf);
	(v2sf) =	vpush v0, $0xA  }
0x241: {  	[tilespmem:s6], [sflag:$0x3] =	stream.linear.gather [hbm4b:s14+s4], $0x80, $0x38;
	[tilespmem:$0x18800] =	vst v63  }
0x242: {  	s6 =	sadd.s32 s1, s15;
	s14 =	sadd.s32 $0x10780, s0;
	s15 =	spop (v2sf);
	(v2sf) =	vpush v0, $0xB  }
0x243: {  	[tilespmem:s5], [sflag:$0x3] =	stream.linear.gather [hbm4b:s6+s4], $0x80, $0x38;
	[tilespmem:$0x18800] =	vst v63  }
0x244: {  	s5 =	sand.u32 $0x1FFFFFF0, s17;
	s6 =	sand.u32 $0x1FFFFFF0, s15;
	s15 =	spop (v2sf);
	(v2sf) =	vpush v0, $0xC  }
0x245: {  	s5 =	sadd.s32 s1, s5;
	s15 =	sand.u32 $0x1FFFFFF0, s15;
	s17 =	spop (v2sf)  }
0x246: {  	[tilespmem:s9], [sflag:$0x3] =	stream.linear.gather [hbm4b:s5+s4], $0x80, $0x38;
	(v2sf) =	vpush v0, $0xD;
	[tilespmem:$0x18800] =	vst v63  }
0x247: {  	s5 =	sadd.s32 s1, s15;
	s9 =	sand.u32 $0x1FFFFFF0, s17;
	s15 =	spop (v2sf)  }
0x248: {  	[tilespmem:s14], [sflag:$0x3] =	stream.linear.gather [hbm4b:s5+s4], $0x80, $0x38;
	(v2sf) =	vpush v0, $0xE;
	[tilespmem:$0x18800] =	vst v63  }
0x249: {  	s5 =	sadd.s32 s1, s6;
	s6 =	sand.u32 $0x1FFFFFF0, s15;
	s14 =	spop (v2sf)  }
0x24a: {  	[tilespmem:s7], [sflag:$0x3] =	stream.linear.gather [hbm4b:s5+s4], $0x80, $0x38;
	(v2sf) =	vpush v0, $0xF;
	[tilespmem:$0x18800] =	vst v63  }
0x24b: {  	s5 =	sadd.s32 s1, s9;
	s7 =	sand.u32 $0x1FFFFFF0, s14;
	s9 =	spop (v2sf)  }
0x24c: {  	[tilespmem:s13], [sflag:$0x3] =	stream.linear.gather [hbm4b:s5+s4], $0x80, $0x38;
	[tilespmem:$0x18800] =	vst v63  }
0x24d: {  	s5 =	sadd.s32 s1, s6;
	s6 =	sand.u32 $0x1FFFFFF0, s9;
	s9 =	spop (v2sf)  }
0x24e: {  	[tilespmem:s8], [sflag:$0x3] =	stream.linear.gather [hbm4b:s5+s4], $0x80, $0x38;
	[tilespmem:$0x18800] =	vst v63  }
0x24f: {  	s5 =	sadd.s32 s1, s7;
	s7 =	sand.u32 $0x1FFFFFF0, s9;
	s8 =	spop (v2sf)  }
0x250: {  	[tilespmem:s25], [sflag:$0x3] =	stream.linear.gather [hbm4b:s5+s4], $0x80, $0x38;
	[tilespmem:$0x18800] =	vst v63  }
0x251: {  	s5 =	sadd.s32 s1, s6;
	s6 =	sand.u32 $0x1FFFFFF0, s8;
	s8 =	spop (v2sf)  }
0x252: {  	[tilespmem:s24], [sflag:$0x3] =	stream.linear.gather [hbm4b:s5+s4], $0x80, $0x38;
	[tilespmem:$0x18800] =	vst v63  }
0x253: {  	s5 =	sadd.s32 s1, s7;
	s7 =	sand.u32 $0x1FFFFFF0, s8;
	s8 =	spop (v2sf)  }
0x254: {  	[tilespmem:s10], [sflag:$0x3] =	stream.linear.gather [hbm4b:s5+s4], $0x80, $0x38;
	[tilespmem:$0x18800] =	vst v63  }
0x255: {  	s5 =	sadd.s32 s1, s6;
	s6 =	sand.u32 $0x1FFFFFF0, s8;
	s8 =	spop (v2sf)  }
0x256: {  	[tilespmem:s21], [sflag:$0x3] =	stream.linear.gather [hbm4b:s5+s4], $0x80, $0x38;
	[tilespmem:$0x18800] =	vst v63  }
0x257: {  	s5 =	sadd.s32 s1, s7;
	s7 =	sand.u32 $0x1FFFFFF0, s8;
	s8 =	spop (v2sf)  }
0x258: {  	[tilespmem:s20], [sflag:$0x3] =	stream.linear.gather [hbm4b:s5+s4], $0x80, $0x38;
	[tilespmem:$0x18800] =	vst v63  }
0x259: {  	s5 =	sadd.s32 s1, s6;
	s6 =	sand.u32 $0x1FFFFFF0, s8;
	s8 =	spop (v2sf)  }
0x25a: {  	[tilespmem:s16], [sflag:$0x3] =	stream.linear.gather [hbm4b:s5+s4], $0x80, $0x38;
	[tilespmem:$0x18800] =	vst v63  }
0x25b: {  	s5 =	sadd.s32 s1, s7;
	s7 =	sand.u32 $0x1FFFFFF0, s8  }
0x25c: {  	[tilespmem:s31], [sflag:$0x3] =	stream.linear.gather [hbm4b:s5+s4], $0x80, $0x38;
	[tilespmem:$0x18800] =	vst v63  }
0x25d: {  	s6 =	sadd.s32 s1, s6;
	s5 =	sadd.s32 $0x10D00, s0  }
0x25e: {  	[tilespmem:s5], [sflag:$0x3] =	stream.linear.gather [hbm4b:s6+s4], $0x80, $0x38;
	[tilespmem:$0x18800] =	vst v63  }
0x25f: {  	s0 =	sadd.s32 $0x10D80, s0;
	s5 =	sadd.s32 s1, s7  }
0x260: {  	[tilespmem:s0], [sflag:$0x3] =	stream.linear.gather [hbm4b:s5+s4], $0x80, $0x38;
	[tilespmem:$0x18800] =	vst v63  }
0x261: {  	v0 =	vld [tilespmem:s3+$0x0];
	_ =	sdelay $0x4  }
0x262: {  	v0 =	vshll.u32 v0, $0x4  }
0x263: {  	(v2sf) =	vpush v0, $0x0  }
0x264: {  	(v2sf) =	vpush v0, $0x1  }
0x265: {  	(v2sf) =	vpush v0, $0x2;
	_ =	sdelay $0x1  }
0x266: {  	(v2sf) =	vpush v0, $0x4  }
.Ltmp3:
0x267: {  	(pc) =	sbr.rel @p0 .LBB2_8-.Ltmp3, $3  }
0x268: {  	(v2sf) =	vpush v0, $0x3  }
0x269: {  	(v2sf) =	vpush v0, $0x5;
	_ =	sdelay $0x1  }
0x26a: {  	s0 =	sshra.s32 s30, $0x2;
	(v2sf) =	vpush v0, $0x6  }
0x26b: {  	_ =	sdelay $0x3  }
0x26c: {  	s5 =	sadd.s32 $0x10600, s0;
	s16 =	sadd.s32 $0x10680, s0  }
0x26d: {  	s25 =	sadd.s32 $0x10700, s0;
	s8 =	sadd.s32 $0x10800, s0;
	s3 =	spop (v2sf);
	(v2sf) =	vpush v0, $0x7  }
0x26e: {  	s14 =	sadd.s32 $0x10880, s0;
	s3 =	sand.u32 $0x1FFFFFF0, s3;
	s6 =	spop (v2sf)  }
0x26f: {  	s3 =	sadd.s32 s1, s3;
	s6 =	sand.u32 $0x1FFFFFF0, s6;
	s7 =	spop (v2sf);
	(v2sf) =	vpush v0, $0x8  }
0x270: {  	[tilespmem:s5], [sflag:$0x3] =	stream.linear.gather [hbm4b:s3+s4], $0x80, $0x38;
	(v2sf) =	vpush v0, $0x9;
	[tilespmem:$0x18800] =	vst v63  }
0x271: {  	s17 =	sadd.s32 s1, s6;
	s21 =	sand.u32 $0x1FFFFFF0, s7;
	s20 =	spop (v2sf)  }
0x272: {  	[tilespmem:s16], [sflag:$0x3] =	stream.linear.gather [hbm4b:s17+s4], $0x80, $0x38;
	[tilespmem:$0x18800] =	vst v63  }
0x273: {  	s7 =	sadd.s32 $0x10780, s0;
	s3 =	sadd.s32 s1, s21;
	s24 =	spop (v2sf)  }
0x274: {  	s9 =	sand.u32 $0x1FFFFFF0, s20;
	s16 =	sadd.s32 $0x10900, s0;
	(v2sf) =	vpush v0, $0xA;
	s5 =	sand.u32 $0x1FFFFFF0, s24  }
0x275: {  	[tilespmem:s25], [sflag:$0x3] =	stream.linear.gather [hbm4b:s3+s4], $0x80, $0x38;
	[tilespmem:$0x18800] =	vst v63  }
0x276: {  	s20 =	sadd.s32 $0x10980, s0;
	(v2sf) =	vpush v0, $0xB;
	s10 =	spop (v2sf);
	s5 =	sadd.s32 s1, s5  }
0x277: {  	(v2sf) =	vpush v0, $0xC;
	[tilespmem:s7], [sflag:$0x3] =	stream.linear.gather [hbm4b:s5+s4], $0x80, $0x38;
	[tilespmem:$0x18800] =	vst v63  }
0x278: {  	s6 =	sand.u32 $0x1FFFFFF0, s10;
	s13 =	spop (v2sf);
	s5 =	sadd.s32 s1, s9  }
0x279: {  	(v2sf) =	vpush v0, $0xD;
	[tilespmem:s8], [sflag:$0x3] =	stream.linear.gather [hbm4b:s5+s4], $0x80, $0x38;
	[tilespmem:$0x18800] =	vst v63  }
0x27a: {  	s10 =	sadd.s32 $0x10A80, s0;
	s6 =	sadd.s32 s1, s6;
	s15 =	sand.u32 $0x1FFFFFF0, s13  }
0x27b: {  	(v2sf) =	vpush v0, $0xE;
	[tilespmem:s14], [sflag:$0x3] =	stream.linear.gather [hbm4b:s6+s4], $0x80, $0x38;
	[tilespmem:$0x18800] =	vst v63  }
0x27c: {  	s7 =	sadd.s32 $0x10C80, s0;
	s5 =	sadd.s32 s1, s15;
	s17 =	spop (v2sf)  }
0x27d: {  	[tilespmem:s16], [sflag:$0x3] =	stream.linear.gather [hbm4b:s5+s4], $0x80, $0x38;
	(v2sf) =	vpush v0, $0xF;
	[tilespmem:$0x18800] =	vst v63  }
0x27e: {  	s8 =	sadd.s32 $0x10A00, s0;
	s21 =	sand.u32 $0x1FFFFFF0, s17;
	s24 =	spop (v2sf)  }
0x27f: {  	s5 =	sadd.s32 s1, s21;
	s6 =	sand.u32 $0x1FFFFFF0, s24;
	s25 =	spop (v2sf)  }
0x280: {  	[tilespmem:s20], [sflag:$0x3] =	stream.linear.gather [hbm4b:s5+s4], $0x80, $0x38;
	[tilespmem:$0x18800] =	vst v63  }
0x281: {  	s14 =	sadd.s32 $0x10B00, s0;
	s9 =	sand.u32 $0x1FFFFFF0, s25;
	s6 =	sadd.s32 s1, s6  }
0x282: {  	[tilespmem:s8], [sflag:$0x3] =	stream.linear.gather [hbm4b:s6+s4], $0x80, $0x38;
	[tilespmem:$0x18800] =	vst v63  }
0x283: {  	s20 =	sadd.s32 $0x10B80, s0;
	s5 =	sadd.s32 s1, s9;
	s13 =	spop (v2sf)  }
0x284: {  	[tilespmem:s10], [sflag:$0x3] =	stream.linear.gather [hbm4b:s5+s4], $0x80, $0x38;
	[tilespmem:$0x18800] =	vst v63  }
0x285: {  	s24 =	sadd.s32 $0x10C00, s0;
	s15 =	sand.u32 $0x1FFFFFF0, s13;
	s16 =	spop (v2sf)  }
0x286: {  	s6 =	sand.u32 $0x1FFFFFF0, s16;
	s17 =	spop (v2sf);
	s5 =	sadd.s32 s1, s15  }
0x287: {  	[tilespmem:s14], [sflag:$0x3] =	stream.linear.gather [hbm4b:s5+s4], $0x80, $0x38;
	[tilespmem:$0x18800] =	vst v63  }
0x288: {  	s21 =	sand.u32 $0x1FFFFFF0, s17;
	s6 =	sadd.s32 s1, s6;
	s25 =	spop (v2sf)  }
0x289: {  	[tilespmem:s20], [sflag:$0x3] =	stream.linear.gather [hbm4b:s6+s4], $0x80, $0x38;
	[tilespmem:$0x18800] =	vst v63  }
0x28a: {  	s5 =	sadd.s32 s1, s21;
	s8 =	sand.u32 $0x1FFFFFF0, s25;
	s9 =	spop (v2sf)  }
0x28b: {  	[tilespmem:s24], [sflag:$0x3] =	stream.linear.gather [hbm4b:s5+s4], $0x80, $0x38;
	[tilespmem:$0x18800] =	vst v63  }
0x28c: {  	s6 =	sand.u32 $0x1FFFFFF0, s9;
	s5 =	sadd.s32 s1, s8;
	s10 =	spop (v2sf)  }
0x28d: {  	[tilespmem:s7], [sflag:$0x3] =	stream.linear.gather [hbm4b:s5+s4], $0x80, $0x38;
	[tilespmem:$0x18800] =	vst v63  }
0x28e: {  	s14 =	sadd.s32 $0x10D00, s0;
	s6 =	sadd.s32 s1, s6;
	s13 =	sand.u32 $0x1FFFFFF0, s10  }
0x28f: {  	[tilespmem:s14], [sflag:$0x3] =	stream.linear.gather [hbm4b:s6+s4], $0x80, $0x38;
	[tilespmem:$0x18800] =	vst v63  }
0x290: {  	s15 =	sadd.s32 $0x10D80, s0;
	s3 =	sadd.s32 s1, s13  }
0x291: {  	[tilespmem:s15], [sflag:$0x3] =	stream.linear.gather [hbm4b:s3+s4], $0x80, $0x38;
	[tilespmem:$0x18800] =	vst v63  }
0x292: {  	s16 =	simm.s32 $0x600;
	s17 =	simm.s32 $0x100  }
0x293: {  	[tilespmem:s16], [sflag:$0x1] =	stream.indirect.gather [hbm4b:s1+s12], $0x80, s17, s12, $0xb8;
	[tilespmem:$0x18800] =	vst v63  }
0x294: {  	s21 =	simm.s32 $0x300;
	s20 =	simm.s32 $0x8600  }
0x295: {  	[tilespmem:s20], [sflag:$0x1] =	stream.indirect.gather [hbm4b:s2+s12], $0x80, s21, s12, $0xb8;
	[tilespmem:$0x18800] =	vst v63  }
0x296: {  	_ =	swait.ge [sflag:s22], $0x4000  }
0x297: {  	[sflag:s22] =	ssyncset.done $0x0  }
0x298: {  	[sflag:s22] =	ssyncadd.s32 $0xFFFFC000  }
0x299: {  	_ =	swait.ge [sflag:s22], $0x4000  }
0x29a: {  	[sflag:s22] =	ssyncset.done $0x0  }
0x29b: {  	[sflag:s22] =	ssyncadd.s32 $0xFFFFC000  }
0x29c: {  	_ =	swait.ge [sflag:s23], $0x4000  }
0x29d: {  	[sflag:s23] =	ssyncset.done $0x0  }
0x29e: {  	s29 =	simm.s32 $0x0;
	[sflag:s23] =	ssyncadd.s32 $0xFFFFC000  }
0x29f: {  	v0 =	vld [tilespmem:s29+$0x4780]  }
0x2a0: {  	v1 =	vld [tilespmem:s29+$0x47C0]  }
0x2a1: {  	v2 =	vld [tilespmem:s29+$0xC780]  }
0x2a2: {  	v3 =	vld [tilespmem:s29+$0xC7C0]  }
0x2a3: {  	v4 =	vld [tilespmem:s29+$0x14780]  }
0x2a4: {  	v5 =	vld [tilespmem:s29+$0x147C0]  }
0x2a5: {  	v6 =	vld [tilespmem:s29+$0xC790]  }
0x2a6: {  	v7 =	vld [tilespmem:s29+$0xC7D0]  }
0x2a7: {  	v8 =	vld [tilespmem:s29+$0x14790]  }
0x2a8: {  	v9 =	vld [tilespmem:s29+$0x147D0]  }
0x2a9: {  	v10 =	vld [tilespmem:s29+$0xC7A0]  }
0x2aa: {  	v11 =	vld [tilespmem:s29+$0xC7E0]  }
0x2ab: {  	v12 =	vld [tilespmem:s29+$0x147A0]  }
0x2ac: {  	v13 =	vld [tilespmem:s29+$0x147E0]  }
0x2ad: {  	v14 =	vld [tilespmem:s29+$0xC7B0]  }
0x2ae: {  	v15 =	vld [tilespmem:s29+$0xC7F0]  }
0x2af: {  	v16 =	vld [tilespmem:s29+$0x147B0]  }
0x2b0: {  	v17 =	vld [tilespmem:s29+$0x147F0]  }
0x2b1: {  	v18 =	vld [tilespmem:s29+$0x4790]  }
0x2b2: {  	v19 =	vld [tilespmem:s29+$0x47D0]  }
0x2b3: {  	v20 =	vld [tilespmem:s29+$0x47A0]  }
0x2b4: {  	v21 =	vld [tilespmem:s29+$0x47E0]  }
0x2b5: {  	v22 =	vld [tilespmem:s29+$0x47B0]  }
0x2b6: {  	v23 =	vld [tilespmem:s29+$0x47F0]  }
0x2b7: {  	v24 =	vld [tilespmem:s29+$0xC600]  }
0x2b8: {  	v25 =	vld [tilespmem:s29+$0xC640]  }
0x2b9: {  	v26 =	vld [tilespmem:s29+$0x14600]  }
0x2ba: {  	v27 =	vld [tilespmem:s29+$0x14640]  }
0x2bb: {  	v28 =	vld [tilespmem:s29+$0xC610]  }
0x2bc: {  	v29 =	vld [tilespmem:s29+$0xC650]  }
0x2bd: {  	v30 =	vld [tilespmem:s29+$0x14610]  }
0x2be: {  	v31 =	vld [tilespmem:s29+$0x14650]  }
0x2bf: {  	v32 =	vld [tilespmem:s29+$0xC620]  }
0x2c0: {  	v33 =	vld [tilespmem:s29+$0xC660]  }
0x2c1: {  	v34 =	vld [tilespmem:s29+$0x14620]  }
0x2c2: {  	v35 =	vld [tilespmem:s29+$0x14660]  }
0x2c3: {  	v36 =	vld [tilespmem:s29+$0xC630]  }
0x2c4: {  	v37 =	vld [tilespmem:s29+$0xC670]  }
0x2c5: {  	v38 =	vld [tilespmem:s29+$0x14630]  }
0x2c6: {  	v39 =	vld [tilespmem:s29+$0x14670]  }
0x2c7: {  	v40 =	vld [tilespmem:s29+$0xC680]  }
0x2c8: {  	v41 =	vld [tilespmem:s29+$0xC6C0]  }
0x2c9: {  	v42 =	vld [tilespmem:s29+$0x14680];
	v43 =	vmul.f32 v4, v2;
	v44 =	vmul.f32 v5, v3  }
0x2ca: {  	v45 =	vld [tilespmem:s29+$0x146C0];
	v2 =	vmul.f32 v5, v2;
	v3 =	vmul.f32 v4, v3  }
0x2cb: {  	v47 =	vld [tilespmem:s29+$0xC6D0];
	v5 =	vmul.f32 v8, v6;
	v46 =	vmul.f32 v9, v7  }
0x2cc: {  	v48 =	vld [tilespmem:s29+$0x146D0];
	v6 =	vmul.f32 v9, v6;
	v7 =	vmul.f32 v8, v7  }
0x2cd: {  	v53 =	vld [tilespmem:s29+$0xC760];
	v9 =	vmul.f32 v12, v10;
	v10 =	vmul.f32 v13, v10  }
0x2ce: {  	v56 =	vld [tilespmem:s29+$0x14720];
	v13 =	vmul.f32 v13, v11;
	v11 =	vmul.f32 v12, v11  }
0x2cf: {  	v58 =	vld [tilespmem:s29+$0x14760];
	v57 =	vmul.f32 v45, v41;
	v60 =	vmul.f32 v45, v40;
	v12 =	vadd.f32 v44, v43  }
0x2d0: {  	v61 =	vld [tilespmem:s29+$0xC730];
	v2 =	vsub.f32 v2, v3;
	v3 =	vmul.f32 v16, v14;
	v5 =	vadd.f32 v46, v5  }
0x2d1: {  	v63 =	vld [tilespmem:s29+$0xC770];
	v6 =	vsub.f32 v6, v7;
	v7 =	vmul.f32 v17, v15;
	v14 =	vmul.f32 v17, v14  }
0x2d2: {  	v4 =	vld [tilespmem:s29+$0xC690];
	v9 =	vadd.f32 v13, v9;
	v10 =	vsub.f32 v10, v11;
	v11 =	vmul.f32 v16, v15  }
0x2d3: {  	v8 =	vld [tilespmem:s29+$0x14690];
	v0 =	vmul.f32 v12, v0;
	v1 =	vmul.f32 v2, v1;
	v2 =	vadd.f32 v7, v3  }
0x2d4: {  	v45 =	vld [tilespmem:s29+$0x14730];
	v5 =	vmul.f32 v5, v18;
	v6 =	vmul.f32 v6, v19;
	v7 =	vsub.f32 v14, v11  }
0x2d5: {  	v43 =	vld [tilespmem:s29+$0xC6A0];
	v9 =	vmul.f32 v9, v20;
	v10 =	vmul.f32 v10, v21  }
0x2d6: {  	v44 =	vld [tilespmem:s29+$0xC6E0];
	v2 =	vmul.f32 v2, v22;
	v7 =	vmul.f32 v7, v23  }
0x2d7: {  	v17 =	vld [tilespmem:s29+$0x146A0];
	v0 =	vadd.f32 v1, v0;
	v1 =	vadd.f32 v6, v5  }
0x2d8: {  	v13 =	vld [tilespmem:s29+$0x146E0];
	v6 =	vadd.f32 v10, v9;
	v2 =	vadd.f32 v7, v2  }
0x2d9: {  	v49 =	vmul.f32 v35, v33;
	v15 =	vld [tilespmem:s29+$0x14700]  }
0x2da: {  	v50 =	vmul.f32 v34, v33;
	v3 =	vld [tilespmem:s29+$0xC6B0];
	v0 =	vadd.f32 v1, v0;
	v1 =	vadd.f32 v2, v6  }
0x2db: {  	v51 =	vmul.f32 v35, v32;
	v52 =	vmul.f32 v39, v37;
	v11 =	vld [tilespmem:s29+$0xC6F0]  }
0x2dc: {  	v12 =	vld [tilespmem:s29+$0x146B0];
	v18 =	vmul.f32 v31, v29;
	v0 =	vadd.f32 v1, v0;
	v1 =	vmul.f32 v30, v28  }
0x2dd: {  	v54 =	vmul.f32 v38, v37;
	v55 =	vmul.f32 v39, v36;
	v14 =	vld [tilespmem:s29+$0x146F0]  }
0x2de: {  	v59 =	vmul.f32 v42, v41;
	v19 =	vld [tilespmem:s29+$0xC750];
	v18 =	vadd.f32 v18, v1;
	v1 =	vmul.f32 v34, v32  }
0x2df: {  	v62 =	vmul.f32 v48, v47;
	v16 =	vmul.f32 v27, v24;
	v21 =	vld [tilespmem:s29+$0x14710]  }
0x2e0: {  	v20 =	vsub.f32 v51, v50;
	v50 =	vld [tilespmem:s29+$0x4650];
	v22 =	vadd.f32 v49, v1;
	v1 =	vmul.f32 v38, v36  }
0x2e1: {  	v5 =	vld [tilespmem:s29+$0xC700];
	v9 =	vmul.f32 v26, v24;
	v6 =	vmul.f32 v26, v25  }
0x2e2: {  	v10 =	vmul.f32 v27, v25;
	v23 =	vld [tilespmem:s29+$0x14750];
	v26 =	vadd.f32 v52, v1;
	v1 =	vmul.f32 v42, v40  }
0x2e3: {  	v46 =	vmul.f32 v31, v28;
	v7 =	vld [tilespmem:s29+$0xC740];
	v6 =	vsub.f32 v16, v6;
	v16 =	vmul.f32 v30, v29  }
0x2e4: {  	v9 =	vadd.f32 v10, v9;
	v10 =	vld [tilespmem:s29+$0xC710];
	v30 =	vadd.f32 v57, v1;
	v1 =	vmul.f32 v8, v4  }
0x2e5: {  	v2 =	vld [tilespmem:s29+$0x14740];
	v16 =	vsub.f32 v46, v16;
	v8 =	vmul.f32 v8, v47;
	v4 =	vmul.f32 v48, v4  }
0x2e6: {  	v25 =	vld [tilespmem:s29+$0xC720];
	v46 =	vmul.f32 v13, v44;
	v34 =	vadd.f32 v62, v1;
	v1 =	vmul.f32 v17, v43  }
0x2e7: {  	v13 =	vmul.f32 v13, v43;
	v49 =	vld [tilespmem:s29+$0x4640];
	v8 =	vsub.f32 v4, v8;
	v4 =	vmul.f32 v17, v44  }
0x2e8: {  	v47 =	vld [tilespmem:s29+$0x14770];
	v48 =	vmul.f32 v14, v11;
	v36 =	vadd.f32 v46, v1;
	v1 =	vmul.f32 v12, v3  }
0x2e9: {  	v17 =	vld [tilespmem:s29+$0x4600];
	v13 =	vsub.f32 v13, v4;
	v4 =	vmul.f32 v12, v11;
	v3 =	vmul.f32 v14, v3  }
0x2ea: {  	v11 =	vld [tilespmem:s29+$0x4610];
	v14 =	vmul.f32 v2, v7;
	v12 =	vadd.f32 v48, v1;
	v1 =	vmul.f32 v15, v5  }
0x2eb: {  	v2 =	vmul.f32 v2, v5;
	v51 =	vsub.f32 v3, v4;
	v3 =	vmul.f32 v15, v7;
	v7 =	vld [tilespmem:s29+$0x4620]  }
0x2ec: {  	v16 =	vmul.f32 v16, v50;
	v6 =	vmul.f32 v6, v49;
	v15 =	vld [tilespmem:s29+$0x4660];
	v14 =	vadd.f32 v14, v1  }
0x2ed: {  	v1 =	vmul.f32 v21, v10;
	v52 =	vsub.f32 v2, v3;
	v3 =	vmul.f32 v23, v10;
	v10 =	vld [tilespmem:s29+$0x4630]  }
0x2ee: {  	v24 =	vsub.f32 v55, v54;
	v4 =	vmul.f32 v23, v19;
	v2 =	vmul.f32 v21, v19;
	v19 =	vld [tilespmem:s29+$0x4670]  }
0x2ef: {  	s24 =	simm.s32 $0x83;
	v54 =	vld [tilespmem:s29+$0x4680];
	v28 =	vsub.f32 v60, v59;
	v57 =	vmul.f32 v47, v61;
	v5 =	vmul.f32 v58, v53  }
0x2f0: {  	v55 =	vld [tilespmem:s29+$0x46C0];
	v59 =	vmov s24;
	v9 =	vmul.f32 v9, v17;
	v11 =	vmul.f32 v18, v11  }
0x2f1: {  	(xrf2) =	vadd.scan.msk.f32 $0xffff, v0;
	v17 =	vld [tilespmem:s29+$0x46D0];
	v0 =	vsub.f32 v3, v2;
	v2 =	vmul.f32 v56, v53;
	v53 =	vmul.f32 v58, v25  }
0x2f2: {  	v6 =	vadd.f32 v6, v9;
	v58 =	vld [tilespmem:s29+$0x4690];
	v7 =	vmul.f32 v22, v7;
	v15 =	vmul.f32 v20, v15  }
0x2f3: {  	v60 =	vld [tilespmem:s29+$0x46E0];
	v1 =	vadd.f32 v4, v1;
	v9 =	vmul.f32 v26, v10;
	v10 =	vmul.f32 v24, v19  }
0x2f4: {  	v18 =	vld [tilespmem:s29+$0x46A0];
	v4 =	vmul.f32 v56, v25;
	v56 =	vmul.f32 v45, v63;
	v11 =	vadd.f32 v16, v11  }
0x2f5: {  	v16 =	vmul.f32 v30, v54;
	v19 =	vld [tilespmem:s29+$0x46B0];
	v7 =	vadd.f32 v15, v7;
	v9 =	vadd.f32 v10, v9  }
0x2f6: {  	v3 =	vadd.f32 v5, v4;
	v4 =	vmul.f32 v45, v61;
	v17 =	vmul.f32 v8, v17;
	v15 =	vld [tilespmem:s29+$0x46F0]  }
0x2f7: {  	v61 =	vld [tilespmem:s29+$0x4700];
	v6 =	vadd.f32 v11, v6;
	v11 =	vmul.f32 v34, v58;
	v9 =	vadd.f32 v9, v7  }
0x2f8: {  	v5 =	vmul.f32 v47, v63;
	v2 =	vsub.f32 v53, v2;
	v63 =	vld [tilespmem:s29+$0x4740];
	v10 =	vmul.f32 v28, v55  }
0x2f9: {  	v13 =	vmul.f32 v13, v60;
	v8 =	vld [tilespmem:s29+$0x4710];
	v11 =	vadd.f32 v17, v11;
	v17 =	vadd.f32 v9, v6  }
0x2fa: {  	v5 =	vadd.f32 v5, v4;
	v18 =	vmul.f32 v36, v18;
	v16 =	vadd.f32 v10, v16;
	v7 =	vld [tilespmem:s29+$0x4750]  }
0x2fb: {  	v62, _, _ =	vpop (xrf2);
	v4 =	vsub.f32 v57, v56;
	v10 =	vld [tilespmem:s29+$0x4720];
	v19 =	vmul.f32 v12, v19;
	v15 =	vmul.f32 v51, v15;
	(xrf2) =	vadd.scan.msk.f32 $0xffff, v17  }
0x2fc: {  	s31 =	simm.s32 $0x0;
	s25 =	simm.s32 $0x80;
	v12 =	vmul.f32 v14, v61;
	v9 =	vadd.f32 v13, v18;
	v6 =	vadd.f32 v11, v16;
	v11 =	vld [tilespmem:s29+$0x4760]  }
0x2fd: {  	s30 =	simm.s32 $0x580;
	s0 =	simm.s32 $0xFFFFFFFC;
	s3 =	simm.s32 $0x800;
	[tilespmem:v59+s19+$0x0] =	vst.idx.msk vm0, v62;
	v14 =	vld [tilespmem:s29+$0x4730];
	v13 =	vmov s25;
	v16 =	vmul.f32 v52, v63;
	v15 =	vadd.f32 v15, v19  }
.LBB2_10:
0x2fe: {  	v13 =	vand.u32 $0xFFFFFFFC, v13;
	v1 =	vmul.f32 v1, v8;
	v8 =	vld [tilespmem:s29+$0x4770];
	s29 =	sshra.s32 s3, $0x2  }
0x2ff: {  	v17 =	vld [tilespmem:s29+$0x4780];
	v9 =	vadd.f32 v15, v9;
	v12 =	vadd.f32 v16, v12;
	v0 =	vmul.f32 v0, v7  }
0x300: {  	v13 =	vbroadcast v13, $0x0;
	v7 =	vld [tilespmem:s29+$0x47C0];
	v3 =	vmul.f32 v3, v10  }
0x301: {  	v10 =	vld [tilespmem:s29+$0xC780];
	v6 =	vadd.f32 v9, v6;
	v0 =	vadd.f32 v0, v1;
	v1 =	vmul.f32 v2, v11  }
0x302: {  	v2 =	vld [tilespmem:s29+$0xC7C0];
	v11 =	vmul.f32 v5, v14  }
0x303: {  	v9 =	vld [tilespmem:s29+$0x14780];
	v1 =	vadd.f32 v1, v3;
	v3 =	vmul.f32 v4, v8;
	v0 =	vadd.f32 v0, v12;
	(xrf2) =	vadd.scan.msk.f32 $0xffff, v6  }
0x304: {  	v4 =	vld [tilespmem:s29+$0x147C0]  }
0x305: {  	s5 =	sadd.s32 $0x85, s0;
	v6 =	vld [tilespmem:s29+$0xC790];
	v3 =	vadd.f32 v3, v11;
	v5, _, _ =	vpop (xrf2)  }
0x306: {  	v8 =	vld [tilespmem:s29+$0xC7D0];
	[tilespmem:v13+s19+$0x0] =	vst.idx.msk vm0, v5;
	v5 =	vmov s5  }
0x307: {  	v11 =	vld [tilespmem:s29+$0x14790];
	v5 =	vand.u32 $0xFFFFFFFD, v5;
	v1 =	vadd.f32 v3, v1  }
0x308: {  	v3 =	vld [tilespmem:s29+$0x147D0];
	v5 =	vbroadcast v5, $0x0  }
0x309: {  	v12 =	vld [tilespmem:s29+$0xC7A0];
	v0 =	vadd.f32 v1, v0  }
0x30a: {  	v1 =	vld [tilespmem:s29+$0xC7E0]  }
0x30b: {  	s5 =	sadd.s32 $0x86, s0;
	s0 =	smov.u32 s31;
	v13 =	vld [tilespmem:s29+$0x147A0];
	(xrf2) =	vadd.scan.msk.f32 $0xffff, v0  }
0x30c: {  	v14 =	vmov s5;
	v0 =	vld [tilespmem:s29+$0x147E0]  }
0x30d: {  	v14 =	vand.u32 $0xFFFFFFFE, v14;
	v15 =	vld [tilespmem:s29+$0xC7B0];
	v16, _, _ =	vpop (xrf2)  }
0x30e: {  	v18 =	vmul.f32 v9, v10;
	v19 =	vld [tilespmem:s29+$0xC7F0];
	[tilespmem:v5+s19+$0x0] =	vst.idx.msk vm0, v16;
	v5 =	vbroadcast v14, $0x0  }
0x30f: {  	v14 =	vmul.f32 v4, v2;
	v4 =	vmul.f32 v4, v10;
	v10 =	vld [tilespmem:s29+$0x147B0]  }
0x310: {  	v2 =	vmul.f32 v9, v2;
	v9 =	vmul.f32 v11, v6;
	v16 =	vld [tilespmem:s29+$0x147F0]  }
0x311: {  	s31 =	sadd.s32 $0x4, s31;
	v21 =	vmul.f32 v3, v8;
	v3 =	vmul.f32 v3, v6;
	v20 =	vld [tilespmem:s29+$0x4790]  }
0x312: {  	p0 =	slt.u32 s31, $0x7C;
	v8 =	vmul.f32 v11, v8;
	v11 =	vmul.f32 v13, v12;
	v6 =	vld [tilespmem:s29+$0x47D0]  }
0x313: {  	v23 =	vmul.f32 v0, v1;
	v0 =	vmul.f32 v0, v12;
	v22 =	vld [tilespmem:s29+$0x47A0]  }
0x314: {  	v1 =	vmul.f32 v13, v1;
	v12 =	vld [tilespmem:s29+$0x47E0];
	v13 =	vmul.f32 v10, v15  }
0x315: {  	v14 =	vadd.f32 v14, v18;
	v2 =	vsub.f32 v4, v2;
	v4 =	vld [tilespmem:s29+$0x47B0];
	v18 =	vmul.f32 v16, v19;
	v24, _, _ =	vpop (xrf2)  }
0x316: {  	v3 =	vsub.f32 v3, v8;
	v9 =	vadd.f32 v21, v9;
	v15 =	vmul.f32 v16, v15;
	v8 =	vld [tilespmem:s29+$0x47F0]  }
0x317: {  	v11 =	vadd.f32 v23, v11;
	v0 =	vsub.f32 v0, v1;
	v1 =	vmul.f32 v10, v19;
	v16 =	vld [tilespmem:s29+$0xC600]  }
0x318: {  	v14 =	vmul.f32 v14, v17;
	v2 =	vmul.f32 v2, v7;
	v7 =	vadd.f32 v18, v13;
	v10 =	vld [tilespmem:s29+$0xC640]  }
0x319: {  	v9 =	vmul.f32 v9, v20;
	v3 =	vmul.f32 v3, v6;
	v1 =	vsub.f32 v15, v1;
	v13 =	vld [tilespmem:s29+$0x14600]  }
0x31a: {  	v11 =	vmul.f32 v11, v22;
	v0 =	vmul.f32 v0, v12;
	v6 =	vld [tilespmem:s29+$0x14640];
	[tilespmem:v5+s19+$0x0] =	vst.idx.msk vm0, v24  }
0x31b: {  	v4 =	vmul.f32 v7, v4;
	v12 =	vld [tilespmem:s29+$0xC610];
	v1 =	vmul.f32 v1, v8  }
0x31c: {  	v2 =	vadd.f32 v2, v14;
	v3 =	vadd.f32 v3, v9;
	v7 =	vld [tilespmem:s29+$0xC650]  }
0x31d: {  	v0 =	vadd.f32 v0, v11;
	v8 =	vld [tilespmem:s29+$0x14610];
	v1 =	vadd.f32 v1, v4  }
0x31e: {  	v4 =	vmul.f32 v13, v16;
	v5 =	vmul.f32 v13, v10;
	v9 =	vld [tilespmem:s29+$0x14650]  }
0x31f: {  	v2 =	vadd.f32 v3, v2;
	v10 =	vmul.f32 v6, v10;
	v11 =	vld [tilespmem:s29+$0xC620];
	v0 =	vadd.f32 v1, v0  }
0x320: {  	v1 =	vmul.f32 v6, v16;
	v3 =	vld [tilespmem:s29+$0xC660]  }
0x321: {  	v4 =	vadd.f32 v10, v4;
	v10 =	vld [tilespmem:s29+$0x14620];
	v0 =	vadd.f32 v0, v2  }
0x322: {  	v5 =	vsub.f32 v1, v5;
	v1 =	vmul.f32 v8, v12;
	v2 =	vmul.f32 v8, v7;
	v8 =	vld [tilespmem:s29+$0x14660]  }
0x323: {  	v6 =	vmul.f32 v9, v7;
	v9 =	vmul.f32 v9, v12;
	v12 =	vld [tilespmem:s29+$0xC630];
	(xrf2) =	vadd.scan.msk.f32 $0xffff, v0  }
0x324: {  	v0 =	vld [tilespmem:s29+$0xC670]  }
0x325: {  	v7 =	vadd.f32 v6, v1;
	v6 =	vsub.f32 v9, v2;
	v1 =	vld [tilespmem:s29+$0x14630]  }
0x326: {  	v2 =	vmul.f32 v10, v11;
	v10 =	vmul.f32 v10, v3;
	v13 =	vld [tilespmem:s29+$0x14670]  }
0x327: {  	v3 =	vmul.f32 v8, v3;
	v8 =	vmul.f32 v8, v11;
	v14 =	vld [tilespmem:s29+$0xC680]  }
0x328: {  	s5 =	sadd.s32 $0x87, s0;
	v15 =	vld [tilespmem:s29+$0xC6C0]  }
0x329: {  	v9 =	vadd.f32 v3, v2;
	v8 =	vsub.f32 v8, v10;
	v2 =	vld [tilespmem:s29+$0x14680];
	v3 =	vmov s5  }
0x32a: {  	v10 =	vmul.f32 v1, v12;
	v18 =	vmul.f32 v1, v0;
	v16 =	vld [tilespmem:s29+$0x146C0]  }
0x32b: {  	v0 =	vmul.f32 v13, v0;
	v12 =	vmul.f32 v13, v12;
	v13 =	vld [tilespmem:s29+$0xC690]  }
0x32c: {  	v17 =	vld [tilespmem:s29+$0xC6D0]  }
0x32d: {  	v11 =	vadd.f32 v0, v10;
	v10 =	vsub.f32 v12, v18;
	v0 =	vld [tilespmem:s29+$0x14690];
	v1, _, _ =	vpop (xrf2)  }
0x32e: {  	v12 =	vmul.f32 v2, v14;
	v2 =	vmul.f32 v2, v15;
	v18 =	vld [tilespmem:s29+$0x146D0];
	[tilespmem:v3+s19+$0x0] =	vst.idx.msk vm0, v1  }
0x32f: {  	v1 =	vmul.f32 v16, v15;
	v3 =	vmul.f32 v16, v14;
	v14 =	vld [tilespmem:s29+$0xC6A0]  }
0x330: {  	v15 =	vld [tilespmem:s29+$0xC6E0]  }
0x331: {  	v16 =	vadd.f32 v1, v12;
	v12 =	vsub.f32 v3, v2;
	v1 =	vld [tilespmem:s29+$0x146A0]  }
0x332: {  	v2 =	vmul.f32 v0, v13;
	v0 =	vmul.f32 v0, v17;
	v3 =	vld [tilespmem:s29+$0x146E0]  }
0x333: {  	v17 =	vmul.f32 v18, v17;
	v13 =	vmul.f32 v18, v13;
	v18 =	vld [tilespmem:s29+$0xC6B0]  }
0x334: {  	v19 =	vld [tilespmem:s29+$0xC6F0]  }
0x335: {  	v17 =	vadd.f32 v17, v2;
	v13 =	vsub.f32 v13, v0;
	v0 =	vld [tilespmem:s29+$0x146B0]  }
0x336: {  	v2 =	vmul.f32 v1, v14;
	v1 =	vmul.f32 v1, v15;
	v20 =	vld [tilespmem:s29+$0x146F0]  }
0x337: {  	v15 =	vmul.f32 v3, v15;
	v3 =	vmul.f32 v3, v14;
	v14 =	vld [tilespmem:s29+$0xC700]  }
0x338: {  	v21 =	vld [tilespmem:s29+$0xC740]  }
0x339: {  	v15 =	vadd.f32 v15, v2;
	v22 =	vsub.f32 v3, v1;
	v1 =	vld [tilespmem:s29+$0x14700]  }
0x33a: {  	v2 =	vmul.f32 v0, v18;
	v0 =	vmul.f32 v0, v19;
	v3 =	vld [tilespmem:s29+$0x14740]  }
0x33b: {  	v19 =	vmul.f32 v20, v19;
	v18 =	vmul.f32 v20, v18;
	v20 =	vld [tilespmem:s29+$0xC710]  }
0x33c: {  	v23 =	vld [tilespmem:s29+$0xC750]  }
0x33d: {  	v19 =	vadd.f32 v19, v2;
	v18 =	vsub.f32 v18, v0;
	v0 =	vld [tilespmem:s29+$0x14710]  }
0x33e: {  	v2 =	vmul.f32 v1, v14;
	v1 =	vmul.f32 v1, v21;
	v24 =	vld [tilespmem:s29+$0x14750]  }
0x33f: {  	v21 =	vmul.f32 v3, v21;
	v3 =	vmul.f32 v3, v14;
	v14 =	vld [tilespmem:s29+$0xC720]  }
0x340: {  	v25 =	vld [tilespmem:s29+$0xC760]  }
0x341: {  	v21 =	vadd.f32 v21, v2;
	v26 =	vsub.f32 v3, v1;
	v2 =	vld [tilespmem:s29+$0x14720]  }
0x342: {  	v1 =	vmul.f32 v0, v20;
	v0 =	vmul.f32 v0, v23;
	v3 =	vld [tilespmem:s29+$0x14760]  }
0x343: {  	v23 =	vmul.f32 v24, v23;
	v20 =	vmul.f32 v24, v20;
	v24 =	vld [tilespmem:s29+$0xC730]  }
0x344: {  	v27 =	vld [tilespmem:s29+$0xC770]  }
0x345: {  	v1 =	vadd.f32 v23, v1;
	v0 =	vsub.f32 v20, v0;
	v20 =	vld [tilespmem:s29+$0x14730]  }
0x346: {  	v23 =	vmul.f32 v2, v14;
	v2 =	vmul.f32 v2, v25;
	v28 =	vld [tilespmem:s29+$0x14770]  }
0x347: {  	v29 =	vld [tilespmem:s29+$0x4600];
	v25 =	vmul.f32 v3, v25;
	v14 =	vmul.f32 v3, v14  }
0x348: {  	v30 =	vld [tilespmem:s29+$0x4640]  }
0x349: {  	v31 =	vld [tilespmem:s29+$0x4610];
	v3 =	vadd.f32 v25, v23;
	v2 =	vsub.f32 v14, v2  }
0x34a: {  	v14 =	vld [tilespmem:s29+$0x4650];
	v23 =	vmul.f32 v20, v24;
	v20 =	vmul.f32 v20, v27  }
0x34b: {  	v25 =	vld [tilespmem:s29+$0x4620];
	v27 =	vmul.f32 v28, v27;
	v24 =	vmul.f32 v28, v24  }
0x34c: {  	v28 =	vmul.f32 v4, v29;
	v29 =	vld [tilespmem:s29+$0x4660]  }
0x34d: {  	v30 =	vmul.f32 v5, v30;
	v32 =	vld [tilespmem:s29+$0x4630];
	v5 =	vadd.f32 v27, v23;
	v4 =	vsub.f32 v24, v20  }
0x34e: {  	v7 =	vmul.f32 v7, v31;
	v20 =	vld [tilespmem:s29+$0x4670]  }
0x34f: {  	v23 =	vadd.f32 v30, v28;
	v6 =	vmul.f32 v6, v14;
	v14 =	vld [tilespmem:s29+$0x4680]  }
0x350: {  	v9 =	vmul.f32 v9, v25;
	v24 =	vld [tilespmem:s29+$0x46C0]  }
0x351: {  	v6 =	vadd.f32 v6, v7;
	v7 =	vmul.f32 v8, v29;
	v8 =	vld [tilespmem:s29+$0x4690]  }
0x352: {  	v11 =	vmul.f32 v11, v32;
	v25 =	vld [tilespmem:s29+$0x46D0]  }
0x353: {  	v7 =	vadd.f32 v7, v9;
	v9 =	vmul.f32 v10, v20;
	v6 =	vadd.f32 v6, v23;
	v10 =	vld [tilespmem:s29+$0x46A0]  }
0x354: {  	v14 =	vmul.f32 v16, v14;
	v16 =	vld [tilespmem:s29+$0x46E0]  }
0x355: {  	v9 =	vadd.f32 v9, v11;
	v11 =	vmul.f32 v12, v24;
	v12 =	vld [tilespmem:s29+$0x46B0]  }
0x356: {  	v8 =	vmul.f32 v17, v8;
	v17 =	vld [tilespmem:s29+$0x46F0]  }
0x357: {  	v7 =	vadd.f32 v9, v7;
	v11 =	vadd.f32 v11, v14;
	v9 =	vmul.f32 v13, v25;
	v13 =	vld [tilespmem:s29+$0x4700]  }
0x358: {  	v10 =	vmul.f32 v15, v10;
	v14 =	vld [tilespmem:s29+$0x4740]  }
.Ltmp4:
0x359: {  	v15 =	vadd.f32 v7, v6;
	v6 =	vadd.f32 v9, v8;
	v9 =	vmul.f32 v22, v16;
	v8 =	vld [tilespmem:s29+$0x4710];
	(pc) =	sbr.rel @p0 .LBB2_10-.Ltmp4, $4  }
0x35a: {  	v16 =	vmul.f32 v19, v12;
	v7 =	vld [tilespmem:s29+$0x4750]  }
0x35b: {  	v9 =	vadd.f32 v9, v10;
	v17 =	vmul.f32 v18, v17;
	v6 =	vadd.f32 v6, v11;
	v10 =	vld [tilespmem:s29+$0x4720];
	(xrf2) =	vadd.scan.msk.f32 $0xffff, v15  }
0x35c: {  	s5 =	sadd.s32 $0x84, s0;
	v12 =	vmul.f32 v21, v13;
	v11 =	vld [tilespmem:s29+$0x4760]  }
0x35d: {  	s3 =	sadd.s32 $0x800, s3;
	v13 =	vmov s5;
	v15 =	vadd.f32 v17, v16;
	v16 =	vmul.f32 v26, v14;
	v14 =	vld [tilespmem:s29+$0x4730]  }
0x35e: {  	v17 =	vld [tilespmem:s29+$0x4770];
	_ =	sdelay $0x2  }
0x35f: {  	v1 =	vmul.f32 v1, v8;
	v0 =	vmul.f32 v0, v7  }
0x360: {  	v3 =	vmul.f32 v3, v10;
	v2 =	vmul.f32 v2, v11  }
0x361: {  	v5 =	vmul.f32 v5, v14;
	v4 =	vmul.f32 v4, v17  }
0x362: {  	v63 =	vadd.f32 v16, v12;
	v0 =	vadd.f32 v0, v1  }
0x363: {  	v1 =	vadd.f32 v2, v3;
	v2 =	vadd.f32 v4, v5  }
0x364: {  	v3 =	vadd.f32 v15, v9  }
0x365: {  	v0 =	vadd.f32 v0, v63;
	v1 =	vadd.f32 v2, v1  }
0x366: {  	v2 =	vadd.f32 v3, v6  }
0x367: {  	v0 =	vadd.f32 v1, v0  }
0x368: {  	(xrf2) =	vadd.scan.msk.f32 $0xffff, v2  }
0x369: {  	(xrf2) =	vadd.scan.msk.f32 $0xffff, v0  }
0x36a: {  	s3 =	sadd.s32 $0x85, s0  }
0x36b: {  	s31 =	sadd.s32 $0x86, s0;
	v1 =	vmov s3;
	v0 =	vand.u32 $0xFFFFFFFC, v13  }
0x36c: {  	v2 =	vmov s31;
	v1 =	vand.u32 $0xFFFFFFFD, v1;
	v0 =	vbroadcast v0, $0x0  }
0x36d: {  	v2 =	vand.u32 $0xFFFFFFFE, v2;
	v1 =	vbroadcast v1, $0x0  }
0x36e: {  	v2 =	vbroadcast v2, $0x0;
	_ =	sdelay $0x2  }
0x36f: {  	v3, _, _ =	vpop (xrf2)  }
0x370: {  	[tilespmem:v0+s19+$0x0] =	vst.idx.msk vm0, v3;
	v0, _, _ =	vpop (xrf2)  }
0x371: {  	[tilespmem:v1+s19+$0x0] =	vst.idx.msk vm0, v0;
	v0, _, _ =	vpop (xrf2)  }
0x372: {  	[tilespmem:v2+s19+$0x0] =	vst.idx.msk vm0, v0  }
0x373: {  	v0 =	vld [tilespmem:s30+$0x0];
	_ =	sdelay $0x4  }
0x374: {  	v0 =	vshll.u32 v0, $0x4  }
0x375: {  	(v2sf) =	vpush v0, $0x0  }
0x376: {  	(v2sf) =	vpush v0, $0x1  }
0x377: {  	(v2sf) =	vpush v0, $0x2;
	_ =	sdelay $0x1  }
0x378: {  	(v2sf) =	vpush v0, $0x4;
	_ =	sdelay $0x1  }
0x379: {  	(v2sf) =	vpush v0, $0x3  }
0x37a: {  	(v2sf) =	vpush v0, $0x5  }
0x37b: {  	s0 =	simm.s32 $0x0;
	s3 =	simm.s32 $0x2000;
	(v2sf) =	vpush v0, $0x6  }
.LBB2_12:
0x37c: {  	p0 =	sne.s32 s3, $0xE000  }
0x37d: {  	s5 =	sadd.s32 $0x14680, s0;
	s20 =	sadd.s32 $0x14B80, s0;
	s29 =	smov.u32 s3  }
0x37e: {  	s3 =	sadd.s32 $0x2000, s3;
	s25 =	sadd.s32 $0x14980, s0;
	s16 =	sadd.s32 $0x14C00, s0;
	(v2sf) =	vpush v0, $0x7  }
0x37f: {  	s13 =	sadd.s32 $0x14880, s0;
	s24 =	sadd.s32 $0x14A00, s0;
	s31 =	sadd.s32 $0x14C80, s0  }
0x380: {  	s6 =	sadd.s32 $0x14600, s0;
	s7 =	sadd.s32 $0x14800, s0;
	(v2sf) =	vpush v0, $0x8  }
0x381: {  	s8 =	sadd.s32 $0x14900, s0;
	s30 =	sadd.s32 $0x10, s30  }
0x382: {  	s9 =	sadd.s32 $0x14700, s0;
	s21 =	sadd.s32 $0x14B00, s0;
	s10 =	spop (v2sf);
	(v2sf) =	vpush v0, $0x9  }
0x383: {  	s14 =	sand.u32 $0x1FFFFFF0, s10;
	s10 =	sadd.s32 $0x14A80, s0;
	s15 =	spop (v2sf)  }
0x384: {  	s14 =	sadd.s32 s1, s14;
	s15 =	sand.u32 $0x1FFFFFF0, s15;
	s17 =	spop (v2sf);
	(v2sf) =	vpush v0, $0xA  }
0x385: {  	[tilespmem:s6], [sflag:$0x4] =	stream.linear.gather [hbm4b:s14+s4], $0x80, $0x38;
	[tilespmem:$0x18800] =	vst v63  }
0x386: {  	s6 =	sadd.s32 s1, s15;
	s14 =	sadd.s32 $0x14780, s0;
	s15 =	spop (v2sf);
	(v2sf) =	vpush v0, $0xB  }
0x387: {  	[tilespmem:s5], [sflag:$0x4] =	stream.linear.gather [hbm4b:s6+s4], $0x80, $0x38;
	[tilespmem:$0x18800] =	vst v63  }
0x388: {  	s5 =	sand.u32 $0x1FFFFFF0, s17;
	s6 =	sand.u32 $0x1FFFFFF0, s15;
	s15 =	spop (v2sf);
	(v2sf) =	vpush v0, $0xC  }
0x389: {  	s5 =	sadd.s32 s1, s5;
	s15 =	sand.u32 $0x1FFFFFF0, s15;
	s17 =	spop (v2sf)  }
0x38a: {  	[tilespmem:s9], [sflag:$0x4] =	stream.linear.gather [hbm4b:s5+s4], $0x80, $0x38;
	(v2sf) =	vpush v0, $0xD;
	[tilespmem:$0x18800] =	vst v63  }
0x38b: {  	s5 =	sadd.s32 s1, s15;
	s9 =	sand.u32 $0x1FFFFFF0, s17;
	s15 =	spop (v2sf)  }
0x38c: {  	[tilespmem:s14], [sflag:$0x4] =	stream.linear.gather [hbm4b:s5+s4], $0x80, $0x38;
	(v2sf) =	vpush v0, $0xE;
	[tilespmem:$0x18800] =	vst v63  }
0x38d: {  	s5 =	sadd.s32 s1, s6;
	s6 =	sand.u32 $0x1FFFFFF0, s15;
	s14 =	spop (v2sf)  }
0x38e: {  	[tilespmem:s7], [sflag:$0x4] =	stream.linear.gather [hbm4b:s5+s4], $0x80, $0x38;
	(v2sf) =	vpush v0, $0xF;
	[tilespmem:$0x18800] =	vst v63  }
0x38f: {  	s5 =	sadd.s32 s1, s9;
	s7 =	sand.u32 $0x1FFFFFF0, s14;
	s9 =	spop (v2sf)  }
0x390: {  	[tilespmem:s13], [sflag:$0x4] =	stream.linear.gather [hbm4b:s5+s4], $0x80, $0x38;
	[tilespmem:$0x18800] =	vst v63  }
0x391: {  	s5 =	sadd.s32 s1, s6;
	s6 =	sand.u32 $0x1FFFFFF0, s9;
	s9 =	spop (v2sf)  }
0x392: {  	[tilespmem:s8], [sflag:$0x4] =	stream.linear.gather [hbm4b:s5+s4], $0x80, $0x38;
	[tilespmem:$0x18800] =	vst v63  }
0x393: {  	s5 =	sadd.s32 s1, s7;
	s7 =	sand.u32 $0x1FFFFFF0, s9;
	s8 =	spop (v2sf)  }
0x394: {  	[tilespmem:s25], [sflag:$0x4] =	stream.linear.gather [hbm4b:s5+s4], $0x80, $0x38;
	[tilespmem:$0x18800] =	vst v63  }
0x395: {  	s5 =	sadd.s32 s1, s6;
	s6 =	sand.u32 $0x1FFFFFF0, s8;
	s8 =	spop (v2sf)  }
0x396: {  	[tilespmem:s24], [sflag:$0x4] =	stream.linear.gather [hbm4b:s5+s4], $0x80, $0x38;
	[tilespmem:$0x18800] =	vst v63  }
0x397: {  	s5 =	sadd.s32 s1, s7;
	s7 =	sand.u32 $0x1FFFFFF0, s8;
	s8 =	spop (v2sf)  }
0x398: {  	[tilespmem:s10], [sflag:$0x4] =	stream.linear.gather [hbm4b:s5+s4], $0x80, $0x38;
	[tilespmem:$0x18800] =	vst v63  }
0x399: {  	s5 =	sadd.s32 s1, s6;
	s6 =	sand.u32 $0x1FFFFFF0, s8;
	s8 =	spop (v2sf)  }
0x39a: {  	[tilespmem:s21], [sflag:$0x4] =	stream.linear.gather [hbm4b:s5+s4], $0x80, $0x38;
	[tilespmem:$0x18800] =	vst v63  }
0x39b: {  	s5 =	sadd.s32 s1, s7;
	s7 =	sand.u32 $0x1FFFFFF0, s8;
	s8 =	spop (v2sf)  }
0x39c: {  	[tilespmem:s20], [sflag:$0x4] =	stream.linear.gather [hbm4b:s5+s4], $0x80, $0x38;
	[tilespmem:$0x18800] =	vst v63  }
0x39d: {  	s5 =	sadd.s32 s1, s6;
	s6 =	sand.u32 $0x1FFFFFF0, s8;
	s8 =	spop (v2sf)  }
0x39e: {  	[tilespmem:s16], [sflag:$0x4] =	stream.linear.gather [hbm4b:s5+s4], $0x80, $0x38;
	[tilespmem:$0x18800] =	vst v63  }
0x39f: {  	s5 =	sadd.s32 s1, s7;
	s7 =	sand.u32 $0x1FFFFFF0, s8  }
0x3a0: {  	[tilespmem:s31], [sflag:$0x4] =	stream.linear.gather [hbm4b:s5+s4], $0x80, $0x38;
	[tilespmem:$0x18800] =	vst v63  }
0x3a1: {  	s6 =	sadd.s32 s1, s6;
	s5 =	sadd.s32 $0x14D00, s0  }
0x3a2: {  	[tilespmem:s5], [sflag:$0x4] =	stream.linear.gather [hbm4b:s6+s4], $0x80, $0x38;
	[tilespmem:$0x18800] =	vst v63  }
0x3a3: {  	s0 =	sadd.s32 $0x14D80, s0;
	s5 =	sadd.s32 s1, s7  }
0x3a4: {  	[tilespmem:s0], [sflag:$0x4] =	stream.linear.gather [hbm4b:s5+s4], $0x80, $0x38;
	[tilespmem:$0x18800] =	vst v63  }
0x3a5: {  	v0 =	vld [tilespmem:s30+$0x0];
	_ =	sdelay $0x4  }
0x3a6: {  	v0 =	vshll.u32 v0, $0x4  }
0x3a7: {  	(v2sf) =	vpush v0, $0x0  }
0x3a8: {  	(v2sf) =	vpush v0, $0x1  }
0x3a9: {  	(v2sf) =	vpush v0, $0x2;
	_ =	sdelay $0x1  }
0x3aa: {  	(v2sf) =	vpush v0, $0x4  }
.Ltmp5:
0x3ab: {  	(pc) =	sbr.rel @p0 .LBB2_12-.Ltmp5, $3  }
0x3ac: {  	(v2sf) =	vpush v0, $0x3  }
0x3ad: {  	(v2sf) =	vpush v0, $0x5;
	_ =	sdelay $0x1  }
0x3ae: {  	s0 =	sshra.s32 s29, $0x2;
	(v2sf) =	vpush v0, $0x6  }
0x3af: {  	_ =	sdelay $0x3  }
0x3b0: {  	s5 =	sadd.s32 $0x14600, s0;
	s16 =	sadd.s32 $0x14680, s0  }
0x3b1: {  	s25 =	sadd.s32 $0x14700, s0;
	s8 =	sadd.s32 $0x14800, s0;
	s3 =	spop (v2sf);
	(v2sf) =	vpush v0, $0x7  }
0x3b2: {  	s14 =	sadd.s32 $0x14880, s0;
	s3 =	sand.u32 $0x1FFFFFF0, s3;
	s6 =	spop (v2sf)  }
0x3b3: {  	s3 =	sadd.s32 s1, s3;
	s6 =	sand.u32 $0x1FFFFFF0, s6;
	s7 =	spop (v2sf);
	(v2sf) =	vpush v0, $0x8  }
0x3b4: {  	[tilespmem:s5], [sflag:$0x4] =	stream.linear.gather [hbm4b:s3+s4], $0x80, $0x38;
	(v2sf) =	vpush v0, $0x9;
	[tilespmem:$0x18800] =	vst v63  }
0x3b5: {  	s17 =	sadd.s32 s1, s6;
	s21 =	sand.u32 $0x1FFFFFF0, s7;
	s20 =	spop (v2sf)  }
0x3b6: {  	[tilespmem:s16], [sflag:$0x4] =	stream.linear.gather [hbm4b:s17+s4], $0x80, $0x38;
	[tilespmem:$0x18800] =	vst v63  }
0x3b7: {  	s7 =	sadd.s32 $0x14780, s0;
	s3 =	sadd.s32 s1, s21;
	s24 =	spop (v2sf)  }
0x3b8: {  	s9 =	sand.u32 $0x1FFFFFF0, s20;
	s16 =	sadd.s32 $0x14900, s0;
	(v2sf) =	vpush v0, $0xA;
	s5 =	sand.u32 $0x1FFFFFF0, s24  }
0x3b9: {  	[tilespmem:s25], [sflag:$0x4] =	stream.linear.gather [hbm4b:s3+s4], $0x80, $0x38;
	[tilespmem:$0x18800] =	vst v63  }
0x3ba: {  	s20 =	sadd.s32 $0x14980, s0;
	(v2sf) =	vpush v0, $0xB;
	s10 =	spop (v2sf);
	s5 =	sadd.s32 s1, s5  }
0x3bb: {  	(v2sf) =	vpush v0, $0xC;
	[tilespmem:s7], [sflag:$0x4] =	stream.linear.gather [hbm4b:s5+s4], $0x80, $0x38;
	[tilespmem:$0x18800] =	vst v63  }
0x3bc: {  	s6 =	sand.u32 $0x1FFFFFF0, s10;
	s13 =	spop (v2sf);
	s5 =	sadd.s32 s1, s9  }
0x3bd: {  	(v2sf) =	vpush v0, $0xD;
	[tilespmem:s8], [sflag:$0x4] =	stream.linear.gather [hbm4b:s5+s4], $0x80, $0x38;
	[tilespmem:$0x18800] =	vst v63  }
0x3be: {  	s10 =	sadd.s32 $0x14A80, s0;
	s6 =	sadd.s32 s1, s6;
	s15 =	sand.u32 $0x1FFFFFF0, s13  }
0x3bf: {  	(v2sf) =	vpush v0, $0xE;
	[tilespmem:s14], [sflag:$0x4] =	stream.linear.gather [hbm4b:s6+s4], $0x80, $0x38;
	[tilespmem:$0x18800] =	vst v63  }
0x3c0: {  	s7 =	sadd.s32 $0x14C80, s0;
	s5 =	sadd.s32 s1, s15;
	s17 =	spop (v2sf)  }
0x3c1: {  	[tilespmem:s16], [sflag:$0x4] =	stream.linear.gather [hbm4b:s5+s4], $0x80, $0x38;
	(v2sf) =	vpush v0, $0xF;
	[tilespmem:$0x18800] =	vst v63  }
0x3c2: {  	s8 =	sadd.s32 $0x14A00, s0;
	s21 =	sand.u32 $0x1FFFFFF0, s17;
	s24 =	spop (v2sf)  }
0x3c3: {  	s5 =	sadd.s32 s1, s21;
	s6 =	sand.u32 $0x1FFFFFF0, s24;
	s25 =	spop (v2sf)  }
0x3c4: {  	[tilespmem:s20], [sflag:$0x4] =	stream.linear.gather [hbm4b:s5+s4], $0x80, $0x38;
	[tilespmem:$0x18800] =	vst v63  }
0x3c5: {  	s14 =	sadd.s32 $0x14B00, s0;
	s9 =	sand.u32 $0x1FFFFFF0, s25;
	s6 =	sadd.s32 s1, s6  }
0x3c6: {  	[tilespmem:s8], [sflag:$0x4] =	stream.linear.gather [hbm4b:s6+s4], $0x80, $0x38;
	[tilespmem:$0x18800] =	vst v63  }
0x3c7: {  	s20 =	sadd.s32 $0x14B80, s0;
	s5 =	sadd.s32 s1, s9;
	s13 =	spop (v2sf)  }
0x3c8: {  	[tilespmem:s10], [sflag:$0x4] =	stream.linear.gather [hbm4b:s5+s4], $0x80, $0x38;
	[tilespmem:$0x18800] =	vst v63  }
0x3c9: {  	s24 =	sadd.s32 $0x14C00, s0;
	s15 =	sand.u32 $0x1FFFFFF0, s13;
	s16 =	spop (v2sf)  }
0x3ca: {  	s6 =	sand.u32 $0x1FFFFFF0, s16;
	s17 =	spop (v2sf);
	s5 =	sadd.s32 s1, s15  }
0x3cb: {  	[tilespmem:s14], [sflag:$0x4] =	stream.linear.gather [hbm4b:s5+s4], $0x80, $0x38;
	[tilespmem:$0x18800] =	vst v63  }
0x3cc: {  	s21 =	sand.u32 $0x1FFFFFF0, s17;
	s6 =	sadd.s32 s1, s6;
	s25 =	spop (v2sf)  }
0x3cd: {  	[tilespmem:s20], [sflag:$0x4] =	stream.linear.gather [hbm4b:s6+s4], $0x80, $0x38;
	[tilespmem:$0x18800] =	vst v63  }
0x3ce: {  	s5 =	sadd.s32 s1, s21;
	s8 =	sand.u32 $0x1FFFFFF0, s25;
	s9 =	spop (v2sf)  }
0x3cf: {  	[tilespmem:s24], [sflag:$0x4] =	stream.linear.gather [hbm4b:s5+s4], $0x80, $0x38;
	[tilespmem:$0x18800] =	vst v63  }
0x3d0: {  	s6 =	sand.u32 $0x1FFFFFF0, s9;
	s5 =	sadd.s32 s1, s8;
	s10 =	spop (v2sf)  }
0x3d1: {  	[tilespmem:s7], [sflag:$0x4] =	stream.linear.gather [hbm4b:s5+s4], $0x80, $0x38;
	[tilespmem:$0x18800] =	vst v63  }
0x3d2: {  	s14 =	sadd.s32 $0x14D00, s0;
	s6 =	sadd.s32 s1, s6;
	s13 =	sand.u32 $0x1FFFFFF0, s10  }
0x3d3: {  	[tilespmem:s14], [sflag:$0x4] =	stream.linear.gather [hbm4b:s6+s4], $0x80, $0x38;
	[tilespmem:$0x18800] =	vst v63  }
0x3d4: {  	s15 =	sadd.s32 $0x14D80, s0;
	s3 =	sadd.s32 s1, s13  }
0x3d5: {  	[tilespmem:s15], [sflag:$0x4] =	stream.linear.gather [hbm4b:s3+s4], $0x80, $0x38;
	[tilespmem:$0x18800] =	vst v63  }
0x3d6: {  	s16 =	simm.s32 $0x4600;
	s17 =	simm.s32 $0x180  }
0x3d7: {  	[tilespmem:s16], [sflag:$0x2] =	stream.indirect.gather [hbm4b:s1+s12], $0x80, s17, s12, $0xb8;
	[tilespmem:$0x18800] =	vst v63  }
0x3d8: {  	s21 =	simm.s32 $0x380;
	s20 =	simm.s32 $0xC600  }
0x3d9: {  	[tilespmem:s20], [sflag:$0x2] =	stream.indirect.gather [hbm4b:s2+s12], $0x80, s21, s12, $0xb8;
	[tilespmem:$0x18800] =	vst v63  }
0x3da: {  	_ =	swait.ge [sflag:s11], $0x4000  }
0x3db: {  	[sflag:s11] =	ssyncset.done $0x0  }
0x3dc: {  	[sflag:s11] =	ssyncadd.s32 $0xFFFFC000  }
0x3dd: {  	_ =	swait.ge [sflag:s11], $0x4000  }
0x3de: {  	[sflag:s11] =	ssyncset.done $0x0  }
0x3df: {  	[sflag:s11] =	ssyncadd.s32 $0xFFFFC000  }
0x3e0: {  	_ =	swait.ge [sflag:s18], $0x4000  }
0x3e1: {  	[sflag:s18] =	ssyncset.done $0x0  }
0x3e2: {  	s24 =	simm.s32 $0x700;
	[sflag:s18] =	ssyncadd.s32 $0xFFFFC000  }
0x3e3: {  	v0 =	vld [tilespmem:s24+$0x80]  }
0x3e4: {  	s29 =	simm.s32 $0x8700;
	v1 =	vld [tilespmem:s24+$0xC0]  }
0x3e5: {  	v2 =	vld [tilespmem:s29+$0x80]  }
0x3e6: {  	s30 =	simm.s32 $0x10700;
	v3 =	vld [tilespmem:s29+$0xC0]  }
0x3e7: {  	v4 =	vld [tilespmem:s30+$0x80]  }
0x3e8: {  	v5 =	vld [tilespmem:s30+$0xC0]  }
0x3e9: {  	v6 =	vld [tilespmem:s29+$0x90]  }
0x3ea: {  	v7 =	vld [tilespmem:s29+$0xD0]  }
0x3eb: {  	v8 =	vld [tilespmem:s30+$0x90]  }
0x3ec: {  	v9 =	vld [tilespmem:s30+$0xD0]  }
0x3ed: {  	v10 =	vld [tilespmem:s29+$0xA0]  }
0x3ee: {  	v11 =	vld [tilespmem:s29+$0xE0]  }
0x3ef: {  	v12 =	vld [tilespmem:s30+$0xA0]  }
0x3f0: {  	v13 =	vld [tilespmem:s30+$0xE0]  }
0x3f1: {  	v14 =	vld [tilespmem:s29+$0xB0]  }
0x3f2: {  	v15 =	vld [tilespmem:s29+$0xF0]  }
0x3f3: {  	v16 =	vld [tilespmem:s30+$0xB0]  }
0x3f4: {  	v17 =	vld [tilespmem:s30+$0xF0]  }
0x3f5: {  	v18 =	vld [tilespmem:s24+$0x90]  }
0x3f6: {  	v19 =	vld [tilespmem:s24+$0xD0]  }
0x3f7: {  	v20 =	vld [tilespmem:s24+$0xA0]  }
0x3f8: {  	v21 =	vld [tilespmem:s24+$0xE0]  }
0x3f9: {  	v22 =	vld [tilespmem:s24+$0xB0]  }
0x3fa: {  	v23 =	vld [tilespmem:s24+$0xF0]  }
0x3fb: {  	v24 =	vld [tilespmem:s29+$0xFFFFFF00]  }
0x3fc: {  	v25 =	vld [tilespmem:s29+$0xFFFFFF40]  }
0x3fd: {  	v26 =	vld [tilespmem:s30+$0xFFFFFF00]  }
0x3fe: {  	v27 =	vld [tilespmem:s30+$0xFFFFFF40]  }
0x3ff: {  	v28 =	vld [tilespmem:s29+$0xFFFFFF10]  }
0x400: {  	v29 =	vld [tilespmem:s29+$0xFFFFFF50]  }
0x401: {  	v30 =	vld [tilespmem:s30+$0xFFFFFF10]  }
0x402: {  	v31 =	vld [tilespmem:s30+$0xFFFFFF50]  }
0x403: {  	v32 =	vld [tilespmem:s29+$0xFFFFFF20]  }
0x404: {  	v33 =	vld [tilespmem:s29+$0xFFFFFF60]  }
0x405: {  	v34 =	vld [tilespmem:s30+$0xFFFFFF20]  }
0x406: {  	v35 =	vld [tilespmem:s30+$0xFFFFFF60]  }
0x407: {  	v36 =	vld [tilespmem:s29+$0xFFFFFF30]  }
0x408: {  	v37 =	vld [tilespmem:s29+$0xFFFFFF70]  }
0x409: {  	v38 =	vld [tilespmem:s30+$0xFFFFFF30]  }
0x40a: {  	v39 =	vld [tilespmem:s30+$0xFFFFFF70]  }
0x40b: {  	v42 =	vld [tilespmem:s29+$0xFFFFFF80]  }
0x40c: {  	v44 =	vld [tilespmem:s30+$0xFFFFFF80];
	v40 =	vmul.f32 v4, v2  }
0x40d: {  	v45 =	vld [tilespmem:s29+$0xFFFFFF90];
	v41 =	vmul.f32 v5, v3;
	v2 =	vmul.f32 v5, v2  }
0x40e: {  	v61 =	vld [tilespmem:s30+$0xFFFFFF90];
	v3 =	vmul.f32 v4, v3;
	v5 =	vmul.f32 v8, v6  }
0x40f: {  	v50 =	vld [tilespmem:s30+$0x20];
	v43 =	vmul.f32 v9, v7;
	v6 =	vmul.f32 v9, v6  }
0x410: {  	v58 =	vld [tilespmem:s30+$0x30];
	v7 =	vmul.f32 v8, v7;
	v9 =	vmul.f32 v12, v10  }
0x411: {  	v4 =	vld [tilespmem:s29+$0xFFFFFFC0];
	v10 =	vmul.f32 v13, v10;
	v13 =	vmul.f32 v13, v11  }
0x412: {  	v8 =	vld [tilespmem:s30+$0xFFFFFFC0];
	v11 =	vmul.f32 v12, v11;
	v48 =	vmul.f32 v35, v32  }
0x413: {  	v51 =	vmul.f32 v38, v36;
	v54 =	vmul.f32 v39, v36;
	v36 =	vld [tilespmem:s29+$0x70]  }
0x414: {  	v12 =	vadd.f32 v41, v40;
	v40 =	vld [tilespmem:s29+$0xFFFFFFD0];
	v2 =	vsub.f32 v2, v3;
	v3 =	vmul.f32 v16, v14  }
0x415: {  	v6 =	vsub.f32 v6, v7;
	v7 =	vmul.f32 v17, v15;
	v14 =	vmul.f32 v17, v14;
	v17 =	vld [tilespmem:s30+$0xFFFFFFD0]  }
0x416: {  	v9 =	vadd.f32 v13, v9;
	v10 =	vsub.f32 v10, v11;
	v11 =	vmul.f32 v16, v15;
	v13 =	vld [tilespmem:s29+$0xFFFFFFA0]  }
0x417: {  	v15 =	vmul.f32 v26, v24;
	v16 =	vmul.f32 v26, v25;
	v26 =	vld [tilespmem:s29+$0x60]  }
0x418: {  	v53 =	vmul.f32 v38, v37;
	v5 =	vadd.f32 v43, v5;
	v43 =	vmul.f32 v34, v32;
	v32 =	vld [tilespmem:s30+$0x60]  }
0x419: {  	v62 =	vmul.f32 v30, v28;
	v47 =	vmul.f32 v34, v33;
	v34 =	vld [tilespmem:s29+$0x30]  }
0x41a: {  	v63 =	vmul.f32 v31, v29;
	v31 =	vmul.f32 v31, v28;
	v28 =	vsub.f32 v54, v53;
	v53 =	vld [tilespmem:s24+$0xFFFFFFD0]  }
0x41b: {  	v1 =	vmul.f32 v2, v1;
	v2 =	vadd.f32 v7, v3;
	v3 =	vld [tilespmem:s29+$0xFFFFFFE0]  }
0x41c: {  	v7 =	vsub.f32 v14, v11;
	v11 =	vld [tilespmem:s30+$0xFFFFFFA0]  }
0x41d: {  	v0 =	vmul.f32 v12, v0;
	v12 =	vld [tilespmem:s30+$0xFFFFFFE0]  }
0x41e: {  	v46 =	vmul.f32 v35, v33;
	v52 =	vmul.f32 v39, v37;
	v14 =	vld [tilespmem:s29+$0xFFFFFFB0]  }
0x41f: {  	v55 =	vmul.f32 v44, v42;
	v5 =	vmul.f32 v5, v18;
	v18 =	vld [tilespmem:s29+$0x10]  }
0x420: {  	v6 =	vmul.f32 v6, v19;
	v9 =	vmul.f32 v9, v20;
	v20 =	vld [tilespmem:s29+$0x50]  }
0x421: {  	v10 =	vmul.f32 v10, v21;
	v19 =	vmul.f32 v27, v24;
	v21 =	vld [tilespmem:s29+$0x20]  }
0x422: {  	v24 =	vadd.f32 v52, v51;
	v51 =	vld [tilespmem:s24+$0xFFFFFF90];
	v2 =	vmul.f32 v2, v22;
	v7 =	vmul.f32 v7, v23  }
0x423: {  	v59 =	vmul.f32 v61, v45;
	v0 =	vadd.f32 v1, v0;
	v1 =	vadd.f32 v6, v5;
	v5 =	vld [tilespmem:s29+$0xFFFFFFF0]  }
0x424: {  	v56 =	vmul.f32 v44, v4;
	v6 =	vadd.f32 v10, v9;
	v9 =	vld [tilespmem:s30+$0xFFFFFFF0];
	v2 =	vadd.f32 v7, v2  }
0x425: {  	v10 =	vld [tilespmem:s30+$0x40];
	v16 =	vsub.f32 v19, v16;
	v19 =	vadd.f32 v63, v62;
	v62 =	vmul.f32 v17, v40  }
0x426: {  	s25 =	simm.s32 $0x103;
	v17 =	vmul.f32 v17, v45;
	v45 =	vld [tilespmem:s24+$0xFFFFFF10];
	v0 =	vadd.f32 v1, v0;
	v1 =	vadd.f32 v2, v6  }
0x427: {  	v49 =	vmov s25;
	v4 =	vmul.f32 v8, v4;
	v60 =	vmul.f32 v61, v40;
	v7 =	vld [tilespmem:s30+$0xFFFFFFB0]  }
0x428: {  	v8 =	vmul.f32 v8, v42;
	v44 =	vmul.f32 v11, v13;
	v2 =	vld [tilespmem:s29+$0x0];
	v0 =	vadd.f32 v1, v0  }
0x429: {  	v11 =	vmul.f32 v11, v3;
	v3 =	vmul.f32 v12, v3;
	v17 =	vsub.f32 v17, v60;
	v6 =	vld [tilespmem:s29+$0x40]  }
0x42a: {  	v4 =	vadd.f32 v4, v55;
	v55 =	vmul.f32 v58, v36;
	v12 =	vmul.f32 v12, v13;
	v1 =	vld [tilespmem:s30+$0x0];
	(xrf2) =	vadd.scan.msk.f32 $0xffff, v0  }
0x42b: {  	v23 =	vld [tilespmem:s30+$0x10];
	v35 =	vadd.f32 v3, v44;
	v3 =	vmul.f32 v9, v5;
	v17 =	vmul.f32 v17, v53  }
0x42c: {  	v22 =	vadd.f32 v46, v43;
	v13 =	vld [tilespmem:s24+$0xFFFFFF50];
	v46 =	vmul.f32 v7, v14;
	v0 =	vmul.f32 v27, v25  }
0x42d: {  	v12 =	vsub.f32 v12, v11;
	v7 =	vmul.f32 v7, v5;
	v5 =	vmul.f32 v9, v14;
	v9 =	vld [tilespmem:s24+$0xFFFFFF60]  }
0x42e: {  	v19 =	vmul.f32 v19, v45;
	v14 =	vld [tilespmem:s24+$0xFFFFFF30];
	v0 =	vadd.f32 v0, v15;
	v15 =	vmul.f32 v30, v29  }
0x42f: {  	v61 =	vld [tilespmem:s30+$0x70];
	v27 =	vsub.f32 v48, v47;
	v11 =	vmul.f32 v1, v2;
	v1 =	vmul.f32 v1, v6  }
0x430: {  	v25 =	vld [tilespmem:s30+$0x50];
	v2 =	vmul.f32 v10, v2;
	v15 =	vsub.f32 v31, v15;
	v31 =	vadd.f32 v3, v46  }
0x431: {  	v48 =	vld [tilespmem:s24+$0xFFFFFF80];
	v3 =	vmul.f32 v10, v6;
	v10 =	vsub.f32 v5, v7;
	v5 =	vmul.f32 v23, v18  }
0x432: {  	v6 =	vld [tilespmem:s24+$0xFFFFFF70];
	v7 =	vmul.f32 v23, v20;
	v9 =	vmul.f32 v27, v9  }
0x433: {  	v8 =	vsub.f32 v8, v56;
	v14 =	vmul.f32 v24, v14;
	v13 =	vmul.f32 v15, v13;
	v15 =	vld [tilespmem:s24+$0xFFFFFFB0]  }
0x434: {  	v56 =	vld [tilespmem:s24+$0xFFFFFFA0];
	v2 =	vsub.f32 v2, v1;
	v1 =	vmul.f32 v50, v21;
	v50 =	vmul.f32 v50, v26;
	v57, _, _ =	vpop (xrf2)  }
0x435: {  	v47 =	vld [tilespmem:s24+$0xFFFFFF20];
	[tilespmem:v49+s19+$0x0] =	vst.idx.msk vm0, v57;
	v49 =	vadd.f32 v3, v11;
	v3 =	vmul.f32 v25, v20  }
0x436: {  	v29 =	vadd.f32 v62, v59;
	v59 =	vld [tilespmem:s24+$0xFFFFFFF0];
	v4 =	vmul.f32 v4, v48;
	v11 =	vmul.f32 v25, v18  }
0x437: {  	v6 =	vmul.f32 v28, v6;
	v18 =	vld [tilespmem:s24+$0xFFFFFFC0];
	v52 =	vadd.f32 v3, v5;
	v3 =	vmul.f32 v32, v26  }
0x438: {  	v57 =	vld [tilespmem:s24+$0xFFFFFFE0];
	v15 =	vmul.f32 v31, v15;
	v5 =	vmul.f32 v32, v21;
	v54 =	vsub.f32 v11, v7  }
0x439: {  	v63 =	vld [tilespmem:s24+$0xFFFFFF40];
	v11 =	vmul.f32 v58, v34;
	v7 =	vadd.f32 v3, v1;
	v1 =	vmul.f32 v61, v36  }
0x43a: {  	v60 =	vld [tilespmem:s24+$0x0];
	v34 =	vmul.f32 v61, v34;
	v58 =	vmul.f32 v22, v47  }
0x43b: {  	v22 =	vmul.f32 v10, v59;
	v3 =	vadd.f32 v1, v11;
	v1 =	vadd.f32 v13, v19;
	v13 =	vld [tilespmem:s24+$0x40]  }
0x43c: {  	v62 =	vld [tilespmem:s24+$0x50];
	v14 =	vadd.f32 v6, v14;
	v61 =	vmul.f32 v35, v56;
	v8 =	vmul.f32 v8, v18  }
0x43d: {  	v18 =	vadd.f32 v9, v58;
	v9 =	vmul.f32 v29, v51;
	v12 =	vmul.f32 v12, v57;
	v19 =	vld [tilespmem:s24+$0x10]  }
0x43e: {  	v6 =	vld [tilespmem:s24+$0x20];
	v10 =	vmul.f32 v16, v63;
	v22 =	vadd.f32 v22, v15;
	v4 =	vadd.f32 v8, v4  }
0x43f: {  	v63 =	vmul.f32 v49, v60;
	v16 =	vadd.f32 v17, v9;
	v17 =	vadd.f32 v12, v61;
	v8 =	vld [tilespmem:s24+$0x60]  }
0x440: {  	v5 =	vsub.f32 v5, v50;
	v11 =	vsub.f32 v34, v55;
	v9 =	vld [tilespmem:s24+$0x30];
	v13 =	vmul.f32 v2, v13  }
0x441: {  	v12 =	vld [tilespmem:s24+$0x70];
	v4 =	vadd.f32 v16, v4;
	v16 =	vadd.f32 v22, v17;
	v17 =	vmul.f32 v54, v62  }
0x442: {  	s31 =	simm.s32 $0x0;
	s0 =	simm.s32 $0xFFFFFFFC;
	s3 =	simm.s32 $0x900;
	v2 =	vadd.f32 v14, v18;
	v15 =	vmul.f32 v52, v19;
	v14 =	vld [tilespmem:s24+$0xFFFFFF00];
	v13 =	vadd.f32 v13, v63  }
.LBB2_14:
0x443: {  	v18 =	vld [tilespmem:s3+$0x80];
	v6 =	vmul.f32 v7, v6  }
0x444: {  	s29 =	sadd.s32 $0x200, s29;
	v7 =	vld [tilespmem:s3+$0xC0];
	v4 =	vadd.f32 v16, v4;
	v15 =	vadd.f32 v17, v15;
	v5 =	vmul.f32 v5, v8  }
0x445: {  	v8 =	vld [tilespmem:s29+$0x80];
	v3 =	vmul.f32 v3, v9  }
0x446: {  	s30 =	sadd.s32 $0x200, s30;
	v9 =	vld [tilespmem:s29+$0xC0];
	v5 =	vadd.f32 v5, v6;
	v6 =	vmul.f32 v11, v12;
	v11 =	vadd.f32 v15, v13;
	(xrf2) =	vadd.scan.msk.f32 $0xffff, v4  }
0x447: {  	v4 =	vld [tilespmem:s30+$0x80];
	v0 =	vmul.f32 v0, v14  }
0x448: {  	s5 =	sadd.s32 $0x105, s0;
	v12 =	vld [tilespmem:s30+$0xC0];
	v3 =	vadd.f32 v6, v3  }
0x449: {  	v6 =	vld [tilespmem:s29+$0x90];
	v0 =	vadd.f32 v10, v0;
	v10 =	vmov s5  }
0x44a: {  	v13 =	vld [tilespmem:s29+$0xD0];
	v10 =	vand.u32 $0xFFFFFFFD, v10;
	v3 =	vadd.f32 v3, v5  }
0x44b: {  	v5 =	vld [tilespmem:s30+$0x90];
	v0 =	vadd.f32 v1, v0;
	v1 =	vbroadcast v10, $0x0  }
0x44c: {  	v10 =	vld [tilespmem:s30+$0xD0];
	v3 =	vadd.f32 v3, v11  }
0x44d: {  	v11 =	vld [tilespmem:s29+$0xA0];
	v0 =	vadd.f32 v2, v0  }
0x44e: {  	s5 =	sadd.s32 $0x104, s0;
	v2 =	vld [tilespmem:s29+$0xE0]  }
0x44f: {  	v15 =	vmov s5;
	s5 =	sadd.s32 $0x106, s0;
	s0 =	smov.u32 s31;
	v14 =	vld [tilespmem:s30+$0xA0];
	(xrf2) =	vadd.scan.msk.f32 $0xffff, v0  }
0x450: {  	v15 =	vand.u32 $0xFFFFFFFC, v15;
	v16 =	vmov s5;
	v0 =	vld [tilespmem:s30+$0xE0];
	v17, _, _ =	vpop (xrf2)  }
0x451: {  	v15 =	vbroadcast v15, $0x0;
	v19 =	vld [tilespmem:s29+$0xB0];
	[tilespmem:v1+s19+$0x0] =	vst.idx.msk vm0, v17;
	v1 =	vand.u32 $0xFFFFFFFE, v16  }
0x452: {  	v16 =	vmul.f32 v4, v8;
	v17 =	vld [tilespmem:s29+$0xF0];
	v1 =	vbroadcast v1, $0x0;
	(xrf2) =	vadd.scan.msk.f32 $0xffff, v3  }
0x453: {  	v8 =	vmul.f32 v12, v8;
	v3 =	vmul.f32 v12, v9;
	v12 =	vld [tilespmem:s30+$0xB0]  }
0x454: {  	v4 =	vmul.f32 v4, v9;
	v9 =	vmul.f32 v5, v6;
	v20 =	vld [tilespmem:s30+$0xF0]  }
0x455: {  	v22 =	vmul.f32 v10, v13;
	v6 =	vmul.f32 v10, v6;
	v21 =	vld [tilespmem:s3+$0x90]  }
0x456: {  	s31 =	sadd.s32 $0x4, s31;
	v5 =	vmul.f32 v5, v13;
	v13 =	vmul.f32 v14, v11;
	v10 =	vld [tilespmem:s3+$0xD0]  }
0x457: {  	p0 =	slt.u32 s31, $0x7C;
	v24 =	vmul.f32 v0, v2;
	v0 =	vmul.f32 v0, v11;
	v23 =	vld [tilespmem:s3+$0xA0]  }
0x458: {  	v2 =	vmul.f32 v14, v2;
	v11 =	vld [tilespmem:s3+$0xE0];
	v14 =	vmul.f32 v12, v19  }
0x459: {  	v4 =	vsub.f32 v8, v4;
	v3 =	vadd.f32 v3, v16;
	v8 =	vld [tilespmem:s3+$0xB0];
	v16 =	vmul.f32 v20, v17;
	v25, _, _ =	vpop (xrf2)  }
0x45a: {  	v9 =	vadd.f32 v22, v9;
	v5 =	vsub.f32 v6, v5;
	v19 =	vmul.f32 v20, v19;
	v6 =	vld [tilespmem:s3+$0xF0]  }
0x45b: {  	v13 =	vadd.f32 v24, v13;
	v0 =	vsub.f32 v0, v2;
	v2 =	vmul.f32 v12, v17;
	v20 =	vld [tilespmem:s29+$0xFFFFFF00]  }
0x45c: {  	v4 =	vmul.f32 v4, v7;
	v3 =	vmul.f32 v3, v18;
	v7 =	vadd.f32 v16, v14;
	v12 =	vld [tilespmem:s29+$0xFFFFFF40];
	v14, _, _ =	vpop (xrf2)  }
0x45d: {  	v9 =	vmul.f32 v9, v21;
	v5 =	vmul.f32 v5, v10;
	v2 =	vsub.f32 v19, v2;
	v16 =	vld [tilespmem:s30+$0xFFFFFF00]  }
0x45e: {  	v13 =	vmul.f32 v13, v23;
	v0 =	vmul.f32 v0, v11;
	v10 =	vld [tilespmem:s30+$0xFFFFFF40];
	[tilespmem:v15+s19+$0x0] =	vst.idx.msk vm0, v25  }
0x45f: {  	v7 =	vmul.f32 v7, v8;
	v11 =	vld [tilespmem:s29+$0xFFFFFF10];
	v2 =	vmul.f32 v2, v6;
	[tilespmem:v1+s19+$0x0] =	vst.idx.msk vm0, v14  }
0x460: {  	v1 =	vadd.f32 v4, v3;
	v3 =	vadd.f32 v5, v9;
	v6 =	vld [tilespmem:s29+$0xFFFFFF50]  }
0x461: {  	v0 =	vadd.f32 v0, v13;
	v4 =	vld [tilespmem:s30+$0xFFFFFF10];
	v2 =	vadd.f32 v2, v7  }
0x462: {  	v5 =	vmul.f32 v16, v20;
	v7 =	vmul.f32 v16, v12;
	v8 =	vld [tilespmem:s30+$0xFFFFFF50]  }
0x463: {  	v1 =	vadd.f32 v3, v1;
	v9 =	vmul.f32 v10, v12;
	v12 =	vld [tilespmem:s29+$0xFFFFFF20];
	v2 =	vadd.f32 v2, v0  }
0x464: {  	v3 =	vmul.f32 v10, v20;
	v10 =	vld [tilespmem:s29+$0xFFFFFF60]  }
0x465: {  	v0 =	vadd.f32 v9, v5;
	v5 =	vld [tilespmem:s30+$0xFFFFFF20];
	v2 =	vadd.f32 v2, v1  }
0x466: {  	v1 =	vsub.f32 v3, v7;
	v3 =	vmul.f32 v4, v11;
	v4 =	vmul.f32 v4, v6;
	v7 =	vld [tilespmem:s30+$0xFFFFFF60]  }
0x467: {  	v6 =	vmul.f32 v8, v6;
	v8 =	vmul.f32 v8, v11;
	v9 =	vld [tilespmem:s29+$0xFFFFFF30];
	(xrf2) =	vadd.scan.msk.f32 $0xffff, v2  }
0x468: {  	v11 =	vld [tilespmem:s29+$0xFFFFFF70]  }
0x469: {  	v3 =	vadd.f32 v6, v3;
	v2 =	vsub.f32 v8, v4;
	v8 =	vld [tilespmem:s30+$0xFFFFFF30]  }
0x46a: {  	v4 =	vmul.f32 v5, v12;
	v5 =	vmul.f32 v5, v10;
	v13 =	vld [tilespmem:s30+$0xFFFFFF70]  }
0x46b: {  	v6 =	vmul.f32 v7, v10;
	v7 =	vmul.f32 v7, v12;
	v10 =	vld [tilespmem:s29+$0xFFFFFF80]  }
0x46c: {  	s5 =	sadd.s32 $0x107, s0;
	v12 =	vld [tilespmem:s29+$0xFFFFFFC0]  }
0x46d: {  	v6 =	vadd.f32 v6, v4;
	v4 =	vsub.f32 v7, v5;
	v5 =	vld [tilespmem:s30+$0xFFFFFF80];
	v7 =	vmov s5  }
0x46e: {  	v14 =	vmul.f32 v8, v9;
	v8 =	vmul.f32 v8, v11;
	v15 =	vld [tilespmem:s30+$0xFFFFFFC0]  }
0x46f: {  	v11 =	vmul.f32 v13, v11;
	v18 =	vmul.f32 v13, v9;
	v16 =	vld [tilespmem:s29+$0xFFFFFF90]  }
0x470: {  	v17 =	vld [tilespmem:s29+$0xFFFFFFD0]  }
0x471: {  	v9 =	vadd.f32 v11, v14;
	v8 =	vsub.f32 v18, v8;
	v11 =	vld [tilespmem:s30+$0xFFFFFF90];
	v13, _, _ =	vpop (xrf2)  }
0x472: {  	v14 =	vmul.f32 v5, v10;
	v5 =	vmul.f32 v5, v12;
	v18 =	vld [tilespmem:s30+$0xFFFFFFD0];
	[tilespmem:v7+s19+$0x0] =	vst.idx.msk vm0, v13  }
0x473: {  	v7 =	vmul.f32 v15, v12;
	v10 =	vmul.f32 v15, v10;
	v12 =	vld [tilespmem:s29+$0xFFFFFFA0]  }
0x474: {  	v13 =	vld [tilespmem:s29+$0xFFFFFFE0]  }
0x475: {  	v14 =	vadd.f32 v7, v14;
	v15 =	vsub.f32 v10, v5;
	v5 =	vld [tilespmem:s30+$0xFFFFFFA0]  }
0x476: {  	v7 =	vmul.f32 v11, v16;
	v10 =	vmul.f32 v11, v17;
	v11 =	vld [tilespmem:s30+$0xFFFFFFE0]  }
0x477: {  	v17 =	vmul.f32 v18, v17;
	v16 =	vmul.f32 v18, v16;
	v18 =	vld [tilespmem:s29+$0xFFFFFFB0]  }
0x478: {  	v19 =	vld [tilespmem:s29+$0xFFFFFFF0]  }
0x479: {  	v17 =	vadd.f32 v17, v7;
	v16 =	vsub.f32 v16, v10;
	v7 =	vld [tilespmem:s30+$0xFFFFFFB0]  }
0x47a: {  	v10 =	vmul.f32 v5, v12;
	v5 =	vmul.f32 v5, v13;
	v20 =	vld [tilespmem:s30+$0xFFFFFFF0]  }
0x47b: {  	v13 =	vmul.f32 v11, v13;
	v11 =	vmul.f32 v11, v12;
	v12 =	vld [tilespmem:s29+$0x0]  }
0x47c: {  	v21 =	vld [tilespmem:s29+$0x40]  }
0x47d: {  	v13 =	vadd.f32 v13, v10;
	v22 =	vsub.f32 v11, v5;
	v5 =	vld [tilespmem:s30+$0x0]  }
0x47e: {  	v10 =	vmul.f32 v7, v18;
	v7 =	vmul.f32 v7, v19;
	v11 =	vld [tilespmem:s30+$0x40]  }
0x47f: {  	v19 =	vmul.f32 v20, v19;
	v18 =	vmul.f32 v20, v18;
	v20 =	vld [tilespmem:s29+$0x10]  }
0x480: {  	v23 =	vld [tilespmem:s29+$0x50]  }
0x481: {  	v19 =	vadd.f32 v19, v10;
	v18 =	vsub.f32 v18, v7;
	v7 =	vld [tilespmem:s30+$0x10]  }
0x482: {  	v10 =	vmul.f32 v5, v12;
	v5 =	vmul.f32 v5, v21;
	v24 =	vld [tilespmem:s30+$0x50]  }
0x483: {  	v21 =	vmul.f32 v11, v21;
	v11 =	vmul.f32 v11, v12;
	v12 =	vld [tilespmem:s29+$0x20]  }
0x484: {  	v25 =	vld [tilespmem:s29+$0x60]  }
0x485: {  	v21 =	vadd.f32 v21, v10;
	v26 =	vsub.f32 v11, v5;
	v5 =	vld [tilespmem:s30+$0x20]  }
0x486: {  	v10 =	vmul.f32 v7, v20;
	v7 =	vmul.f32 v7, v23;
	v11 =	vld [tilespmem:s30+$0x60]  }
0x487: {  	v23 =	vmul.f32 v24, v23;
	v20 =	vmul.f32 v24, v20;
	v24 =	vld [tilespmem:s29+$0x30]  }
0x488: {  	v27 =	vld [tilespmem:s29+$0x70]  }
0x489: {  	v23 =	vadd.f32 v23, v10;
	v20 =	vsub.f32 v20, v7;
	v10 =	vld [tilespmem:s30+$0x30]  }
0x48a: {  	v7 =	vmul.f32 v5, v12;
	v5 =	vmul.f32 v5, v25;
	v28 =	vld [tilespmem:s30+$0x70]  }
0x48b: {  	v29 =	vld [tilespmem:s3+$0xFFFFFF40];
	v25 =	vmul.f32 v11, v25;
	v11 =	vmul.f32 v11, v12  }
0x48c: {  	v12 =	vld [tilespmem:s3+$0xFFFFFF10]  }
0x48d: {  	v30 =	vld [tilespmem:s3+$0xFFFFFF50];
	v7 =	vadd.f32 v25, v7;
	v5 =	vsub.f32 v11, v5  }
0x48e: {  	v25 =	vld [tilespmem:s3+$0xFFFFFF20];
	v11 =	vmul.f32 v10, v24;
	v31 =	vmul.f32 v10, v27  }
0x48f: {  	v32 =	vld [tilespmem:s3+$0xFFFFFF60];
	v27 =	vmul.f32 v28, v27;
	v24 =	vmul.f32 v28, v24  }
0x490: {  	v10 =	vmul.f32 v1, v29;
	v28 =	vld [tilespmem:s3+$0xFFFFFF30]  }
0x491: {  	v1 =	vmul.f32 v3, v12;
	v12 =	vld [tilespmem:s3+$0xFFFFFF70];
	v3 =	vadd.f32 v27, v11;
	v11 =	vsub.f32 v24, v31  }
0x492: {  	v2 =	vmul.f32 v2, v30;
	v24 =	vld [tilespmem:s3+$0xFFFFFF80]  }
0x493: {  	v6 =	vmul.f32 v6, v25;
	v25 =	vld [tilespmem:s3+$0xFFFFFFC0]  }
0x494: {  	v1 =	vadd.f32 v2, v1;
	v2 =	vmul.f32 v4, v32;
	v4 =	vld [tilespmem:s3+$0xFFFFFF90]  }
0x495: {  	v9 =	vmul.f32 v9, v28;
	v27 =	vld [tilespmem:s3+$0xFFFFFFD0]  }
0x496: {  	v2 =	vadd.f32 v2, v6;
	v6 =	vmul.f32 v8, v12;
	v8 =	vld [tilespmem:s3+$0xFFFFFFA0]  }
0x497: {  	v12 =	vmul.f32 v14, v24;
	v14 =	vld [tilespmem:s3+$0xFFFFFFE0]  }
0x498: {  	v6 =	vadd.f32 v6, v9;
	v9 =	vmul.f32 v15, v25;
	v15 =	vld [tilespmem:s3+$0xFFFFFFB0]  }
0x499: {  	v4 =	vmul.f32 v17, v4;
	v17 =	vld [tilespmem:s3+$0xFFFFFFF0]  }
0x49a: {  	v2 =	vadd.f32 v6, v2;
	v6 =	vadd.f32 v9, v12;
	v9 =	vmul.f32 v16, v27;
	v12 =	vld [tilespmem:s3+$0x0]  }
0x49b: {  	v8 =	vmul.f32 v13, v8;
	v13 =	vld [tilespmem:s3+$0x40]  }
0x49c: {  	v4 =	vadd.f32 v9, v4;
	v9 =	vmul.f32 v22, v14;
	v14 =	vld [tilespmem:s3+$0x10]  }
0x49d: {  	v15 =	vmul.f32 v19, v15;
	v19 =	vld [tilespmem:s3+$0x50]  }
.Ltmp6:
0x49e: {  	v16 =	vadd.f32 v9, v8;
	v9 =	vmul.f32 v18, v17;
	v4 =	vadd.f32 v4, v6;
	v6 =	vld [tilespmem:s3+$0x20];
	(pc) =	sbr.rel @p0 .LBB2_14-.Ltmp6, $4  }
0x49f: {  	v17 =	vmul.f32 v21, v12;
	v8 =	vld [tilespmem:s3+$0x60]  }
0x4a0: {  	v18 =	vadd.f32 v9, v15;
	v13 =	vmul.f32 v26, v13;
	v9 =	vld [tilespmem:s3+$0x30]  }
0x4a1: {  	v15 =	vmul.f32 v23, v14;
	v12 =	vld [tilespmem:s3+$0x70]  }
0x4a2: {  	v14 =	vld [tilespmem:s3+$0xFFFFFF00];
	v16 =	vadd.f32 v18, v16;
	v13 =	vadd.f32 v13, v17;
	v17 =	vmul.f32 v20, v19;
	s3 =	sadd.s32 $0x200, s3  }
0x4a3: {  	_ =	sdelay $0x2  }
0x4a4: {  	v6 =	vmul.f32 v7, v6  }
0x4a5: {  	v5 =	vmul.f32 v5, v8;
	v0 =	vmul.f32 v0, v14  }
0x4a6: {  	v3 =	vmul.f32 v3, v9;
	v7 =	vmul.f32 v11, v12  }
0x4a7: {  	v8 =	vadd.f32 v17, v15;
	v0 =	vadd.f32 v10, v0  }
0x4a8: {  	v5 =	vadd.f32 v5, v6;
	v3 =	vadd.f32 v7, v3  }
0x4a9: {  	v4 =	vadd.f32 v16, v4;
	v0 =	vadd.f32 v1, v0  }
0x4aa: {  	v3 =	vadd.f32 v3, v5;
	v1 =	vadd.f32 v8, v13  }
0x4ab: {  	v0 =	vadd.f32 v2, v0  }
0x4ac: {  	(xrf2) =	vadd.scan.msk.f32 $0xffff, v4;
	v1 =	vadd.f32 v3, v1  }
0x4ad: {  	(xrf2) =	vadd.scan.msk.f32 $0xffff, v0  }
0x4ae: {  	s3 =	sadd.s32 $0x105, s0;
	(xrf2) =	vadd.scan.msk.f32 $0xffff, v1  }
0x4af: {  	s21 =	sadd.s32 $0x104, s0;
	v0 =	vmov s3  }
0x4b0: {  	s24 =	sadd.s32 $0x106, s0;
	v0 =	vand.u32 $0xFFFFFFFD, v0;
	v1 =	vmov s21  }
0x4b1: {  	v2 =	vmov s24;
	v0 =	vbroadcast v0, $0x0;
	v1 =	vand.u32 $0xFFFFFFFC, v1  }
0x4b2: {  	v2 =	vand.u32 $0xFFFFFFFE, v2;
	v1 =	vbroadcast v1, $0x0  }
0x4b3: {  	v2 =	vbroadcast v2, $0x0;
	_ =	sdelay $0x2  }
0x4b4: {  	v3, _, _ =	vpop (xrf2)  }
0x4b5: {  	[tilespmem:v0+s19+$0x0] =	vst.idx.msk vm0, v3;
	v0, _, _ =	vpop (xrf2)  }
0x4b6: {  	v3, _, _ =	vpop (xrf2);
	[tilespmem:v1+s19+$0x0] =	vst.idx.msk vm0, v0  }
0x4b7: {  	[tilespmem:v2+s19+$0x0] =	vst.idx.msk vm0, v3  }
0x4b8: {  	_ =	swait.ge [sflag:s22], $0x4000  }
0x4b9: {  	[sflag:s22] =	ssyncset.done $0x0  }
0x4ba: {  	[sflag:s22] =	ssyncadd.s32 $0xFFFFC000  }
0x4bb: {  	_ =	swait.ge [sflag:s22], $0x4000  }
0x4bc: {  	[sflag:s22] =	ssyncset.done $0x0  }
0x4bd: {  	[sflag:s22] =	ssyncadd.s32 $0xFFFFC000  }
0x4be: {  	_ =	swait.ge [sflag:s23], $0x4000  }
0x4bf: {  	[sflag:s23] =	ssyncset.done $0x0  }
0x4c0: {  	s29 =	simm.s32 $0x0;
	[sflag:s23] =	ssyncadd.s32 $0xFFFFC000  }
0x4c1: {  	v0 =	vld [tilespmem:s29+$0x4780]  }
0x4c2: {  	v1 =	vld [tilespmem:s29+$0x47C0]  }
0x4c3: {  	v2 =	vld [tilespmem:s29+$0xC780]  }
0x4c4: {  	v3 =	vld [tilespmem:s29+$0xC7C0]  }
0x4c5: {  	v4 =	vld [tilespmem:s29+$0x14780]  }
0x4c6: {  	v5 =	vld [tilespmem:s29+$0x147C0]  }
0x4c7: {  	v6 =	vld [tilespmem:s29+$0xC790]  }
0x4c8: {  	v7 =	vld [tilespmem:s29+$0xC7D0]  }
0x4c9: {  	v8 =	vld [tilespmem:s29+$0x14790]  }
0x4ca: {  	v9 =	vld [tilespmem:s29+$0x147D0]  }
0x4cb: {  	v10 =	vld [tilespmem:s29+$0xC7A0]  }
0x4cc: {  	v11 =	vld [tilespmem:s29+$0xC7E0]  }
0x4cd: {  	v12 =	vld [tilespmem:s29+$0x147A0]  }
0x4ce: {  	v13 =	vld [tilespmem:s29+$0x147E0]  }
0x4cf: {  	v14 =	vld [tilespmem:s29+$0xC7B0]  }
0x4d0: {  	v15 =	vld [tilespmem:s29+$0xC7F0]  }
0x4d1: {  	v16 =	vld [tilespmem:s29+$0x147B0]  }
0x4d2: {  	v17 =	vld [tilespmem:s29+$0x147F0]  }
0x4d3: {  	v18 =	vld [tilespmem:s29+$0x4790]  }
0x4d4: {  	v19 =	vld [tilespmem:s29+$0x47D0]  }
0x4d5: {  	v20 =	vld [tilespmem:s29+$0x47A0]  }
0x4d6: {  	v21 =	vld [tilespmem:s29+$0x47E0]  }
0x4d7: {  	v22 =	vld [tilespmem:s29+$0x47B0]  }
0x4d8: {  	v23 =	vld [tilespmem:s29+$0x47F0]  }
0x4d9: {  	v24 =	vld [tilespmem:s29+$0xC600]  }
0x4da: {  	v25 =	vld [tilespmem:s29+$0xC640]  }
0x4db: {  	v26 =	vld [tilespmem:s29+$0x14600]  }
0x4dc: {  	v27 =	vld [tilespmem:s29+$0x14640]  }
0x4dd: {  	v28 =	vld [tilespmem:s29+$0xC610]  }
0x4de: {  	v29 =	vld [tilespmem:s29+$0xC650]  }
0x4df: {  	v30 =	vld [tilespmem:s29+$0x14610]  }
0x4e0: {  	v31 =	vld [tilespmem:s29+$0x14650]  }
0x4e1: {  	v32 =	vld [tilespmem:s29+$0xC620]  }
0x4e2: {  	v33 =	vld [tilespmem:s29+$0xC660]  }
0x4e3: {  	v34 =	vld [tilespmem:s29+$0x14620]  }
0x4e4: {  	v35 =	vld [tilespmem:s29+$0x14660]  }
0x4e5: {  	v36 =	vld [tilespmem:s29+$0xC630]  }
0x4e6: {  	v37 =	vld [tilespmem:s29+$0xC670]  }
0x4e7: {  	v38 =	vld [tilespmem:s29+$0x14630]  }
0x4e8: {  	v39 =	vld [tilespmem:s29+$0x14670]  }
0x4e9: {  	v40 =	vld [tilespmem:s29+$0xC680]  }
0x4ea: {  	v41 =	vld [tilespmem:s29+$0xC6C0]  }
0x4eb: {  	v42 =	vld [tilespmem:s29+$0x14680]  }
0x4ec: {  	v45 =	vld [tilespmem:s29+$0x146C0];
	v43 =	vmul.f32 v4, v2;
	v44 =	vmul.f32 v5, v3  }
0x4ed: {  	v47 =	vld [tilespmem:s29+$0xC6D0];
	v2 =	vmul.f32 v5, v2;
	v3 =	vmul.f32 v4, v3  }
0x4ee: {  	v48 =	vld [tilespmem:s29+$0x146D0];
	v5 =	vmul.f32 v8, v6;
	v46 =	vmul.f32 v9, v7  }
0x4ef: {  	v53 =	vld [tilespmem:s29+$0xC760];
	v6 =	vmul.f32 v9, v6;
	v7 =	vmul.f32 v8, v7  }
0x4f0: {  	v56 =	vld [tilespmem:s29+$0x14720];
	v9 =	vmul.f32 v12, v10;
	v10 =	vmul.f32 v13, v10  }
0x4f1: {  	v58 =	vld [tilespmem:s29+$0x14760];
	v13 =	vmul.f32 v13, v11;
	v11 =	vmul.f32 v12, v11;
	v12 =	vadd.f32 v44, v43  }
0x4f2: {  	v61 =	vld [tilespmem:s29+$0xC730];
	v2 =	vsub.f32 v2, v3;
	v3 =	vmul.f32 v16, v14;
	v5 =	vadd.f32 v46, v5  }
0x4f3: {  	v63 =	vld [tilespmem:s29+$0xC770];
	v6 =	vsub.f32 v6, v7;
	v7 =	vmul.f32 v17, v15;
	v14 =	vmul.f32 v17, v14  }
0x4f4: {  	v4 =	vld [tilespmem:s29+$0xC690];
	v9 =	vadd.f32 v13, v9;
	v10 =	vsub.f32 v10, v11;
	v11 =	vmul.f32 v16, v15  }
0x4f5: {  	v8 =	vld [tilespmem:s29+$0x14690];
	v0 =	vmul.f32 v12, v0;
	v1 =	vmul.f32 v2, v1;
	v2 =	vadd.f32 v7, v3  }
0x4f6: {  	v43 =	vld [tilespmem:s29+$0xC6A0];
	v5 =	vmul.f32 v5, v18;
	v6 =	vmul.f32 v6, v19;
	v7 =	vsub.f32 v14, v11  }
0x4f7: {  	v44 =	vld [tilespmem:s29+$0xC6E0];
	v9 =	vmul.f32 v9, v20;
	v10 =	vmul.f32 v10, v21  }
0x4f8: {  	v17 =	vld [tilespmem:s29+$0x146A0];
	v2 =	vmul.f32 v2, v22;
	v7 =	vmul.f32 v7, v23  }
0x4f9: {  	v13 =	vld [tilespmem:s29+$0x146E0];
	v0 =	vadd.f32 v1, v0;
	v1 =	vadd.f32 v6, v5  }
0x4fa: {  	v49 =	vmul.f32 v35, v33;
	v15 =	vld [tilespmem:s29+$0x14700];
	v6 =	vadd.f32 v10, v9;
	v2 =	vadd.f32 v7, v2  }
0x4fb: {  	v50 =	vmul.f32 v34, v33;
	v51 =	vmul.f32 v35, v32;
	v3 =	vld [tilespmem:s29+$0xC6B0]  }
0x4fc: {  	v52 =	vmul.f32 v39, v37;
	v11 =	vld [tilespmem:s29+$0xC6F0];
	v0 =	vadd.f32 v1, v0;
	v1 =	vadd.f32 v2, v6  }
0x4fd: {  	v54 =	vmul.f32 v38, v37;
	v55 =	vmul.f32 v39, v36;
	v12 =	vld [tilespmem:s29+$0x146B0]  }
0x4fe: {  	v14 =	vld [tilespmem:s29+$0x146F0];
	v18 =	vmul.f32 v31, v29;
	v0 =	vadd.f32 v1, v0;
	v1 =	vmul.f32 v30, v28  }
0x4ff: {  	v57 =	vmul.f32 v45, v41;
	v59 =	vmul.f32 v42, v41;
	v19 =	vld [tilespmem:s29+$0xC750]  }
0x500: {  	v16 =	vmul.f32 v27, v24;
	v21 =	vld [tilespmem:s29+$0x14710];
	v18 =	vadd.f32 v18, v1;
	v1 =	vmul.f32 v34, v32  }
0x501: {  	v46 =	vmul.f32 v31, v28;
	v20 =	vsub.f32 v51, v50;
	v50 =	vld [tilespmem:s29+$0x4650];
	v6 =	vmul.f32 v26, v25  }
0x502: {  	v5 =	vld [tilespmem:s29+$0xC700];
	v9 =	vmul.f32 v26, v24;
	v22 =	vadd.f32 v49, v1;
	v1 =	vmul.f32 v38, v36  }
0x503: {  	v10 =	vmul.f32 v27, v25;
	v23 =	vld [tilespmem:s29+$0x14750];
	v6 =	vsub.f32 v16, v6;
	v16 =	vmul.f32 v30, v29  }
0x504: {  	v60 =	vmul.f32 v45, v40;
	v7 =	vld [tilespmem:s29+$0xC740];
	v26 =	vadd.f32 v52, v1;
	v1 =	vmul.f32 v42, v40  }
0x505: {  	v62 =	vmul.f32 v48, v47;
	v9 =	vadd.f32 v10, v9;
	v10 =	vld [tilespmem:s29+$0xC710];
	v16 =	vsub.f32 v46, v16  }
0x506: {  	v2 =	vld [tilespmem:s29+$0x14740];
	v46 =	vmul.f32 v13, v44;
	v30 =	vadd.f32 v57, v1;
	v1 =	vmul.f32 v8, v4  }
0x507: {  	v25 =	vld [tilespmem:s29+$0xC720];
	v28 =	vsub.f32 v60, v59;
	v8 =	vmul.f32 v8, v47;
	v4 =	vmul.f32 v48, v4  }
0x508: {  	v13 =	vmul.f32 v13, v43;
	v49 =	vld [tilespmem:s29+$0x4640];
	v34 =	vadd.f32 v62, v1;
	v1 =	vmul.f32 v17, v43  }
0x509: {  	v16 =	vmul.f32 v16, v50;
	v47 =	vld [tilespmem:s29+$0x14770];
	v8 =	vsub.f32 v4, v8;
	v4 =	vmul.f32 v17, v44  }
0x50a: {  	v60 =	vld [tilespmem:s29+$0x46E0];
	v48 =	vmul.f32 v14, v11;
	v36 =	vadd.f32 v46, v1;
	v1 =	vmul.f32 v12, v3  }
0x50b: {  	v17 =	vld [tilespmem:s29+$0x4600];
	v13 =	vsub.f32 v13, v4;
	v4 =	vmul.f32 v12, v11;
	v3 =	vmul.f32 v14, v3  }
0x50c: {  	v11 =	vld [tilespmem:s29+$0x4610];
	v14 =	vmul.f32 v2, v7;
	v12 =	vadd.f32 v48, v1;
	v1 =	vmul.f32 v15, v5  }
0x50d: {  	v2 =	vmul.f32 v2, v5;
	v51 =	vsub.f32 v3, v4;
	v3 =	vmul.f32 v15, v7;
	v7 =	vld [tilespmem:s29+$0x4620]  }
0x50e: {  	v6 =	vmul.f32 v6, v49;
	v57 =	vmul.f32 v47, v61;
	v15 =	vld [tilespmem:s29+$0x4660];
	v14 =	vadd.f32 v14, v1  }
0x50f: {  	v1 =	vmul.f32 v21, v10;
	v52 =	vsub.f32 v2, v3;
	v3 =	vmul.f32 v23, v10;
	v10 =	vld [tilespmem:s29+$0x4630]  }
0x510: {  	v4 =	vmul.f32 v23, v19;
	v2 =	vmul.f32 v21, v19;
	v19 =	vld [tilespmem:s29+$0x4670]  }
0x511: {  	v45 =	vld [tilespmem:s29+$0x14730];
	v5 =	vmul.f32 v58, v53;
	v13 =	vmul.f32 v13, v60  }
0x512: {  	v24 =	vsub.f32 v55, v54;
	v54 =	vld [tilespmem:s29+$0x4680];
	v9 =	vmul.f32 v9, v17;
	v11 =	vmul.f32 v18, v11  }
0x513: {  	s25 =	simm.s32 $0x183;
	v55 =	vld [tilespmem:s29+$0x46C0];
	(xrf2) =	vadd.scan.msk.f32 $0xffff, v0;
	v0 =	vsub.f32 v3, v2;
	v2 =	vmul.f32 v56, v53;
	v53 =	vmul.f32 v58, v25  }
0x514: {  	v59 =	vmov s25;
	v17 =	vld [tilespmem:s29+$0x46D0];
	v7 =	vmul.f32 v22, v7;
	v15 =	vmul.f32 v20, v15  }
0x515: {  	v6 =	vadd.f32 v6, v9;
	v58 =	vld [tilespmem:s29+$0x4690];
	v9 =	vmul.f32 v26, v10;
	v10 =	vmul.f32 v24, v19  }
0x516: {  	v18 =	vld [tilespmem:s29+$0x46A0];
	v1 =	vadd.f32 v4, v1;
	v4 =	vmul.f32 v56, v25;
	v11 =	vadd.f32 v16, v11  }
0x517: {  	v16 =	vmul.f32 v30, v54;
	v19 =	vld [tilespmem:s29+$0x46B0];
	v7 =	vadd.f32 v15, v7;
	v9 =	vadd.f32 v10, v9  }
0x518: {  	v3 =	vadd.f32 v5, v4;
	v4 =	vmul.f32 v45, v61;
	v5 =	vmul.f32 v47, v63;
	v15 =	vld [tilespmem:s29+$0x46F0]  }
0x519: {  	v61 =	vld [tilespmem:s29+$0x4700];
	v8 =	vmul.f32 v8, v17;
	v6 =	vadd.f32 v11, v6;
	v7 =	vadd.f32 v9, v7  }
0x51a: {  	v2 =	vsub.f32 v53, v2;
	v17 =	vld [tilespmem:s29+$0x4740];
	v10 =	vmul.f32 v28, v55;
	v11 =	vmul.f32 v34, v58  }
0x51b: {  	v56 =	vmul.f32 v45, v63;
	v5 =	vadd.f32 v5, v4;
	v9 =	vld [tilespmem:s29+$0x4710];
	v63 =	vadd.f32 v7, v6  }
0x51c: {  	v18 =	vmul.f32 v36, v18;
	v16 =	vadd.f32 v10, v16;
	v11 =	vadd.f32 v8, v11;
	v8 =	vld [tilespmem:s29+$0x4750]  }
0x51d: {  	v62, _, _ =	vpop (xrf2);
	v4 =	vsub.f32 v57, v56;
	v10 =	vld [tilespmem:s29+$0x4720];
	v19 =	vmul.f32 v12, v19;
	v15 =	vmul.f32 v51, v15;
	(xrf2) =	vadd.scan.msk.f32 $0xffff, v63  }
0x51e: {  	s31 =	simm.s32 $0x180;
	v12 =	vmul.f32 v14, v61;
	v7 =	vadd.f32 v13, v18;
	v6 =	vadd.f32 v11, v16;
	v11 =	vld [tilespmem:s29+$0x4760]  }
0x51f: {  	s0 =	simm.s32 $0xFFFFFFFC;
	s30 =	simm.s32 $0x0;
	s3 =	simm.s32 $0x800;
	[tilespmem:v59+s19+$0x0] =	vst.idx.msk vm0, v62;
	v14 =	vld [tilespmem:s29+$0x4730];
	v13 =	vmov s31;
	v16 =	vmul.f32 v52, v17;
	v15 =	vadd.f32 v15, v19  }
.LBB2_16:
0x520: {  	v13 =	vand.u32 $0xFFFFFFFC, v13;
	v1 =	vmul.f32 v1, v9;
	v9 =	vld [tilespmem:s29+$0x4770];
	s29 =	sshra.s32 s3, $0x2  }
0x521: {  	v17 =	vld [tilespmem:s29+$0x4780];
	v7 =	vadd.f32 v15, v7;
	v12 =	vadd.f32 v16, v12;
	v0 =	vmul.f32 v0, v8  }
0x522: {  	v13 =	vbroadcast v13, $0x0;
	v8 =	vld [tilespmem:s29+$0x47C0];
	v3 =	vmul.f32 v3, v10  }
0x523: {  	v10 =	vld [tilespmem:s29+$0xC780];
	v6 =	vadd.f32 v7, v6;
	v0 =	vadd.f32 v0, v1;
	v1 =	vmul.f32 v2, v11  }
0x524: {  	v2 =	vld [tilespmem:s29+$0xC7C0];
	v11 =	vmul.f32 v5, v14  }
0x525: {  	v7 =	vld [tilespmem:s29+$0x14780];
	v1 =	vadd.f32 v1, v3;
	v3 =	vmul.f32 v4, v9;
	v0 =	vadd.f32 v0, v12;
	(xrf2) =	vadd.scan.msk.f32 $0xffff, v6  }
0x526: {  	v4 =	vld [tilespmem:s29+$0x147C0]  }
0x527: {  	s5 =	sadd.s32 $0x185, s0;
	v6 =	vld [tilespmem:s29+$0xC790];
	v3 =	vadd.f32 v3, v11;
	v5, _, _ =	vpop (xrf2)  }
0x528: {  	v9 =	vld [tilespmem:s29+$0xC7D0];
	[tilespmem:v13+s19+$0x0] =	vst.idx.msk vm0, v5;
	v5 =	vmov s5  }
0x529: {  	v11 =	vld [tilespmem:s29+$0x14790];
	v5 =	vand.u32 $0xFFFFFFFD, v5;
	v1 =	vadd.f32 v3, v1  }
0x52a: {  	v3 =	vld [tilespmem:s29+$0x147D0];
	v5 =	vbroadcast v5, $0x0  }
0x52b: {  	v12 =	vld [tilespmem:s29+$0xC7A0];
	v0 =	vadd.f32 v1, v0  }
0x52c: {  	v1 =	vld [tilespmem:s29+$0xC7E0]  }
0x52d: {  	s5 =	sadd.s32 $0x186, s0;
	s0 =	smov.u32 s30;
	v13 =	vld [tilespmem:s29+$0x147A0];
	(xrf2) =	vadd.scan.msk.f32 $0xffff, v0  }
0x52e: {  	v14 =	vmov s5;
	v0 =	vld [tilespmem:s29+$0x147E0]  }
0x52f: {  	v14 =	vand.u32 $0xFFFFFFFE, v14;
	v15 =	vld [tilespmem:s29+$0xC7B0];
	v16, _, _ =	vpop (xrf2)  }
0x530: {  	v18 =	vmul.f32 v7, v10;
	v19 =	vld [tilespmem:s29+$0xC7F0];
	[tilespmem:v5+s19+$0x0] =	vst.idx.msk vm0, v16;
	v5 =	vbroadcast v14, $0x0  }
0x531: {  	v14 =	vmul.f32 v4, v2;
	v4 =	vmul.f32 v4, v10;
	v10 =	vld [tilespmem:s29+$0x147B0]  }
0x532: {  	v2 =	vmul.f32 v7, v2;
	v7 =	vmul.f32 v11, v6;
	v16 =	vld [tilespmem:s29+$0x147F0]  }
0x533: {  	s30 =	sadd.s32 $0x4, s30;
	v21 =	vmul.f32 v3, v9;
	v3 =	vmul.f32 v3, v6;
	v20 =	vld [tilespmem:s29+$0x4790]  }
0x534: {  	p0 =	slt.u32 s30, $0x7C;
	v9 =	vmul.f32 v11, v9;
	v11 =	vmul.f32 v13, v12;
	v6 =	vld [tilespmem:s29+$0x47D0]  }
0x535: {  	v23 =	vmul.f32 v0, v1;
	v0 =	vmul.f32 v0, v12;
	v22 =	vld [tilespmem:s29+$0x47A0]  }
0x536: {  	v1 =	vmul.f32 v13, v1;
	v12 =	vld [tilespmem:s29+$0x47E0];
	v13 =	vmul.f32 v10, v15  }
0x537: {  	v14 =	vadd.f32 v14, v18;
	v2 =	vsub.f32 v4, v2;
	v4 =	vld [tilespmem:s29+$0x47B0];
	v18 =	vmul.f32 v16, v19;
	v24, _, _ =	vpop (xrf2)  }
0x538: {  	v3 =	vsub.f32 v3, v9;
	v7 =	vadd.f32 v21, v7;
	v15 =	vmul.f32 v16, v15;
	v9 =	vld [tilespmem:s29+$0x47F0]  }
0x539: {  	v11 =	vadd.f32 v23, v11;
	v0 =	vsub.f32 v0, v1;
	v1 =	vmul.f32 v10, v19;
	v16 =	vld [tilespmem:s29+$0xC600]  }
0x53a: {  	v14 =	vmul.f32 v14, v17;
	v2 =	vmul.f32 v2, v8;
	v8 =	vadd.f32 v18, v13;
	v10 =	vld [tilespmem:s29+$0xC640]  }
0x53b: {  	v7 =	vmul.f32 v7, v20;
	v3 =	vmul.f32 v3, v6;
	v1 =	vsub.f32 v15, v1;
	v13 =	vld [tilespmem:s29+$0x14600]  }
0x53c: {  	v11 =	vmul.f32 v11, v22;
	v0 =	vmul.f32 v0, v12;
	v6 =	vld [tilespmem:s29+$0x14640];
	[tilespmem:v5+s19+$0x0] =	vst.idx.msk vm0, v24  }
0x53d: {  	v4 =	vmul.f32 v8, v4;
	v12 =	vld [tilespmem:s29+$0xC610];
	v1 =	vmul.f32 v1, v9  }
0x53e: {  	v2 =	vadd.f32 v2, v14;
	v3 =	vadd.f32 v3, v7;
	v8 =	vld [tilespmem:s29+$0xC650]  }
0x53f: {  	v0 =	vadd.f32 v0, v11;
	v7 =	vld [tilespmem:s29+$0x14610];
	v1 =	vadd.f32 v1, v4  }
0x540: {  	v4 =	vmul.f32 v13, v16;
	v5 =	vmul.f32 v13, v10;
	v9 =	vld [tilespmem:s29+$0x14650]  }
0x541: {  	v2 =	vadd.f32 v3, v2;
	v10 =	vmul.f32 v6, v10;
	v11 =	vld [tilespmem:s29+$0xC620];
	v0 =	vadd.f32 v1, v0  }
0x542: {  	v1 =	vmul.f32 v6, v16;
	v3 =	vld [tilespmem:s29+$0xC660]  }
0x543: {  	v4 =	vadd.f32 v10, v4;
	v10 =	vld [tilespmem:s29+$0x14620];
	v0 =	vadd.f32 v0, v2  }
0x544: {  	v5 =	vsub.f32 v1, v5;
	v1 =	vmul.f32 v7, v12;
	v2 =	vmul.f32 v7, v8;
	v13 =	vld [tilespmem:s29+$0x14660]  }
0x545: {  	v6 =	vmul.f32 v9, v8;
	v8 =	vmul.f32 v9, v12;
	v12 =	vld [tilespmem:s29+$0xC630];
	(xrf2) =	vadd.scan.msk.f32 $0xffff, v0  }
0x546: {  	v0 =	vld [tilespmem:s29+$0xC670]  }
0x547: {  	v7 =	vadd.f32 v6, v1;
	v6 =	vsub.f32 v8, v2;
	v1 =	vld [tilespmem:s29+$0x14630]  }
0x548: {  	v2 =	vmul.f32 v10, v11;
	v8 =	vmul.f32 v10, v3;
	v10 =	vld [tilespmem:s29+$0x14670]  }
0x549: {  	v3 =	vmul.f32 v13, v3;
	v11 =	vmul.f32 v13, v11;
	v13 =	vld [tilespmem:s29+$0xC680]  }
0x54a: {  	s5 =	sadd.s32 $0x187, s0;
	v14 =	vld [tilespmem:s29+$0xC6C0]  }
0x54b: {  	v9 =	vadd.f32 v3, v2;
	v8 =	vsub.f32 v11, v8;
	v2 =	vld [tilespmem:s29+$0x14680];
	v3 =	vmov s5  }
0x54c: {  	v11 =	vmul.f32 v1, v12;
	v18 =	vmul.f32 v1, v0;
	v15 =	vld [tilespmem:s29+$0x146C0]  }
0x54d: {  	v0 =	vmul.f32 v10, v0;
	v10 =	vmul.f32 v10, v12;
	v16 =	vld [tilespmem:s29+$0xC690]  }
0x54e: {  	v17 =	vld [tilespmem:s29+$0xC6D0]  }
0x54f: {  	v11 =	vadd.f32 v0, v11;
	v10 =	vsub.f32 v10, v18;
	v0 =	vld [tilespmem:s29+$0x14690];
	v1, _, _ =	vpop (xrf2)  }
0x550: {  	v12 =	vmul.f32 v2, v13;
	v2 =	vmul.f32 v2, v14;
	v18 =	vld [tilespmem:s29+$0x146D0];
	[tilespmem:v3+s19+$0x0] =	vst.idx.msk vm0, v1  }
0x551: {  	v1 =	vmul.f32 v15, v14;
	v3 =	vmul.f32 v15, v13;
	v13 =	vld [tilespmem:s29+$0xC6A0]  }
0x552: {  	v14 =	vld [tilespmem:s29+$0xC6E0]  }
0x553: {  	v15 =	vadd.f32 v1, v12;
	v12 =	vsub.f32 v3, v2;
	v1 =	vld [tilespmem:s29+$0x146A0]  }
0x554: {  	v2 =	vmul.f32 v0, v16;
	v0 =	vmul.f32 v0, v17;
	v3 =	vld [tilespmem:s29+$0x146E0]  }
0x555: {  	v17 =	vmul.f32 v18, v17;
	v16 =	vmul.f32 v18, v16;
	v18 =	vld [tilespmem:s29+$0xC6B0]  }
0x556: {  	v19 =	vld [tilespmem:s29+$0xC6F0]  }
0x557: {  	v17 =	vadd.f32 v17, v2;
	v16 =	vsub.f32 v16, v0;
	v0 =	vld [tilespmem:s29+$0x146B0]  }
0x558: {  	v2 =	vmul.f32 v1, v13;
	v1 =	vmul.f32 v1, v14;
	v20 =	vld [tilespmem:s29+$0x146F0]  }
0x559: {  	v14 =	vmul.f32 v3, v14;
	v3 =	vmul.f32 v3, v13;
	v13 =	vld [tilespmem:s29+$0xC700]  }
0x55a: {  	v21 =	vld [tilespmem:s29+$0xC740]  }
0x55b: {  	v14 =	vadd.f32 v14, v2;
	v22 =	vsub.f32 v3, v1;
	v1 =	vld [tilespmem:s29+$0x14700]  }
0x55c: {  	v2 =	vmul.f32 v0, v18;
	v0 =	vmul.f32 v0, v19;
	v3 =	vld [tilespmem:s29+$0x14740]  }
0x55d: {  	v19 =	vmul.f32 v20, v19;
	v18 =	vmul.f32 v20, v18;
	v20 =	vld [tilespmem:s29+$0xC710]  }
0x55e: {  	v23 =	vld [tilespmem:s29+$0xC750]  }
0x55f: {  	v19 =	vadd.f32 v19, v2;
	v18 =	vsub.f32 v18, v0;
	v0 =	vld [tilespmem:s29+$0x14710]  }
0x560: {  	v2 =	vmul.f32 v1, v13;
	v1 =	vmul.f32 v1, v21;
	v24 =	vld [tilespmem:s29+$0x14750]  }
0x561: {  	v21 =	vmul.f32 v3, v21;
	v3 =	vmul.f32 v3, v13;
	v13 =	vld [tilespmem:s29+$0xC720]  }
0x562: {  	v25 =	vld [tilespmem:s29+$0xC760]  }
0x563: {  	v21 =	vadd.f32 v21, v2;
	v26 =	vsub.f32 v3, v1;
	v2 =	vld [tilespmem:s29+$0x14720]  }
0x564: {  	v1 =	vmul.f32 v0, v20;
	v0 =	vmul.f32 v0, v23;
	v3 =	vld [tilespmem:s29+$0x14760]  }
0x565: {  	v23 =	vmul.f32 v24, v23;
	v20 =	vmul.f32 v24, v20;
	v24 =	vld [tilespmem:s29+$0xC730]  }
0x566: {  	v27 =	vld [tilespmem:s29+$0xC770]  }
0x567: {  	v1 =	vadd.f32 v23, v1;
	v0 =	vsub.f32 v20, v0;
	v20 =	vld [tilespmem:s29+$0x14730]  }
0x568: {  	v23 =	vmul.f32 v2, v13;
	v2 =	vmul.f32 v2, v25;
	v28 =	vld [tilespmem:s29+$0x14770]  }
0x569: {  	v29 =	vld [tilespmem:s29+$0x4600];
	v25 =	vmul.f32 v3, v25;
	v13 =	vmul.f32 v3, v13  }
0x56a: {  	v30 =	vld [tilespmem:s29+$0x4640]  }
0x56b: {  	v31 =	vld [tilespmem:s29+$0x4610];
	v3 =	vadd.f32 v25, v23;
	v2 =	vsub.f32 v13, v2  }
0x56c: {  	v13 =	vld [tilespmem:s29+$0x4650];
	v23 =	vmul.f32 v20, v24;
	v20 =	vmul.f32 v20, v27  }
0x56d: {  	v25 =	vld [tilespmem:s29+$0x4620];
	v27 =	vmul.f32 v28, v27;
	v24 =	vmul.f32 v28, v24  }
0x56e: {  	v28 =	vmul.f32 v4, v29;
	v29 =	vld [tilespmem:s29+$0x4660]  }
0x56f: {  	v30 =	vmul.f32 v5, v30;
	v32 =	vld [tilespmem:s29+$0x4630];
	v5 =	vadd.f32 v27, v23;
	v4 =	vsub.f32 v24, v20  }
0x570: {  	v7 =	vmul.f32 v7, v31;
	v20 =	vld [tilespmem:s29+$0x4670]  }
0x571: {  	v23 =	vadd.f32 v30, v28;
	v6 =	vmul.f32 v6, v13;
	v13 =	vld [tilespmem:s29+$0x4680]  }
0x572: {  	v9 =	vmul.f32 v9, v25;
	v24 =	vld [tilespmem:s29+$0x46C0]  }
0x573: {  	v6 =	vadd.f32 v6, v7;
	v7 =	vmul.f32 v8, v29;
	v8 =	vld [tilespmem:s29+$0x4690]  }
0x574: {  	v11 =	vmul.f32 v11, v32;
	v25 =	vld [tilespmem:s29+$0x46D0]  }
0x575: {  	v7 =	vadd.f32 v7, v9;
	v9 =	vmul.f32 v10, v20;
	v6 =	vadd.f32 v6, v23;
	v10 =	vld [tilespmem:s29+$0x46A0]  }
0x576: {  	v13 =	vmul.f32 v15, v13;
	v15 =	vld [tilespmem:s29+$0x46E0]  }
0x577: {  	v9 =	vadd.f32 v9, v11;
	v11 =	vmul.f32 v12, v24;
	v12 =	vld [tilespmem:s29+$0x46B0]  }
0x578: {  	v8 =	vmul.f32 v17, v8;
	v17 =	vld [tilespmem:s29+$0x46F0]  }
0x579: {  	v7 =	vadd.f32 v9, v7;
	v11 =	vadd.f32 v11, v13;
	v9 =	vmul.f32 v16, v25;
	v13 =	vld [tilespmem:s29+$0x4700]  }
0x57a: {  	v10 =	vmul.f32 v14, v10;
	v14 =	vld [tilespmem:s29+$0x4740]  }
.Ltmp7:
0x57b: {  	v16 =	vadd.f32 v7, v6;
	v6 =	vadd.f32 v9, v8;
	v7 =	vmul.f32 v22, v15;
	v9 =	vld [tilespmem:s29+$0x4710];
	(pc) =	sbr.rel @p0 .LBB2_16-.Ltmp7, $4  }
0x57c: {  	v15 =	vmul.f32 v19, v12;
	v8 =	vld [tilespmem:s29+$0x4750]  }
0x57d: {  	v7 =	vadd.f32 v7, v10;
	v17 =	vmul.f32 v18, v17;
	v6 =	vadd.f32 v6, v11;
	v10 =	vld [tilespmem:s29+$0x4720];
	(xrf2) =	vadd.scan.msk.f32 $0xffff, v16  }
0x57e: {  	s5 =	sadd.s32 $0x184, s0;
	v12 =	vmul.f32 v21, v13;
	v11 =	vld [tilespmem:s29+$0x4760]  }
0x57f: {  	s3 =	sadd.s32 $0x800, s3;
	v13 =	vmov s5;
	v15 =	vadd.f32 v17, v15;
	v16 =	vmul.f32 v26, v14;
	v14 =	vld [tilespmem:s29+$0x4730]  }
0x580: {  	v17 =	vld [tilespmem:s29+$0x4770];
	_ =	sdelay $0x2  }
0x581: {  	v1 =	vmul.f32 v1, v9;
	v0 =	vmul.f32 v0, v8  }
0x582: {  	v3 =	vmul.f32 v3, v10;
	v2 =	vmul.f32 v2, v11  }
0x583: {  	v53 =	vadd.f32 v16, v12;
	v5 =	vmul.f32 v5, v14;
	v4 =	vmul.f32 v4, v17  }
0x584: {  	v56 =	vadd.f32 v15, v7;
	v0 =	vadd.f32 v0, v1  }
0x585: {  	v54 =	vadd.f32 v2, v3;
	v55 =	vadd.f32 v4, v5  }
0x586: {  	v57 =	vadd.f32 v56, v6  }
0x587: {  	v0 =	vadd.f32 v0, v53;
	v1 =	vadd.f32 v55, v54;
	_ =	sdelay $0x1  }
0x588: {  	(xrf2) =	vadd.scan.msk.f32 $0xffff, v57;
	v0 =	vadd.f32 v1, v0;
	_ =	sdelay $0x1  }
0x589: {  	s3 =	sadd.s32 $0x185, s0;
	(xrf2) =	vadd.scan.msk.f32 $0xffff, v0  }
0x58a: {  	v59 =	vmov s3  }
0x58b: {  	s29 =	sadd.s32 $0x186, s0;
	v1 =	vand.u32 $0xFFFFFFFD, v59  }
0x58c: {  	v58 =	vand.u32 $0xFFFFFFFC, v13;
	v60 =	vmov s29;
	v1 =	vbroadcast v1, $0x0  }
0x58d: {  	v2 =	vand.u32 $0xFFFFFFFE, v60;
	v0 =	vbroadcast v58, $0x0  }
0x58e: {  	v2 =	vbroadcast v2, $0x0;
	_ =	sdelay $0x1  }
0x58f: {  	v61, _, _ =	vpop (xrf2)  }
0x590: {  	v62, _, _ =	vpop (xrf2)  }
0x591: {  	[tilespmem:v1+s19+$0x0] =	vst.idx.msk vm0, v62  }
0x592: {  	[tilespmem:v0+s19+$0x0] =	vst.idx.msk vm0, v61;
	v63, _, _ =	vpop (xrf2)  }
0x593: {  	[tilespmem:v2+s19+$0x0] =	vst.idx.msk vm0, v63  }
0x594: {  	s30 =	rddreg [dreg:$0xa]  }
0x595: {  	[hbm4b:s30+s4] =	stream.linear.scatter [tilespmem:s19], [sflag:$0x5], $0x200, $0x38;
	[tilespmem:$0x18800] =	vst v63  }
0x596: {  	_ =	swait.ge [sflag:s26], $0x200  }
0x597: {  	s28 =	sadd.s32 $0x1, s28;
	s31 =	rddreg [dreg:$0xb]  }
0x598: {  	p0 =	sne.s32 s28, s31  }
.Ltmp8:
0x599: {  	_ = 	snop;
	(pc) =	sbr.rel @p0 .LBB2_1-.Ltmp8, $3  }
0x59a: {  	_ =	sdelay $0x1  }
0x59b: {  	[sflag:s26] =	ssyncset.done $0x0  }
0x59c: {  	[sflag:s26] =	ssyncadd.s32 $0xFFFFFE00  }
0x59d: {  	_ =	sfence.sel $0x180000  }
0x59e: {  	[bflag:$0x0] =	sbarrier.arrive $0xFFFF  }
0x59f: {  	_ =	strace $0x90000047  }
0x5a0: {  	s0 =	stileid.u32;
	[bflag:$0x2] =	sbarrier.arrive $0xFFFF  }
0x5a1: {  	p0 =	sne.s32 s0, $0x0;
	s0 =	rddreg [dreg:$0x6]  }
0x5a2: {  	s0 =	sadd.s32 @!p0 $0x100000, s0  }
0x5a3: {  	[sflag:s0] =	ssyncadd.tile.s32 @!p0 $0x1;
	_ =	shalt  }
.Lfunc_end2:
_tile_overlayer_lowered:
.L_overlay_start_2:
0x5a4: {  	(tag) =	ssettag $0x2  }
0x5a5: {  	s0 =	rddreg [dreg:$0x0];
	s2 =	stileid.u32  }
0x5a6: {  	s1 =	rddreg [dreg:$0x1];
	p0 =	sne.s32 s2, $0x0  }
0x5a7: {  	s3 =	rddreg [dreg:$0x2];
	[bflag:$0x3] =	sbarrier.arrive $0xFFFF;
	s2 =	simm.s32 @!p0 $0x1C05  }
0x5a8: {  	[timem:s3], [sflag:s2] =	dma.local @!p0 [hbm:s0], s1  }
0x5a9: {  	s0 =	simm.s32 @!p0 $0x5  }
0x5aa: {  	_ =	swait.ge @!p0 [sflag:s0], s1  }
0x5ab: {  	s1 =	ssub.s32 @!p0 $0x0, s1;
	[sflag:s0] =	ssyncset.done @!p0 $0x0  }
0x5ac: {  	[sflag:s0] =	ssyncadd.s32 @!p0 s1  }
0x5ad: {  	[bflag:$0x3] =	sbarrier.arrive $0xFFFF  }
0x5ae: {  	_ =	shalt  }

</sc_bundles>
